<compile_context>
chip_gen: v7x
topology: tpu7x:2x2x1
jax: 0.10.2.dev20260603
libtpu: 0.0.44.dev20260713+nightly
codegen_flags: <defaults>
</compile_context>

<pallas_src>
import functools

import jax
import jax.numpy as jnp
from jax import lax
from jax.experimental import pallas as pl
from jax.experimental.pallas import tpu as pltpu
from jax.experimental.pallas import tpu_sc as plsc

N = 10000
E = 320000
NS = 16
CHUNK = 128
CHC = 158
CHE = 79
E_PAD = NS * CHC * CHUNK
WP = 128
N_ACC = 10240
BM = 400
EPS = 1e-5

_mesh = plsc.VectorSubcoreMesh(core_axis_name="c", subcore_axis_name="s")



def _agg_common(ch, load_idx):

    def body(p_hbm, src_hbm, dst_hbm, out_hbm, srcv, dstv, gbuf, acc, sem):
        c = lax.axis_index("c")
        s = lax.axis_index("s")

        def zb(i, carry):
            gbuf[i // 8, pl.ds((i % 8) * 16, 16)] = jnp.zeros((16,), jnp.float32)
            return carry
        lax.fori_loop(0, CHUNK * 8, zb, None)

        def z(k, carry):
            pltpu.sync_copy(gbuf, acc.at[pl.ds(s * 640 + k * 128, 128)])
            return carry
        lax.fori_loop(0, 5, z, None)
        load_idx(src_hbm, dst_hbm, srcv, dstv, c, s)
        plsc.subcore_barrier()

        def ed(g, carry):
            pltpu.async_copy(p_hbm.at[srcv.at[g]], gbuf, sem).wait()
            pltpu.sync_copy(gbuf, acc.at[dstv.at[g]], add=True)
            return carry
        lax.fori_loop(0, ch, ed, None)
        plsc.subcore_barrier()

        def dr(k, carry):
            base = s * 640 + k * 128
            pltpu.sync_copy(acc.at[pl.ds(base, 128)], gbuf)
            pltpu.sync_copy(gbuf, out_hbm.at[c, pl.ds(base, 128)])
            return carry
        lax.fori_loop(0, 5, dr, None)

    return body


def _load_idx_edge(src_hbm, dst_hbm, srcv, dstv, c, s):
    w = c * NS + s
    pltpu.sync_copy(src_hbm.at[w], srcv)
    pltpu.sync_copy(dst_hbm.at[w], dstv)


_agg_edge = functools.partial(
    pl.kernel,
    mesh=_mesh,
    out_type=jax.ShapeDtypeStruct((2, N_ACC, WP), jnp.float32),
    scratch_types=[
        pltpu.VMEM((CHE, CHUNK), jnp.int32),
        pltpu.VMEM((CHE, CHUNK), jnp.int32),
        pltpu.VMEM((CHUNK, WP), jnp.float32),
        pltpu.VMEM_SHARED((N_ACC, WP), jnp.float32),
        pltpu.SemaphoreType.DMA,
    ],
)(_agg_common(CHE, _load_idx_edge))



def _mm_first_body(x_ref, w_ref, deg_ref, o_ref):
    m = jnp.dot(x_ref[...], w_ref[...], preferred_element_type=jnp.float32)
    dis = lax.rsqrt(deg_ref[0, :, 0:1] + deg_ref[1, :, 0:1] + 1.0)
    o_ref[...] = dis * m


def _mm_first(x, w, degc):
    fi, fo = w.shape
    return pl.pallas_call(
        _mm_first_body,
        grid=(N // BM,),
        in_specs=[
            pl.BlockSpec((BM, fi), lambda i: (i, 0)),
            pl.BlockSpec((fi, fo), lambda i: (0, 0)),
            pl.BlockSpec((2, BM, 16), lambda i: (0, i, 0)),
        ],
        out_specs=pl.BlockSpec((BM, fo), lambda i: (i, 0)),
        out_shape=jax.ShapeDtypeStruct((N, fo), jnp.float32),
    )(x, w, degc)


def _bn_fold(st_ref, g_ref, be_ref):
    st = st_ref[...]
    mu = st[0:1] / N
    var = st[1:2] / N - mu * mu
    sv = g_ref[...] * lax.rsqrt(var + EPS)
    tv = be_ref[...] - mu * sv
    return sv, tv


def _mm_bn_body(split, r_ref, st_ref, g_ref, be_ref, w_ref, deg_ref, o_ref):
    sv, tv = _bn_fold(st_ref, g_ref, be_ref)
    a = r_ref[...] * sv + tv
    m = jnp.dot(a, w_ref[...], preferred_element_type=jnp.float32)
    dis = lax.rsqrt(deg_ref[0, :, 0:1] + deg_ref[1, :, 0:1] + 1.0)
    p = dis * m
    if split:
        o_ref[0] = p[:, :WP]
        o_ref[1] = p[:, WP:]
    else:
        o_ref[...] = p


def _mm_bn(r, st, g, be, w, degc, split):
    fi, fo = w.shape
    if split:
        out_spec = pl.BlockSpec((2, BM, WP), lambda i: (0, i, 0))
        out_shape = jax.ShapeDtypeStruct((2, N, WP), jnp.float32)
    else:
        out_spec = pl.BlockSpec((BM, fo), lambda i: (i, 0))
        out_shape = jax.ShapeDtypeStruct((N, fo), jnp.float32)
    return pl.pallas_call(
        functools.partial(_mm_bn_body, split),
        grid=(N // BM,),
        in_specs=[
            pl.BlockSpec((BM, fi), lambda i: (i, 0)),
            pl.BlockSpec((2, fi), lambda i: (0, 0)),
            pl.BlockSpec((1, fi), lambda i: (0, 0)),
            pl.BlockSpec((1, fi), lambda i: (0, 0)),
            pl.BlockSpec((fi, fo), lambda i: (0, 0)),
            pl.BlockSpec((2, BM, 16), lambda i: (0, i, 0)),
        ],
        out_specs=out_spec,
        out_shape=out_shape,
    )(r, st, g, be, w, degc)


def _epi_finish(ag, b_ref, deg_ref, r_ref, st_ref):
    dis = lax.rsqrt(deg_ref[0, :, 0:1] + deg_ref[1, :, 0:1] + 1.0)
    z = dis * ag + b_ref[...]
    r = jnp.maximum(z, 0.0)
    r_ref[...] = r
    srow = jnp.sum(r, axis=0, keepdims=True)
    s2row = jnp.sum(r * r, axis=0, keepdims=True)
    stnew = jnp.concatenate([srow, s2row], axis=0)

    @pl.when(pl.program_id(0) == 0)
    def _():
        st_ref[...] = stnew

    @pl.when(pl.program_id(0) > 0)
    def _():
        st_ref[...] += stnew


def _epi_body(f, acc_ref, p_ref, b_ref, deg_ref, r_ref, st_ref):
    ag = (acc_ref[0] + acc_ref[1] + p_ref[...])[:, :f]
    _epi_finish(ag, b_ref, deg_ref, r_ref, st_ref)


def _epi(acc, p, b, degc, f):
    return pl.pallas_call(
        functools.partial(_epi_body, f),
        grid=(N // BM,),
        in_specs=[
            pl.BlockSpec((2, BM, WP), lambda i: (0, i, 0)),
            pl.BlockSpec((BM, WP), lambda i: (i, 0)),
            pl.BlockSpec((1, f), lambda i: (0, 0)),
            pl.BlockSpec((2, BM, 16), lambda i: (0, i, 0)),
        ],
        out_specs=[
            pl.BlockSpec((BM, f), lambda i: (i, 0)),
            pl.BlockSpec((2, f), lambda i: (0, 0)),
        ],
        out_shape=[
            jax.ShapeDtypeStruct((N, f), jnp.float32),
            jax.ShapeDtypeStruct((2, f), jnp.float32),
        ],
    )(acc, p, b, degc)


def _epi2_body(acc_a_ref, acc_b_ref, p_ref, b_ref, deg_ref, r_ref, st_ref):
    ag = jnp.concatenate(
        [acc_a_ref[0] + acc_a_ref[1] + p_ref[0],
         acc_b_ref[0] + acc_b_ref[1] + p_ref[1]], axis=1)
    _epi_finish(ag, b_ref, deg_ref, r_ref, st_ref)


def _epi2(acc_a, acc_b, p, b, degc):
    f = 2 * WP
    return pl.pallas_call(
        _epi2_body,
        grid=(N // BM,),
        in_specs=[
            pl.BlockSpec((2, BM, WP), lambda i: (0, i, 0)),
            pl.BlockSpec((2, BM, WP), lambda i: (0, i, 0)),
            pl.BlockSpec((2, BM, WP), lambda i: (0, i, 0)),
            pl.BlockSpec((1, f), lambda i: (0, 0)),
            pl.BlockSpec((2, BM, 16), lambda i: (0, i, 0)),
        ],
        out_specs=[
            pl.BlockSpec((BM, f), lambda i: (i, 0)),
            pl.BlockSpec((2, f), lambda i: (0, 0)),
        ],
        out_shape=[
            jax.ShapeDtypeStruct((N, f), jnp.float32),
            jax.ShapeDtypeStruct((2, f), jnp.float32),
        ],
    )(acc_a, acc_b, p, b, degc)


def _cls_body(r_ref, st_ref, g_ref, be_ref, w_ref, b_ref, o_ref):
    sv, tv = _bn_fold(st_ref, g_ref, be_ref)
    a = r_ref[...] * sv + tv
    o_ref[...] = jnp.dot(a, w_ref[...],
                         preferred_element_type=jnp.float32) + b_ref[...]


def _cls(r, st, g, be, w, b):
    fi, nc = w.shape
    return pl.pallas_call(
        _cls_body,
        grid=(N // BM,),
        in_specs=[
            pl.BlockSpec((BM, fi), lambda i: (i, 0)),
            pl.BlockSpec((2, fi), lambda i: (0, 0)),
            pl.BlockSpec((1, fi), lambda i: (0, 0)),
            pl.BlockSpec((1, fi), lambda i: (0, 0)),
            pl.BlockSpec((fi, nc), lambda i: (0, 0)),
            pl.BlockSpec((1, nc), lambda i: (0, 0)),
        ],
        out_specs=pl.BlockSpec((BM, nc), lambda i: (i, 0)),
        out_shape=jax.ShapeDtypeStruct((N, nc), jnp.float32),
    )(r, st, g, be, w, b)



def kernel(x, edge_index, W1, b1, g1, be1, W2, b2, g2, be2, W3, b3, g3, be3,
           W4, b4, g4, be4, Wc, bc):
    src, dst = edge_index[0], edge_index[1]
    pad = E_PAD - E
    srcp = jnp.concatenate([src, jnp.zeros((pad,), jnp.int32)])
    dstp = jnp.concatenate([dst, jnp.full((pad,), N, jnp.int32)])
    src_e = srcp.reshape(2 * NS, CHE, CHUNK)
    dst_e = dstp.reshape(2 * NS, CHE, CHUNK)

    ones = jnp.ones((N, WP), jnp.float32)
    degc = _agg_edge(ones, src_e, dst_e)[:, :, :16]

    def layer_edge(p, bias, f):
        acc = _agg_edge(p, src_e, dst_e)
        return _epi(acc, p, bias.reshape(1, -1), degc, f)

    p1 = _mm_first(x, W1, degc)
    r1, st1 = layer_edge(p1, b1, 128)
    p2 = _mm_bn(r1, st1, g1.reshape(1, -1), be1.reshape(1, -1), W2, degc,
                split=True)
    acc2a = _agg_edge(p2[0], src_e, dst_e)
    acc2b = _agg_edge(p2[1], src_e, dst_e)
    r2, st2 = _epi2(acc2a, acc2b, p2, b2.reshape(1, -1), degc)
    p3 = _mm_bn(r2, st2, g2.reshape(1, -1), be2.reshape(1, -1), W3, degc,
                split=False)
    r3, st3 = layer_edge(p3, b3, 128)
    w4p = jnp.pad(W4, ((0, 0), (0, WP - W4.shape[1])))
    p4 = _mm_bn(r3, st3, g3.reshape(1, -1), be3.reshape(1, -1), w4p, degc,
                split=False)
    r4, st4 = layer_edge(p4, b4, 64)
    return _cls(r4, st4, g4.reshape(1, -1), be4.reshape(1, -1),
                Wc, bc.reshape(1, -1))

# --- scband reference (transcript-rebuilt; emitter-appended) ---
"""Pipeline reference for scband-gcn-30399778521512 (READ-ONLY COPY).

The authoritative reference and input builder live on the scoring server;
editing this copy changes nothing except your own understanding.
"""

import jax, jax.numpy as jnp
import numpy as np


def gcn_conv(x, src, dst, W, b):
    n = x.shape[0]
    h = x @ W
    deg = jnp.zeros((n,), h.dtype).at[dst].add(1.0) + 1.0
    dis = jax.lax.rsqrt(deg)
    norm = dis[src] * dis[dst]
    agg = jnp.zeros_like(h).at[dst].add(norm[:, None] * h[src])
    agg = agg + (dis * dis)[:, None] * h
    return agg + b


def batch_norm(h, gamma, beta, eps=1e-5):
    mu = jnp.mean(h, axis=0)
    var = jnp.mean((h - mu) ** 2, axis=0)
    return gamma * (h - mu) * jax.lax.rsqrt(var + eps) + beta


def setup_inputs(seed: int = 0):
    key = jax.random.key(seed)
    ks = jax.random.split(key, 8)
    n, d, hid, nc, e = 10000, 128, 128, 10, 320000

    def lin(k, fi, fo):
        k1, k2 = jax.random.split(k)
        bound = 1.0 / np.sqrt(fi)
        W = jax.random.uniform(k1, (fi, fo), jnp.float32, -bound, bound)
        b = jax.random.uniform(k2, (fo,), jnp.float32, -bound, bound)
        return W, b

    W1, b1 = lin(ks[2], d, hid)
    W2, b2 = lin(ks[3], hid, 2 * hid)
    W3, b3 = lin(ks[4], 2 * hid, hid)
    W4, b4 = lin(ks[5], hid, hid // 2)
    Wc, bc = lin(ks[6], hid // 2, nc)
    return {
        'x': jax.random.normal(ks[0], (n, d), jnp.float32),
        'edge_index': jax.random.randint(ks[1], (2, e), 0, n, jnp.int32),
        'W1': W1, 'b1': b1, 'g1': jnp.ones((hid,), jnp.float32), 'be1': jnp.zeros((hid,), jnp.float32),
        'W2': W2, 'b2': b2, 'g2': jnp.ones((2 * hid,), jnp.float32), 'be2': jnp.zeros((2 * hid,), jnp.float32),
        'W3': W3, 'b3': b3, 'g3': jnp.ones((hid,), jnp.float32), 'be3': jnp.zeros((hid,), jnp.float32),
        'W4': W4, 'b4': b4, 'g4': jnp.ones((hid // 2,), jnp.float32), 'be4': jnp.zeros((hid // 2,), jnp.float32),
        'Wc': Wc, 'bc': bc,
    }


def reference(x, edge_index, W1, b1, g1, be1, W2, b2, g2, be2, W3, b3, g3, be3, W4, b4, g4, be4, Wc, bc):
    src, dst = edge_index[0], edge_index[1]
    h = gcn_conv(x, src, dst, W1, b1)
    h = batch_norm(jax.nn.relu(h), g1, be1)
    h = gcn_conv(h, src, dst, W2, b2)
    h = batch_norm(jax.nn.relu(h), g2, be2)
    h = gcn_conv(h, src, dst, W3, b3)
    h = batch_norm(jax.nn.relu(h), g3, be3)
    h = gcn_conv(h, src, dst, W4, b4)
    h = batch_norm(jax.nn.relu(h), g4, be4)
    return h @ Wc + bc

if __name__ == "__main__":
    import jax
    _d = setup_inputs()
    print(jax.jit(kernel)(*tuple(_d.values())))

</pallas_src>

<mosaic_0001>
#map = affine_map<(d0, d1) -> (0, 0)>
#map1 = affine_map<(d0, d1) -> (0, 0, 0)>
module attributes {stable_mosaic.version = 14 : i64} {
  func.func @body(%arg0: i32, %arg1: i32, %arg2: memref<10000x128xf32, #tpu.memory_space<hbm>>, %arg3: memref<32x79x128xi32, #tpu.memory_space<hbm>>, %arg4: memref<32x79x128xi32, #tpu.memory_space<hbm>>, %arg5: memref<2x10240x128xf32, #tpu.memory_space<hbm>>, %arg6: memref<79x128xi32, #tpu.memory_space<vmem>>, %arg7: memref<79x128xi32, #tpu.memory_space<vmem>>, %arg8: memref<128x128xf32, #tpu.memory_space<vmem>>, %arg9: memref<10240x128xf32, #tpu.memory_space<vmem_shared>>, %arg10: memref<!tpu.dma_semaphore, #tpu.memory_space<semaphore_mem>>) attributes {dimension_semantics = [#tpu.dimension_semantics<core_parallel>, #tpu.dimension_semantics<subcore_parallel>], iteration_bounds = array<i64: 2, 16>, scalar_prefetch = 0 : i64, scratch_operands = 5 : i64, tpu.core_type = #tpu.core_type<sc_vector_subcore>, window_params = [{transform_indices = #map}, {transform_indices = #map1}, {transform_indices = #map1}, {transform_indices = #map1}]} {
    %scan3A = arith.constant 0 : i32
    %scan3A_0 = arith.constant 1024 : i32
    %scan3A_1 = arith.addi %scan3A, %scan3A_0 : i32
    %scan3A_2 = arith.constant 1 : i32
    scf.for %scan3A_21 = %scan3A to %scan3A_1 step %scan3A_2  : i32 {
      %broadcast_in_dim3A = arith.constant 0.000000e+00 : f32
      %broadcast_in_dim3A_22 = vector.broadcast %broadcast_in_dim3A : f32 to vector<16xf32>
      %jit3A = arith.constant 8 : i32
      %div3A = arith.divsi %scan3A_21, %jit3A : i32
      %sign3A = arith.constant 0 : i32
      %sign3A_23 = arith.cmpi sgt, %scan3A_21, %sign3A : i32
      %sign3A_24 = arith.extui %sign3A_23 : i1 to i32
      %sign3A_25 = arith.constant 0 : i32
      %sign3A_26 = arith.cmpi slt, %scan3A_21, %sign3A_25 : i32
      %sign3A_27 = arith.extui %sign3A_26 : i1 to i32
      %sign3A_28 = arith.subi %sign3A_24, %sign3A_27 : i32
      %sign3A_29 = arith.constant 0 : i32
      %sign3A_30 = arith.cmpi sgt, %jit3A, %sign3A_29 : i32
      %sign3A_31 = arith.extui %sign3A_30 : i1 to i32
      %sign3A_32 = arith.constant 0 : i32
      %sign3A_33 = arith.cmpi slt, %jit3A, %sign3A_32 : i32
      %sign3A_34 = arith.extui %sign3A_33 : i1 to i32
      %sign3A_35 = arith.subi %sign3A_31, %sign3A_34 : i32
      %ne3A = arith.cmpi ne, %sign3A_28, %sign3A_35 : i32
      %rem3A = arith.remsi %scan3A_21, %jit3A : i32
      %ne3A_36 = arith.constant 0 : i32
      %ne3A_37 = arith.cmpi ne, %rem3A, %ne3A_36 : i32
      %and3A = arith.andi %ne3A, %ne3A_37 : i1
      %sub3A = arith.constant 1 : i32
      %sub3A_38 = arith.subi %div3A, %sub3A : i32
      %select_n3A = arith.select %and3A, %sub3A_38, %div3A : i32
      %jit3A_39 = arith.constant 8 : i32
      %eq3A = arith.constant 0 : i32
      %eq3A_40 = arith.cmpi eq, %jit3A_39, %eq3A : i32
      %jit3A_41 = arith.constant 1 : i32
      %select_n3A_42 = arith.select %eq3A_40, %jit3A_41, %jit3A_39 : i32
      %rem3A_43 = arith.remsi %scan3A_21, %select_n3A_42 : i32
      %ne3A_44 = arith.constant 0 : i32
      %ne3A_45 = arith.cmpi ne, %rem3A_43, %ne3A_44 : i32
      %lt3A = arith.constant 0 : i32
      %lt3A_46 = arith.cmpi slt, %rem3A_43, %lt3A : i32
      %lt3A_47 = arith.constant 0 : i32
      %lt3A_48 = arith.cmpi slt, %select_n3A_42, %lt3A_47 : i32
      %ne3A_49 = arith.xori %lt3A_46, %lt3A_48 : i1
      %and3A_50 = arith.andi %ne3A_49, %ne3A_45 : i1
      %add3A_51 = arith.addi %rem3A_43, %select_n3A_42 : i32
      %select_n3A_52 = arith.select %and3A_50, %add3A_51, %rem3A_43 : i32
      %mul3A_53 = arith.constant 16 : i32
      %mul3A_54 = arith.muli %select_n3A_52, %mul3A_53 : i32
      %swap3A = arith.index_cast %select_n3A : i32 to index
      %swap3A_55 = arith.index_cast %mul3A_54 : i32 to index
      %swap3A_56 = tpu.vector_load %arg8[%swap3A, %swap3A_55] {strides = array<i32>} : memref<128x128xf32, #tpu.memory_space<vmem>>, vector<1x16xf32>,
      %swap3A_57 = vector.shape_cast %swap3A_56 : vector<1x16xf32> to vector<16xf32>
      %swap3A_58 = vector.shape_cast %broadcast_in_dim3A_22 : vector<16xf32> to vector<1x16xf32>
      tpu.vector_store %arg8[%swap3A, %swap3A_55], %swap3A_58 {strides = array<i32>} : memref<128x128xf32, #tpu.memory_space<vmem>>, vector<1x16xf32>,
    }
    %scan3A_3 = arith.constant 1024 : i32
    %scan3A_4 = arith.constant 0 : i32
    %scan3A_5 = arith.constant 5 : i32
    %scan3A_6 = arith.addi %scan3A_4, %scan3A_5 : i32
    %scan3A_7 = arith.constant 1 : i32
    scf.for %scan3A_21 = %scan3A_4 to %scan3A_6 step %scan3A_7  : i32 {
      %mul3A_22 = arith.constant 640 : i32
      %mul3A_23 = arith.muli %arg1, %mul3A_22 : i32
      %mul3A_24 = arith.constant 128 : i32
      %mul3A_25 = arith.muli %scan3A_21, %mul3A_24 : i32
      %add3A_26 = arith.addi %mul3A_23, %mul3A_25 : i32
      "tpu.region"() ({
        %run_scoped3A = tpu.sem_alloc : memref<!tpu.dma_semaphore, #tpu.memory_space<semaphore_mem>>
        %dma_start3A = arith.constant 0 : i32
        %dma_start3A_27 = tpu.memref_slice %arg9[%add3A_26, %dma_start3A] : memref<10240x128xf32, #tpu.memory_space<vmem_shared>> -> memref<128x128xf32, #tpu.memory_space<vmem_shared>>
        %dma_start3A_28 = arith.constant 0 : i32
        %dma_start3A_29 = tpu.memref_slice %arg9[%add3A_26, %dma_start3A_28] : memref<10240x128xf32, #tpu.memory_space<vmem_shared>> -> memref<128x128xf32, #tpu.memory_space<vmem_shared>>
        tpu.enqueue_dma source(%arg8 : memref<128x128xf32, #tpu.memory_space<vmem>>) target(%dma_start3A_29 : memref<128x128xf32, #tpu.memory_space<vmem_shared>>) target_semaphore(%run_scoped3A : memref<!tpu.dma_semaphore, #tpu.memory_space<semaphore_mem>>)
        %dma_wait3A = arith.constant 0 : i32
        %dma_wait3A_30 = tpu.memref_slice %arg9[%add3A_26, %dma_wait3A] : memref<10240x128xf32, #tpu.memory_space<vmem_shared>> -> memref<128x128xf32, #tpu.memory_space<vmem_shared>>
        %dma_wait3A_31 = arith.constant 0 : i32
        %dma_wait3A_32 = tpu.memref_slice %arg9[%add3A_26, %dma_wait3A_31] : memref<10240x128xf32, #tpu.memory_space<vmem_shared>> -> memref<128x128xf32, #tpu.memory_space<vmem_shared>>
        tpu.wait_dma2 semaphore(%run_scoped3A : memref<!tpu.dma_semaphore, #tpu.memory_space<semaphore_mem>>) src(%arg8 : memref<128x128xf32, #tpu.memory_space<vmem>>) dst(%dma_wait3A_32 : memref<128x128xf32, #tpu.memory_space<vmem_shared>>)
        tpu.yield
      }) : () -> ()
    }
    %scan3A_8 = arith.constant 5 : i32
    %mul3A = arith.constant 16 : i32
    %mul3A_9 = arith.muli %arg0, %mul3A : i32
    %add3A = arith.addi %mul3A_9, %arg1 : i32
    "tpu.region"() ({
      %run_scoped3A = tpu.sem_alloc : memref<!tpu.dma_semaphore, #tpu.memory_space<semaphore_mem>>
      %dma_start3A = arith.constant 0 : i32
      %dma_start3A_21 = arith.constant 0 : i32
      %dma_start3A_22 = tpu.memref_slice %arg3[%add3A, %dma_start3A, %dma_start3A_21] : memref<32x79x128xi32, #tpu.memory_space<hbm>> -> memref<1x79x128xi32, #tpu.memory_space<hbm>>
      %dma_start3A_23 = tpu.memref_squeeze %dma_start3A_22 : memref<1x79x128xi32, #tpu.memory_space<hbm>> -> memref<79x128xi32, #tpu.memory_space<hbm>>
      %dma_start3A_24 = arith.constant 0 : i32
      %dma_start3A_25 = arith.constant 0 : i32
      %dma_start3A_26 = tpu.memref_slice %arg3[%add3A, %dma_start3A_24, %dma_start3A_25] : memref<32x79x128xi32, #tpu.memory_space<hbm>> -> memref<1x79x128xi32, #tpu.memory_space<hbm>>
      %dma_start3A_27 = tpu.memref_squeeze %dma_start3A_26 : memref<1x79x128xi32, #tpu.memory_space<hbm>> -> memref<79x128xi32, #tpu.memory_space<hbm>>
      tpu.enqueue_dma source(%dma_start3A_27 : memref<79x128xi32, #tpu.memory_space<hbm>>) target(%arg6 : memref<79x128xi32, #tpu.memory_space<vmem>>) target_semaphore(%run_scoped3A : memref<!tpu.dma_semaphore, #tpu.memory_space<semaphore_mem>>)
      %dma_wait3A = arith.constant 0 : i32
      %dma_wait3A_28 = arith.constant 0 : i32
      %dma_wait3A_29 = tpu.memref_slice %arg3[%add3A, %dma_wait3A, %dma_wait3A_28] : memref<32x79x128xi32, #tpu.memory_space<hbm>> -> memref<1x79x128xi32, #tpu.memory_space<hbm>>
      %dma_wait3A_30 = tpu.memref_squeeze %dma_wait3A_29 : memref<1x79x128xi32, #tpu.memory_space<hbm>> -> memref<79x128xi32, #tpu.memory_space<hbm>>
      %dma_wait3A_31 = arith.constant 0 : i32
      %dma_wait3A_32 = arith.constant 0 : i32
      %dma_wait3A_33 = tpu.memref_slice %arg3[%add3A, %dma_wait3A_31, %dma_wait3A_32] : memref<32x79x128xi32, #tpu.memory_space<hbm>> -> memref<1x79x128xi32, #tpu.memory_space<hbm>>
      %dma_wait3A_34 = tpu.memref_squeeze %dma_wait3A_33 : memref<1x79x128xi32, #tpu.memory_space<hbm>> -> memref<79x128xi32, #tpu.memory_space<hbm>>
      tpu.wait_dma2 semaphore(%run_scoped3A : memref<!tpu.dma_semaphore, #tpu.memory_space<semaphore_mem>>) src(%dma_wait3A_34 : memref<79x128xi32, #tpu.memory_space<hbm>>) dst(%arg6 : memref<79x128xi32, #tpu.memory_space<vmem>>)
      tpu.yield
    }) : () -> ()
    "tpu.region"() ({
      %run_scoped3A = tpu.sem_alloc : memref<!tpu.dma_semaphore, #tpu.memory_space<semaphore_mem>>
      %dma_start3A = arith.constant 0 : i32
      %dma_start3A_21 = arith.constant 0 : i32
      %dma_start3A_22 = tpu.memref_slice %arg4[%add3A, %dma_start3A, %dma_start3A_21] : memref<32x79x128xi32, #tpu.memory_space<hbm>> -> memref<1x79x128xi32, #tpu.memory_space<hbm>>
      %dma_start3A_23 = tpu.memref_squeeze %dma_start3A_22 : memref<1x79x128xi32, #tpu.memory_space<hbm>> -> memref<79x128xi32, #tpu.memory_space<hbm>>
      %dma_start3A_24 = arith.constant 0 : i32
      %dma_start3A_25 = arith.constant 0 : i32
      %dma_start3A_26 = tpu.memref_slice %arg4[%add3A, %dma_start3A_24, %dma_start3A_25] : memref<32x79x128xi32, #tpu.memory_space<hbm>> -> memref<1x79x128xi32, #tpu.memory_space<hbm>>
      %dma_start3A_27 = tpu.memref_squeeze %dma_start3A_26 : memref<1x79x128xi32, #tpu.memory_space<hbm>> -> memref<79x128xi32, #tpu.memory_space<hbm>>
      tpu.enqueue_dma source(%dma_start3A_27 : memref<79x128xi32, #tpu.memory_space<hbm>>) target(%arg7 : memref<79x128xi32, #tpu.memory_space<vmem>>) target_semaphore(%run_scoped3A : memref<!tpu.dma_semaphore, #tpu.memory_space<semaphore_mem>>)
      %dma_wait3A = arith.constant 0 : i32
      %dma_wait3A_28 = arith.constant 0 : i32
      %dma_wait3A_29 = tpu.memref_slice %arg4[%add3A, %dma_wait3A, %dma_wait3A_28] : memref<32x79x128xi32, #tpu.memory_space<hbm>> -> memref<1x79x128xi32, #tpu.memory_space<hbm>>
      %dma_wait3A_30 = tpu.memref_squeeze %dma_wait3A_29 : memref<1x79x128xi32, #tpu.memory_space<hbm>> -> memref<79x128xi32, #tpu.memory_space<hbm>>
      %dma_wait3A_31 = arith.constant 0 : i32
      %dma_wait3A_32 = arith.constant 0 : i32
      %dma_wait3A_33 = tpu.memref_slice %arg4[%add3A, %dma_wait3A_31, %dma_wait3A_32] : memref<32x79x128xi32, #tpu.memory_space<hbm>> -> memref<1x79x128xi32, #tpu.memory_space<hbm>>
      %dma_wait3A_34 = tpu.memref_squeeze %dma_wait3A_33 : memref<1x79x128xi32, #tpu.memory_space<hbm>> -> memref<79x128xi32, #tpu.memory_space<hbm>>
      tpu.wait_dma2 semaphore(%run_scoped3A : memref<!tpu.dma_semaphore, #tpu.memory_space<semaphore_mem>>) src(%dma_wait3A_34 : memref<79x128xi32, #tpu.memory_space<hbm>>) dst(%arg7 : memref<79x128xi32, #tpu.memory_space<vmem>>)
      tpu.yield
    }) : () -> ()
    %barrier3A = arith.constant 0 : index
    tpu.barrier barrier_id(%barrier3A)
    %scan3A_10 = arith.constant 0 : i32
    %scan3A_11 = arith.constant 79 : i32
    %scan3A_12 = arith.addi %scan3A_10, %scan3A_11 : i32
    %scan3A_13 = arith.constant 1 : i32
    scf.for %scan3A_21 = %scan3A_10 to %scan3A_12 step %scan3A_13  : i32 {
      %dma_start3A = arith.constant 0 : i32
      %dma_start3A_22 = tpu.memref_slice %arg6[%scan3A_21, %dma_start3A] : memref<79x128xi32, #tpu.memory_space<vmem>> -> memref<1x128xi32, #tpu.memory_space<vmem>>
      %dma_start3A_23 = tpu.memref_squeeze %dma_start3A_22 : memref<1x128xi32, #tpu.memory_space<vmem>> -> memref<128xi32, #tpu.memory_space<vmem>>
      %dma_start3A_24 = arith.constant 0 : i32
      %dma_start3A_25 = arith.constant 0 : i32
      %dma_start3A_26 = tpu.memref_slice %arg2[%dma_start3A_24, %dma_start3A_25] : memref<10000x128xf32, #tpu.memory_space<hbm>> -> memref<10000x128xf32, #tpu.memory_space<hbm>>
      tpu.enqueue_indirect_dma source(%dma_start3A_26 : memref<10000x128xf32, #tpu.memory_space<hbm>>) target(%arg8 : memref<128x128xf32, #tpu.memory_space<vmem>>) offsets(%dma_start3A_23 : memref<128xi32, #tpu.memory_space<vmem>>) semaphore(%arg10 : memref<!tpu.dma_semaphore, #tpu.memory_space<semaphore_mem>>)
      %dma_wait3A = arith.constant 0 : i32
      %dma_wait3A_27 = tpu.memref_slice %arg6[%scan3A_21, %dma_wait3A] : memref<79x128xi32, #tpu.memory_space<vmem>> -> memref<1x128xi32, #tpu.memory_space<vmem>>
      %dma_wait3A_28 = tpu.memref_squeeze %dma_wait3A_27 : memref<1x128xi32, #tpu.memory_space<vmem>> -> memref<128xi32, #tpu.memory_space<vmem>>
      %dma_wait3A_29 = arith.constant 0 : i32
      %dma_wait3A_30 = arith.constant 0 : i32
      %dma_wait3A_31 = tpu.memref_slice %arg2[%dma_wait3A_29, %dma_wait3A_30] : memref<10000x128xf32, #tpu.memory_space<hbm>> -> memref<10000x128xf32, #tpu.memory_space<hbm>>
      tpu.wait_indirect_dma semaphore(%arg10 : memref<!tpu.dma_semaphore, #tpu.memory_space<semaphore_mem>>) src(%dma_wait3A_31 : memref<10000x128xf32, #tpu.memory_space<hbm>>) dst(%arg8 : memref<128x128xf32, #tpu.memory_space<vmem>>)
      "tpu.region"() ({
        %run_scoped3A = tpu.sem_alloc : memref<!tpu.dma_semaphore, #tpu.memory_space<semaphore_mem>>
        %dma_start3A_32 = arith.constant 0 : i32
        %dma_start3A_33 = tpu.memref_slice %arg7[%scan3A_21, %dma_start3A_32] : memref<79x128xi32, #tpu.memory_space<vmem>> -> memref<1x128xi32, #tpu.memory_space<vmem>>
        %dma_start3A_34 = tpu.memref_squeeze %dma_start3A_33 : memref<1x128xi32, #tpu.memory_space<vmem>> -> memref<128xi32, #tpu.memory_space<vmem>>
        %dma_start3A_35 = arith.constant 0 : i32
        %dma_start3A_36 = arith.constant 0 : i32
        %dma_start3A_37 = tpu.memref_slice %arg9[%dma_start3A_35, %dma_start3A_36] : memref<10240x128xf32, #tpu.memory_space<vmem_shared>> -> memref<10240x128xf32, #tpu.memory_space<vmem_shared>>
        tpu.enqueue_indirect_dma source(%arg8 : memref<128x128xf32, #tpu.memory_space<vmem>>) target(%dma_start3A_37 : memref<10240x128xf32, #tpu.memory_space<vmem_shared>>) offsets(%dma_start3A_34 : memref<128xi32, #tpu.memory_space<vmem>>) semaphore(%run_scoped3A : memref<!tpu.dma_semaphore, #tpu.memory_space<semaphore_mem>>) {add = true}
        %dma_wait3A_38 = arith.constant 0 : i32
        %dma_wait3A_39 = tpu.memref_slice %arg7[%scan3A_21, %dma_wait3A_38] : memref<79x128xi32, #tpu.memory_space<vmem>> -> memref<1x128xi32, #tpu.memory_space<vmem>>
        %dma_wait3A_40 = tpu.memref_squeeze %dma_wait3A_39 : memref<1x128xi32, #tpu.memory_space<vmem>> -> memref<128xi32, #tpu.memory_space<vmem>>
        %dma_wait3A_41 = arith.constant 0 : i32
        %dma_wait3A_42 = arith.constant 0 : i32
        %dma_wait3A_43 = tpu.memref_slice %arg9[%dma_wait3A_41, %dma_wait3A_42] : memref<10240x128xf32, #tpu.memory_space<vmem_shared>> -> memref<10240x128xf32, #tpu.memory_space<vmem_shared>>
        tpu.wait_indirect_dma semaphore(%run_scoped3A : memref<!tpu.dma_semaphore, #tpu.memory_space<semaphore_mem>>) src(%arg8 : memref<128x128xf32, #tpu.memory_space<vmem>>) dst(%dma_wait3A_43 : memref<10240x128xf32, #tpu.memory_space<vmem_shared>>)
        tpu.yield
      }) : () -> ()
    }
    %scan3A_14 = arith.constant 79 : i32
    %barrier3A_15 = arith.constant 0 : index
    tpu.barrier barrier_id(%barrier3A_15)
    %scan3A_16 = arith.constant 0 : i32
    %scan3A_17 = arith.constant 5 : i32
    %scan3A_18 = arith.addi %scan3A_16, %scan3A_17 : i32
    %scan3A_19 = arith.constant 1 : i32
    scf.for %scan3A_21 = %scan3A_16 to %scan3A_18 step %scan3A_19  : i32 {
      %mul3A_22 = arith.constant 640 : i32
      %mul3A_23 = arith.muli %arg1, %mul3A_22 : i32
      %mul3A_24 = arith.constant 128 : i32
      %mul3A_25 = arith.muli %scan3A_21, %mul3A_24 : i32
      %add3A_26 = arith.addi %mul3A_23, %mul3A_25 : i32
      "tpu.region"() ({
        %run_scoped3A = tpu.sem_alloc : memref<!tpu.dma_semaphore, #tpu.memory_space<semaphore_mem>>
        %dma_start3A = arith.constant 0 : i32
        %dma_start3A_27 = tpu.memref_slice %arg9[%add3A_26, %dma_start3A] : memref<10240x128xf32, #tpu.memory_space<vmem_shared>> -> memref<128x128xf32, #tpu.memory_space<vmem_shared>>
        %dma_start3A_28 = arith.constant 0 : i32
        %dma_start3A_29 = tpu.memref_slice %arg9[%add3A_26, %dma_start3A_28] : memref<10240x128xf32, #tpu.memory_space<vmem_shared>> -> memref<128x128xf32, #tpu.memory_space<vmem_shared>>
        tpu.enqueue_dma source(%dma_start3A_29 : memref<128x128xf32, #tpu.memory_space<vmem_shared>>) target(%arg8 : memref<128x128xf32, #tpu.memory_space<vmem>>) target_semaphore(%run_scoped3A : memref<!tpu.dma_semaphore, #tpu.memory_space<semaphore_mem>>)
        %dma_wait3A = arith.constant 0 : i32
        %dma_wait3A_30 = tpu.memref_slice %arg9[%add3A_26, %dma_wait3A] : memref<10240x128xf32, #tpu.memory_space<vmem_shared>> -> memref<128x128xf32, #tpu.memory_space<vmem_shared>>
        %dma_wait3A_31 = arith.constant 0 : i32
        %dma_wait3A_32 = tpu.memref_slice %arg9[%add3A_26, %dma_wait3A_31] : memref<10240x128xf32, #tpu.memory_space<vmem_shared>> -> memref<128x128xf32, #tpu.memory_space<vmem_shared>>
        tpu.wait_dma2 semaphore(%run_scoped3A : memref<!tpu.dma_semaphore, #tpu.memory_space<semaphore_mem>>) src(%dma_wait3A_32 : memref<128x128xf32, #tpu.memory_space<vmem_shared>>) dst(%arg8 : memref<128x128xf32, #tpu.memory_space<vmem>>)
        tpu.yield
      }) : () -> ()
      "tpu.region"() ({
        %run_scoped3A = tpu.sem_alloc : memref<!tpu.dma_semaphore, #tpu.memory_space<semaphore_mem>>
        %dma_start3A = arith.constant 0 : i32
        %dma_start3A_27 = tpu.memref_slice %arg5[%arg0, %add3A_26, %dma_start3A] : memref<2x10240x128xf32, #tpu.memory_space<hbm>> -> memref<1x128x128xf32, #tpu.memory_space<hbm>>
        %dma_start3A_28 = tpu.memref_squeeze %dma_start3A_27 : memref<1x128x128xf32, #tpu.memory_space<hbm>> -> memref<128x128xf32, #tpu.memory_space<hbm>>
        %dma_start3A_29 = arith.constant 0 : i32
        %dma_start3A_30 = tpu.memref_slice %arg5[%arg0, %add3A_26, %dma_start3A_29] : memref<2x10240x128xf32, #tpu.memory_space<hbm>> -> memref<1x128x128xf32, #tpu.memory_space<hbm>>
        %dma_start3A_31 = tpu.memref_squeeze %dma_start3A_30 : memref<1x128x128xf32, #tpu.memory_space<hbm>> -> memref<128x128xf32, #tpu.memory_space<hbm>>
        tpu.enqueue_dma source(%arg8 : memref<128x128xf32, #tpu.memory_space<vmem>>) target(%dma_start3A_31 : memref<128x128xf32, #tpu.memory_space<hbm>>) target_semaphore(%run_scoped3A : memref<!tpu.dma_semaphore, #tpu.memory_space<semaphore_mem>>)
        %dma_wait3A = arith.constant 0 : i32
        %dma_wait3A_32 = tpu.memref_slice %arg5[%arg0, %add3A_26, %dma_wait3A] : memref<2x10240x128xf32, #tpu.memory_space<hbm>> -> memref<1x128x128xf32, #tpu.memory_space<hbm>>
        %dma_wait3A_33 = tpu.memref_squeeze %dma_wait3A_32 : memref<1x128x128xf32, #tpu.memory_space<hbm>> -> memref<128x128xf32, #tpu.memory_space<hbm>>
        %dma_wait3A_34 = arith.constant 0 : i32
        %dma_wait3A_35 = tpu.memref_slice %arg5[%arg0, %add3A_26, %dma_wait3A_34] : memref<2x10240x128xf32, #tpu.memory_space<hbm>> -> memref<1x128x128xf32, #tpu.memory_space<hbm>>
        %dma_wait3A_36 = tpu.memref_squeeze %dma_wait3A_35 : memref<1x128x128xf32, #tpu.memory_space<hbm>> -> memref<128x128xf32, #tpu.memory_space<hbm>>
        tpu.wait_dma2 semaphore(%run_scoped3A : memref<!tpu.dma_semaphore, #tpu.memory_space<semaphore_mem>>) src(%arg8 : memref<128x128xf32, #tpu.memory_space<vmem>>) dst(%dma_wait3A_36 : memref<128x128xf32, #tpu.memory_space<hbm>>)
        tpu.yield
      }) : () -> ()
    }
    %scan3A_20 = arith.constant 5 : i32
    return
  }
}

#map = affine_map<(d0, d1) -> (0, 0)>
#map1 = affine_map<(d0, d1) -> (0, 0, 0)>
module attributes {stable_mosaic.version = 14 : i64} {
  func.func @body(%arg0: i32, %arg1: i32, %arg2: memref<10000x128xf32, #tpu.memory_space<hbm>>, %arg3: memref<32x79x128xi32, #tpu.memory_space<hbm>>, %arg4: memref<32x79x128xi32, #tpu.memory_space<hbm>>, %arg5: memref<2x10240x128xf32, #tpu.memory_space<hbm>>, %arg6: memref<79x128xi32, #tpu.memory_space<vmem>>, %arg7: memref<79x128xi32, #tpu.memory_space<vmem>>, %arg8: memref<128x128xf32, #tpu.memory_space<vmem>>, %arg9: memref<10240x128xf32, #tpu.memory_space<vmem_shared>>, %arg10: memref<!tpu.dma_semaphore, #tpu.memory_space<semaphore_mem>>) attributes {dimension_semantics = [#tpu.dimension_semantics<core_parallel>, #tpu.dimension_semantics<subcore_parallel>], iteration_bounds = array<i64: 2, 16>, scalar_prefetch = 0 : i64, scratch_operands = 5 : i64, tpu.core_type = #tpu.core_type<sc_vector_subcore>, window_params = [{transform_indices = #map}, {transform_indices = #map1}, {transform_indices = #map1}, {transform_indices = #map1}]} {
    %scan3A = arith.constant 0 : i32
    %scan3A_0 = arith.constant 1024 : i32
    %scan3A_1 = arith.addi %scan3A, %scan3A_0 : i32
    %scan3A_2 = arith.constant 1 : i32
    scf.for %scan3A_21 = %scan3A to %scan3A_1 step %scan3A_2  : i32 {
      %broadcast_in_dim3A = arith.constant 0.000000e+00 : f32
      %broadcast_in_dim3A_22 = vector.broadcast %broadcast_in_dim3A : f32 to vector<16xf32>
      %jit3A = arith.constant 8 : i32
      %div3A = arith.divsi %scan3A_21, %jit3A : i32
      %sign3A = arith.constant 0 : i32
      %sign3A_23 = arith.cmpi sgt, %scan3A_21, %sign3A : i32
      %sign3A_24 = arith.extui %sign3A_23 : i1 to i32
      %sign3A_25 = arith.constant 0 : i32
      %sign3A_26 = arith.cmpi slt, %scan3A_21, %sign3A_25 : i32
      %sign3A_27 = arith.extui %sign3A_26 : i1 to i32
      %sign3A_28 = arith.subi %sign3A_24, %sign3A_27 : i32
      %sign3A_29 = arith.constant 0 : i32
      %sign3A_30 = arith.cmpi sgt, %jit3A, %sign3A_29 : i32
      %sign3A_31 = arith.extui %sign3A_30 : i1 to i32
      %sign3A_32 = arith.constant 0 : i32
      %sign3A_33 = arith.cmpi slt, %jit3A, %sign3A_32 : i32
      %sign3A_34 = arith.extui %sign3A_33 : i1 to i32
      %sign3A_35 = arith.subi %sign3A_31, %sign3A_34 : i32
      %ne3A = arith.cmpi ne, %sign3A_28, %sign3A_35 : i32
      %rem3A = arith.remsi %scan3A_21, %jit3A : i32
      %ne3A_36 = arith.constant 0 : i32
      %ne3A_37 = arith.cmpi ne, %rem3A, %ne3A_36 : i32
      %and3A = arith.andi %ne3A, %ne3A_37 : i1
      %sub3A = arith.constant 1 : i32
      %sub3A_38 = arith.subi %div3A, %sub3A : i32
      %select_n3A = arith.select %and3A, %sub3A_38, %div3A : i32
      %jit3A_39 = arith.constant 8 : i32
      %eq3A = arith.constant 0 : i32
      %eq3A_40 = arith.cmpi eq, %jit3A_39, %eq3A : i32
      %jit3A_41 = arith.constant 1 : i32
      %select_n3A_42 = arith.select %eq3A_40, %jit3A_41, %jit3A_39 : i32
      %rem3A_43 = arith.remsi %scan3A_21, %select_n3A_42 : i32
      %ne3A_44 = arith.constant 0 : i32
      %ne3A_45 = arith.cmpi ne, %rem3A_43, %ne3A_44 : i32
      %lt3A = arith.constant 0 : i32
      %lt3A_46 = arith.cmpi slt, %rem3A_43, %lt3A : i32
      %lt3A_47 = arith.constant 0 : i32
      %lt3A_48 = arith.cmpi slt, %select_n3A_42, %lt3A_47 : i32
      %ne3A_49 = arith.xori %lt3A_46, %lt3A_48 : i1
      %and3A_50 = arith.andi %ne3A_49, %ne3A_45 : i1
      %add3A_51 = arith.addi %rem3A_43, %select_n3A_42 : i32
      %select_n3A_52 = arith.select %and3A_50, %add3A_51, %rem3A_43 : i32
      %mul3A_53 = arith.constant 16 : i32
      %mul3A_54 = arith.muli %select_n3A_52, %mul3A_53 : i32
      %swap3A = arith.index_cast %select_n3A : i32 to index
      %swap3A_55 = arith.index_cast %mul3A_54 : i32 to index
      %swap3A_56 = tpu.vector_load %arg8[%swap3A, %swap3A_55] {strides = array<i32>} : memref<128x128xf32, #tpu.memory_space<vmem>>, vector<1x16xf32>,
      %swap3A_57 = vector.shape_cast %swap3A_56 : vector<1x16xf32> to vector<16xf32>
      %swap3A_58 = vector.shape_cast %broadcast_in_dim3A_22 : vector<16xf32> to vector<1x16xf32>
      tpu.vector_store %arg8[%swap3A, %swap3A_55], %swap3A_58 {strides = array<i32>} : memref<128x128xf32, #tpu.memory_space<vmem>>, vector<1x16xf32>,
    }
    %scan3A_3 = arith.constant 1024 : i32
    %scan3A_4 = arith.constant 0 : i32
    %scan3A_5 = arith.constant 5 : i32
    %scan3A_6 = arith.addi %scan3A_4, %scan3A_5 : i32
    %scan3A_7 = arith.constant 1 : i32
    scf.for %scan3A_21 = %scan3A_4 to %scan3A_6 step %scan3A_7  : i32 {
      %mul3A_22 = arith.constant 640 : i32
      %mul3A_23 = arith.muli %arg1, %mul3A_22 : i32
      %mul3A_24 = arith.constant 128 : i32
      %mul3A_25 = arith.muli %scan3A_21, %mul3A_24 : i32
      %add3A_26 = arith.addi %mul3A_23, %mul3A_25 : i32
      "tpu.region"() ({
        %run_scoped3A = tpu.sem_alloc : memref<!tpu.dma_semaphore, #tpu.memory_space<semaphore_mem>>
        %dma_start3A = arith.constant 0 : i32
        %dma_start3A_27 = tpu.memref_slice %arg9[%add3A_26, %dma_start3A] : memref<10240x128xf32, #tpu.memory_space<vmem_shared>> -> memref<128x128xf32, #tpu.memory_space<vmem_shared>>
        %dma_start3A_28 = arith.constant 0 : i32
        %dma_start3A_29 = tpu.memref_slice %arg9[%add3A_26, %dma_start3A_28] : memref<10240x128xf32, #tpu.memory_space<vmem_shared>> -> memref<128x128xf32, #tpu.memory_space<vmem_shared>>
        tpu.enqueue_dma source(%arg8 : memref<128x128xf32, #tpu.memory_space<vmem>>) target(%dma_start3A_29 : memref<128x128xf32, #tpu.memory_space<vmem_shared>>) target_semaphore(%run_scoped3A : memref<!tpu.dma_semaphore, #tpu.memory_space<semaphore_mem>>)
        %dma_wait3A = arith.constant 0 : i32
        %dma_wait3A_30 = tpu.memref_slice %arg9[%add3A_26, %dma_wait3A] : memref<10240x128xf32, #tpu.memory_space<vmem_shared>> -> memref<128x128xf32, #tpu.memory_space<vmem_shared>>
        %dma_wait3A_31 = arith.constant 0 : i32
        %dma_wait3A_32 = tpu.memref_slice %arg9[%add3A_26, %dma_wait3A_31] : memref<10240x128xf32, #tpu.memory_space<vmem_shared>> -> memref<128x128xf32, #tpu.memory_space<vmem_shared>>
        tpu.wait_dma2 semaphore(%run_scoped3A : memref<!tpu.dma_semaphore, #tpu.memory_space<semaphore_mem>>) src(%arg8 : memref<128x128xf32, #tpu.memory_space<vmem>>) dst(%dma_wait3A_32 : memref<128x128xf32, #tpu.memory_space<vmem_shared>>)
        tpu.yield
      }) : () -> ()
    }
    %scan3A_8 = arith.constant 5 : i32
    %mul3A = arith.constant 16 : i32
    %mul3A_9 = arith.muli %arg0, %mul3A : i32
    %add3A = arith.addi %mul3A_9, %arg1 : i32
    "tpu.region"() ({
      %run_scoped3A = tpu.sem_alloc : memref<!tpu.dma_semaphore, #tpu.memory_space<semaphore_mem>>
      %dma_start3A = arith.constant 0 : i32
      %dma_start3A_21 = arith.constant 0 : i32
      %dma_start3A_22 = tpu.memref_slice %arg3[%add3A, %dma_start3A, %dma_start3A_21] : memref<32x79x128xi32, #tpu.memory_space<hbm>> -> memref<1x79x128xi32, #tpu.memory_space<hbm>>
      %dma_start3A_23 = tpu.memref_squeeze %dma_start3A_22 : memref<1x79x128xi32, #tpu.memory_space<hbm>> -> memref<79x128xi32, #tpu.memory_space<hbm>>
      %dma_start3A_24 = arith.constant 0 : i32
      %dma_start3A_25 = arith.constant 0 : i32
      %dma_start3A_26 = tpu.memref_slice %arg3[%add3A, %dma_start3A_24, %dma_start3A_25] : memref<32x79x128xi32, #tpu.memory_space<hbm>> -> memref<1x79x128xi32, #tpu.memory_space<hbm>>
      %dma_start3A_27 = tpu.memref_squeeze %dma_start3A_26 : memref<1x79x128xi32, #tpu.memory_space<hbm>> -> memref<79x128xi32, #tpu.memory_space<hbm>>
      tpu.enqueue_dma source(%dma_start3A_27 : memref<79x128xi32, #tpu.memory_space<hbm>>) target(%arg6 : memref<79x128xi32, #tpu.memory_space<vmem>>) target_semaphore(%run_scoped3A : memref<!tpu.dma_semaphore, #tpu.memory_space<semaphore_mem>>)
      %dma_wait3A = arith.constant 0 : i32
      %dma_wait3A_28 = arith.constant 0 : i32
      %dma_wait3A_29 = tpu.memref_slice %arg3[%add3A, %dma_wait3A, %dma_wait3A_28] : memref<32x79x128xi32, #tpu.memory_space<hbm>> -> memref<1x79x128xi32, #tpu.memory_space<hbm>>
      %dma_wait3A_30 = tpu.memref_squeeze %dma_wait3A_29 : memref<1x79x128xi32, #tpu.memory_space<hbm>> -> memref<79x128xi32, #tpu.memory_space<hbm>>
      %dma_wait3A_31 = arith.constant 0 : i32
      %dma_wait3A_32 = arith.constant 0 : i32
      %dma_wait3A_33 = tpu.memref_slice %arg3[%add3A, %dma_wait3A_31, %dma_wait3A_32] : memref<32x79x128xi32, #tpu.memory_space<hbm>> -> memref<1x79x128xi32, #tpu.memory_space<hbm>>
      %dma_wait3A_34 = tpu.memref_squeeze %dma_wait3A_33 : memref<1x79x128xi32, #tpu.memory_space<hbm>> -> memref<79x128xi32, #tpu.memory_space<hbm>>
      tpu.wait_dma2 semaphore(%run_scoped3A : memref<!tpu.dma_semaphore, #tpu.memory_space<semaphore_mem>>) src(%dma_wait3A_34 : memref<79x128xi32, #tpu.memory_space<hbm>>) dst(%arg6 : memref<79x128xi32, #tpu.memory_space<vmem>>)
      tpu.yield
    }) : () -> ()
    "tpu.region"() ({
      %run_scoped3A = tpu.sem_alloc : memref<!tpu.dma_semaphore, #tpu.memory_space<semaphore_mem>>
      %dma_start3A = arith.constant 0 : i32
      %dma_start3A_21 = arith.constant 0 : i32
      %dma_start3A_22 = tpu.memref_slice %arg4[%add3A, %dma_start3A, %dma_start3A_21] : memref<32x79x128xi32, #tpu.memory_space<hbm>> -> memref<1x79x128xi32, #tpu.memory_space<hbm>>
      %dma_start3A_23 = tpu.memref_squeeze %dma_start3A_22 : memref<1x79x128xi32, #tpu.memory_space<hbm>> -> memref<79x128xi32, #tpu.memory_space<hbm>>
      %dma_start3A_24 = arith.constant 0 : i32
      %dma_start3A_25 = arith.constant 0 : i32
      %dma_start3A_26 = tpu.memref_slice %arg4[%add3A, %dma_start3A_24, %dma_start3A_25] : memref<32x79x128xi32, #tpu.memory_space<hbm>> -> memref<1x79x128xi32, #tpu.memory_space<hbm>>
      %dma_start3A_27 = tpu.memref_squeeze %dma_start3A_26 : memref<1x79x128xi32, #tpu.memory_space<hbm>> -> memref<79x128xi32, #tpu.memory_space<hbm>>
      tpu.enqueue_dma source(%dma_start3A_27 : memref<79x128xi32, #tpu.memory_space<hbm>>) target(%arg7 : memref<79x128xi32, #tpu.memory_space<vmem>>) target_semaphore(%run_scoped3A : memref<!tpu.dma_semaphore, #tpu.memory_space<semaphore_mem>>)
      %dma_wait3A = arith.constant 0 : i32
      %dma_wait3A_28 = arith.constant 0 : i32
      %dma_wait3A_29 = tpu.memref_slice %arg4[%add3A, %dma_wait3A, %dma_wait3A_28] : memref<32x79x128xi32, #tpu.memory_space<hbm>> -> memref<1x79x128xi32, #tpu.memory_space<hbm>>
      %dma_wait3A_30 = tpu.memref_squeeze %dma_wait3A_29 : memref<1x79x128xi32, #tpu.memory_space<hbm>> -> memref<79x128xi32, #tpu.memory_space<hbm>>
      %dma_wait3A_31 = arith.constant 0 : i32
      %dma_wait3A_32 = arith.constant 0 : i32
      %dma_wait3A_33 = tpu.memref_slice %arg4[%add3A, %dma_wait3A_31, %dma_wait3A_32] : memref<32x79x128xi32, #tpu.memory_space<hbm>> -> memref<1x79x128xi32, #tpu.memory_space<hbm>>
      %dma_wait3A_34 = tpu.memref_squeeze %dma_wait3A_33 : memref<1x79x128xi32, #tpu.memory_space<hbm>> -> memref<79x128xi32, #tpu.memory_space<hbm>>
      tpu.wait_dma2 semaphore(%run_scoped3A : memref<!tpu.dma_semaphore, #tpu.memory_space<semaphore_mem>>) src(%dma_wait3A_34 : memref<79x128xi32, #tpu.memory_space<hbm>>) dst(%arg7 : memref<79x128xi32, #tpu.memory_space<vmem>>)
      tpu.yield
    }) : () -> ()
    %barrier3A = arith.constant 0 : index
    tpu.barrier barrier_id(%barrier3A)
    %scan3A_10 = arith.constant 0 : i32
    %scan3A_11 = arith.constant 79 : i32
    %scan3A_12 = arith.addi %scan3A_10, %scan3A_11 : i32
    %scan3A_13 = arith.constant 1 : i32
    scf.for %scan3A_21 = %scan3A_10 to %scan3A_12 step %scan3A_13  : i32 {
      %dma_start3A = arith.constant 0 : i32
      %dma_start3A_22 = tpu.memref_slice %arg6[%scan3A_21, %dma_start3A] : memref<79x128xi32, #tpu.memory_space<vmem>> -> memref<1x128xi32, #tpu.memory_space<vmem>>
      %dma_start3A_23 = tpu.memref_squeeze %dma_start3A_22 : memref<1x128xi32, #tpu.memory_space<vmem>> -> memref<128xi32, #tpu.memory_space<vmem>>
      %dma_start3A_24 = arith.constant 0 : i32
      %dma_start3A_25 = arith.constant 0 : i32
      %dma_start3A_26 = tpu.memref_slice %arg2[%dma_start3A_24, %dma_start3A_25] : memref<10000x128xf32, #tpu.memory_space<hbm>> -> memref<10000x128xf32, #tpu.memory_space<hbm>>
      tpu.enqueue_indirect_dma source(%dma_start3A_26 : memref<10000x128xf32, #tpu.memory_space<hbm>>) target(%arg8 : memref<128x128xf32, #tpu.memory_space<vmem>>) offsets(%dma_start3A_23 : memref<128xi32, #tpu.memory_space<vmem>>) semaphore(%arg10 : memref<!tpu.dma_semaphore, #tpu.memory_space<semaphore_mem>>)
      %dma_wait3A = arith.constant 0 : i32
      %dma_wait3A_27 = tpu.memref_slice %arg6[%scan3A_21, %dma_wait3A] : memref<79x128xi32, #tpu.memory_space<vmem>> -> memref<1x128xi32, #tpu.memory_space<vmem>>
      %dma_wait3A_28 = tpu.memref_squeeze %dma_wait3A_27 : memref<1x128xi32, #tpu.memory_space<vmem>> -> memref<128xi32, #tpu.memory_space<vmem>>
      %dma_wait3A_29 = arith.constant 0 : i32
      %dma_wait3A_30 = arith.constant 0 : i32
      %dma_wait3A_31 = tpu.memref_slice %arg2[%dma_wait3A_29, %dma_wait3A_30] : memref<10000x128xf32, #tpu.memory_space<hbm>> -> memref<10000x128xf32, #tpu.memory_space<hbm>>
      tpu.wait_indirect_dma semaphore(%arg10 : memref<!tpu.dma_semaphore, #tpu.memory_space<semaphore_mem>>) src(%dma_wait3A_31 : memref<10000x128xf32, #tpu.memory_space<hbm>>) dst(%arg8 : memref<128x128xf32, #tpu.memory_space<vmem>>)
      "tpu.region"() ({
        %run_scoped3A = tpu.sem_alloc : memref<!tpu.dma_semaphore, #tpu.memory_space<semaphore_mem>>
        %dma_start3A_32 = arith.constant 0 : i32
        %dma_start3A_33 = tpu.memref_slice %arg7[%scan3A_21, %dma_start3A_32] : memref<79x128xi32, #tpu.memory_space<vmem>> -> memref<1x128xi32, #tpu.memory_space<vmem>>
        %dma_start3A_34 = tpu.memref_squeeze %dma_start3A_33 : memref<1x128xi32, #tpu.memory_space<vmem>> -> memref<128xi32, #tpu.memory_space<vmem>>
        %dma_start3A_35 = arith.constant 0 : i32
        %dma_start3A_36 = arith.constant 0 : i32
        %dma_start3A_37 = tpu.memref_slice %arg9[%dma_start3A_35, %dma_start3A_36] : memref<10240x128xf32, #tpu.memory_space<vmem_shared>> -> memref<10240x128xf32, #tpu.memory_space<vmem_shared>>
        tpu.enqueue_indirect_dma source(%arg8 : memref<128x128xf32, #tpu.memory_space<vmem>>) target(%dma_start3A_37 : memref<10240x128xf32, #tpu.memory_space<vmem_shared>>) offsets(%dma_start3A_34 : memref<128xi32, #tpu.memory_space<vmem>>) semaphore(%run_scoped3A : memref<!tpu.dma_semaphore, #tpu.memory_space<semaphore_mem>>) {add = true}
        %dma_wait3A_38 = arith.constant 0 : i32
        %dma_wait3A_39 = tpu.memref_slice %arg7[%scan3A_21, %dma_wait3A_38] : memref<79x128xi32, #tpu.memory_space<vmem>> -> memref<1x128xi32, #tpu.memory_space<vmem>>
        %dma_wait3A_40 = tpu.memref_squeeze %dma_wait3A_39 : memref<1x128xi32, #tpu.memory_space<vmem>> -> memref<128xi32, #tpu.memory_space<vmem>>
        %dma_wait3A_41 = arith.constant 0 : i32
        %dma_wait3A_42 = arith.constant 0 : i32
        %dma_wait3A_43 = tpu.memref_slice %arg9[%dma_wait3A_41, %dma_wait3A_42] : memref<10240x128xf32, #tpu.memory_space<vmem_shared>> -> memref<10240x128xf32, #tpu.memory_space<vmem_shared>>
        tpu.wait_indirect_dma semaphore(%run_scoped3A : memref<!tpu.dma_semaphore, #tpu.memory_space<semaphore_mem>>) src(%arg8 : memref<128x128xf32, #tpu.memory_space<vmem>>) dst(%dma_wait3A_43 : memref<10240x128xf32, #tpu.memory_space<vmem_shared>>)
        tpu.yield
      }) : () -> ()
    }
    %scan3A_14 = arith.constant 79 : i32
    %barrier3A_15 = arith.constant 0 : index
    tpu.barrier barrier_id(%barrier3A_15)
    %scan3A_16 = arith.constant 0 : i32
    %scan3A_17 = arith.constant 5 : i32
    %scan3A_18 = arith.addi %scan3A_16, %scan3A_17 : i32
    %scan3A_19 = arith.constant 1 : i32
    scf.for %scan3A_21 = %scan3A_16 to %scan3A_18 step %scan3A_19  : i32 {
      %mul3A_22 = arith.constant 640 : i32
      %mul3A_23 = arith.muli %arg1, %mul3A_22 : i32
      %mul3A_24 = arith.constant 128 : i32
      %mul3A_25 = arith.muli %scan3A_21, %mul3A_24 : i32
      %add3A_26 = arith.addi %mul3A_23, %mul3A_25 : i32
      "tpu.region"() ({
        %run_scoped3A = tpu.sem_alloc : memref<!tpu.dma_semaphore, #tpu.memory_space<semaphore_mem>>
        %dma_start3A = arith.constant 0 : i32
        %dma_start3A_27 = tpu.memref_slice %arg9[%add3A_26, %dma_start3A] : memref<10240x128xf32, #tpu.memory_space<vmem_shared>> -> memref<128x128xf32, #tpu.memory_space<vmem_shared>>
        %dma_start3A_28 = arith.constant 0 : i32
        %dma_start3A_29 = tpu.memref_slice %arg9[%add3A_26, %dma_start3A_28] : memref<10240x128xf32, #tpu.memory_space<vmem_shared>> -> memref<128x128xf32, #tpu.memory_space<vmem_shared>>
        tpu.enqueue_dma source(%dma_start3A_29 : memref<128x128xf32, #tpu.memory_space<vmem_shared>>) target(%arg8 : memref<128x128xf32, #tpu.memory_space<vmem>>) target_semaphore(%run_scoped3A : memref<!tpu.dma_semaphore, #tpu.memory_space<semaphore_mem>>)
        %dma_wait3A = arith.constant 0 : i32
        %dma_wait3A_30 = tpu.memref_slice %arg9[%add3A_26, %dma_wait3A] : memref<10240x128xf32, #tpu.memory_space<vmem_shared>> -> memref<128x128xf32, #tpu.memory_space<vmem_shared>>
        %dma_wait3A_31 = arith.constant 0 : i32
        %dma_wait3A_32 = tpu.memref_slice %arg9[%add3A_26, %dma_wait3A_31] : memref<10240x128xf32, #tpu.memory_space<vmem_shared>> -> memref<128x128xf32, #tpu.memory_space<vmem_shared>>
        tpu.wait_dma2 semaphore(%run_scoped3A : memref<!tpu.dma_semaphore, #tpu.memory_space<semaphore_mem>>) src(%dma_wait3A_32 : memref<128x128xf32, #tpu.memory_space<vmem_shared>>) dst(%arg8 : memref<128x128xf32, #tpu.memory_space<vmem>>)
        tpu.yield
      }) : () -> ()
      "tpu.region"() ({
        %run_scoped3A = tpu.sem_alloc : memref<!tpu.dma_semaphore, #tpu.memory_space<semaphore_mem>>
        %dma_start3A = arith.constant 0 : i32
        %dma_start3A_27 = tpu.memref_slice %arg5[%arg0, %add3A_26, %dma_start3A] : memref<2x10240x128xf32, #tpu.memory_space<hbm>> -> memref<1x128x128xf32, #tpu.memory_space<hbm>>
        %dma_start3A_28 = tpu.memref_squeeze %dma_start3A_27 : memref<1x128x128xf32, #tpu.memory_space<hbm>> -> memref<128x128xf32, #tpu.memory_space<hbm>>
        %dma_start3A_29 = arith.constant 0 : i32
        %dma_start3A_30 = tpu.memref_slice %arg5[%arg0, %add3A_26, %dma_start3A_29] : memref<2x10240x128xf32, #tpu.memory_space<hbm>> -> memref<1x128x128xf32, #tpu.memory_space<hbm>>
        %dma_start3A_31 = tpu.memref_squeeze %dma_start3A_30 : memref<1x128x128xf32, #tpu.memory_space<hbm>> -> memref<128x128xf32, #tpu.memory_space<hbm>>
        tpu.enqueue_dma source(%arg8 : memref<128x128xf32, #tpu.memory_space<vmem>>) target(%dma_start3A_31 : memref<128x128xf32, #tpu.memory_space<hbm>>) target_semaphore(%run_scoped3A : memref<!tpu.dma_semaphore, #tpu.memory_space<semaphore_mem>>)
        %dma_wait3A = arith.constant 0 : i32
        %dma_wait3A_32 = tpu.memref_slice %arg5[%arg0, %add3A_26, %dma_wait3A] : memref<2x10240x128xf32, #tpu.memory_space<hbm>> -> memref<1x128x128xf32, #tpu.memory_space<hbm>>
        %dma_wait3A_33 = tpu.memref_squeeze %dma_wait3A_32 : memref<1x128x128xf32, #tpu.memory_space<hbm>> -> memref<128x128xf32, #tpu.memory_space<hbm>>
        %dma_wait3A_34 = arith.constant 0 : i32
        %dma_wait3A_35 = tpu.memref_slice %arg5[%arg0, %add3A_26, %dma_wait3A_34] : memref<2x10240x128xf32, #tpu.memory_space<hbm>> -> memref<1x128x128xf32, #tpu.memory_space<hbm>>
        %dma_wait3A_36 = tpu.memref_squeeze %dma_wait3A_35 : memref<1x128x128xf32, #tpu.memory_space<hbm>> -> memref<128x128xf32, #tpu.memory_space<hbm>>
        tpu.wait_dma2 semaphore(%run_scoped3A : memref<!tpu.dma_semaphore, #tpu.memory_space<semaphore_mem>>) src(%arg8 : memref<128x128xf32, #tpu.memory_space<vmem>>) dst(%dma_wait3A_36 : memref<128x128xf32, #tpu.memory_space<hbm>>)
        tpu.yield
      }) : () -> ()
    }
    %scan3A_20 = arith.constant 5 : i32
    return
  }
}

#map = affine_map<(d0, d1) -> (0, 0)>
#map1 = affine_map<(d0, d1) -> (0, 0, 0)>
module attributes {stable_mosaic.version = 14 : i64} {
  func.func @body(%arg0: i32, %arg1: i32, %arg2: memref<10000x128xf32, #tpu.memory_space<hbm>>, %arg3: memref<32x79x128xi32, #tpu.memory_space<hbm>>, %arg4: memref<32x79x128xi32, #tpu.memory_space<hbm>>, %arg5: memref<2x10240x128xf32, #tpu.memory_space<hbm>>, %arg6: memref<79x128xi32, #tpu.memory_space<vmem>>, %arg7: memref<79x128xi32, #tpu.memory_space<vmem>>, %arg8: memref<128x128xf32, #tpu.memory_space<vmem>>, %arg9: memref<10240x128xf32, #tpu.memory_space<vmem_shared>>, %arg10: memref<!tpu.dma_semaphore, #tpu.memory_space<semaphore_mem>>) attributes {dimension_semantics = [#tpu.dimension_semantics<core_parallel>, #tpu.dimension_semantics<subcore_parallel>], iteration_bounds = array<i64: 2, 16>, scalar_prefetch = 0 : i64, scratch_operands = 5 : i64, tpu.core_type = #tpu.core_type<sc_vector_subcore>, window_params = [{transform_indices = #map}, {transform_indices = #map1}, {transform_indices = #map1}, {transform_indices = #map1}]} {
    %scan3A = arith.constant 0 : i32
    %scan3A_0 = arith.constant 1024 : i32
    %scan3A_1 = arith.addi %scan3A, %scan3A_0 : i32
    %scan3A_2 = arith.constant 1 : i32
    scf.for %scan3A_21 = %scan3A to %scan3A_1 step %scan3A_2  : i32 {
      %broadcast_in_dim3A = arith.constant 0.000000e+00 : f32
      %broadcast_in_dim3A_22 = vector.broadcast %broadcast_in_dim3A : f32 to vector<16xf32>
      %jit3A = arith.constant 8 : i32
      %div3A = arith.divsi %scan3A_21, %jit3A : i32
      %sign3A = arith.constant 0 : i32
      %sign3A_23 = arith.cmpi sgt, %scan3A_21, %sign3A : i32
      %sign3A_24 = arith.extui %sign3A_23 : i1 to i32
      %sign3A_25 = arith.constant 0 : i32
      %sign3A_26 = arith.cmpi slt, %scan3A_21, %sign3A_25 : i32
      %sign3A_27 = arith.extui %sign3A_26 : i1 to i32
      %sign3A_28 = arith.subi %sign3A_24, %sign3A_27 : i32
      %sign3A_29 = arith.constant 0 : i32
      %sign3A_30 = arith.cmpi sgt, %jit3A, %sign3A_29 : i32
      %sign3A_31 = arith.extui %sign3A_30 : i1 to i32
      %sign3A_32 = arith.constant 0 : i32
      %sign3A_33 = arith.cmpi slt, %jit3A, %sign3A_32 : i32
      %sign3A_34 = arith.extui %sign3A_33 : i1 to i32
      %sign3A_35 = arith.subi %sign3A_31, %sign3A_34 : i32
      %ne3A = arith.cmpi ne, %sign3A_28, %sign3A_35 : i32
      %rem3A = arith.remsi %scan3A_21, %jit3A : i32
      %ne3A_36 = arith.constant 0 : i32
      %ne3A_37 = arith.cmpi ne, %rem3A, %ne3A_36 : i32
      %and3A = arith.andi %ne3A, %ne3A_37 : i1
      %sub3A = arith.constant 1 : i32
      %sub3A_38 = arith.subi %div3A, %sub3A : i32
      %select_n3A = arith.select %and3A, %sub3A_38, %div3A : i32
      %jit3A_39 = arith.constant 8 : i32
      %eq3A = arith.constant 0 : i32
      %eq3A_40 = arith.cmpi eq, %jit3A_39, %eq3A : i32
      %jit3A_41 = arith.constant 1 : i32
      %select_n3A_42 = arith.select %eq3A_40, %jit3A_41, %jit3A_39 : i32
      %rem3A_43 = arith.remsi %scan3A_21, %select_n3A_42 : i32
      %ne3A_44 = arith.constant 0 : i32
      %ne3A_45 = arith.cmpi ne, %rem3A_43, %ne3A_44 : i32
      %lt3A = arith.constant 0 : i32
      %lt3A_46 = arith.cmpi slt, %rem3A_43, %lt3A : i32
      %lt3A_47 = arith.constant 0 : i32
      %lt3A_48 = arith.cmpi slt, %select_n3A_42, %lt3A_47 : i32
      %ne3A_49 = arith.xori %lt3A_46, %lt3A_48 : i1
      %and3A_50 = arith.andi %ne3A_49, %ne3A_45 : i1
      %add3A_51 = arith.addi %rem3A_43, %select_n3A_42 : i32
      %select_n3A_52 = arith.select %and3A_50, %add3A_51, %rem3A_43 : i32
      %mul3A_53 = arith.constant 16 : i32
      %mul3A_54 = arith.muli %select_n3A_52, %mul3A_53 : i32
      %swap3A = arith.index_cast %select_n3A : i32 to index
      %swap3A_55 = arith.index_cast %mul3A_54 : i32 to index
      %swap3A_56 = tpu.vector_load %arg8[%swap3A, %swap3A_55] {strides = array<i32>} : memref<128x128xf32, #tpu.memory_space<vmem>>, vector<1x16xf32>,
      %swap3A_57 = vector.shape_cast %swap3A_56 : vector<1x16xf32> to vector<16xf32>
      %swap3A_58 = vector.shape_cast %broadcast_in_dim3A_22 : vector<16xf32> to vector<1x16xf32>
      tpu.vector_store %arg8[%swap3A, %swap3A_55], %swap3A_58 {strides = array<i32>} : memref<128x128xf32, #tpu.memory_space<vmem>>, vector<1x16xf32>,
    }
    %scan3A_3 = arith.constant 1024 : i32
    %scan3A_4 = arith.constant 0 : i32
    %scan3A_5 = arith.constant 5 : i32
    %scan3A_6 = arith.addi %scan3A_4, %scan3A_5 : i32
    %scan3A_7 = arith.constant 1 : i32
    scf.for %scan3A_21 = %scan3A_4 to %scan3A_6 step %scan3A_7  : i32 {
      %mul3A_22 = arith.constant 640 : i32
      %mul3A_23 = arith.muli %arg1, %mul3A_22 : i32
      %mul3A_24 = arith.constant 128 : i32
      %mul3A_25 = arith.muli %scan3A_21, %mul3A_24 : i32
      %add3A_26 = arith.addi %mul3A_23, %mul3A_25 : i32
      "tpu.region"() ({
        %run_scoped3A = tpu.sem_alloc : memref<!tpu.dma_semaphore, #tpu.memory_space<semaphore_mem>>
        %dma_start3A = arith.constant 0 : i32
        %dma_start3A_27 = tpu.memref_slice %arg9[%add3A_26, %dma_start3A] : memref<10240x128xf32, #tpu.memory_space<vmem_shared>> -> memref<128x128xf32, #tpu.memory_space<vmem_shared>>
        %dma_start3A_28 = arith.constant 0 : i32
        %dma_start3A_29 = tpu.memref_slice %arg9[%add3A_26, %dma_start3A_28] : memref<10240x128xf32, #tpu.memory_space<vmem_shared>> -> memref<128x128xf32, #tpu.memory_space<vmem_shared>>
        tpu.enqueue_dma source(%arg8 : memref<128x128xf32, #tpu.memory_space<vmem>>) target(%dma_start3A_29 : memref<128x128xf32, #tpu.memory_space<vmem_shared>>) target_semaphore(%run_scoped3A : memref<!tpu.dma_semaphore, #tpu.memory_space<semaphore_mem>>)
        %dma_wait3A = arith.constant 0 : i32
        %dma_wait3A_30 = tpu.memref_slice %arg9[%add3A_26, %dma_wait3A] : memref<10240x128xf32, #tpu.memory_space<vmem_shared>> -> memref<128x128xf32, #tpu.memory_space<vmem_shared>>
        %dma_wait3A_31 = arith.constant 0 : i32
        %dma_wait3A_32 = tpu.memref_slice %arg9[%add3A_26, %dma_wait3A_31] : memref<10240x128xf32, #tpu.memory_space<vmem_shared>> -> memref<128x128xf32, #tpu.memory_space<vmem_shared>>
        tpu.wait_dma2 semaphore(%run_scoped3A : memref<!tpu.dma_semaphore, #tpu.memory_space<semaphore_mem>>) src(%arg8 : memref<128x128xf32, #tpu.memory_space<vmem>>) dst(%dma_wait3A_32 : memref<128x128xf32, #tpu.memory_space<vmem_shared>>)
        tpu.yield
      }) : () -> ()
    }
    %scan3A_8 = arith.constant 5 : i32
    %mul3A = arith.constant 16 : i32
    %mul3A_9 = arith.muli %arg0, %mul3A : i32
    %add3A = arith.addi %mul3A_9, %arg1 : i32
    "tpu.region"() ({
      %run_scoped3A = tpu.sem_alloc : memref<!tpu.dma_semaphore, #tpu.memory_space<semaphore_mem>>
      %dma_start3A = arith.constant 0 : i32
      %dma_start3A_21 = arith.constant 0 : i32
      %dma_start3A_22 = tpu.memref_slice %arg3[%add3A, %dma_start3A, %dma_start3A_21] : memref<32x79x128xi32, #tpu.memory_space<hbm>> -> memref<1x79x128xi32, #tpu.memory_space<hbm>>
      %dma_start3A_23 = tpu.memref_squeeze %dma_start3A_22 : memref<1x79x128xi32, #tpu.memory_space<hbm>> -> memref<79x128xi32, #tpu.memory_space<hbm>>
      %dma_start3A_24 = arith.constant 0 : i32
      %dma_start3A_25 = arith.constant 0 : i32
      %dma_start3A_26 = tpu.memref_slice %arg3[%add3A, %dma_start3A_24, %dma_start3A_25] : memref<32x79x128xi32, #tpu.memory_space<hbm>> -> memref<1x79x128xi32, #tpu.memory_space<hbm>>
      %dma_start3A_27 = tpu.memref_squeeze %dma_start3A_26 : memref<1x79x128xi32, #tpu.memory_space<hbm>> -> memref<79x128xi32, #tpu.memory_space<hbm>>
      tpu.enqueue_dma source(%dma_start3A_27 : memref<79x128xi32, #tpu.memory_space<hbm>>) target(%arg6 : memref<79x128xi32, #tpu.memory_space<vmem>>) target_semaphore(%run_scoped3A : memref<!tpu.dma_semaphore, #tpu.memory_space<semaphore_mem>>)
      %dma_wait3A = arith.constant 0 : i32
      %dma_wait3A_28 = arith.constant 0 : i32
      %dma_wait3A_29 = tpu.memref_slice %arg3[%add3A, %dma_wait3A, %dma_wait3A_28] : memref<32x79x128xi32, #tpu.memory_space<hbm>> -> memref<1x79x128xi32, #tpu.memory_space<hbm>>
      %dma_wait3A_30 = tpu.memref_squeeze %dma_wait3A_29 : memref<1x79x128xi32, #tpu.memory_space<hbm>> -> memref<79x128xi32, #tpu.memory_space<hbm>>
      %dma_wait3A_31 = arith.constant 0 : i32
      %dma_wait3A_32 = arith.constant 0 : i32
      %dma_wait3A_33 = tpu.memref_slice %arg3[%add3A, %dma_wait3A_31, %dma_wait3A_32] : memref<32x79x128xi32, #tpu.memory_space<hbm>> -> memref<1x79x128xi32, #tpu.memory_space<hbm>>
      %dma_wait3A_34 = tpu.memref_squeeze %dma_wait3A_33 : memref<1x79x128xi32, #tpu.memory_space<hbm>> -> memref<79x128xi32, #tpu.memory_space<hbm>>
      tpu.wait_dma2 semaphore(%run_scoped3A : memref<!tpu.dma_semaphore, #tpu.memory_space<semaphore_mem>>) src(%dma_wait3A_34 : memref<79x128xi32, #tpu.memory_space<hbm>>) dst(%arg6 : memref<79x128xi32, #tpu.memory_space<vmem>>)
      tpu.yield
    }) : () -> ()
    "tpu.region"() ({
      %run_scoped3A = tpu.sem_alloc : memref<!tpu.dma_semaphore, #tpu.memory_space<semaphore_mem>>
      %dma_start3A = arith.constant 0 : i32
      %dma_start3A_21 = arith.constant 0 : i32
      %dma_start3A_22 = tpu.memref_slice %arg4[%add3A, %dma_start3A, %dma_start3A_21] : memref<32x79x128xi32, #tpu.memory_space<hbm>> -> memref<1x79x128xi32, #tpu.memory_space<hbm>>
      %dma_start3A_23 = tpu.memref_squeeze %dma_start3A_22 : memref<1x79x128xi32, #tpu.memory_space<hbm>> -> memref<79x128xi32, #tpu.memory_space<hbm>>
      %dma_start3A_24 = arith.constant 0 : i32
      %dma_start3A_25 = arith.constant 0 : i32
      %dma_start3A_26 = tpu.memref_slice %arg4[%add3A, %dma_start3A_24, %dma_start3A_25] : memref<32x79x128xi32, #tpu.memory_space<hbm>> -> memref<1x79x128xi32, #tpu.memory_space<hbm>>
      %dma_start3A_27 = tpu.memref_squeeze %dma_start3A_26 : memref<1x79x128xi32, #tpu.memory_space<hbm>> -> memref<79x128xi32, #tpu.memory_space<hbm>>
      tpu.enqueue_dma source(%dma_start3A_27 : memref<79x128xi32, #tpu.memory_space<hbm>>) target(%arg7 : memref<79x128xi32, #tpu.memory_space<vmem>>) target_semaphore(%run_scoped3A : memref<!tpu.dma_semaphore, #tpu.memory_space<semaphore_mem>>)
      %dma_wait3A = arith.constant 0 : i32
      %dma_wait3A_28 = arith.constant 0 : i32
      %dma_wait3A_29 = tpu.memref_slice %arg4[%add3A, %dma_wait3A, %dma_wait3A_28] : memref<32x79x128xi32, #tpu.memory_space<hbm>> -> memref<1x79x128xi32, #tpu.memory_space<hbm>>
      %dma_wait3A_30 = tpu.memref_squeeze %dma_wait3A_29 : memref<1x79x128xi32, #tpu.memory_space<hbm>> -> memref<79x128xi32, #tpu.memory_space<hbm>>
      %dma_wait3A_31 = arith.constant 0 : i32
      %dma_wait3A_32 = arith.constant 0 : i32
      %dma_wait3A_33 = tpu.memref_slice %arg4[%add3A, %dma_wait3A_31, %dma_wait3A_32] : memref<32x79x128xi32, #tpu.memory_space<hbm>> -> memref<1x79x128xi32, #tpu.memory_space<hbm>>
      %dma_wait3A_34 = tpu.memref_squeeze %dma_wait3A_33 : memref<1x79x128xi32, #tpu.memory_space<hbm>> -> memref<79x128xi32, #tpu.memory_space<hbm>>
      tpu.wait_dma2 semaphore(%run_scoped3A : memref<!tpu.dma_semaphore, #tpu.memory_space<semaphore_mem>>) src(%dma_wait3A_34 : memref<79x128xi32, #tpu.memory_space<hbm>>) dst(%arg7 : memref<79x128xi32, #tpu.memory_space<vmem>>)
      tpu.yield
    }) : () -> ()
    %barrier3A = arith.constant 0 : index
    tpu.barrier barrier_id(%barrier3A)
    %scan3A_10 = arith.constant 0 : i32
    %scan3A_11 = arith.constant 79 : i32
    %scan3A_12 = arith.addi %scan3A_10, %scan3A_11 : i32
    %scan3A_13 = arith.constant 1 : i32
    scf.for %scan3A_21 = %scan3A_10 to %scan3A_12 step %scan3A_13  : i32 {
      %dma_start3A = arith.constant 0 : i32
      %dma_start3A_22 = tpu.memref_slice %arg6[%scan3A_21, %dma_start3A] : memref<79x128xi32, #tpu.memory_space<vmem>> -> memref<1x128xi32, #tpu.memory_space<vmem>>
      %dma_start3A_23 = tpu.memref_squeeze %dma_start3A_22 : memref<1x128xi32, #tpu.memory_space<vmem>> -> memref<128xi32, #tpu.memory_space<vmem>>
      %dma_start3A_24 = arith.constant 0 : i32
      %dma_start3A_25 = arith.constant 0 : i32
      %dma_start3A_26 = tpu.memref_slice %arg2[%dma_start3A_24, %dma_start3A_25] : memref<10000x128xf32, #tpu.memory_space<hbm>> -> memref<10000x128xf32, #tpu.memory_space<hbm>>
      tpu.enqueue_indirect_dma source(%dma_start3A_26 : memref<10000x128xf32, #tpu.memory_space<hbm>>) target(%arg8 : memref<128x128xf32, #tpu.memory_space<vmem>>) offsets(%dma_start3A_23 : memref<128xi32, #tpu.memory_space<vmem>>) semaphore(%arg10 : memref<!tpu.dma_semaphore, #tpu.memory_space<semaphore_mem>>)
      %dma_wait3A = arith.constant 0 : i32
      %dma_wait3A_27 = tpu.memref_slice %arg6[%scan3A_21, %dma_wait3A] : memref<79x128xi32, #tpu.memory_space<vmem>> -> memref<1x128xi32, #tpu.memory_space<vmem>>
      %dma_wait3A_28 = tpu.memref_squeeze %dma_wait3A_27 : memref<1x128xi32, #tpu.memory_space<vmem>> -> memref<128xi32, #tpu.memory_space<vmem>>
      %dma_wait3A_29 = arith.constant 0 : i32
      %dma_wait3A_30 = arith.constant 0 : i32
      %dma_wait3A_31 = tpu.memref_slice %arg2[%dma_wait3A_29, %dma_wait3A_30] : memref<10000x128xf32, #tpu.memory_space<hbm>> -> memref<10000x128xf32, #tpu.memory_space<hbm>>
      tpu.wait_indirect_dma semaphore(%arg10 : memref<!tpu.dma_semaphore, #tpu.memory_space<semaphore_mem>>) src(%dma_wait3A_31 : memref<10000x128xf32, #tpu.memory_space<hbm>>) dst(%arg8 : memref<128x128xf32, #tpu.memory_space<vmem>>)
      "tpu.region"() ({
        %run_scoped3A = tpu.sem_alloc : memref<!tpu.dma_semaphore, #tpu.memory_space<semaphore_mem>>
        %dma_start3A_32 = arith.constant 0 : i32
        %dma_start3A_33 = tpu.memref_slice %arg7[%scan3A_21, %dma_start3A_32] : memref<79x128xi32, #tpu.memory_space<vmem>> -> memref<1x128xi32, #tpu.memory_space<vmem>>
        %dma_start3A_34 = tpu.memref_squeeze %dma_start3A_33 : memref<1x128xi32, #tpu.memory_space<vmem>> -> memref<128xi32, #tpu.memory_space<vmem>>
        %dma_start3A_35 = arith.constant 0 : i32
        %dma_start3A_36 = arith.constant 0 : i32
        %dma_start3A_37 = tpu.memref_slice %arg9[%dma_start3A_35, %dma_start3A_36] : memref<10240x128xf32, #tpu.memory_space<vmem_shared>> -> memref<10240x128xf32, #tpu.memory_space<vmem_shared>>
        tpu.enqueue_indirect_dma source(%arg8 : memref<128x128xf32, #tpu.memory_space<vmem>>) target(%dma_start3A_37 : memref<10240x128xf32, #tpu.memory_space<vmem_shared>>) offsets(%dma_start3A_34 : memref<128xi32, #tpu.memory_space<vmem>>) semaphore(%run_scoped3A : memref<!tpu.dma_semaphore, #tpu.memory_space<semaphore_mem>>) {add = true}
        %dma_wait3A_38 = arith.constant 0 : i32
        %dma_wait3A_39 = tpu.memref_slice %arg7[%scan3A_21, %dma_wait3A_38] : memref<79x128xi32, #tpu.memory_space<vmem>> -> memref<1x128xi32, #tpu.memory_space<vmem>>
        %dma_wait3A_40 = tpu.memref_squeeze %dma_wait3A_39 : memref<1x128xi32, #tpu.memory_space<vmem>> -> memref<128xi32, #tpu.memory_space<vmem>>
        %dma_wait3A_41 = arith.constant 0 : i32
        %dma_wait3A_42 = arith.constant 0 : i32
        %dma_wait3A_43 = tpu.memref_slice %arg9[%dma_wait3A_41, %dma_wait3A_42] : memref<10240x128xf32, #tpu.memory_space<vmem_shared>> -> memref<10240x128xf32, #tpu.memory_space<vmem_shared>>
        tpu.wait_indirect_dma semaphore(%run_scoped3A : memref<!tpu.dma_semaphore, #tpu.memory_space<semaphore_mem>>) src(%arg8 : memref<128x128xf32, #tpu.memory_space<vmem>>) dst(%dma_wait3A_43 : memref<10240x128xf32, #tpu.memory_space<vmem_shared>>)
        tpu.yield
      }) : () -> ()
    }
    %scan3A_14 = arith.constant 79 : i32
    %barrier3A_15 = arith.constant 0 : index
    tpu.barrier barrier_id(%barrier3A_15)
    %scan3A_16 = arith.constant 0 : i32
    %scan3A_17 = arith.constant 5 : i32
    %scan3A_18 = arith.addi %scan3A_16, %scan3A_17 : i32
    %scan3A_19 = arith.constant 1 : i32
    scf.for %scan3A_21 = %scan3A_16 to %scan3A_18 step %scan3A_19  : i32 {
      %mul3A_22 = arith.constant 640 : i32
      %mul3A_23 = arith.muli %arg1, %mul3A_22 : i32
      %mul3A_24 = arith.constant 128 : i32
      %mul3A_25 = arith.muli %scan3A_21, %mul3A_24 : i32
      %add3A_26 = arith.addi %mul3A_23, %mul3A_25 : i32
      "tpu.region"() ({
        %run_scoped3A = tpu.sem_alloc : memref<!tpu.dma_semaphore, #tpu.memory_space<semaphore_mem>>
        %dma_start3A = arith.constant 0 : i32
        %dma_start3A_27 = tpu.memref_slice %arg9[%add3A_26, %dma_start3A] : memref<10240x128xf32, #tpu.memory_space<vmem_shared>> -> memref<128x128xf32, #tpu.memory_space<vmem_shared>>
        %dma_start3A_28 = arith.constant 0 : i32
        %dma_start3A_29 = tpu.memref_slice %arg9[%add3A_26, %dma_start3A_28] : memref<10240x128xf32, #tpu.memory_space<vmem_shared>> -> memref<128x128xf32, #tpu.memory_space<vmem_shared>>
        tpu.enqueue_dma source(%dma_start3A_29 : memref<128x128xf32, #tpu.memory_space<vmem_shared>>) target(%arg8 : memref<128x128xf32, #tpu.memory_space<vmem>>) target_semaphore(%run_scoped3A : memref<!tpu.dma_semaphore, #tpu.memory_space<semaphore_mem>>)
        %dma_wait3A = arith.constant 0 : i32
        %dma_wait3A_30 = tpu.memref_slice %arg9[%add3A_26, %dma_wait3A] : memref<10240x128xf32, #tpu.memory_space<vmem_shared>> -> memref<128x128xf32, #tpu.memory_space<vmem_shared>>
        %dma_wait3A_31 = arith.constant 0 : i32
        %dma_wait3A_32 = tpu.memref_slice %arg9[%add3A_26, %dma_wait3A_31] : memref<10240x128xf32, #tpu.memory_space<vmem_shared>> -> memref<128x128xf32, #tpu.memory_space<vmem_shared>>
        tpu.wait_dma2 semaphore(%run_scoped3A : memref<!tpu.dma_semaphore, #tpu.memory_space<semaphore_mem>>) src(%dma_wait3A_32 : memref<128x128xf32, #tpu.memory_space<vmem_shared>>) dst(%arg8 : memref<128x128xf32, #tpu.memory_space<vmem>>)
        tpu.yield
      }) : () -> ()
      "tpu.region"() ({
        %run_scoped3A = tpu.sem_alloc : memref<!tpu.dma_semaphore, #tpu.memory_space<semaphore_mem>>
        %dma_start3A = arith.constant 0 : i32
        %dma_start3A_27 = tpu.memref_slice %arg5[%arg0, %add3A_26, %dma_start3A] : memref<2x10240x128xf32, #tpu.memory_space<hbm>> -> memref<1x128x128xf32, #tpu.memory_space<hbm>>
        %dma_start3A_28 = tpu.memref_squeeze %dma_start3A_27 : memref<1x128x128xf32, #tpu.memory_space<hbm>> -> memref<128x128xf32, #tpu.memory_space<hbm>>
        %dma_start3A_29 = arith.constant 0 : i32
        %dma_start3A_30 = tpu.memref_slice %arg5[%arg0, %add3A_26, %dma_start3A_29] : memref<2x10240x128xf32, #tpu.memory_space<hbm>> -> memref<1x128x128xf32, #tpu.memory_space<hbm>>
        %dma_start3A_31 = tpu.memref_squeeze %dma_start3A_30 : memref<1x128x128xf32, #tpu.memory_space<hbm>> -> memref<128x128xf32, #tpu.memory_space<hbm>>
        tpu.enqueue_dma source(%arg8 : memref<128x128xf32, #tpu.memory_space<vmem>>) target(%dma_start3A_31 : memref<128x128xf32, #tpu.memory_space<hbm>>) target_semaphore(%run_scoped3A : memref<!tpu.dma_semaphore, #tpu.memory_space<semaphore_mem>>)
        %dma_wait3A = arith.constant 0 : i32
        %dma_wait3A_32 = tpu.memref_slice %arg5[%arg0, %add3A_26, %dma_wait3A] : memref<2x10240x128xf32, #tpu.memory_space<hbm>> -> memref<1x128x128xf32, #tpu.memory_space<hbm>>
        %dma_wait3A_33 = tpu.memref_squeeze %dma_wait3A_32 : memref<1x128x128xf32, #tpu.memory_space<hbm>> -> memref<128x128xf32, #tpu.memory_space<hbm>>
        %dma_wait3A_34 = arith.constant 0 : i32
        %dma_wait3A_35 = tpu.memref_slice %arg5[%arg0, %add3A_26, %dma_wait3A_34] : memref<2x10240x128xf32, #tpu.memory_space<hbm>> -> memref<1x128x128xf32, #tpu.memory_space<hbm>>
        %dma_wait3A_36 = tpu.memref_squeeze %dma_wait3A_35 : memref<1x128x128xf32, #tpu.memory_space<hbm>> -> memref<128x128xf32, #tpu.memory_space<hbm>>
        tpu.wait_dma2 semaphore(%run_scoped3A : memref<!tpu.dma_semaphore, #tpu.memory_space<semaphore_mem>>) src(%arg8 : memref<128x128xf32, #tpu.memory_space<vmem>>) dst(%dma_wait3A_36 : memref<128x128xf32, #tpu.memory_space<hbm>>)
        tpu.yield
      }) : () -> ()
    }
    %scan3A_20 = arith.constant 5 : i32
    return
  }
}

#map = affine_map<(d0, d1) -> (0, 0)>
#map1 = affine_map<(d0, d1) -> (0, 0, 0)>
module attributes {stable_mosaic.version = 14 : i64} {
  func.func @body(%arg0: i32, %arg1: i32, %arg2: memref<10000x128xf32, #tpu.memory_space<hbm>>, %arg3: memref<32x79x128xi32, #tpu.memory_space<hbm>>, %arg4: memref<32x79x128xi32, #tpu.memory_space<hbm>>, %arg5: memref<2x10240x128xf32, #tpu.memory_space<hbm>>, %arg6: memref<79x128xi32, #tpu.memory_space<vmem>>, %arg7: memref<79x128xi32, #tpu.memory_space<vmem>>, %arg8: memref<128x128xf32, #tpu.memory_space<vmem>>, %arg9: memref<10240x128xf32, #tpu.memory_space<vmem_shared>>, %arg10: memref<!tpu.dma_semaphore, #tpu.memory_space<semaphore_mem>>) attributes {dimension_semantics = [#tpu.dimension_semantics<core_parallel>, #tpu.dimension_semantics<subcore_parallel>], iteration_bounds = array<i64: 2, 16>, scalar_prefetch = 0 : i64, scratch_operands = 5 : i64, tpu.core_type = #tpu.core_type<sc_vector_subcore>, window_params = [{transform_indices = #map}, {transform_indices = #map1}, {transform_indices = #map1}, {transform_indices = #map1}]} {
    %scan3A = arith.constant 0 : i32
    %scan3A_0 = arith.constant 1024 : i32
    %scan3A_1 = arith.addi %scan3A, %scan3A_0 : i32
    %scan3A_2 = arith.constant 1 : i32
    scf.for %scan3A_21 = %scan3A to %scan3A_1 step %scan3A_2  : i32 {
      %broadcast_in_dim3A = arith.constant 0.000000e+00 : f32
      %broadcast_in_dim3A_22 = vector.broadcast %broadcast_in_dim3A : f32 to vector<16xf32>
      %jit3A = arith.constant 8 : i32
      %div3A = arith.divsi %scan3A_21, %jit3A : i32
      %sign3A = arith.constant 0 : i32
      %sign3A_23 = arith.cmpi sgt, %scan3A_21, %sign3A : i32
      %sign3A_24 = arith.extui %sign3A_23 : i1 to i32
      %sign3A_25 = arith.constant 0 : i32
      %sign3A_26 = arith.cmpi slt, %scan3A_21, %sign3A_25 : i32
      %sign3A_27 = arith.extui %sign3A_26 : i1 to i32
      %sign3A_28 = arith.subi %sign3A_24, %sign3A_27 : i32
      %sign3A_29 = arith.constant 0 : i32
      %sign3A_30 = arith.cmpi sgt, %jit3A, %sign3A_29 : i32
      %sign3A_31 = arith.extui %sign3A_30 : i1 to i32
      %sign3A_32 = arith.constant 0 : i32
      %sign3A_33 = arith.cmpi slt, %jit3A, %sign3A_32 : i32
      %sign3A_34 = arith.extui %sign3A_33 : i1 to i32
      %sign3A_35 = arith.subi %sign3A_31, %sign3A_34 : i32
      %ne3A = arith.cmpi ne, %sign3A_28, %sign3A_35 : i32
      %rem3A = arith.remsi %scan3A_21, %jit3A : i32
      %ne3A_36 = arith.constant 0 : i32
      %ne3A_37 = arith.cmpi ne, %rem3A, %ne3A_36 : i32
      %and3A = arith.andi %ne3A, %ne3A_37 : i1
      %sub3A = arith.constant 1 : i32
      %sub3A_38 = arith.subi %div3A, %sub3A : i32
      %select_n3A = arith.select %and3A, %sub3A_38, %div3A : i32
      %jit3A_39 = arith.constant 8 : i32
      %eq3A = arith.constant 0 : i32
      %eq3A_40 = arith.cmpi eq, %jit3A_39, %eq3A : i32
      %jit3A_41 = arith.constant 1 : i32
      %select_n3A_42 = arith.select %eq3A_40, %jit3A_41, %jit3A_39 : i32
      %rem3A_43 = arith.remsi %scan3A_21, %select_n3A_42 : i32
      %ne3A_44 = arith.constant 0 : i32
      %ne3A_45 = arith.cmpi ne, %rem3A_43, %ne3A_44 : i32
      %lt3A = arith.constant 0 : i32
      %lt3A_46 = arith.cmpi slt, %rem3A_43, %lt3A : i32
      %lt3A_47 = arith.constant 0 : i32
      %lt3A_48 = arith.cmpi slt, %select_n3A_42, %lt3A_47 : i32
      %ne3A_49 = arith.xori %lt3A_46, %lt3A_48 : i1
      %and3A_50 = arith.andi %ne3A_49, %ne3A_45 : i1
      %add3A_51 = arith.addi %rem3A_43, %select_n3A_42 : i32
      %select_n3A_52 = arith.select %and3A_50, %add3A_51, %rem3A_43 : i32
      %mul3A_53 = arith.constant 16 : i32
      %mul3A_54 = arith.muli %select_n3A_52, %mul3A_53 : i32
      %swap3A = arith.index_cast %select_n3A : i32 to index
      %swap3A_55 = arith.index_cast %mul3A_54 : i32 to index
      %swap3A_56 = tpu.vector_load %arg8[%swap3A, %swap3A_55] {strides = array<i32>} : memref<128x128xf32, #tpu.memory_space<vmem>>, vector<1x16xf32>,
      %swap3A_57 = vector.shape_cast %swap3A_56 : vector<1x16xf32> to vector<16xf32>
      %swap3A_58 = vector.shape_cast %broadcast_in_dim3A_22 : vector<16xf32> to vector<1x16xf32>
      tpu.vector_store %arg8[%swap3A, %swap3A_55], %swap3A_58 {strides = array<i32>} : memref<128x128xf32, #tpu.memory_space<vmem>>, vector<1x16xf32>,
    }
    %scan3A_3 = arith.constant 1024 : i32
    %scan3A_4 = arith.constant 0 : i32
    %scan3A_5 = arith.constant 5 : i32
    %scan3A_6 = arith.addi %scan3A_4, %scan3A_5 : i32
    %scan3A_7 = arith.constant 1 : i32
    scf.for %scan3A_21 = %scan3A_4 to %scan3A_6 step %scan3A_7  : i32 {
      %mul3A_22 = arith.constant 640 : i32
      %mul3A_23 = arith.muli %arg1, %mul3A_22 : i32
      %mul3A_24 = arith.constant 128 : i32
      %mul3A_25 = arith.muli %scan3A_21, %mul3A_24 : i32
      %add3A_26 = arith.addi %mul3A_23, %mul3A_25 : i32
      "tpu.region"() ({
        %run_scoped3A = tpu.sem_alloc : memref<!tpu.dma_semaphore, #tpu.memory_space<semaphore_mem>>
        %dma_start3A = arith.constant 0 : i32
        %dma_start3A_27 = tpu.memref_slice %arg9[%add3A_26, %dma_start3A] : memref<10240x128xf32, #tpu.memory_space<vmem_shared>> -> memref<128x128xf32, #tpu.memory_space<vmem_shared>>
        %dma_start3A_28 = arith.constant 0 : i32
        %dma_start3A_29 = tpu.memref_slice %arg9[%add3A_26, %dma_start3A_28] : memref<10240x128xf32, #tpu.memory_space<vmem_shared>> -> memref<128x128xf32, #tpu.memory_space<vmem_shared>>
        tpu.enqueue_dma source(%arg8 : memref<128x128xf32, #tpu.memory_space<vmem>>) target(%dma_start3A_29 : memref<128x128xf32, #tpu.memory_space<vmem_shared>>) target_semaphore(%run_scoped3A : memref<!tpu.dma_semaphore, #tpu.memory_space<semaphore_mem>>)
        %dma_wait3A = arith.constant 0 : i32
        %dma_wait3A_30 = tpu.memref_slice %arg9[%add3A_26, %dma_wait3A] : memref<10240x128xf32, #tpu.memory_space<vmem_shared>> -> memref<128x128xf32, #tpu.memory_space<vmem_shared>>
        %dma_wait3A_31 = arith.constant 0 : i32
        %dma_wait3A_32 = tpu.memref_slice %arg9[%add3A_26, %dma_wait3A_31] : memref<10240x128xf32, #tpu.memory_space<vmem_shared>> -> memref<128x128xf32, #tpu.memory_space<vmem_shared>>
        tpu.wait_dma2 semaphore(%run_scoped3A : memref<!tpu.dma_semaphore, #tpu.memory_space<semaphore_mem>>) src(%arg8 : memref<128x128xf32, #tpu.memory_space<vmem>>) dst(%dma_wait3A_32 : memref<128x128xf32, #tpu.memory_space<vmem_shared>>)
        tpu.yield
      }) : () -> ()
    }
    %scan3A_8 = arith.constant 5 : i32
    %mul3A = arith.constant 16 : i32
    %mul3A_9 = arith.muli %arg0, %mul3A : i32
    %add3A = arith.addi %mul3A_9, %arg1 : i32
    "tpu.region"() ({
      %run_scoped3A = tpu.sem_alloc : memref<!tpu.dma_semaphore, #tpu.memory_space<semaphore_mem>>
      %dma_start3A = arith.constant 0 : i32
      %dma_start3A_21 = arith.constant 0 : i32
      %dma_start3A_22 = tpu.memref_slice %arg3[%add3A, %dma_start3A, %dma_start3A_21] : memref<32x79x128xi32, #tpu.memory_space<hbm>> -> memref<1x79x128xi32, #tpu.memory_space<hbm>>
      %dma_start3A_23 = tpu.memref_squeeze %dma_start3A_22 : memref<1x79x128xi32, #tpu.memory_space<hbm>> -> memref<79x128xi32, #tpu.memory_space<hbm>>
      %dma_start3A_24 = arith.constant 0 : i32
      %dma_start3A_25 = arith.constant 0 : i32
      %dma_start3A_26 = tpu.memref_slice %arg3[%add3A, %dma_start3A_24, %dma_start3A_25] : memref<32x79x128xi32, #tpu.memory_space<hbm>> -> memref<1x79x128xi32, #tpu.memory_space<hbm>>
      %dma_start3A_27 = tpu.memref_squeeze %dma_start3A_26 : memref<1x79x128xi32, #tpu.memory_space<hbm>> -> memref<79x128xi32, #tpu.memory_space<hbm>>
      tpu.enqueue_dma source(%dma_start3A_27 : memref<79x128xi32, #tpu.memory_space<hbm>>) target(%arg6 : memref<79x128xi32, #tpu.memory_space<vmem>>) target_semaphore(%run_scoped3A : memref<!tpu.dma_semaphore, #tpu.memory_space<semaphore_mem>>)
      %dma_wait3A = arith.constant 0 : i32
      %dma_wait3A_28 = arith.constant 0 : i32
      %dma_wait3A_29 = tpu.memref_slice %arg3[%add3A, %dma_wait3A, %dma_wait3A_28] : memref<32x79x128xi32, #tpu.memory_space<hbm>> -> memref<1x79x128xi32, #tpu.memory_space<hbm>>
      %dma_wait3A_30 = tpu.memref_squeeze %dma_wait3A_29 : memref<1x79x128xi32, #tpu.memory_space<hbm>> -> memref<79x128xi32, #tpu.memory_space<hbm>>
      %dma_wait3A_31 = arith.constant 0 : i32
      %dma_wait3A_32 = arith.constant 0 : i32
      %dma_wait3A_33 = tpu.memref_slice %arg3[%add3A, %dma_wait3A_31, %dma_wait3A_32] : memref<32x79x128xi32, #tpu.memory_space<hbm>> -> memref<1x79x128xi32, #tpu.memory_space<hbm>>
      %dma_wait3A_34 = tpu.memref_squeeze %dma_wait3A_33 : memref<1x79x128xi32, #tpu.memory_space<hbm>> -> memref<79x128xi32, #tpu.memory_space<hbm>>
      tpu.wait_dma2 semaphore(%run_scoped3A : memref<!tpu.dma_semaphore, #tpu.memory_space<semaphore_mem>>) src(%dma_wait3A_34 : memref<79x128xi32, #tpu.memory_space<hbm>>) dst(%arg6 : memref<79x128xi32, #tpu.memory_space<vmem>>)
      tpu.yield
    }) : () -> ()
    "tpu.region"() ({
      %run_scoped3A = tpu.sem_alloc : memref<!tpu.dma_semaphore, #tpu.memory_space<semaphore_mem>>
      %dma_start3A = arith.constant 0 : i32
      %dma_start3A_21 = arith.constant 0 : i32
      %dma_start3A_22 = tpu.memref_slice %arg4[%add3A, %dma_start3A, %dma_start3A_21] : memref<32x79x128xi32, #tpu.memory_space<hbm>> -> memref<1x79x128xi32, #tpu.memory_space<hbm>>
      %dma_start3A_23 = tpu.memref_squeeze %dma_start3A_22 : memref<1x79x128xi32, #tpu.memory_space<hbm>> -> memref<79x128xi32, #tpu.memory_space<hbm>>
      %dma_start3A_24 = arith.constant 0 : i32
      %dma_start3A_25 = arith.constant 0 : i32
      %dma_start3A_26 = tpu.memref_slice %arg4[%add3A, %dma_start3A_24, %dma_start3A_25] : memref<32x79x128xi32, #tpu.memory_space<hbm>> -> memref<1x79x128xi32, #tpu.memory_space<hbm>>
      %dma_start3A_27 = tpu.memref_squeeze %dma_start3A_26 : memref<1x79x128xi32, #tpu.memory_space<hbm>> -> memref<79x128xi32, #tpu.memory_space<hbm>>
      tpu.enqueue_dma source(%dma_start3A_27 : memref<79x128xi32, #tpu.memory_space<hbm>>) target(%arg7 : memref<79x128xi32, #tpu.memory_space<vmem>>) target_semaphore(%run_scoped3A : memref<!tpu.dma_semaphore, #tpu.memory_space<semaphore_mem>>)
      %dma_wait3A = arith.constant 0 : i32
      %dma_wait3A_28 = arith.constant 0 : i32
      %dma_wait3A_29 = tpu.memref_slice %arg4[%add3A, %dma_wait3A, %dma_wait3A_28] : memref<32x79x128xi32, #tpu.memory_space<hbm>> -> memref<1x79x128xi32, #tpu.memory_space<hbm>>
      %dma_wait3A_30 = tpu.memref_squeeze %dma_wait3A_29 : memref<1x79x128xi32, #tpu.memory_space<hbm>> -> memref<79x128xi32, #tpu.memory_space<hbm>>
      %dma_wait3A_31 = arith.constant 0 : i32
      %dma_wait3A_32 = arith.constant 0 : i32
      %dma_wait3A_33 = tpu.memref_slice %arg4[%add3A, %dma_wait3A_31, %dma_wait3A_32] : memref<32x79x128xi32, #tpu.memory_space<hbm>> -> memref<1x79x128xi32, #tpu.memory_space<hbm>>
      %dma_wait3A_34 = tpu.memref_squeeze %dma_wait3A_33 : memref<1x79x128xi32, #tpu.memory_space<hbm>> -> memref<79x128xi32, #tpu.memory_space<hbm>>
      tpu.wait_dma2 semaphore(%run_scoped3A : memref<!tpu.dma_semaphore, #tpu.memory_space<semaphore_mem>>) src(%dma_wait3A_34 : memref<79x128xi32, #tpu.memory_space<hbm>>) dst(%arg7 : memref<79x128xi32, #tpu.memory_space<vmem>>)
      tpu.yield
    }) : () -> ()
    %barrier3A = arith.constant 0 : index
    tpu.barrier barrier_id(%barrier3A)
    %scan3A_10 = arith.constant 0 : i32
    %scan3A_11 = arith.constant 79 : i32
    %scan3A_12 = arith.addi %scan3A_10, %scan3A_11 : i32
    %scan3A_13 = arith.constant 1 : i32
    scf.for %scan3A_21 = %scan3A_10 to %scan3A_12 step %scan3A_13  : i32 {
      %dma_start3A = arith.constant 0 : i32
      %dma_start3A_22 = tpu.memref_slice %arg6[%scan3A_21, %dma_start3A] : memref<79x128xi32, #tpu.memory_space<vmem>> -> memref<1x128xi32, #tpu.memory_space<vmem>>
      %dma_start3A_23 = tpu.memref_squeeze %dma_start3A_22 : memref<1x128xi32, #tpu.memory_space<vmem>> -> memref<128xi32, #tpu.memory_space<vmem>>
      %dma_start3A_24 = arith.constant 0 : i32
      %dma_start3A_25 = arith.constant 0 : i32
      %dma_start3A_26 = tpu.memref_slice %arg2[%dma_start3A_24, %dma_start3A_25] : memref<10000x128xf32, #tpu.memory_space<hbm>> -> memref<10000x128xf32, #tpu.memory_space<hbm>>
      tpu.enqueue_indirect_dma source(%dma_start3A_26 : memref<10000x128xf32, #tpu.memory_space<hbm>>) target(%arg8 : memref<128x128xf32, #tpu.memory_space<vmem>>) offsets(%dma_start3A_23 : memref<128xi32, #tpu.memory_space<vmem>>) semaphore(%arg10 : memref<!tpu.dma_semaphore, #tpu.memory_space<semaphore_mem>>)
      %dma_wait3A = arith.constant 0 : i32
      %dma_wait3A_27 = tpu.memref_slice %arg6[%scan3A_21, %dma_wait3A] : memref<79x128xi32, #tpu.memory_space<vmem>> -> memref<1x128xi32, #tpu.memory_space<vmem>>
      %dma_wait3A_28 = tpu.memref_squeeze %dma_wait3A_27 : memref<1x128xi32, #tpu.memory_space<vmem>> -> memref<128xi32, #tpu.memory_space<vmem>>
      %dma_wait3A_29 = arith.constant 0 : i32
      %dma_wait3A_30 = arith.constant 0 : i32
      %dma_wait3A_31 = tpu.memref_slice %arg2[%dma_wait3A_29, %dma_wait3A_30] : memref<10000x128xf32, #tpu.memory_space<hbm>> -> memref<10000x128xf32, #tpu.memory_space<hbm>>
      tpu.wait_indirect_dma semaphore(%arg10 : memref<!tpu.dma_semaphore, #tpu.memory_space<semaphore_mem>>) src(%dma_wait3A_31 : memref<10000x128xf32, #tpu.memory_space<hbm>>) dst(%arg8 : memref<128x128xf32, #tpu.memory_space<vmem>>)
      "tpu.region"() ({
        %run_scoped3A = tpu.sem_alloc : memref<!tpu.dma_semaphore, #tpu.memory_space<semaphore_mem>>
        %dma_start3A_32 = arith.constant 0 : i32
        %dma_start3A_33 = tpu.memref_slice %arg7[%scan3A_21, %dma_start3A_32] : memref<79x128xi32, #tpu.memory_space<vmem>> -> memref<1x128xi32, #tpu.memory_space<vmem>>
        %dma_start3A_34 = tpu.memref_squeeze %dma_start3A_33 : memref<1x128xi32, #tpu.memory_space<vmem>> -> memref<128xi32, #tpu.memory_space<vmem>>
        %dma_start3A_35 = arith.constant 0 : i32
        %dma_start3A_36 = arith.constant 0 : i32
        %dma_start3A_37 = tpu.memref_slice %arg9[%dma_start3A_35, %dma_start3A_36] : memref<10240x128xf32, #tpu.memory_space<vmem_shared>> -> memref<10240x128xf32, #tpu.memory_space<vmem_shared>>
        tpu.enqueue_indirect_dma source(%arg8 : memref<128x128xf32, #tpu.memory_space<vmem>>) target(%dma_start3A_37 : memref<10240x128xf32, #tpu.memory_space<vmem_shared>>) offsets(%dma_start3A_34 : memref<128xi32, #tpu.memory_space<vmem>>) semaphore(%run_scoped3A : memref<!tpu.dma_semaphore, #tpu.memory_space<semaphore_mem>>) {add = true}
        %dma_wait3A_38 = arith.constant 0 : i32
        %dma_wait3A_39 = tpu.memref_slice %arg7[%scan3A_21, %dma_wait3A_38] : memref<79x128xi32, #tpu.memory_space<vmem>> -> memref<1x128xi32, #tpu.memory_space<vmem>>
        %dma_wait3A_40 = tpu.memref_squeeze %dma_wait3A_39 : memref<1x128xi32, #tpu.memory_space<vmem>> -> memref<128xi32, #tpu.memory_space<vmem>>
        %dma_wait3A_41 = arith.constant 0 : i32
        %dma_wait3A_42 = arith.constant 0 : i32
        %dma_wait3A_43 = tpu.memref_slice %arg9[%dma_wait3A_41, %dma_wait3A_42] : memref<10240x128xf32, #tpu.memory_space<vmem_shared>> -> memref<10240x128xf32, #tpu.memory_space<vmem_shared>>
        tpu.wait_indirect_dma semaphore(%run_scoped3A : memref<!tpu.dma_semaphore, #tpu.memory_space<semaphore_mem>>) src(%arg8 : memref<128x128xf32, #tpu.memory_space<vmem>>) dst(%dma_wait3A_43 : memref<10240x128xf32, #tpu.memory_space<vmem_shared>>)
        tpu.yield
      }) : () -> ()
    }
    %scan3A_14 = arith.constant 79 : i32
    %barrier3A_15 = arith.constant 0 : index
    tpu.barrier barrier_id(%barrier3A_15)
    %scan3A_16 = arith.constant 0 : i32
    %scan3A_17 = arith.constant 5 : i32
    %scan3A_18 = arith.addi %scan3A_16, %scan3A_17 : i32
    %scan3A_19 = arith.constant 1 : i32
    scf.for %scan3A_21 = %scan3A_16 to %scan3A_18 step %scan3A_19  : i32 {
      %mul3A_22 = arith.constant 640 : i32
      %mul3A_23 = arith.muli %arg1, %mul3A_22 : i32
      %mul3A_24 = arith.constant 128 : i32
      %mul3A_25 = arith.muli %scan3A_21, %mul3A_24 : i32
      %add3A_26 = arith.addi %mul3A_23, %mul3A_25 : i32
      "tpu.region"() ({
        %run_scoped3A = tpu.sem_alloc : memref<!tpu.dma_semaphore, #tpu.memory_space<semaphore_mem>>
        %dma_start3A = arith.constant 0 : i32
        %dma_start3A_27 = tpu.memref_slice %arg9[%add3A_26, %dma_start3A] : memref<10240x128xf32, #tpu.memory_space<vmem_shared>> -> memref<128x128xf32, #tpu.memory_space<vmem_shared>>
        %dma_start3A_28 = arith.constant 0 : i32
        %dma_start3A_29 = tpu.memref_slice %arg9[%add3A_26, %dma_start3A_28] : memref<10240x128xf32, #tpu.memory_space<vmem_shared>> -> memref<128x128xf32, #tpu.memory_space<vmem_shared>>
        tpu.enqueue_dma source(%dma_start3A_29 : memref<128x128xf32, #tpu.memory_space<vmem_shared>>) target(%arg8 : memref<128x128xf32, #tpu.memory_space<vmem>>) target_semaphore(%run_scoped3A : memref<!tpu.dma_semaphore, #tpu.memory_space<semaphore_mem>>)
        %dma_wait3A = arith.constant 0 : i32
        %dma_wait3A_30 = tpu.memref_slice %arg9[%add3A_26, %dma_wait3A] : memref<10240x128xf32, #tpu.memory_space<vmem_shared>> -> memref<128x128xf32, #tpu.memory_space<vmem_shared>>
        %dma_wait3A_31 = arith.constant 0 : i32
        %dma_wait3A_32 = tpu.memref_slice %arg9[%add3A_26, %dma_wait3A_31] : memref<10240x128xf32, #tpu.memory_space<vmem_shared>> -> memref<128x128xf32, #tpu.memory_space<vmem_shared>>
        tpu.wait_dma2 semaphore(%run_scoped3A : memref<!tpu.dma_semaphore, #tpu.memory_space<semaphore_mem>>) src(%dma_wait3A_32 : memref<128x128xf32, #tpu.memory_space<vmem_shared>>) dst(%arg8 : memref<128x128xf32, #tpu.memory_space<vmem>>)
        tpu.yield
      }) : () -> ()
      "tpu.region"() ({
        %run_scoped3A = tpu.sem_alloc : memref<!tpu.dma_semaphore, #tpu.memory_space<semaphore_mem>>
        %dma_start3A = arith.constant 0 : i32
        %dma_start3A_27 = tpu.memref_slice %arg5[%arg0, %add3A_26, %dma_start3A] : memref<2x10240x128xf32, #tpu.memory_space<hbm>> -> memref<1x128x128xf32, #tpu.memory_space<hbm>>
        %dma_start3A_28 = tpu.memref_squeeze %dma_start3A_27 : memref<1x128x128xf32, #tpu.memory_space<hbm>> -> memref<128x128xf32, #tpu.memory_space<hbm>>
        %dma_start3A_29 = arith.constant 0 : i32
        %dma_start3A_30 = tpu.memref_slice %arg5[%arg0, %add3A_26, %dma_start3A_29] : memref<2x10240x128xf32, #tpu.memory_space<hbm>> -> memref<1x128x128xf32, #tpu.memory_space<hbm>>
        %dma_start3A_31 = tpu.memref_squeeze %dma_start3A_30 : memref<1x128x128xf32, #tpu.memory_space<hbm>> -> memref<128x128xf32, #tpu.memory_space<hbm>>
        tpu.enqueue_dma source(%arg8 : memref<128x128xf32, #tpu.memory_space<vmem>>) target(%dma_start3A_31 : memref<128x128xf32, #tpu.memory_space<hbm>>) target_semaphore(%run_scoped3A : memref<!tpu.dma_semaphore, #tpu.memory_space<semaphore_mem>>)
        %dma_wait3A = arith.constant 0 : i32
        %dma_wait3A_32 = tpu.memref_slice %arg5[%arg0, %add3A_26, %dma_wait3A] : memref<2x10240x128xf32, #tpu.memory_space<hbm>> -> memref<1x128x128xf32, #tpu.memory_space<hbm>>
        %dma_wait3A_33 = tpu.memref_squeeze %dma_wait3A_32 : memref<1x128x128xf32, #tpu.memory_space<hbm>> -> memref<128x128xf32, #tpu.memory_space<hbm>>
        %dma_wait3A_34 = arith.constant 0 : i32
        %dma_wait3A_35 = tpu.memref_slice %arg5[%arg0, %add3A_26, %dma_wait3A_34] : memref<2x10240x128xf32, #tpu.memory_space<hbm>> -> memref<1x128x128xf32, #tpu.memory_space<hbm>>
        %dma_wait3A_36 = tpu.memref_squeeze %dma_wait3A_35 : memref<1x128x128xf32, #tpu.memory_space<hbm>> -> memref<128x128xf32, #tpu.memory_space<hbm>>
        tpu.wait_dma2 semaphore(%run_scoped3A : memref<!tpu.dma_semaphore, #tpu.memory_space<semaphore_mem>>) src(%arg8 : memref<128x128xf32, #tpu.memory_space<vmem>>) dst(%dma_wait3A_36 : memref<128x128xf32, #tpu.memory_space<hbm>>)
        tpu.yield
      }) : () -> ()
    }
    %scan3A_20 = arith.constant 5 : i32
    return
  }
}

#map = affine_map<(d0, d1) -> (0, 0)>
#map1 = affine_map<(d0, d1) -> (0, 0, 0)>
module attributes {stable_mosaic.version = 14 : i64} {
  func.func @body(%arg0: i32, %arg1: i32, %arg2: memref<10000x128xf32, #tpu.memory_space<hbm>>, %arg3: memref<32x79x128xi32, #tpu.memory_space<hbm>>, %arg4: memref<32x79x128xi32, #tpu.memory_space<hbm>>, %arg5: memref<2x10240x128xf32, #tpu.memory_space<hbm>>, %arg6: memref<79x128xi32, #tpu.memory_space<vmem>>, %arg7: memref<79x128xi32, #tpu.memory_space<vmem>>, %arg8: memref<128x128xf32, #tpu.memory_space<vmem>>, %arg9: memref<10240x128xf32, #tpu.memory_space<vmem_shared>>, %arg10: memref<!tpu.dma_semaphore, #tpu.memory_space<semaphore_mem>>) attributes {dimension_semantics = [#tpu.dimension_semantics<core_parallel>, #tpu.dimension_semantics<subcore_parallel>], iteration_bounds = array<i64: 2, 16>, scalar_prefetch = 0 : i64, scratch_operands = 5 : i64, tpu.core_type = #tpu.core_type<sc_vector_subcore>, window_params = [{transform_indices = #map}, {transform_indices = #map1}, {transform_indices = #map1}, {transform_indices = #map1}]} {
    %scan3A = arith.constant 0 : i32
    %scan3A_0 = arith.constant 1024 : i32
    %scan3A_1 = arith.addi %scan3A, %scan3A_0 : i32
    %scan3A_2 = arith.constant 1 : i32
    scf.for %scan3A_21 = %scan3A to %scan3A_1 step %scan3A_2  : i32 {
      %broadcast_in_dim3A = arith.constant 0.000000e+00 : f32
      %broadcast_in_dim3A_22 = vector.broadcast %broadcast_in_dim3A : f32 to vector<16xf32>
      %jit3A = arith.constant 8 : i32
      %div3A = arith.divsi %scan3A_21, %jit3A : i32
      %sign3A = arith.constant 0 : i32
      %sign3A_23 = arith.cmpi sgt, %scan3A_21, %sign3A : i32
      %sign3A_24 = arith.extui %sign3A_23 : i1 to i32
      %sign3A_25 = arith.constant 0 : i32
      %sign3A_26 = arith.cmpi slt, %scan3A_21, %sign3A_25 : i32
      %sign3A_27 = arith.extui %sign3A_26 : i1 to i32
      %sign3A_28 = arith.subi %sign3A_24, %sign3A_27 : i32
      %sign3A_29 = arith.constant 0 : i32
      %sign3A_30 = arith.cmpi sgt, %jit3A, %sign3A_29 : i32
      %sign3A_31 = arith.extui %sign3A_30 : i1 to i32
      %sign3A_32 = arith.constant 0 : i32
      %sign3A_33 = arith.cmpi slt, %jit3A, %sign3A_32 : i32
      %sign3A_34 = arith.extui %sign3A_33 : i1 to i32
      %sign3A_35 = arith.subi %sign3A_31, %sign3A_34 : i32
      %ne3A = arith.cmpi ne, %sign3A_28, %sign3A_35 : i32
      %rem3A = arith.remsi %scan3A_21, %jit3A : i32
      %ne3A_36 = arith.constant 0 : i32
      %ne3A_37 = arith.cmpi ne, %rem3A, %ne3A_36 : i32
      %and3A = arith.andi %ne3A, %ne3A_37 : i1
      %sub3A = arith.constant 1 : i32
      %sub3A_38 = arith.subi %div3A, %sub3A : i32
      %select_n3A = arith.select %and3A, %sub3A_38, %div3A : i32
      %jit3A_39 = arith.constant 8 : i32
      %eq3A = arith.constant 0 : i32
      %eq3A_40 = arith.cmpi eq, %jit3A_39, %eq3A : i32
      %jit3A_41 = arith.constant 1 : i32
      %select_n3A_42 = arith.select %eq3A_40, %jit3A_41, %jit3A_39 : i32
      %rem3A_43 = arith.remsi %scan3A_21, %select_n3A_42 : i32
      %ne3A_44 = arith.constant 0 : i32
      %ne3A_45 = arith.cmpi ne, %rem3A_43, %ne3A_44 : i32
      %lt3A = arith.constant 0 : i32
      %lt3A_46 = arith.cmpi slt, %rem3A_43, %lt3A : i32
      %lt3A_47 = arith.constant 0 : i32
      %lt3A_48 = arith.cmpi slt, %select_n3A_42, %lt3A_47 : i32
      %ne3A_49 = arith.xori %lt3A_46, %lt3A_48 : i1
      %and3A_50 = arith.andi %ne3A_49, %ne3A_45 : i1
      %add3A_51 = arith.addi %rem3A_43, %select_n3A_42 : i32
      %select_n3A_52 = arith.select %and3A_50, %add3A_51, %rem3A_43 : i32
      %mul3A_53 = arith.constant 16 : i32
      %mul3A_54 = arith.muli %select_n3A_52, %mul3A_53 : i32
      %swap3A = arith.index_cast %select_n3A : i32 to index
      %swap3A_55 = arith.index_cast %mul3A_54 : i32 to index
      %swap3A_56 = tpu.vector_load %arg8[%swap3A, %swap3A_55] {strides = array<i32>} : memref<128x128xf32, #tpu.memory_space<vmem>>, vector<1x16xf32>,
      %swap3A_57 = vector.shape_cast %swap3A_56 : vector<1x16xf32> to vector<16xf32>
      %swap3A_58 = vector.shape_cast %broadcast_in_dim3A_22 : vector<16xf32> to vector<1x16xf32>
      tpu.vector_store %arg8[%swap3A, %swap3A_55], %swap3A_58 {strides = array<i32>} : memref<128x128xf32, #tpu.memory_space<vmem>>, vector<1x16xf32>,
    }
    %scan3A_3 = arith.constant 1024 : i32
    %scan3A_4 = arith.constant 0 : i32
    %scan3A_5 = arith.constant 5 : i32
    %scan3A_6 = arith.addi %scan3A_4, %scan3A_5 : i32
    %scan3A_7 = arith.constant 1 : i32
    scf.for %scan3A_21 = %scan3A_4 to %scan3A_6 step %scan3A_7  : i32 {
      %mul3A_22 = arith.constant 640 : i32
      %mul3A_23 = arith.muli %arg1, %mul3A_22 : i32
      %mul3A_24 = arith.constant 128 : i32
      %mul3A_25 = arith.muli %scan3A_21, %mul3A_24 : i32
      %add3A_26 = arith.addi %mul3A_23, %mul3A_25 : i32
      "tpu.region"() ({
        %run_scoped3A = tpu.sem_alloc : memref<!tpu.dma_semaphore, #tpu.memory_space<semaphore_mem>>
        %dma_start3A = arith.constant 0 : i32
        %dma_start3A_27 = tpu.memref_slice %arg9[%add3A_26, %dma_start3A] : memref<10240x128xf32, #tpu.memory_space<vmem_shared>> -> memref<128x128xf32, #tpu.memory_space<vmem_shared>>
        %dma_start3A_28 = arith.constant 0 : i32
        %dma_start3A_29 = tpu.memref_slice %arg9[%add3A_26, %dma_start3A_28] : memref<10240x128xf32, #tpu.memory_space<vmem_shared>> -> memref<128x128xf32, #tpu.memory_space<vmem_shared>>
        tpu.enqueue_dma source(%arg8 : memref<128x128xf32, #tpu.memory_space<vmem>>) target(%dma_start3A_29 : memref<128x128xf32, #tpu.memory_space<vmem_shared>>) target_semaphore(%run_scoped3A : memref<!tpu.dma_semaphore, #tpu.memory_space<semaphore_mem>>)
        %dma_wait3A = arith.constant 0 : i32
        %dma_wait3A_30 = tpu.memref_slice %arg9[%add3A_26, %dma_wait3A] : memref<10240x128xf32, #tpu.memory_space<vmem_shared>> -> memref<128x128xf32, #tpu.memory_space<vmem_shared>>
        %dma_wait3A_31 = arith.constant 0 : i32
        %dma_wait3A_32 = tpu.memref_slice %arg9[%add3A_26, %dma_wait3A_31] : memref<10240x128xf32, #tpu.memory_space<vmem_shared>> -> memref<128x128xf32, #tpu.memory_space<vmem_shared>>
        tpu.wait_dma2 semaphore(%run_scoped3A : memref<!tpu.dma_semaphore, #tpu.memory_space<semaphore_mem>>) src(%arg8 : memref<128x128xf32, #tpu.memory_space<vmem>>) dst(%dma_wait3A_32 : memref<128x128xf32, #tpu.memory_space<vmem_shared>>)
        tpu.yield
      }) : () -> ()
    }
    %scan3A_8 = arith.constant 5 : i32
    %mul3A = arith.constant 16 : i32
    %mul3A_9 = arith.muli %arg0, %mul3A : i32
    %add3A = arith.addi %mul3A_9, %arg1 : i32
    "tpu.region"() ({
      %run_scoped3A = tpu.sem_alloc : memref<!tpu.dma_semaphore, #tpu.memory_space<semaphore_mem>>
      %dma_start3A = arith.constant 0 : i32
      %dma_start3A_21 = arith.constant 0 : i32
      %dma_start3A_22 = tpu.memref_slice %arg3[%add3A, %dma_start3A, %dma_start3A_21] : memref<32x79x128xi32, #tpu.memory_space<hbm>> -> memref<1x79x128xi32, #tpu.memory_space<hbm>>
      %dma_start3A_23 = tpu.memref_squeeze %dma_start3A_22 : memref<1x79x128xi32, #tpu.memory_space<hbm>> -> memref<79x128xi32, #tpu.memory_space<hbm>>
      %dma_start3A_24 = arith.constant 0 : i32
      %dma_start3A_25 = arith.constant 0 : i32
      %dma_start3A_26 = tpu.memref_slice %arg3[%add3A, %dma_start3A_24, %dma_start3A_25] : memref<32x79x128xi32, #tpu.memory_space<hbm>> -> memref<1x79x128xi32, #tpu.memory_space<hbm>>
      %dma_start3A_27 = tpu.memref_squeeze %dma_start3A_26 : memref<1x79x128xi32, #tpu.memory_space<hbm>> -> memref<79x128xi32, #tpu.memory_space<hbm>>
      tpu.enqueue_dma source(%dma_start3A_27 : memref<79x128xi32, #tpu.memory_space<hbm>>) target(%arg6 : memref<79x128xi32, #tpu.memory_space<vmem>>) target_semaphore(%run_scoped3A : memref<!tpu.dma_semaphore, #tpu.memory_space<semaphore_mem>>)
      %dma_wait3A = arith.constant 0 : i32
      %dma_wait3A_28 = arith.constant 0 : i32
      %dma_wait3A_29 = tpu.memref_slice %arg3[%add3A, %dma_wait3A, %dma_wait3A_28] : memref<32x79x128xi32, #tpu.memory_space<hbm>> -> memref<1x79x128xi32, #tpu.memory_space<hbm>>
      %dma_wait3A_30 = tpu.memref_squeeze %dma_wait3A_29 : memref<1x79x128xi32, #tpu.memory_space<hbm>> -> memref<79x128xi32, #tpu.memory_space<hbm>>
      %dma_wait3A_31 = arith.constant 0 : i32
      %dma_wait3A_32 = arith.constant 0 : i32
      %dma_wait3A_33 = tpu.memref_slice %arg3[%add3A, %dma_wait3A_31, %dma_wait3A_32] : memref<32x79x128xi32, #tpu.memory_space<hbm>> -> memref<1x79x128xi32, #tpu.memory_space<hbm>>
      %dma_wait3A_34 = tpu.memref_squeeze %dma_wait3A_33 : memref<1x79x128xi32, #tpu.memory_space<hbm>> -> memref<79x128xi32, #tpu.memory_space<hbm>>
      tpu.wait_dma2 semaphore(%run_scoped3A : memref<!tpu.dma_semaphore, #tpu.memory_space<semaphore_mem>>) src(%dma_wait3A_34 : memref<79x128xi32, #tpu.memory_space<hbm>>) dst(%arg6 : memref<79x128xi32, #tpu.memory_space<vmem>>)
      tpu.yield
    }) : () -> ()
    "tpu.region"() ({
      %run_scoped3A = tpu.sem_alloc : memref<!tpu.dma_semaphore, #tpu.memory_space<semaphore_mem>>
      %dma_start3A = arith.constant 0 : i32
      %dma_start3A_21 = arith.constant 0 : i32
      %dma_start3A_22 = tpu.memref_slice %arg4[%add3A, %dma_start3A, %dma_start3A_21] : memref<32x79x128xi32, #tpu.memory_space<hbm>> -> memref<1x79x128xi32, #tpu.memory_space<hbm>>
      %dma_start3A_23 = tpu.memref_squeeze %dma_start3A_22 : memref<1x79x128xi32, #tpu.memory_space<hbm>> -> memref<79x128xi32, #tpu.memory_space<hbm>>
      %dma_start3A_24 = arith.constant 0 : i32
      %dma_start3A_25 = arith.constant 0 : i32
      %dma_start3A_26 = tpu.memref_slice %arg4[%add3A, %dma_start3A_24, %dma_start3A_25] : memref<32x79x128xi32, #tpu.memory_space<hbm>> -> memref<1x79x128xi32, #tpu.memory_space<hbm>>
      %dma_start3A_27 = tpu.memref_squeeze %dma_start3A_26 : memref<1x79x128xi32, #tpu.memory_space<hbm>> -> memref<79x128xi32, #tpu.memory_space<hbm>>
      tpu.enqueue_dma source(%dma_start3A_27 : memref<79x128xi32, #tpu.memory_space<hbm>>) target(%arg7 : memref<79x128xi32, #tpu.memory_space<vmem>>) target_semaphore(%run_scoped3A : memref<!tpu.dma_semaphore, #tpu.memory_space<semaphore_mem>>)
      %dma_wait3A = arith.constant 0 : i32
      %dma_wait3A_28 = arith.constant 0 : i32
      %dma_wait3A_29 = tpu.memref_slice %arg4[%add3A, %dma_wait3A, %dma_wait3A_28] : memref<32x79x128xi32, #tpu.memory_space<hbm>> -> memref<1x79x128xi32, #tpu.memory_space<hbm>>
      %dma_wait3A_30 = tpu.memref_squeeze %dma_wait3A_29 : memref<1x79x128xi32, #tpu.memory_space<hbm>> -> memref<79x128xi32, #tpu.memory_space<hbm>>
      %dma_wait3A_31 = arith.constant 0 : i32
      %dma_wait3A_32 = arith.constant 0 : i32
      %dma_wait3A_33 = tpu.memref_slice %arg4[%add3A, %dma_wait3A_31, %dma_wait3A_32] : memref<32x79x128xi32, #tpu.memory_space<hbm>> -> memref<1x79x128xi32, #tpu.memory_space<hbm>>
      %dma_wait3A_34 = tpu.memref_squeeze %dma_wait3A_33 : memref<1x79x128xi32, #tpu.memory_space<hbm>> -> memref<79x128xi32, #tpu.memory_space<hbm>>
      tpu.wait_dma2 semaphore(%run_scoped3A : memref<!tpu.dma_semaphore, #tpu.memory_space<semaphore_mem>>) src(%dma_wait3A_34 : memref<79x128xi32, #tpu.memory_space<hbm>>) dst(%arg7 : memref<79x128xi32, #tpu.memory_space<vmem>>)
      tpu.yield
    }) : () -> ()
    %barrier3A = arith.constant 0 : index
    tpu.barrier barrier_id(%barrier3A)
    %scan3A_10 = arith.constant 0 : i32
    %scan3A_11 = arith.constant 79 : i32
    %scan3A_12 = arith.addi %scan3A_10, %scan3A_11 : i32
    %scan3A_13 = arith.constant 1 : i32
    scf.for %scan3A_21 = %scan3A_10 to %scan3A_12 step %scan3A_13  : i32 {
      %dma_start3A = arith.constant 0 : i32
      %dma_start3A_22 = tpu.memref_slice %arg6[%scan3A_21, %dma_start3A] : memref<79x128xi32, #tpu.memory_space<vmem>> -> memref<1x128xi32, #tpu.memory_space<vmem>>
      %dma_start3A_23 = tpu.memref_squeeze %dma_start3A_22 : memref<1x128xi32, #tpu.memory_space<vmem>> -> memref<128xi32, #tpu.memory_space<vmem>>
      %dma_start3A_24 = arith.constant 0 : i32
      %dma_start3A_25 = arith.constant 0 : i32
      %dma_start3A_26 = tpu.memref_slice %arg2[%dma_start3A_24, %dma_start3A_25] : memref<10000x128xf32, #tpu.memory_space<hbm>> -> memref<10000x128xf32, #tpu.memory_space<hbm>>
      tpu.enqueue_indirect_dma source(%dma_start3A_26 : memref<10000x128xf32, #tpu.memory_space<hbm>>) target(%arg8 : memref<128x128xf32, #tpu.memory_space<vmem>>) offsets(%dma_start3A_23 : memref<128xi32, #tpu.memory_space<vmem>>) semaphore(%arg10 : memref<!tpu.dma_semaphore, #tpu.memory_space<semaphore_mem>>)
      %dma_wait3A = arith.constant 0 : i32
      %dma_wait3A_27 = tpu.memref_slice %arg6[%scan3A_21, %dma_wait3A] : memref<79x128xi32, #tpu.memory_space<vmem>> -> memref<1x128xi32, #tpu.memory_space<vmem>>
      %dma_wait3A_28 = tpu.memref_squeeze %dma_wait3A_27 : memref<1x128xi32, #tpu.memory_space<vmem>> -> memref<128xi32, #tpu.memory_space<vmem>>
      %dma_wait3A_29 = arith.constant 0 : i32
      %dma_wait3A_30 = arith.constant 0 : i32
      %dma_wait3A_31 = tpu.memref_slice %arg2[%dma_wait3A_29, %dma_wait3A_30] : memref<10000x128xf32, #tpu.memory_space<hbm>> -> memref<10000x128xf32, #tpu.memory_space<hbm>>
      tpu.wait_indirect_dma semaphore(%arg10 : memref<!tpu.dma_semaphore, #tpu.memory_space<semaphore_mem>>) src(%dma_wait3A_31 : memref<10000x128xf32, #tpu.memory_space<hbm>>) dst(%arg8 : memref<128x128xf32, #tpu.memory_space<vmem>>)
      "tpu.region"() ({
        %run_scoped3A = tpu.sem_alloc : memref<!tpu.dma_semaphore, #tpu.memory_space<semaphore_mem>>
        %dma_start3A_32 = arith.constant 0 : i32
        %dma_start3A_33 = tpu.memref_slice %arg7[%scan3A_21, %dma_start3A_32] : memref<79x128xi32, #tpu.memory_space<vmem>> -> memref<1x128xi32, #tpu.memory_space<vmem>>
        %dma_start3A_34 = tpu.memref_squeeze %dma_start3A_33 : memref<1x128xi32, #tpu.memory_space<vmem>> -> memref<128xi32, #tpu.memory_space<vmem>>
        %dma_start3A_35 = arith.constant 0 : i32
        %dma_start3A_36 = arith.constant 0 : i32
        %dma_start3A_37 = tpu.memref_slice %arg9[%dma_start3A_35, %dma_start3A_36] : memref<10240x128xf32, #tpu.memory_space<vmem_shared>> -> memref<10240x128xf32, #tpu.memory_space<vmem_shared>>
        tpu.enqueue_indirect_dma source(%arg8 : memref<128x128xf32, #tpu.memory_space<vmem>>) target(%dma_start3A_37 : memref<10240x128xf32, #tpu.memory_space<vmem_shared>>) offsets(%dma_start3A_34 : memref<128xi32, #tpu.memory_space<vmem>>) semaphore(%run_scoped3A : memref<!tpu.dma_semaphore, #tpu.memory_space<semaphore_mem>>) {add = true}
        %dma_wait3A_38 = arith.constant 0 : i32
        %dma_wait3A_39 = tpu.memref_slice %arg7[%scan3A_21, %dma_wait3A_38] : memref<79x128xi32, #tpu.memory_space<vmem>> -> memref<1x128xi32, #tpu.memory_space<vmem>>
        %dma_wait3A_40 = tpu.memref_squeeze %dma_wait3A_39 : memref<1x128xi32, #tpu.memory_space<vmem>> -> memref<128xi32, #tpu.memory_space<vmem>>
        %dma_wait3A_41 = arith.constant 0 : i32
        %dma_wait3A_42 = arith.constant 0 : i32
        %dma_wait3A_43 = tpu.memref_slice %arg9[%dma_wait3A_41, %dma_wait3A_42] : memref<10240x128xf32, #tpu.memory_space<vmem_shared>> -> memref<10240x128xf32, #tpu.memory_space<vmem_shared>>
        tpu.wait_indirect_dma semaphore(%run_scoped3A : memref<!tpu.dma_semaphore, #tpu.memory_space<semaphore_mem>>) src(%arg8 : memref<128x128xf32, #tpu.memory_space<vmem>>) dst(%dma_wait3A_43 : memref<10240x128xf32, #tpu.memory_space<vmem_shared>>)
        tpu.yield
      }) : () -> ()
    }
    %scan3A_14 = arith.constant 79 : i32
    %barrier3A_15 = arith.constant 0 : index
    tpu.barrier barrier_id(%barrier3A_15)
    %scan3A_16 = arith.constant 0 : i32
    %scan3A_17 = arith.constant 5 : i32
    %scan3A_18 = arith.addi %scan3A_16, %scan3A_17 : i32
    %scan3A_19 = arith.constant 1 : i32
    scf.for %scan3A_21 = %scan3A_16 to %scan3A_18 step %scan3A_19  : i32 {
      %mul3A_22 = arith.constant 640 : i32
      %mul3A_23 = arith.muli %arg1, %mul3A_22 : i32
      %mul3A_24 = arith.constant 128 : i32
      %mul3A_25 = arith.muli %scan3A_21, %mul3A_24 : i32
      %add3A_26 = arith.addi %mul3A_23, %mul3A_25 : i32
      "tpu.region"() ({
        %run_scoped3A = tpu.sem_alloc : memref<!tpu.dma_semaphore, #tpu.memory_space<semaphore_mem>>
        %dma_start3A = arith.constant 0 : i32
        %dma_start3A_27 = tpu.memref_slice %arg9[%add3A_26, %dma_start3A] : memref<10240x128xf32, #tpu.memory_space<vmem_shared>> -> memref<128x128xf32, #tpu.memory_space<vmem_shared>>
        %dma_start3A_28 = arith.constant 0 : i32
        %dma_start3A_29 = tpu.memref_slice %arg9[%add3A_26, %dma_start3A_28] : memref<10240x128xf32, #tpu.memory_space<vmem_shared>> -> memref<128x128xf32, #tpu.memory_space<vmem_shared>>
        tpu.enqueue_dma source(%dma_start3A_29 : memref<128x128xf32, #tpu.memory_space<vmem_shared>>) target(%arg8 : memref<128x128xf32, #tpu.memory_space<vmem>>) target_semaphore(%run_scoped3A : memref<!tpu.dma_semaphore, #tpu.memory_space<semaphore_mem>>)
        %dma_wait3A = arith.constant 0 : i32
        %dma_wait3A_30 = tpu.memref_slice %arg9[%add3A_26, %dma_wait3A] : memref<10240x128xf32, #tpu.memory_space<vmem_shared>> -> memref<128x128xf32, #tpu.memory_space<vmem_shared>>
        %dma_wait3A_31 = arith.constant 0 : i32
        %dma_wait3A_32 = tpu.memref_slice %arg9[%add3A_26, %dma_wait3A_31] : memref<10240x128xf32, #tpu.memory_space<vmem_shared>> -> memref<128x128xf32, #tpu.memory_space<vmem_shared>>
        tpu.wait_dma2 semaphore(%run_scoped3A : memref<!tpu.dma_semaphore, #tpu.memory_space<semaphore_mem>>) src(%dma_wait3A_32 : memref<128x128xf32, #tpu.memory_space<vmem_shared>>) dst(%arg8 : memref<128x128xf32, #tpu.memory_space<vmem>>)
        tpu.yield
      }) : () -> ()
      "tpu.region"() ({
        %run_scoped3A = tpu.sem_alloc : memref<!tpu.dma_semaphore, #tpu.memory_space<semaphore_mem>>
        %dma_start3A = arith.constant 0 : i32
        %dma_start3A_27 = tpu.memref_slice %arg5[%arg0, %add3A_26, %dma_start3A] : memref<2x10240x128xf32, #tpu.memory_space<hbm>> -> memref<1x128x128xf32, #tpu.memory_space<hbm>>
        %dma_start3A_28 = tpu.memref_squeeze %dma_start3A_27 : memref<1x128x128xf32, #tpu.memory_space<hbm>> -> memref<128x128xf32, #tpu.memory_space<hbm>>
        %dma_start3A_29 = arith.constant 0 : i32
        %dma_start3A_30 = tpu.memref_slice %arg5[%arg0, %add3A_26, %dma_start3A_29] : memref<2x10240x128xf32, #tpu.memory_space<hbm>> -> memref<1x128x128xf32, #tpu.memory_space<hbm>>
        %dma_start3A_31 = tpu.memref_squeeze %dma_start3A_30 : memref<1x128x128xf32, #tpu.memory_space<hbm>> -> memref<128x128xf32, #tpu.memory_space<hbm>>
        tpu.enqueue_dma source(%arg8 : memref<128x128xf32, #tpu.memory_space<vmem>>) target(%dma_start3A_31 : memref<128x128xf32, #tpu.memory_space<hbm>>) target_semaphore(%run_scoped3A : memref<!tpu.dma_semaphore, #tpu.memory_space<semaphore_mem>>)
        %dma_wait3A = arith.constant 0 : i32
        %dma_wait3A_32 = tpu.memref_slice %arg5[%arg0, %add3A_26, %dma_wait3A] : memref<2x10240x128xf32, #tpu.memory_space<hbm>> -> memref<1x128x128xf32, #tpu.memory_space<hbm>>
        %dma_wait3A_33 = tpu.memref_squeeze %dma_wait3A_32 : memref<1x128x128xf32, #tpu.memory_space<hbm>> -> memref<128x128xf32, #tpu.memory_space<hbm>>
        %dma_wait3A_34 = arith.constant 0 : i32
        %dma_wait3A_35 = tpu.memref_slice %arg5[%arg0, %add3A_26, %dma_wait3A_34] : memref<2x10240x128xf32, #tpu.memory_space<hbm>> -> memref<1x128x128xf32, #tpu.memory_space<hbm>>
        %dma_wait3A_36 = tpu.memref_squeeze %dma_wait3A_35 : memref<1x128x128xf32, #tpu.memory_space<hbm>> -> memref<128x128xf32, #tpu.memory_space<hbm>>
        tpu.wait_dma2 semaphore(%run_scoped3A : memref<!tpu.dma_semaphore, #tpu.memory_space<semaphore_mem>>) src(%arg8 : memref<128x128xf32, #tpu.memory_space<vmem>>) dst(%dma_wait3A_36 : memref<128x128xf32, #tpu.memory_space<hbm>>)
        tpu.yield
      }) : () -> ()
    }
    %scan3A_20 = arith.constant 5 : i32
    return
  }
}

#map = affine_map<(d0, d1) -> (0, 0)>
#map1 = affine_map<(d0, d1) -> (0, 0, 0)>
module attributes {stable_mosaic.version = 14 : i64} {
  func.func @body(%arg0: i32, %arg1: i32, %arg2: memref<10000x128xf32, #tpu.memory_space<hbm>>, %arg3: memref<32x79x128xi32, #tpu.memory_space<hbm>>, %arg4: memref<32x79x128xi32, #tpu.memory_space<hbm>>, %arg5: memref<2x10240x128xf32, #tpu.memory_space<hbm>>, %arg6: memref<79x128xi32, #tpu.memory_space<vmem>>, %arg7: memref<79x128xi32, #tpu.memory_space<vmem>>, %arg8: memref<128x128xf32, #tpu.memory_space<vmem>>, %arg9: memref<10240x128xf32, #tpu.memory_space<vmem_shared>>, %arg10: memref<!tpu.dma_semaphore, #tpu.memory_space<semaphore_mem>>) attributes {dimension_semantics = [#tpu.dimension_semantics<core_parallel>, #tpu.dimension_semantics<subcore_parallel>], iteration_bounds = array<i64: 2, 16>, scalar_prefetch = 0 : i64, scratch_operands = 5 : i64, tpu.core_type = #tpu.core_type<sc_vector_subcore>, window_params = [{transform_indices = #map}, {transform_indices = #map1}, {transform_indices = #map1}, {transform_indices = #map1}]} {
    %scan3A = arith.constant 0 : i32
    %scan3A_0 = arith.constant 1024 : i32
    %scan3A_1 = arith.addi %scan3A, %scan3A_0 : i32
    %scan3A_2 = arith.constant 1 : i32
    scf.for %scan3A_21 = %scan3A to %scan3A_1 step %scan3A_2  : i32 {
      %broadcast_in_dim3A = arith.constant 0.000000e+00 : f32
      %broadcast_in_dim3A_22 = vector.broadcast %broadcast_in_dim3A : f32 to vector<16xf32>
      %jit3A = arith.constant 8 : i32
      %div3A = arith.divsi %scan3A_21, %jit3A : i32
      %sign3A = arith.constant 0 : i32
      %sign3A_23 = arith.cmpi sgt, %scan3A_21, %sign3A : i32
      %sign3A_24 = arith.extui %sign3A_23 : i1 to i32
      %sign3A_25 = arith.constant 0 : i32
      %sign3A_26 = arith.cmpi slt, %scan3A_21, %sign3A_25 : i32
      %sign3A_27 = arith.extui %sign3A_26 : i1 to i32
      %sign3A_28 = arith.subi %sign3A_24, %sign3A_27 : i32
      %sign3A_29 = arith.constant 0 : i32
      %sign3A_30 = arith.cmpi sgt, %jit3A, %sign3A_29 : i32
      %sign3A_31 = arith.extui %sign3A_30 : i1 to i32
      %sign3A_32 = arith.constant 0 : i32
      %sign3A_33 = arith.cmpi slt, %jit3A, %sign3A_32 : i32
      %sign3A_34 = arith.extui %sign3A_33 : i1 to i32
      %sign3A_35 = arith.subi %sign3A_31, %sign3A_34 : i32
      %ne3A = arith.cmpi ne, %sign3A_28, %sign3A_35 : i32
      %rem3A = arith.remsi %scan3A_21, %jit3A : i32
      %ne3A_36 = arith.constant 0 : i32
      %ne3A_37 = arith.cmpi ne, %rem3A, %ne3A_36 : i32
      %and3A = arith.andi %ne3A, %ne3A_37 : i1
      %sub3A = arith.constant 1 : i32
      %sub3A_38 = arith.subi %div3A, %sub3A : i32
      %select_n3A = arith.select %and3A, %sub3A_38, %div3A : i32
      %jit3A_39 = arith.constant 8 : i32
      %eq3A = arith.constant 0 : i32
      %eq3A_40 = arith.cmpi eq, %jit3A_39, %eq3A : i32
      %jit3A_41 = arith.constant 1 : i32
      %select_n3A_42 = arith.select %eq3A_40, %jit3A_41, %jit3A_39 : i32
      %rem3A_43 = arith.remsi %scan3A_21, %select_n3A_42 : i32
      %ne3A_44 = arith.constant 0 : i32
      %ne3A_45 = arith.cmpi ne, %rem3A_43, %ne3A_44 : i32
      %lt3A = arith.constant 0 : i32
      %lt3A_46 = arith.cmpi slt, %rem3A_43, %lt3A : i32
      %lt3A_47 = arith.constant 0 : i32
      %lt3A_48 = arith.cmpi slt, %select_n3A_42, %lt3A_47 : i32
      %ne3A_49 = arith.xori %lt3A_46, %lt3A_48 : i1
      %and3A_50 = arith.andi %ne3A_49, %ne3A_45 : i1
      %add3A_51 = arith.addi %rem3A_43, %select_n3A_42 : i32
      %select_n3A_52 = arith.select %and3A_50, %add3A_51, %rem3A_43 : i32
      %mul3A_53 = arith.constant 16 : i32
      %mul3A_54 = arith.muli %select_n3A_52, %mul3A_53 : i32
      %swap3A = arith.index_cast %select_n3A : i32 to index
      %swap3A_55 = arith.index_cast %mul3A_54 : i32 to index
      %swap3A_56 = tpu.vector_load %arg8[%swap3A, %swap3A_55] {strides = array<i32>} : memref<128x128xf32, #tpu.memory_space<vmem>>, vector<1x16xf32>,
      %swap3A_57 = vector.shape_cast %swap3A_56 : vector<1x16xf32> to vector<16xf32>
      %swap3A_58 = vector.shape_cast %broadcast_in_dim3A_22 : vector<16xf32> to vector<1x16xf32>
      tpu.vector_store %arg8[%swap3A, %swap3A_55], %swap3A_58 {strides = array<i32>} : memref<128x128xf32, #tpu.memory_space<vmem>>, vector<1x16xf32>,
    }
    %scan3A_3 = arith.constant 1024 : i32
    %scan3A_4 = arith.constant 0 : i32
    %scan3A_5 = arith.constant 5 : i32
    %scan3A_6 = arith.addi %scan3A_4, %scan3A_5 : i32
    %scan3A_7 = arith.constant 1 : i32
    scf.for %scan3A_21 = %scan3A_4 to %scan3A_6 step %scan3A_7  : i32 {
      %mul3A_22 = arith.constant 640 : i32
      %mul3A_23 = arith.muli %arg1, %mul3A_22 : i32
      %mul3A_24 = arith.constant 128 : i32
      %mul3A_25 = arith.muli %scan3A_21, %mul3A_24 : i32
      %add3A_26 = arith.addi %mul3A_23, %mul3A_25 : i32
      "tpu.region"() ({
        %run_scoped3A = tpu.sem_alloc : memref<!tpu.dma_semaphore, #tpu.memory_space<semaphore_mem>>
        %dma_start3A = arith.constant 0 : i32
        %dma_start3A_27 = tpu.memref_slice %arg9[%add3A_26, %dma_start3A] : memref<10240x128xf32, #tpu.memory_space<vmem_shared>> -> memref<128x128xf32, #tpu.memory_space<vmem_shared>>
        %dma_start3A_28 = arith.constant 0 : i32
        %dma_start3A_29 = tpu.memref_slice %arg9[%add3A_26, %dma_start3A_28] : memref<10240x128xf32, #tpu.memory_space<vmem_shared>> -> memref<128x128xf32, #tpu.memory_space<vmem_shared>>
        tpu.enqueue_dma source(%arg8 : memref<128x128xf32, #tpu.memory_space<vmem>>) target(%dma_start3A_29 : memref<128x128xf32, #tpu.memory_space<vmem_shared>>) target_semaphore(%run_scoped3A : memref<!tpu.dma_semaphore, #tpu.memory_space<semaphore_mem>>)
        %dma_wait3A = arith.constant 0 : i32
        %dma_wait3A_30 = tpu.memref_slice %arg9[%add3A_26, %dma_wait3A] : memref<10240x128xf32, #tpu.memory_space<vmem_shared>> -> memref<128x128xf32, #tpu.memory_space<vmem_shared>>
        %dma_wait3A_31 = arith.constant 0 : i32
        %dma_wait3A_32 = tpu.memref_slice %arg9[%add3A_26, %dma_wait3A_31] : memref<10240x128xf32, #tpu.memory_space<vmem_shared>> -> memref<128x128xf32, #tpu.memory_space<vmem_shared>>
        tpu.wait_dma2 semaphore(%run_scoped3A : memref<!tpu.dma_semaphore, #tpu.memory_space<semaphore_mem>>) src(%arg8 : memref<128x128xf32, #tpu.memory_space<vmem>>) dst(%dma_wait3A_32 : memref<128x128xf32, #tpu.memory_space<vmem_shared>>)
        tpu.yield
      }) : () -> ()
    }
    %scan3A_8 = arith.constant 5 : i32
    %mul3A = arith.constant 16 : i32
    %mul3A_9 = arith.muli %arg0, %mul3A : i32
    %add3A = arith.addi %mul3A_9, %arg1 : i32
    "tpu.region"() ({
      %run_scoped3A = tpu.sem_alloc : memref<!tpu.dma_semaphore, #tpu.memory_space<semaphore_mem>>
      %dma_start3A = arith.constant 0 : i32
      %dma_start3A_21 = arith.constant 0 : i32
      %dma_start3A_22 = tpu.memref_slice %arg3[%add3A, %dma_start3A, %dma_start3A_21] : memref<32x79x128xi32, #tpu.memory_space<hbm>> -> memref<1x79x128xi32, #tpu.memory_space<hbm>>
      %dma_start3A_23 = tpu.memref_squeeze %dma_start3A_22 : memref<1x79x128xi32, #tpu.memory_space<hbm>> -> memref<79x128xi32, #tpu.memory_space<hbm>>
      %dma_start3A_24 = arith.constant 0 : i32
      %dma_start3A_25 = arith.constant 0 : i32
      %dma_start3A_26 = tpu.memref_slice %arg3[%add3A, %dma_start3A_24, %dma_start3A_25] : memref<32x79x128xi32, #tpu.memory_space<hbm>> -> memref<1x79x128xi32, #tpu.memory_space<hbm>>
      %dma_start3A_27 = tpu.memref_squeeze %dma_start3A_26 : memref<1x79x128xi32, #tpu.memory_space<hbm>> -> memref<79x128xi32, #tpu.memory_space<hbm>>
      tpu.enqueue_dma source(%dma_start3A_27 : memref<79x128xi32, #tpu.memory_space<hbm>>) target(%arg6 : memref<79x128xi32, #tpu.memory_space<vmem>>) target_semaphore(%run_scoped3A : memref<!tpu.dma_semaphore, #tpu.memory_space<semaphore_mem>>)
      %dma_wait3A = arith.constant 0 : i32
      %dma_wait3A_28 = arith.constant 0 : i32
      %dma_wait3A_29 = tpu.memref_slice %arg3[%add3A, %dma_wait3A, %dma_wait3A_28] : memref<32x79x128xi32, #tpu.memory_space<hbm>> -> memref<1x79x128xi32, #tpu.memory_space<hbm>>
      %dma_wait3A_30 = tpu.memref_squeeze %dma_wait3A_29 : memref<1x79x128xi32, #tpu.memory_space<hbm>> -> memref<79x128xi32, #tpu.memory_space<hbm>>
      %dma_wait3A_31 = arith.constant 0 : i32
      %dma_wait3A_32 = arith.constant 0 : i32
      %dma_wait3A_33 = tpu.memref_slice %arg3[%add3A, %dma_wait3A_31, %dma_wait3A_32] : memref<32x79x128xi32, #tpu.memory_space<hbm>> -> memref<1x79x128xi32, #tpu.memory_space<hbm>>
      %dma_wait3A_34 = tpu.memref_squeeze %dma_wait3A_33 : memref<1x79x128xi32, #tpu.memory_space<hbm>> -> memref<79x128xi32, #tpu.memory_space<hbm>>
      tpu.wait_dma2 semaphore(%run_scoped3A : memref<!tpu.dma_semaphore, #tpu.memory_space<semaphore_mem>>) src(%dma_wait3A_34 : memref<79x128xi32, #tpu.memory_space<hbm>>) dst(%arg6 : memref<79x128xi32, #tpu.memory_space<vmem>>)
      tpu.yield
    }) : () -> ()
    "tpu.region"() ({
      %run_scoped3A = tpu.sem_alloc : memref<!tpu.dma_semaphore, #tpu.memory_space<semaphore_mem>>
      %dma_start3A = arith.constant 0 : i32
      %dma_start3A_21 = arith.constant 0 : i32
      %dma_start3A_22 = tpu.memref_slice %arg4[%add3A, %dma_start3A, %dma_start3A_21] : memref<32x79x128xi32, #tpu.memory_space<hbm>> -> memref<1x79x128xi32, #tpu.memory_space<hbm>>
      %dma_start3A_23 = tpu.memref_squeeze %dma_start3A_22 : memref<1x79x128xi32, #tpu.memory_space<hbm>> -> memref<79x128xi32, #tpu.memory_space<hbm>>
      %dma_start3A_24 = arith.constant 0 : i32
      %dma_start3A_25 = arith.constant 0 : i32
      %dma_start3A_26 = tpu.memref_slice %arg4[%add3A, %dma_start3A_24, %dma_start3A_25] : memref<32x79x128xi32, #tpu.memory_space<hbm>> -> memref<1x79x128xi32, #tpu.memory_space<hbm>>
      %dma_start3A_27 = tpu.memref_squeeze %dma_start3A_26 : memref<1x79x128xi32, #tpu.memory_space<hbm>> -> memref<79x128xi32, #tpu.memory_space<hbm>>
      tpu.enqueue_dma source(%dma_start3A_27 : memref<79x128xi32, #tpu.memory_space<hbm>>) target(%arg7 : memref<79x128xi32, #tpu.memory_space<vmem>>) target_semaphore(%run_scoped3A : memref<!tpu.dma_semaphore, #tpu.memory_space<semaphore_mem>>)
      %dma_wait3A = arith.constant 0 : i32
      %dma_wait3A_28 = arith.constant 0 : i32
      %dma_wait3A_29 = tpu.memref_slice %arg4[%add3A, %dma_wait3A, %dma_wait3A_28] : memref<32x79x128xi32, #tpu.memory_space<hbm>> -> memref<1x79x128xi32, #tpu.memory_space<hbm>>
      %dma_wait3A_30 = tpu.memref_squeeze %dma_wait3A_29 : memref<1x79x128xi32, #tpu.memory_space<hbm>> -> memref<79x128xi32, #tpu.memory_space<hbm>>
      %dma_wait3A_31 = arith.constant 0 : i32
      %dma_wait3A_32 = arith.constant 0 : i32
      %dma_wait3A_33 = tpu.memref_slice %arg4[%add3A, %dma_wait3A_31, %dma_wait3A_32] : memref<32x79x128xi32, #tpu.memory_space<hbm>> -> memref<1x79x128xi32, #tpu.memory_space<hbm>>
      %dma_wait3A_34 = tpu.memref_squeeze %dma_wait3A_33 : memref<1x79x128xi32, #tpu.memory_space<hbm>> -> memref<79x128xi32, #tpu.memory_space<hbm>>
      tpu.wait_dma2 semaphore(%run_scoped3A : memref<!tpu.dma_semaphore, #tpu.memory_space<semaphore_mem>>) src(%dma_wait3A_34 : memref<79x128xi32, #tpu.memory_space<hbm>>) dst(%arg7 : memref<79x128xi32, #tpu.memory_space<vmem>>)
      tpu.yield
    }) : () -> ()
    %barrier3A = arith.constant 0 : index
    tpu.barrier barrier_id(%barrier3A)
    %scan3A_10 = arith.constant 0 : i32
    %scan3A_11 = arith.constant 79 : i32
    %scan3A_12 = arith.addi %scan3A_10, %scan3A_11 : i32
    %scan3A_13 = arith.constant 1 : i32
    scf.for %scan3A_21 = %scan3A_10 to %scan3A_12 step %scan3A_13  : i32 {
      %dma_start3A = arith.constant 0 : i32
      %dma_start3A_22 = tpu.memref_slice %arg6[%scan3A_21, %dma_start3A] : memref<79x128xi32, #tpu.memory_space<vmem>> -> memref<1x128xi32, #tpu.memory_space<vmem>>
      %dma_start3A_23 = tpu.memref_squeeze %dma_start3A_22 : memref<1x128xi32, #tpu.memory_space<vmem>> -> memref<128xi32, #tpu.memory_space<vmem>>
      %dma_start3A_24 = arith.constant 0 : i32
      %dma_start3A_25 = arith.constant 0 : i32
      %dma_start3A_26 = tpu.memref_slice %arg2[%dma_start3A_24, %dma_start3A_25] : memref<10000x128xf32, #tpu.memory_space<hbm>> -> memref<10000x128xf32, #tpu.memory_space<hbm>>
      tpu.enqueue_indirect_dma source(%dma_start3A_26 : memref<10000x128xf32, #tpu.memory_space<hbm>>) target(%arg8 : memref<128x128xf32, #tpu.memory_space<vmem>>) offsets(%dma_start3A_23 : memref<128xi32, #tpu.memory_space<vmem>>) semaphore(%arg10 : memref<!tpu.dma_semaphore, #tpu.memory_space<semaphore_mem>>)
      %dma_wait3A = arith.constant 0 : i32
      %dma_wait3A_27 = tpu.memref_slice %arg6[%scan3A_21, %dma_wait3A] : memref<79x128xi32, #tpu.memory_space<vmem>> -> memref<1x128xi32, #tpu.memory_space<vmem>>
      %dma_wait3A_28 = tpu.memref_squeeze %dma_wait3A_27 : memref<1x128xi32, #tpu.memory_space<vmem>> -> memref<128xi32, #tpu.memory_space<vmem>>
      %dma_wait3A_29 = arith.constant 0 : i32
      %dma_wait3A_30 = arith.constant 0 : i32
      %dma_wait3A_31 = tpu.memref_slice %arg2[%dma_wait3A_29, %dma_wait3A_30] : memref<10000x128xf32, #tpu.memory_space<hbm>> -> memref<10000x128xf32, #tpu.memory_space<hbm>>
      tpu.wait_indirect_dma semaphore(%arg10 : memref<!tpu.dma_semaphore, #tpu.memory_space<semaphore_mem>>) src(%dma_wait3A_31 : memref<10000x128xf32, #tpu.memory_space<hbm>>) dst(%arg8 : memref<128x128xf32, #tpu.memory_space<vmem>>)
      "tpu.region"() ({
        %run_scoped3A = tpu.sem_alloc : memref<!tpu.dma_semaphore, #tpu.memory_space<semaphore_mem>>
        %dma_start3A_32 = arith.constant 0 : i32
        %dma_start3A_33 = tpu.memref_slice %arg7[%scan3A_21, %dma_start3A_32] : memref<79x128xi32, #tpu.memory_space<vmem>> -> memref<1x128xi32, #tpu.memory_space<vmem>>
        %dma_start3A_34 = tpu.memref_squeeze %dma_start3A_33 : memref<1x128xi32, #tpu.memory_space<vmem>> -> memref<128xi32, #tpu.memory_space<vmem>>
        %dma_start3A_35 = arith.constant 0 : i32
        %dma_start3A_36 = arith.constant 0 : i32
        %dma_start3A_37 = tpu.memref_slice %arg9[%dma_start3A_35, %dma_start3A_36] : memref<10240x128xf32, #tpu.memory_space<vmem_shared>> -> memref<10240x128xf32, #tpu.memory_space<vmem_shared>>
        tpu.enqueue_indirect_dma source(%arg8 : memref<128x128xf32, #tpu.memory_space<vmem>>) target(%dma_start3A_37 : memref<10240x128xf32, #tpu.memory_space<vmem_shared>>) offsets(%dma_start3A_34 : memref<128xi32, #tpu.memory_space<vmem>>) semaphore(%run_scoped3A : memref<!tpu.dma_semaphore, #tpu.memory_space<semaphore_mem>>) {add = true}
        %dma_wait3A_38 = arith.constant 0 : i32
        %dma_wait3A_39 = tpu.memref_slice %arg7[%scan3A_21, %dma_wait3A_38] : memref<79x128xi32, #tpu.memory_space<vmem>> -> memref<1x128xi32, #tpu.memory_space<vmem>>
        %dma_wait3A_40 = tpu.memref_squeeze %dma_wait3A_39 : memref<1x128xi32, #tpu.memory_space<vmem>> -> memref<128xi32, #tpu.memory_space<vmem>>
        %dma_wait3A_41 = arith.constant 0 : i32
        %dma_wait3A_42 = arith.constant 0 : i32
        %dma_wait3A_43 = tpu.memref_slice %arg9[%dma_wait3A_41, %dma_wait3A_42] : memref<10240x128xf32, #tpu.memory_space<vmem_shared>> -> memref<10240x128xf32, #tpu.memory_space<vmem_shared>>
        tpu.wait_indirect_dma semaphore(%run_scoped3A : memref<!tpu.dma_semaphore, #tpu.memory_space<semaphore_mem>>) src(%arg8 : memref<128x128xf32, #tpu.memory_space<vmem>>) dst(%dma_wait3A_43 : memref<10240x128xf32, #tpu.memory_space<vmem_shared>>)
        tpu.yield
      }) : () -> ()
    }
    %scan3A_14 = arith.constant 79 : i32
    %barrier3A_15 = arith.constant 0 : index
    tpu.barrier barrier_id(%barrier3A_15)
    %scan3A_16 = arith.constant 0 : i32
    %scan3A_17 = arith.constant 5 : i32
    %scan3A_18 = arith.addi %scan3A_16, %scan3A_17 : i32
    %scan3A_19 = arith.constant 1 : i32
    scf.for %scan3A_21 = %scan3A_16 to %scan3A_18 step %scan3A_19  : i32 {
      %mul3A_22 = arith.constant 640 : i32
      %mul3A_23 = arith.muli %arg1, %mul3A_22 : i32
      %mul3A_24 = arith.constant 128 : i32
      %mul3A_25 = arith.muli %scan3A_21, %mul3A_24 : i32
      %add3A_26 = arith.addi %mul3A_23, %mul3A_25 : i32
      "tpu.region"() ({
        %run_scoped3A = tpu.sem_alloc : memref<!tpu.dma_semaphore, #tpu.memory_space<semaphore_mem>>
        %dma_start3A = arith.constant 0 : i32
        %dma_start3A_27 = tpu.memref_slice %arg9[%add3A_26, %dma_start3A] : memref<10240x128xf32, #tpu.memory_space<vmem_shared>> -> memref<128x128xf32, #tpu.memory_space<vmem_shared>>
        %dma_start3A_28 = arith.constant 0 : i32
        %dma_start3A_29 = tpu.memref_slice %arg9[%add3A_26, %dma_start3A_28] : memref<10240x128xf32, #tpu.memory_space<vmem_shared>> -> memref<128x128xf32, #tpu.memory_space<vmem_shared>>
        tpu.enqueue_dma source(%dma_start3A_29 : memref<128x128xf32, #tpu.memory_space<vmem_shared>>) target(%arg8 : memref<128x128xf32, #tpu.memory_space<vmem>>) target_semaphore(%run_scoped3A : memref<!tpu.dma_semaphore, #tpu.memory_space<semaphore_mem>>)
        %dma_wait3A = arith.constant 0 : i32
        %dma_wait3A_30 = tpu.memref_slice %arg9[%add3A_26, %dma_wait3A] : memref<10240x128xf32, #tpu.memory_space<vmem_shared>> -> memref<128x128xf32, #tpu.memory_space<vmem_shared>>
        %dma_wait3A_31 = arith.constant 0 : i32
        %dma_wait3A_32 = tpu.memref_slice %arg9[%add3A_26, %dma_wait3A_31] : memref<10240x128xf32, #tpu.memory_space<vmem_shared>> -> memref<128x128xf32, #tpu.memory_space<vmem_shared>>
        tpu.wait_dma2 semaphore(%run_scoped3A : memref<!tpu.dma_semaphore, #tpu.memory_space<semaphore_mem>>) src(%dma_wait3A_32 : memref<128x128xf32, #tpu.memory_space<vmem_shared>>) dst(%arg8 : memref<128x128xf32, #tpu.memory_space<vmem>>)
        tpu.yield
      }) : () -> ()
      "tpu.region"() ({
        %run_scoped3A = tpu.sem_alloc : memref<!tpu.dma_semaphore, #tpu.memory_space<semaphore_mem>>
        %dma_start3A = arith.constant 0 : i32
        %dma_start3A_27 = tpu.memref_slice %arg5[%arg0, %add3A_26, %dma_start3A] : memref<2x10240x128xf32, #tpu.memory_space<hbm>> -> memref<1x128x128xf32, #tpu.memory_space<hbm>>
        %dma_start3A_28 = tpu.memref_squeeze %dma_start3A_27 : memref<1x128x128xf32, #tpu.memory_space<hbm>> -> memref<128x128xf32, #tpu.memory_space<hbm>>
        %dma_start3A_29 = arith.constant 0 : i32
        %dma_start3A_30 = tpu.memref_slice %arg5[%arg0, %add3A_26, %dma_start3A_29] : memref<2x10240x128xf32, #tpu.memory_space<hbm>> -> memref<1x128x128xf32, #tpu.memory_space<hbm>>
        %dma_start3A_31 = tpu.memref_squeeze %dma_start3A_30 : memref<1x128x128xf32, #tpu.memory_space<hbm>> -> memref<128x128xf32, #tpu.memory_space<hbm>>
        tpu.enqueue_dma source(%arg8 : memref<128x128xf32, #tpu.memory_space<vmem>>) target(%dma_start3A_31 : memref<128x128xf32, #tpu.memory_space<hbm>>) target_semaphore(%run_scoped3A : memref<!tpu.dma_semaphore, #tpu.memory_space<semaphore_mem>>)
        %dma_wait3A = arith.constant 0 : i32
        %dma_wait3A_32 = tpu.memref_slice %arg5[%arg0, %add3A_26, %dma_wait3A] : memref<2x10240x128xf32, #tpu.memory_space<hbm>> -> memref<1x128x128xf32, #tpu.memory_space<hbm>>
        %dma_wait3A_33 = tpu.memref_squeeze %dma_wait3A_32 : memref<1x128x128xf32, #tpu.memory_space<hbm>> -> memref<128x128xf32, #tpu.memory_space<hbm>>
        %dma_wait3A_34 = arith.constant 0 : i32
        %dma_wait3A_35 = tpu.memref_slice %arg5[%arg0, %add3A_26, %dma_wait3A_34] : memref<2x10240x128xf32, #tpu.memory_space<hbm>> -> memref<1x128x128xf32, #tpu.memory_space<hbm>>
        %dma_wait3A_36 = tpu.memref_squeeze %dma_wait3A_35 : memref<1x128x128xf32, #tpu.memory_space<hbm>> -> memref<128x128xf32, #tpu.memory_space<hbm>>
        tpu.wait_dma2 semaphore(%run_scoped3A : memref<!tpu.dma_semaphore, #tpu.memory_space<semaphore_mem>>) src(%arg8 : memref<128x128xf32, #tpu.memory_space<vmem>>) dst(%dma_wait3A_36 : memref<128x128xf32, #tpu.memory_space<hbm>>)
        tpu.yield
      }) : () -> ()
    }
    %scan3A_20 = arith.constant 5 : i32
    return
  }
}

module attributes {stable_mosaic.version = 14 : i64} {
  func.func @_mm_bn_body(%arg0: i32, %arg1: memref<400x128xf32, #tpu.memory_space<vmem>>, %arg2: memref<2x128xf32, #tpu.memory_space<vmem>>, %arg3: memref<1x128xf32, #tpu.memory_space<vmem>>, %arg4: memref<1x128xf32, #tpu.memory_space<vmem>>, %arg5: memref<128x256xf32, #tpu.memory_space<vmem>>, %arg6: memref<2x400x16xf32, #tpu.memory_space<vmem>>, %arg7: memref<2x400x128xf32, #tpu.memory_space<vmem>>) attributes {dimension_semantics = [#tpu.dimension_semantics<arbitrary>], iteration_bounds = array<i64: 25>, scalar_prefetch = 0 : i64, scratch_operands = 0 : i64, tpu.core_type = #tpu.core_type<tc>, window_params = [{transform_indices = @transform_0, window_bounds = array<i64: 400, 128>}, {pipeline_mode = #tpu.pipeline_mode<synchronous>, transform_indices = @transform_1, window_bounds = array<i64: 2, 128>}, {pipeline_mode = #tpu.pipeline_mode<synchronous>, transform_indices = @transform_2, window_bounds = array<i64: 1, 128>}, {pipeline_mode = #tpu.pipeline_mode<synchronous>, transform_indices = @transform_3, window_bounds = array<i64: 1, 128>}, {pipeline_mode = #tpu.pipeline_mode<synchronous>, transform_indices = @transform_4, window_bounds = array<i64: 128, 256>}, {transform_indices = @transform_5, window_bounds = array<i64: 2, 400, 16>}, {transform_indices = @transform_6, window_bounds = array<i64: 2, 400, 128>}]} {
    %get3A = arith.constant 0 : index
    %get3A_0 = arith.constant 0 : index
    %get3A_1 = vector.load %arg2[%get3A, %get3A_0] : memref<2x128xf32, #tpu.memory_space<vmem>>, vector<2x128xf32>
    %slice3A = vector.extract_strided_slice %get3A_1 {offsets = [0, 0], sizes = [1, 128], strides = [1, 1]} : vector<2x128xf32> to vector<1x128xf32>
    %div3A = arith.constant 1.000000e+04 : f32
    %div3A_2 = vector.broadcast %div3A : f32 to vector<1x128xf32>
    %div3A_3 = arith.divf %slice3A, %div3A_2 : vector<1x128xf32>
    %slice3A_4 = vector.extract_strided_slice %get3A_1 {offsets = [1, 0], sizes = [1, 128], strides = [1, 1]} : vector<2x128xf32> to vector<1x128xf32>
    %div3A_5 = arith.constant 1.000000e+04 : f32
    %div3A_6 = vector.broadcast %div3A_5 : f32 to vector<1x128xf32>
    %div3A_7 = arith.divf %slice3A_4, %div3A_6 : vector<1x128xf32>
    %mul3A = arith.mulf %div3A_3, %div3A_3 : vector<1x128xf32>
    %sub3A = arith.subf %div3A_7, %mul3A : vector<1x128xf32>
    %get3A_8 = arith.constant 0 : index
    %get3A_9 = arith.constant 0 : index
    %get3A_10 = vector.load %arg3[%get3A_8, %get3A_9] : memref<1x128xf32, #tpu.memory_space<vmem>>, vector<1x128xf32>
    %add3A = arith.constant 9.99999974E-6 : f32
    %add3A_11 = vector.broadcast %add3A : f32 to vector<1x128xf32>
    %add3A_12 = arith.addf %sub3A, %add3A_11 : vector<1x128xf32>
    %rsqrt3A = math.rsqrt %add3A_12 : vector<1x128xf32>
    %mul3A_13 = arith.mulf %get3A_10, %rsqrt3A : vector<1x128xf32>
    %get3A_14 = arith.constant 0 : index
    %get3A_15 = arith.constant 0 : index
    %get3A_16 = vector.load %arg4[%get3A_14, %get3A_15] : memref<1x128xf32, #tpu.memory_space<vmem>>, vector<1x128xf32>
    %mul3A_17 = arith.mulf %div3A_3, %mul3A_13 : vector<1x128xf32>
    %sub3A_18 = arith.subf %get3A_16, %mul3A_17 : vector<1x128xf32>
    %get3A_19 = arith.constant 0 : index
    %get3A_20 = arith.constant 0 : index
    %get3A_21 = vector.load %arg1[%get3A_19, %get3A_20] : memref<400x128xf32, #tpu.memory_space<vmem>>, vector<400x128xf32>
    %mul3A_22 = vector.broadcast %mul3A_13 : vector<1x128xf32> to vector<400x128xf32>
    %mul3A_23 = arith.mulf %get3A_21, %mul3A_22 : vector<400x128xf32>
    %add3A_24 = vector.broadcast %sub3A_18 : vector<1x128xf32> to vector<400x128xf32>
    %add3A_25 = arith.addf %mul3A_23, %add3A_24 : vector<400x128xf32>
    %get3A_26 = arith.constant 0 : index
    %get3A_27 = arith.constant 0 : index
    %get3A_28 = vector.load %arg5[%get3A_26, %get3A_27] : memref<128x256xf32, #tpu.memory_space<vmem>>, vector<128x256xf32>
    %dot_general3A = arith.constant dense<0.000000e+00> : vector<400x256xf32>
    %dot_general3A_29 = tpu.matmul %add3A_25, %get3A_28, %dot_general3A {dimension_numbers = #tpu.dot_dimension_numbers<[1], [0], [0], [1], [0, 0, 1, 1], [], []>, transpose_lhs_hint = false} : vector<400x128xf32>, vector<128x256xf32>, vector<400x256xf32> -> vector<400x256xf32>
    %get3A_30 = arith.constant 0 : index
    %get3A_31 = arith.constant 0 : index
    %get3A_32 = arith.constant 0 : index
    %get3A_33 = vector.load %arg6[%get3A_30, %get3A_31, %get3A_32] : memref<2x400x16xf32, #tpu.memory_space<vmem>>, vector<1x400x1xf32>
    %get3A_34 = vector.shape_cast %get3A_33 : vector<1x400x1xf32> to vector<400x1xf32>
    %get3A_35 = arith.constant 1 : index
    %get3A_36 = arith.constant 0 : index
    %get3A_37 = arith.constant 0 : index
    %get3A_38 = vector.load %arg6[%get3A_35, %get3A_36, %get3A_37] : memref<2x400x16xf32, #tpu.memory_space<vmem>>, vector<1x400x1xf32>
    %get3A_39 = vector.shape_cast %get3A_38 : vector<1x400x1xf32> to vector<400x1xf32>
    %add3A_40 = arith.addf %get3A_34, %get3A_39 : vector<400x1xf32>
    %add3A_41 = arith.constant 1.000000e+00 : f32
    %add3A_42 = vector.broadcast %add3A_41 : f32 to vector<400x1xf32>
    %add3A_43 = arith.addf %add3A_40, %add3A_42 : vector<400x1xf32>
    %rsqrt3A_44 = math.rsqrt %add3A_43 : vector<400x1xf32>
    %mul3A_45 = vector.broadcast %rsqrt3A_44 : vector<400x1xf32> to vector<400x256xf32>
    %mul3A_46 = arith.mulf %mul3A_45, %dot_general3A_29 : vector<400x256xf32>
    %slice3A_47 = vector.extract_strided_slice %mul3A_46 {offsets = [0, 0], sizes = [400, 128], strides = [1, 1]} : vector<400x256xf32> to vector<400x128xf32>
    %swap3A = arith.constant 0 : index
    %swap3A_48 = arith.constant 0 : index
    %swap3A_49 = arith.constant 0 : index
    %swap3A_50 = vector.load %arg7[%swap3A, %swap3A_48, %swap3A_49] : memref<2x400x128xf32, #tpu.memory_space<vmem>>, vector<1x400x128xf32>
    %swap3A_51 = vector.shape_cast %swap3A_50 : vector<1x400x128xf32> to vector<400x128xf32>
    %swap3A_52 = vector.shape_cast %slice3A_47 : vector<400x128xf32> to vector<1x400x128xf32>
    tpu.vector_store %arg7[%swap3A, %swap3A_48, %swap3A_49], %swap3A_52 {strides = array<i32>} : memref<2x400x128xf32, #tpu.memory_space<vmem>>, vector<1x400x128xf32>,
    %slice3A_53 = vector.extract_strided_slice %mul3A_46 {offsets = [0, 128], sizes = [400, 128], strides = [1, 1]} : vector<400x256xf32> to vector<400x128xf32>
    %swap3A_54 = arith.constant 1 : index
    %swap3A_55 = arith.constant 0 : index
    %swap3A_56 = arith.constant 0 : index
    %swap3A_57 = vector.load %arg7[%swap3A_54, %swap3A_55, %swap3A_56] : memref<2x400x128xf32, #tpu.memory_space<vmem>>, vector<1x400x128xf32>
    %swap3A_58 = vector.shape_cast %swap3A_57 : vector<1x400x128xf32> to vector<400x128xf32>
    %swap3A_59 = vector.shape_cast %slice3A_53 : vector<400x128xf32> to vector<1x400x128xf32>
    tpu.vector_store %arg7[%swap3A_54, %swap3A_55, %swap3A_56], %swap3A_59 {strides = array<i32>} : memref<2x400x128xf32, #tpu.memory_space<vmem>>, vector<1x400x128xf32>,
    return
  }
  func.func @transform_0(%arg0: i32) -> (i32, i32) {
    %c0_i32 = arith.constant 0 : i32
    %c0_i32_0 = arith.constant 0 : i32
    return %arg0, %c0_i32 : i32, i32
  }
  func.func @transform_1(%arg0: i32) -> (i32, i32) {
    %c0_i32 = arith.constant 0 : i32
    %c0_i32_0 = arith.constant 0 : i32
    %c0_i32_1 = arith.constant 0 : i32
    return %c0_i32, %c0_i32_0 : i32, i32
  }
  func.func @transform_2(%arg0: i32) -> (i32, i32) {
    %c0_i32 = arith.constant 0 : i32
    %c0_i32_0 = arith.constant 0 : i32
    %c0_i32_1 = arith.constant 0 : i32
    return %c0_i32, %c0_i32_0 : i32, i32
  }
  func.func @transform_3(%arg0: i32) -> (i32, i32) {
    %c0_i32 = arith.constant 0 : i32
    %c0_i32_0 = arith.constant 0 : i32
    %c0_i32_1 = arith.constant 0 : i32
    return %c0_i32, %c0_i32_0 : i32, i32
  }
  func.func @transform_4(%arg0: i32) -> (i32, i32) {
    %c0_i32 = arith.constant 0 : i32
    %c0_i32_0 = arith.constant 0 : i32
    %c0_i32_1 = arith.constant 0 : i32
    return %c0_i32, %c0_i32_0 : i32, i32
  }
  func.func @transform_5(%arg0: i32) -> (i32, i32, i32) {
    %c0_i32 = arith.constant 0 : i32
    %c0_i32_0 = arith.constant 0 : i32
    %c0_i32_1 = arith.constant 0 : i32
    return %c0_i32, %arg0, %c0_i32_0 : i32, i32, i32
  }
  func.func @transform_6(%arg0: i32) -> (i32, i32, i32) {
    %c0_i32 = arith.constant 0 : i32
    %c0_i32_0 = arith.constant 0 : i32
    %c0_i32_1 = arith.constant 0 : i32
    return %c0_i32, %arg0, %c0_i32_0 : i32, i32, i32
  }
}

module attributes {stable_mosaic.version = 14 : i64} {
  func.func @_mm_first_body(%arg0: i32, %arg1: memref<400x128xf32, #tpu.memory_space<vmem>>, %arg2: memref<128x128xf32, #tpu.memory_space<vmem>>, %arg3: memref<2x400x16xf32, #tpu.memory_space<vmem>>, %arg4: memref<400x128xf32, #tpu.memory_space<vmem>>) attributes {dimension_semantics = [#tpu.dimension_semantics<arbitrary>], iteration_bounds = array<i64: 25>, scalar_prefetch = 0 : i64, scratch_operands = 0 : i64, tpu.core_type = #tpu.core_type<tc>, window_params = [{transform_indices = @transform_0, window_bounds = array<i64: 400, 128>}, {pipeline_mode = #tpu.pipeline_mode<synchronous>, transform_indices = @transform_1, window_bounds = array<i64: 128, 128>}, {transform_indices = @transform_2, window_bounds = array<i64: 2, 400, 16>}, {transform_indices = @transform_3, window_bounds = array<i64: 400, 128>}]} {
    %get3A = arith.constant 0 : index
    %get3A_0 = arith.constant 0 : index
    %get3A_1 = vector.load %arg1[%get3A, %get3A_0] : memref<400x128xf32, #tpu.memory_space<vmem>>, vector<400x128xf32>
    %get3A_2 = arith.constant 0 : index
    %get3A_3 = arith.constant 0 : index
    %get3A_4 = vector.load %arg2[%get3A_2, %get3A_3] : memref<128x128xf32, #tpu.memory_space<vmem>>, vector<128x128xf32>
    %dot_general3A = arith.constant dense<0.000000e+00> : vector<400x128xf32>
    %dot_general3A_5 = tpu.matmul %get3A_1, %get3A_4, %dot_general3A {dimension_numbers = #tpu.dot_dimension_numbers<[1], [0], [0], [1], [0, 0, 1, 1], [], []>, transpose_lhs_hint = false} : vector<400x128xf32>, vector<128x128xf32>, vector<400x128xf32> -> vector<400x128xf32>
    %get3A_6 = arith.constant 0 : index
    %get3A_7 = arith.constant 0 : index
    %get3A_8 = arith.constant 0 : index
    %get3A_9 = vector.load %arg3[%get3A_6, %get3A_7, %get3A_8] : memref<2x400x16xf32, #tpu.memory_space<vmem>>, vector<1x400x1xf32>
    %get3A_10 = vector.shape_cast %get3A_9 : vector<1x400x1xf32> to vector<400x1xf32>
    %get3A_11 = arith.constant 1 : index
    %get3A_12 = arith.constant 0 : index
    %get3A_13 = arith.constant 0 : index
    %get3A_14 = vector.load %arg3[%get3A_11, %get3A_12, %get3A_13] : memref<2x400x16xf32, #tpu.memory_space<vmem>>, vector<1x400x1xf32>
    %get3A_15 = vector.shape_cast %get3A_14 : vector<1x400x1xf32> to vector<400x1xf32>
    %add3A = arith.addf %get3A_10, %get3A_15 : vector<400x1xf32>
    %add3A_16 = arith.constant 1.000000e+00 : f32
    %add3A_17 = vector.broadcast %add3A_16 : f32 to vector<400x1xf32>
    %add3A_18 = arith.addf %add3A, %add3A_17 : vector<400x1xf32>
    %rsqrt3A = math.rsqrt %add3A_18 : vector<400x1xf32>
    %mul3A = vector.broadcast %rsqrt3A : vector<400x1xf32> to vector<400x128xf32>
    %mul3A_19 = arith.mulf %mul3A, %dot_general3A_5 : vector<400x128xf32>
    %swap3A = arith.constant 0 : index
    %swap3A_20 = arith.constant 0 : index
    %swap3A_21 = vector.load %arg4[%swap3A, %swap3A_20] : memref<400x128xf32, #tpu.memory_space<vmem>>, vector<400x128xf32>
    tpu.vector_store %arg4[%swap3A, %swap3A_20], %mul3A_19 {strides = array<i32>} : memref<400x128xf32, #tpu.memory_space<vmem>>, vector<400x128xf32>,
    return
  }
  func.func @transform_0(%arg0: i32) -> (i32, i32) {
    %c0_i32 = arith.constant 0 : i32
    %c0_i32_0 = arith.constant 0 : i32
    return %arg0, %c0_i32 : i32, i32
  }
  func.func @transform_1(%arg0: i32) -> (i32, i32) {
    %c0_i32 = arith.constant 0 : i32
    %c0_i32_0 = arith.constant 0 : i32
    %c0_i32_1 = arith.constant 0 : i32
    return %c0_i32, %c0_i32_0 : i32, i32
  }
  func.func @transform_2(%arg0: i32) -> (i32, i32, i32) {
    %c0_i32 = arith.constant 0 : i32
    %c0_i32_0 = arith.constant 0 : i32
    %c0_i32_1 = arith.constant 0 : i32
    return %c0_i32, %arg0, %c0_i32_0 : i32, i32, i32
  }
  func.func @transform_3(%arg0: i32) -> (i32, i32) {
    %c0_i32 = arith.constant 0 : i32
    %c0_i32_0 = arith.constant 0 : i32
    return %arg0, %c0_i32 : i32, i32
  }
}

module attributes {stable_mosaic.version = 14 : i64} {
  func.func @_epi_body(%arg0: i32, %arg1: memref<2x400x128xf32, #tpu.memory_space<vmem>>, %arg2: memref<400x128xf32, #tpu.memory_space<vmem>>, %arg3: memref<1x128xf32, #tpu.memory_space<vmem>>, %arg4: memref<2x400x16xf32, #tpu.memory_space<vmem>>, %arg5: memref<400x128xf32, #tpu.memory_space<vmem>>, %arg6: memref<2x128xf32, #tpu.memory_space<vmem>>) attributes {dimension_semantics = [#tpu.dimension_semantics<arbitrary>], iteration_bounds = array<i64: 25>, scalar_prefetch = 0 : i64, scratch_operands = 0 : i64, tpu.core_type = #tpu.core_type<tc>, window_params = [{transform_indices = @transform_0, window_bounds = array<i64: 2, 400, 128>}, {transform_indices = @transform_1, window_bounds = array<i64: 400, 128>}, {pipeline_mode = #tpu.pipeline_mode<synchronous>, transform_indices = @transform_2, window_bounds = array<i64: 1, 128>}, {transform_indices = @transform_3, window_bounds = array<i64: 2, 400, 16>}, {transform_indices = @transform_4, window_bounds = array<i64: 400, 128>}, {pipeline_mode = #tpu.pipeline_mode<synchronous>, transform_indices = @transform_5, window_bounds = array<i64: 2, 128>}]} {
    %get3A = arith.constant 0 : index
    %get3A_0 = arith.constant 0 : index
    %get3A_1 = arith.constant 0 : index
    %get3A_2 = vector.load %arg1[%get3A, %get3A_0, %get3A_1] : memref<2x400x128xf32, #tpu.memory_space<vmem>>, vector<1x400x128xf32>
    %get3A_3 = vector.shape_cast %get3A_2 : vector<1x400x128xf32> to vector<400x128xf32>
    %get3A_4 = arith.constant 1 : index
    %get3A_5 = arith.constant 0 : index
    %get3A_6 = arith.constant 0 : index
    %get3A_7 = vector.load %arg1[%get3A_4, %get3A_5, %get3A_6] : memref<2x400x128xf32, #tpu.memory_space<vmem>>, vector<1x400x128xf32>
    %get3A_8 = vector.shape_cast %get3A_7 : vector<1x400x128xf32> to vector<400x128xf32>
    %add3A = arith.addf %get3A_3, %get3A_8 : vector<400x128xf32>
    %get3A_9 = arith.constant 0 : index
    %get3A_10 = arith.constant 0 : index
    %get3A_11 = vector.load %arg2[%get3A_9, %get3A_10] : memref<400x128xf32, #tpu.memory_space<vmem>>, vector<400x128xf32>
    %add3A_12 = arith.addf %add3A, %get3A_11 : vector<400x128xf32>
    %get3A_13 = arith.constant 0 : index
    %get3A_14 = arith.constant 0 : index
    %get3A_15 = arith.constant 0 : index
    %get3A_16 = vector.load %arg4[%get3A_13, %get3A_14, %get3A_15] : memref<2x400x16xf32, #tpu.memory_space<vmem>>, vector<1x400x1xf32>
    %get3A_17 = vector.shape_cast %get3A_16 : vector<1x400x1xf32> to vector<400x1xf32>
    %get3A_18 = arith.constant 1 : index
    %get3A_19 = arith.constant 0 : index
    %get3A_20 = arith.constant 0 : index
    %get3A_21 = vector.load %arg4[%get3A_18, %get3A_19, %get3A_20] : memref<2x400x16xf32, #tpu.memory_space<vmem>>, vector<1x400x1xf32>
    %get3A_22 = vector.shape_cast %get3A_21 : vector<1x400x1xf32> to vector<400x1xf32>
    %add3A_23 = arith.addf %get3A_17, %get3A_22 : vector<400x1xf32>
    %add3A_24 = arith.constant 1.000000e+00 : f32
    %add3A_25 = vector.broadcast %add3A_24 : f32 to vector<400x1xf32>
    %add3A_26 = arith.addf %add3A_23, %add3A_25 : vector<400x1xf32>
    %rsqrt3A = math.rsqrt %add3A_26 : vector<400x1xf32>
    %mul3A = vector.broadcast %rsqrt3A : vector<400x1xf32> to vector<400x128xf32>
    %mul3A_27 = arith.mulf %mul3A, %add3A_12 : vector<400x128xf32>
    %get3A_28 = arith.constant 0 : index
    %get3A_29 = arith.constant 0 : index
    %get3A_30 = vector.load %arg3[%get3A_28, %get3A_29] : memref<1x128xf32, #tpu.memory_space<vmem>>, vector<1x128xf32>
    %add3A_31 = vector.broadcast %get3A_30 : vector<1x128xf32> to vector<400x128xf32>
    %add3A_32 = arith.addf %mul3A_27, %add3A_31 : vector<400x128xf32>
    %max3A = arith.constant 0.000000e+00 : f32
    %max3A_33 = vector.broadcast %max3A : f32 to vector<400x128xf32>
    %max3A_34 = arith.maximumf %add3A_32, %max3A_33 : vector<400x128xf32>
    %swap3A = arith.constant 0 : index
    %swap3A_35 = arith.constant 0 : index
    %swap3A_36 = vector.load %arg5[%swap3A, %swap3A_35] : memref<400x128xf32, #tpu.memory_space<vmem>>, vector<400x128xf32>
    tpu.vector_store %arg5[%swap3A, %swap3A_35], %max3A_34 {strides = array<i32>} : memref<400x128xf32, #tpu.memory_space<vmem>>, vector<400x128xf32>,
    %reduce_sum3A = arith.constant dense<0.000000e+00> : vector<128xf32>
    %reduce_sum3A_37 = vector.multi_reduction <add>, %max3A_34, %reduce_sum3A [0] : vector<400x128xf32> to vector<128xf32>
    %broadcast_in_dim3A = vector.shape_cast %reduce_sum3A_37 : vector<128xf32> to vector<1x128xf32>
    %mul3A_38 = arith.mulf %max3A_34, %max3A_34 : vector<400x128xf32>
    %reduce_sum3A_39 = arith.constant dense<0.000000e+00> : vector<128xf32>
    %reduce_sum3A_40 = vector.multi_reduction <add>, %mul3A_38, %reduce_sum3A_39 [0] : vector<400x128xf32> to vector<128xf32>
    %broadcast_in_dim3A_41 = vector.shape_cast %reduce_sum3A_40 : vector<128xf32> to vector<1x128xf32>
    %concatenate3A = tpu.concatenate %broadcast_in_dim3A, %broadcast_in_dim3A_41 in 0 : vector<1x128xf32>, vector<1x128xf32> -> vector<2x128xf32>
    %eq3A = arith.constant 0 : i32
    %eq3A_42 = arith.cmpi eq, %arg0, %eq3A : i32
    %convert_element_type3A = arith.extui %eq3A_42 : i1 to i32
    %cond3A = arith.constant 0 : i32
    %cond3A_43 = arith.cmpi ne, %convert_element_type3A, %cond3A : i32
    scf.if %cond3A_43 {
      %swap3A_48 = arith.constant 0 : index
      %swap3A_49 = arith.constant 0 : index
      %swap3A_50 = vector.load %arg6[%swap3A_48, %swap3A_49] : memref<2x128xf32, #tpu.memory_space<vmem>>, vector<2x128xf32>
      tpu.vector_store %arg6[%swap3A_48, %swap3A_49], %concatenate3A {strides = array<i32>} : memref<2x128xf32, #tpu.memory_space<vmem>>, vector<2x128xf32>,
    } else {
    }
    %gt3A = arith.constant 0 : i32
    %gt3A_44 = arith.cmpi sgt, %arg0, %gt3A : i32
    %convert_element_type3A_45 = arith.extui %gt3A_44 : i1 to i32
    %cond3A_46 = arith.constant 0 : i32
    %cond3A_47 = arith.cmpi ne, %convert_element_type3A_45, %cond3A_46 : i32
    scf.if %cond3A_47 {
      %get3A_48 = arith.constant 0 : index
      %get3A_49 = arith.constant 0 : index
      %get3A_50 = vector.load %arg6[%get3A_48, %get3A_49] : memref<2x128xf32, #tpu.memory_space<vmem>>, vector<2x128xf32>
      %add3A_51 = arith.addf %get3A_50, %concatenate3A : vector<2x128xf32>
      %swap3A_52 = arith.constant 0 : index
      %swap3A_53 = arith.constant 0 : index
      %swap3A_54 = vector.load %arg6[%swap3A_52, %swap3A_53] : memref<2x128xf32, #tpu.memory_space<vmem>>, vector<2x128xf32>
      tpu.vector_store %arg6[%swap3A_52, %swap3A_53], %add3A_51 {strides = array<i32>} : memref<2x128xf32, #tpu.memory_space<vmem>>, vector<2x128xf32>,
    } else {
    }
    return
  }
  func.func @transform_0(%arg0: i32) -> (i32, i32, i32) {
    %c0_i32 = arith.constant 0 : i32
    %c0_i32_0 = arith.constant 0 : i32
    %c0_i32_1 = arith.constant 0 : i32
    return %c0_i32, %arg0, %c0_i32_0 : i32, i32, i32
  }
  func.func @transform_1(%arg0: i32) -> (i32, i32) {
    %c0_i32 = arith.constant 0 : i32
    %c0_i32_0 = arith.constant 0 : i32
    return %arg0, %c0_i32 : i32, i32
  }
  func.func @transform_2(%arg0: i32) -> (i32, i32) {
    %c0_i32 = arith.constant 0 : i32
    %c0_i32_0 = arith.constant 0 : i32
    %c0_i32_1 = arith.constant 0 : i32
    return %c0_i32, %c0_i32_0 : i32, i32
  }
  func.func @transform_3(%arg0: i32) -> (i32, i32, i32) {
    %c0_i32 = arith.constant 0 : i32
    %c0_i32_0 = arith.constant 0 : i32
    %c0_i32_1 = arith.constant 0 : i32
    return %c0_i32, %arg0, %c0_i32_0 : i32, i32, i32
  }
  func.func @transform_4(%arg0: i32) -> (i32, i32) {
    %c0_i32 = arith.constant 0 : i32
    %c0_i32_0 = arith.constant 0 : i32
    return %arg0, %c0_i32 : i32, i32
  }
  func.func @transform_5(%arg0: i32) -> (i32, i32) {
    %c0_i32 = arith.constant 0 : i32
    %c0_i32_0 = arith.constant 0 : i32
    %c0_i32_1 = arith.constant 0 : i32
    return %c0_i32, %c0_i32_0 : i32, i32
  }
}

module attributes {stable_mosaic.version = 14 : i64} {
  func.func @_epi2_body(%arg0: i32, %arg1: memref<2x400x128xf32, #tpu.memory_space<vmem>>, %arg2: memref<2x400x128xf32, #tpu.memory_space<vmem>>, %arg3: memref<2x400x128xf32, #tpu.memory_space<vmem>>, %arg4: memref<1x256xf32, #tpu.memory_space<vmem>>, %arg5: memref<2x400x16xf32, #tpu.memory_space<vmem>>, %arg6: memref<400x256xf32, #tpu.memory_space<vmem>>, %arg7: memref<2x256xf32, #tpu.memory_space<vmem>>) attributes {dimension_semantics = [#tpu.dimension_semantics<arbitrary>], iteration_bounds = array<i64: 25>, scalar_prefetch = 0 : i64, scratch_operands = 0 : i64, tpu.core_type = #tpu.core_type<tc>, window_params = [{transform_indices = @transform_0, window_bounds = array<i64: 2, 400, 128>}, {transform_indices = @transform_1, window_bounds = array<i64: 2, 400, 128>}, {transform_indices = @transform_2, window_bounds = array<i64: 2, 400, 128>}, {pipeline_mode = #tpu.pipeline_mode<synchronous>, transform_indices = @transform_3, window_bounds = array<i64: 1, 256>}, {transform_indices = @transform_4, window_bounds = array<i64: 2, 400, 16>}, {transform_indices = @transform_5, window_bounds = array<i64: 400, 256>}, {pipeline_mode = #tpu.pipeline_mode<synchronous>, transform_indices = @transform_6, window_bounds = array<i64: 2, 256>}]} {
    %get3A = arith.constant 0 : index
    %get3A_0 = arith.constant 0 : index
    %get3A_1 = arith.constant 0 : index
    %get3A_2 = vector.load %arg1[%get3A, %get3A_0, %get3A_1] : memref<2x400x128xf32, #tpu.memory_space<vmem>>, vector<1x400x128xf32>
    %get3A_3 = vector.shape_cast %get3A_2 : vector<1x400x128xf32> to vector<400x128xf32>
    %get3A_4 = arith.constant 1 : index
    %get3A_5 = arith.constant 0 : index
    %get3A_6 = arith.constant 0 : index
    %get3A_7 = vector.load %arg1[%get3A_4, %get3A_5, %get3A_6] : memref<2x400x128xf32, #tpu.memory_space<vmem>>, vector<1x400x128xf32>
    %get3A_8 = vector.shape_cast %get3A_7 : vector<1x400x128xf32> to vector<400x128xf32>
    %add3A = arith.addf %get3A_3, %get3A_8 : vector<400x128xf32>
    %get3A_9 = arith.constant 0 : index
    %get3A_10 = arith.constant 0 : index
    %get3A_11 = arith.constant 0 : index
    %get3A_12 = vector.load %arg3[%get3A_9, %get3A_10, %get3A_11] : memref<2x400x128xf32, #tpu.memory_space<vmem>>, vector<1x400x128xf32>
    %get3A_13 = vector.shape_cast %get3A_12 : vector<1x400x128xf32> to vector<400x128xf32>
    %add3A_14 = arith.addf %add3A, %get3A_13 : vector<400x128xf32>
    %get3A_15 = arith.constant 0 : index
    %get3A_16 = arith.constant 0 : index
    %get3A_17 = arith.constant 0 : index
    %get3A_18 = vector.load %arg2[%get3A_15, %get3A_16, %get3A_17] : memref<2x400x128xf32, #tpu.memory_space<vmem>>, vector<1x400x128xf32>
    %get3A_19 = vector.shape_cast %get3A_18 : vector<1x400x128xf32> to vector<400x128xf32>
    %get3A_20 = arith.constant 1 : index
    %get3A_21 = arith.constant 0 : index
    %get3A_22 = arith.constant 0 : index
    %get3A_23 = vector.load %arg2[%get3A_20, %get3A_21, %get3A_22] : memref<2x400x128xf32, #tpu.memory_space<vmem>>, vector<1x400x128xf32>
    %get3A_24 = vector.shape_cast %get3A_23 : vector<1x400x128xf32> to vector<400x128xf32>
    %add3A_25 = arith.addf %get3A_19, %get3A_24 : vector<400x128xf32>
    %get3A_26 = arith.constant 1 : index
    %get3A_27 = arith.constant 0 : index
    %get3A_28 = arith.constant 0 : index
    %get3A_29 = vector.load %arg3[%get3A_26, %get3A_27, %get3A_28] : memref<2x400x128xf32, #tpu.memory_space<vmem>>, vector<1x400x128xf32>
    %get3A_30 = vector.shape_cast %get3A_29 : vector<1x400x128xf32> to vector<400x128xf32>
    %add3A_31 = arith.addf %add3A_25, %get3A_30 : vector<400x128xf32>
    %concatenate3A = tpu.concatenate %add3A_14, %add3A_31 in 1 : vector<400x128xf32>, vector<400x128xf32> -> vector<400x256xf32>
    %get3A_32 = arith.constant 0 : index
    %get3A_33 = arith.constant 0 : index
    %get3A_34 = arith.constant 0 : index
    %get3A_35 = vector.load %arg5[%get3A_32, %get3A_33, %get3A_34] : memref<2x400x16xf32, #tpu.memory_space<vmem>>, vector<1x400x1xf32>
    %get3A_36 = vector.shape_cast %get3A_35 : vector<1x400x1xf32> to vector<400x1xf32>
    %get3A_37 = arith.constant 1 : index
    %get3A_38 = arith.constant 0 : index
    %get3A_39 = arith.constant 0 : index
    %get3A_40 = vector.load %arg5[%get3A_37, %get3A_38, %get3A_39] : memref<2x400x16xf32, #tpu.memory_space<vmem>>, vector<1x400x1xf32>
    %get3A_41 = vector.shape_cast %get3A_40 : vector<1x400x1xf32> to vector<400x1xf32>
    %add3A_42 = arith.addf %get3A_36, %get3A_41 : vector<400x1xf32>
    %add3A_43 = arith.constant 1.000000e+00 : f32
    %add3A_44 = vector.broadcast %add3A_43 : f32 to vector<400x1xf32>
    %add3A_45 = arith.addf %add3A_42, %add3A_44 : vector<400x1xf32>
    %rsqrt3A = math.rsqrt %add3A_45 : vector<400x1xf32>
    %mul3A = vector.broadcast %rsqrt3A : vector<400x1xf32> to vector<400x256xf32>
    %mul3A_46 = arith.mulf %mul3A, %concatenate3A : vector<400x256xf32>
    %get3A_47 = arith.constant 0 : index
    %get3A_48 = arith.constant 0 : index
    %get3A_49 = vector.load %arg4[%get3A_47, %get3A_48] : memref<1x256xf32, #tpu.memory_space<vmem>>, vector<1x256xf32>
    %add3A_50 = vector.broadcast %get3A_49 : vector<1x256xf32> to vector<400x256xf32>
    %add3A_51 = arith.addf %mul3A_46, %add3A_50 : vector<400x256xf32>
    %max3A = arith.constant 0.000000e+00 : f32
    %max3A_52 = vector.broadcast %max3A : f32 to vector<400x256xf32>
    %max3A_53 = arith.maximumf %add3A_51, %max3A_52 : vector<400x256xf32>
    %swap3A = arith.constant 0 : index
    %swap3A_54 = arith.constant 0 : index
    %swap3A_55 = vector.load %arg6[%swap3A, %swap3A_54] : memref<400x256xf32, #tpu.memory_space<vmem>>, vector<400x256xf32>
    tpu.vector_store %arg6[%swap3A, %swap3A_54], %max3A_53 {strides = array<i32>} : memref<400x256xf32, #tpu.memory_space<vmem>>, vector<400x256xf32>,
    %reduce_sum3A = arith.constant dense<0.000000e+00> : vector<256xf32>
    %reduce_sum3A_56 = vector.multi_reduction <add>, %max3A_53, %reduce_sum3A [0] : vector<400x256xf32> to vector<256xf32>
    %broadcast_in_dim3A = vector.shape_cast %reduce_sum3A_56 : vector<256xf32> to vector<1x256xf32>
    %mul3A_57 = arith.mulf %max3A_53, %max3A_53 : vector<400x256xf32>
    %reduce_sum3A_58 = arith.constant dense<0.000000e+00> : vector<256xf32>
    %reduce_sum3A_59 = vector.multi_reduction <add>, %mul3A_57, %reduce_sum3A_58 [0] : vector<400x256xf32> to vector<256xf32>
    %broadcast_in_dim3A_60 = vector.shape_cast %reduce_sum3A_59 : vector<256xf32> to vector<1x256xf32>
    %concatenate3A_61 = tpu.concatenate %broadcast_in_dim3A, %broadcast_in_dim3A_60 in 0 : vector<1x256xf32>, vector<1x256xf32> -> vector<2x256xf32>
    %eq3A = arith.constant 0 : i32
    %eq3A_62 = arith.cmpi eq, %arg0, %eq3A : i32
    %convert_element_type3A = arith.extui %eq3A_62 : i1 to i32
    %cond3A = arith.constant 0 : i32
    %cond3A_63 = arith.cmpi ne, %convert_element_type3A, %cond3A : i32
    scf.if %cond3A_63 {
      %swap3A_68 = arith.constant 0 : index
      %swap3A_69 = arith.constant 0 : index
      %swap3A_70 = vector.load %arg7[%swap3A_68, %swap3A_69] : memref<2x256xf32, #tpu.memory_space<vmem>>, vector<2x256xf32>
      tpu.vector_store %arg7[%swap3A_68, %swap3A_69], %concatenate3A_61 {strides = array<i32>} : memref<2x256xf32, #tpu.memory_space<vmem>>, vector<2x256xf32>,
    } else {
    }
    %gt3A = arith.constant 0 : i32
    %gt3A_64 = arith.cmpi sgt, %arg0, %gt3A : i32
    %convert_element_type3A_65 = arith.extui %gt3A_64 : i1 to i32
    %cond3A_66 = arith.constant 0 : i32
    %cond3A_67 = arith.cmpi ne, %convert_element_type3A_65, %cond3A_66 : i32
    scf.if %cond3A_67 {
      %get3A_68 = arith.constant 0 : index
      %get3A_69 = arith.constant 0 : index
      %get3A_70 = vector.load %arg7[%get3A_68, %get3A_69] : memref<2x256xf32, #tpu.memory_space<vmem>>, vector<2x256xf32>
      %add3A_71 = arith.addf %get3A_70, %concatenate3A_61 : vector<2x256xf32>
      %swap3A_72 = arith.constant 0 : index
      %swap3A_73 = arith.constant 0 : index
      %swap3A_74 = vector.load %arg7[%swap3A_72, %swap3A_73] : memref<2x256xf32, #tpu.memory_space<vmem>>, vector<2x256xf32>
      tpu.vector_store %arg7[%swap3A_72, %swap3A_73], %add3A_71 {strides = array<i32>} : memref<2x256xf32, #tpu.memory_space<vmem>>, vector<2x256xf32>,
    } else {
    }
    return
  }
  func.func @transform_0(%arg0: i32) -> (i32, i32, i32) {
    %c0_i32 = arith.constant 0 : i32
    %c0_i32_0 = arith.constant 0 : i32
    %c0_i32_1 = arith.constant 0 : i32
    return %c0_i32, %arg0, %c0_i32_0 : i32, i32, i32
  }
  func.func @transform_1(%arg0: i32) -> (i32, i32, i32) {
    %c0_i32 = arith.constant 0 : i32
    %c0_i32_0 = arith.constant 0 : i32
    %c0_i32_1 = arith.constant 0 : i32
    return %c0_i32, %arg0, %c0_i32_0 : i32, i32, i32
  }
  func.func @transform_2(%arg0: i32) -> (i32, i32, i32) {
    %c0_i32 = arith.constant 0 : i32
    %c0_i32_0 = arith.constant 0 : i32
    %c0_i32_1 = arith.constant 0 : i32
    return %c0_i32, %arg0, %c0_i32_0 : i32, i32, i32
  }
  func.func @transform_3(%arg0: i32) -> (i32, i32) {
    %c0_i32 = arith.constant 0 : i32
    %c0_i32_0 = arith.constant 0 : i32
    %c0_i32_1 = arith.constant 0 : i32
    return %c0_i32, %c0_i32_0 : i32, i32
  }
  func.func @transform_4(%arg0: i32) -> (i32, i32, i32) {
    %c0_i32 = arith.constant 0 : i32
    %c0_i32_0 = arith.constant 0 : i32
    %c0_i32_1 = arith.constant 0 : i32
    return %c0_i32, %arg0, %c0_i32_0 : i32, i32, i32
  }
  func.func @transform_5(%arg0: i32) -> (i32, i32) {
    %c0_i32 = arith.constant 0 : i32
    %c0_i32_0 = arith.constant 0 : i32
    return %arg0, %c0_i32 : i32, i32
  }
  func.func @transform_6(%arg0: i32) -> (i32, i32) {
    %c0_i32 = arith.constant 0 : i32
    %c0_i32_0 = arith.constant 0 : i32
    %c0_i32_1 = arith.constant 0 : i32
    return %c0_i32, %c0_i32_0 : i32, i32
  }
}

module attributes {stable_mosaic.version = 14 : i64} {
  func.func @_mm_bn_body(%arg0: i32, %arg1: memref<400x256xf32, #tpu.memory_space<vmem>>, %arg2: memref<2x256xf32, #tpu.memory_space<vmem>>, %arg3: memref<1x256xf32, #tpu.memory_space<vmem>>, %arg4: memref<1x256xf32, #tpu.memory_space<vmem>>, %arg5: memref<256x128xf32, #tpu.memory_space<vmem>>, %arg6: memref<2x400x16xf32, #tpu.memory_space<vmem>>, %arg7: memref<400x128xf32, #tpu.memory_space<vmem>>) attributes {dimension_semantics = [#tpu.dimension_semantics<arbitrary>], iteration_bounds = array<i64: 25>, scalar_prefetch = 0 : i64, scratch_operands = 0 : i64, tpu.core_type = #tpu.core_type<tc>, window_params = [{transform_indices = @transform_0, window_bounds = array<i64: 400, 256>}, {pipeline_mode = #tpu.pipeline_mode<synchronous>, transform_indices = @transform_1, window_bounds = array<i64: 2, 256>}, {pipeline_mode = #tpu.pipeline_mode<synchronous>, transform_indices = @transform_2, window_bounds = array<i64: 1, 256>}, {pipeline_mode = #tpu.pipeline_mode<synchronous>, transform_indices = @transform_3, window_bounds = array<i64: 1, 256>}, {pipeline_mode = #tpu.pipeline_mode<synchronous>, transform_indices = @transform_4, window_bounds = array<i64: 256, 128>}, {transform_indices = @transform_5, window_bounds = array<i64: 2, 400, 16>}, {transform_indices = @transform_6, window_bounds = array<i64: 400, 128>}]} {
    %get3A = arith.constant 0 : index
    %get3A_0 = arith.constant 0 : index
    %get3A_1 = vector.load %arg2[%get3A, %get3A_0] : memref<2x256xf32, #tpu.memory_space<vmem>>, vector<2x256xf32>
    %slice3A = vector.extract_strided_slice %get3A_1 {offsets = [0, 0], sizes = [1, 256], strides = [1, 1]} : vector<2x256xf32> to vector<1x256xf32>
    %div3A = arith.constant 1.000000e+04 : f32
    %div3A_2 = vector.broadcast %div3A : f32 to vector<1x256xf32>
    %div3A_3 = arith.divf %slice3A, %div3A_2 : vector<1x256xf32>
    %slice3A_4 = vector.extract_strided_slice %get3A_1 {offsets = [1, 0], sizes = [1, 256], strides = [1, 1]} : vector<2x256xf32> to vector<1x256xf32>
    %div3A_5 = arith.constant 1.000000e+04 : f32
    %div3A_6 = vector.broadcast %div3A_5 : f32 to vector<1x256xf32>
    %div3A_7 = arith.divf %slice3A_4, %div3A_6 : vector<1x256xf32>
    %mul3A = arith.mulf %div3A_3, %div3A_3 : vector<1x256xf32>
    %sub3A = arith.subf %div3A_7, %mul3A : vector<1x256xf32>
    %get3A_8 = arith.constant 0 : index
    %get3A_9 = arith.constant 0 : index
    %get3A_10 = vector.load %arg3[%get3A_8, %get3A_9] : memref<1x256xf32, #tpu.memory_space<vmem>>, vector<1x256xf32>
    %add3A = arith.constant 9.99999974E-6 : f32
    %add3A_11 = vector.broadcast %add3A : f32 to vector<1x256xf32>
    %add3A_12 = arith.addf %sub3A, %add3A_11 : vector<1x256xf32>
    %rsqrt3A = math.rsqrt %add3A_12 : vector<1x256xf32>
    %mul3A_13 = arith.mulf %get3A_10, %rsqrt3A : vector<1x256xf32>
    %get3A_14 = arith.constant 0 : index
    %get3A_15 = arith.constant 0 : index
    %get3A_16 = vector.load %arg4[%get3A_14, %get3A_15] : memref<1x256xf32, #tpu.memory_space<vmem>>, vector<1x256xf32>
    %mul3A_17 = arith.mulf %div3A_3, %mul3A_13 : vector<1x256xf32>
    %sub3A_18 = arith.subf %get3A_16, %mul3A_17 : vector<1x256xf32>
    %get3A_19 = arith.constant 0 : index
    %get3A_20 = arith.constant 0 : index
    %get3A_21 = vector.load %arg1[%get3A_19, %get3A_20] : memref<400x256xf32, #tpu.memory_space<vmem>>, vector<400x256xf32>
    %mul3A_22 = vector.broadcast %mul3A_13 : vector<1x256xf32> to vector<400x256xf32>
    %mul3A_23 = arith.mulf %get3A_21, %mul3A_22 : vector<400x256xf32>
    %add3A_24 = vector.broadcast %sub3A_18 : vector<1x256xf32> to vector<400x256xf32>
    %add3A_25 = arith.addf %mul3A_23, %add3A_24 : vector<400x256xf32>
    %get3A_26 = arith.constant 0 : index
    %get3A_27 = arith.constant 0 : index
    %get3A_28 = vector.load %arg5[%get3A_26, %get3A_27] : memref<256x128xf32, #tpu.memory_space<vmem>>, vector<256x128xf32>
    %dot_general3A = arith.constant dense<0.000000e+00> : vector<400x128xf32>
    %dot_general3A_29 = tpu.matmul %add3A_25, %get3A_28, %dot_general3A {dimension_numbers = #tpu.dot_dimension_numbers<[1], [0], [0], [1], [0, 0, 1, 1], [], []>, transpose_lhs_hint = false} : vector<400x256xf32>, vector<256x128xf32>, vector<400x128xf32> -> vector<400x128xf32>
    %get3A_30 = arith.constant 0 : index
    %get3A_31 = arith.constant 0 : index
    %get3A_32 = arith.constant 0 : index
    %get3A_33 = vector.load %arg6[%get3A_30, %get3A_31, %get3A_32] : memref<2x400x16xf32, #tpu.memory_space<vmem>>, vector<1x400x1xf32>
    %get3A_34 = vector.shape_cast %get3A_33 : vector<1x400x1xf32> to vector<400x1xf32>
    %get3A_35 = arith.constant 1 : index
    %get3A_36 = arith.constant 0 : index
    %get3A_37 = arith.constant 0 : index
    %get3A_38 = vector.load %arg6[%get3A_35, %get3A_36, %get3A_37] : memref<2x400x16xf32, #tpu.memory_space<vmem>>, vector<1x400x1xf32>
    %get3A_39 = vector.shape_cast %get3A_38 : vector<1x400x1xf32> to vector<400x1xf32>
    %add3A_40 = arith.addf %get3A_34, %get3A_39 : vector<400x1xf32>
    %add3A_41 = arith.constant 1.000000e+00 : f32
    %add3A_42 = vector.broadcast %add3A_41 : f32 to vector<400x1xf32>
    %add3A_43 = arith.addf %add3A_40, %add3A_42 : vector<400x1xf32>
    %rsqrt3A_44 = math.rsqrt %add3A_43 : vector<400x1xf32>
    %mul3A_45 = vector.broadcast %rsqrt3A_44 : vector<400x1xf32> to vector<400x128xf32>
    %mul3A_46 = arith.mulf %mul3A_45, %dot_general3A_29 : vector<400x128xf32>
    %swap3A = arith.constant 0 : index
    %swap3A_47 = arith.constant 0 : index
    %swap3A_48 = vector.load %arg7[%swap3A, %swap3A_47] : memref<400x128xf32, #tpu.memory_space<vmem>>, vector<400x128xf32>
    tpu.vector_store %arg7[%swap3A, %swap3A_47], %mul3A_46 {strides = array<i32>} : memref<400x128xf32, #tpu.memory_space<vmem>>, vector<400x128xf32>,
    return
  }
  func.func @transform_0(%arg0: i32) -> (i32, i32) {
    %c0_i32 = arith.constant 0 : i32
    %c0_i32_0 = arith.constant 0 : i32
    return %arg0, %c0_i32 : i32, i32
  }
  func.func @transform_1(%arg0: i32) -> (i32, i32) {
    %c0_i32 = arith.constant 0 : i32
    %c0_i32_0 = arith.constant 0 : i32
    %c0_i32_1 = arith.constant 0 : i32
    return %c0_i32, %c0_i32_0 : i32, i32
  }
  func.func @transform_2(%arg0: i32) -> (i32, i32) {
    %c0_i32 = arith.constant 0 : i32
    %c0_i32_0 = arith.constant 0 : i32
    %c0_i32_1 = arith.constant 0 : i32
    return %c0_i32, %c0_i32_0 : i32, i32
  }
  func.func @transform_3(%arg0: i32) -> (i32, i32) {
    %c0_i32 = arith.constant 0 : i32
    %c0_i32_0 = arith.constant 0 : i32
    %c0_i32_1 = arith.constant 0 : i32
    return %c0_i32, %c0_i32_0 : i32, i32
  }
  func.func @transform_4(%arg0: i32) -> (i32, i32) {
    %c0_i32 = arith.constant 0 : i32
    %c0_i32_0 = arith.constant 0 : i32
    %c0_i32_1 = arith.constant 0 : i32
    return %c0_i32, %c0_i32_0 : i32, i32
  }
  func.func @transform_5(%arg0: i32) -> (i32, i32, i32) {
    %c0_i32 = arith.constant 0 : i32
    %c0_i32_0 = arith.constant 0 : i32
    %c0_i32_1 = arith.constant 0 : i32
    return %c0_i32, %arg0, %c0_i32_0 : i32, i32, i32
  }
  func.func @transform_6(%arg0: i32) -> (i32, i32) {
    %c0_i32 = arith.constant 0 : i32
    %c0_i32_0 = arith.constant 0 : i32
    return %arg0, %c0_i32 : i32, i32
  }
}

module attributes {stable_mosaic.version = 14 : i64} {
  func.func @_mm_bn_body(%arg0: i32, %arg1: memref<400x128xf32, #tpu.memory_space<vmem>>, %arg2: memref<2x128xf32, #tpu.memory_space<vmem>>, %arg3: memref<1x128xf32, #tpu.memory_space<vmem>>, %arg4: memref<1x128xf32, #tpu.memory_space<vmem>>, %arg5: memref<128x128xf32, #tpu.memory_space<vmem>>, %arg6: memref<2x400x16xf32, #tpu.memory_space<vmem>>, %arg7: memref<400x128xf32, #tpu.memory_space<vmem>>) attributes {dimension_semantics = [#tpu.dimension_semantics<arbitrary>], iteration_bounds = array<i64: 25>, scalar_prefetch = 0 : i64, scratch_operands = 0 : i64, tpu.core_type = #tpu.core_type<tc>, window_params = [{transform_indices = @transform_0, window_bounds = array<i64: 400, 128>}, {pipeline_mode = #tpu.pipeline_mode<synchronous>, transform_indices = @transform_1, window_bounds = array<i64: 2, 128>}, {pipeline_mode = #tpu.pipeline_mode<synchronous>, transform_indices = @transform_2, window_bounds = array<i64: 1, 128>}, {pipeline_mode = #tpu.pipeline_mode<synchronous>, transform_indices = @transform_3, window_bounds = array<i64: 1, 128>}, {pipeline_mode = #tpu.pipeline_mode<synchronous>, transform_indices = @transform_4, window_bounds = array<i64: 128, 128>}, {transform_indices = @transform_5, window_bounds = array<i64: 2, 400, 16>}, {transform_indices = @transform_6, window_bounds = array<i64: 400, 128>}]} {
    %get3A = arith.constant 0 : index
    %get3A_0 = arith.constant 0 : index
    %get3A_1 = vector.load %arg2[%get3A, %get3A_0] : memref<2x128xf32, #tpu.memory_space<vmem>>, vector<2x128xf32>
    %slice3A = vector.extract_strided_slice %get3A_1 {offsets = [0, 0], sizes = [1, 128], strides = [1, 1]} : vector<2x128xf32> to vector<1x128xf32>
    %div3A = arith.constant 1.000000e+04 : f32
    %div3A_2 = vector.broadcast %div3A : f32 to vector<1x128xf32>
    %div3A_3 = arith.divf %slice3A, %div3A_2 : vector<1x128xf32>
    %slice3A_4 = vector.extract_strided_slice %get3A_1 {offsets = [1, 0], sizes = [1, 128], strides = [1, 1]} : vector<2x128xf32> to vector<1x128xf32>
    %div3A_5 = arith.constant 1.000000e+04 : f32
    %div3A_6 = vector.broadcast %div3A_5 : f32 to vector<1x128xf32>
    %div3A_7 = arith.divf %slice3A_4, %div3A_6 : vector<1x128xf32>
    %mul3A = arith.mulf %div3A_3, %div3A_3 : vector<1x128xf32>
    %sub3A = arith.subf %div3A_7, %mul3A : vector<1x128xf32>
    %get3A_8 = arith.constant 0 : index
    %get3A_9 = arith.constant 0 : index
    %get3A_10 = vector.load %arg3[%get3A_8, %get3A_9] : memref<1x128xf32, #tpu.memory_space<vmem>>, vector<1x128xf32>
    %add3A = arith.constant 9.99999974E-6 : f32
    %add3A_11 = vector.broadcast %add3A : f32 to vector<1x128xf32>
    %add3A_12 = arith.addf %sub3A, %add3A_11 : vector<1x128xf32>
    %rsqrt3A = math.rsqrt %add3A_12 : vector<1x128xf32>
    %mul3A_13 = arith.mulf %get3A_10, %rsqrt3A : vector<1x128xf32>
    %get3A_14 = arith.constant 0 : index
    %get3A_15 = arith.constant 0 : index
    %get3A_16 = vector.load %arg4[%get3A_14, %get3A_15] : memref<1x128xf32, #tpu.memory_space<vmem>>, vector<1x128xf32>
    %mul3A_17 = arith.mulf %div3A_3, %mul3A_13 : vector<1x128xf32>
    %sub3A_18 = arith.subf %get3A_16, %mul3A_17 : vector<1x128xf32>
    %get3A_19 = arith.constant 0 : index
    %get3A_20 = arith.constant 0 : index
    %get3A_21 = vector.load %arg1[%get3A_19, %get3A_20] : memref<400x128xf32, #tpu.memory_space<vmem>>, vector<400x128xf32>
    %mul3A_22 = vector.broadcast %mul3A_13 : vector<1x128xf32> to vector<400x128xf32>
    %mul3A_23 = arith.mulf %get3A_21, %mul3A_22 : vector<400x128xf32>
    %add3A_24 = vector.broadcast %sub3A_18 : vector<1x128xf32> to vector<400x128xf32>
    %add3A_25 = arith.addf %mul3A_23, %add3A_24 : vector<400x128xf32>
    %get3A_26 = arith.constant 0 : index
    %get3A_27 = arith.constant 0 : index
    %get3A_28 = vector.load %arg5[%get3A_26, %get3A_27] : memref<128x128xf32, #tpu.memory_space<vmem>>, vector<128x128xf32>
    %dot_general3A = arith.constant dense<0.000000e+00> : vector<400x128xf32>
    %dot_general3A_29 = tpu.matmul %add3A_25, %get3A_28, %dot_general3A {dimension_numbers = #tpu.dot_dimension_numbers<[1], [0], [0], [1], [0, 0, 1, 1], [], []>, transpose_lhs_hint = false} : vector<400x128xf32>, vector<128x128xf32>, vector<400x128xf32> -> vector<400x128xf32>
    %get3A_30 = arith.constant 0 : index
    %get3A_31 = arith.constant 0 : index
    %get3A_32 = arith.constant 0 : index
    %get3A_33 = vector.load %arg6[%get3A_30, %get3A_31, %get3A_32] : memref<2x400x16xf32, #tpu.memory_space<vmem>>, vector<1x400x1xf32>
    %get3A_34 = vector.shape_cast %get3A_33 : vector<1x400x1xf32> to vector<400x1xf32>
    %get3A_35 = arith.constant 1 : index
    %get3A_36 = arith.constant 0 : index
    %get3A_37 = arith.constant 0 : index
    %get3A_38 = vector.load %arg6[%get3A_35, %get3A_36, %get3A_37] : memref<2x400x16xf32, #tpu.memory_space<vmem>>, vector<1x400x1xf32>
    %get3A_39 = vector.shape_cast %get3A_38 : vector<1x400x1xf32> to vector<400x1xf32>
    %add3A_40 = arith.addf %get3A_34, %get3A_39 : vector<400x1xf32>
    %add3A_41 = arith.constant 1.000000e+00 : f32
    %add3A_42 = vector.broadcast %add3A_41 : f32 to vector<400x1xf32>
    %add3A_43 = arith.addf %add3A_40, %add3A_42 : vector<400x1xf32>
    %rsqrt3A_44 = math.rsqrt %add3A_43 : vector<400x1xf32>
    %mul3A_45 = vector.broadcast %rsqrt3A_44 : vector<400x1xf32> to vector<400x128xf32>
    %mul3A_46 = arith.mulf %mul3A_45, %dot_general3A_29 : vector<400x128xf32>
    %swap3A = arith.constant 0 : index
    %swap3A_47 = arith.constant 0 : index
    %swap3A_48 = vector.load %arg7[%swap3A, %swap3A_47] : memref<400x128xf32, #tpu.memory_space<vmem>>, vector<400x128xf32>
    tpu.vector_store %arg7[%swap3A, %swap3A_47], %mul3A_46 {strides = array<i32>} : memref<400x128xf32, #tpu.memory_space<vmem>>, vector<400x128xf32>,
    return
  }
  func.func @transform_0(%arg0: i32) -> (i32, i32) {
    %c0_i32 = arith.constant 0 : i32
    %c0_i32_0 = arith.constant 0 : i32
    return %arg0, %c0_i32 : i32, i32
  }
  func.func @transform_1(%arg0: i32) -> (i32, i32) {
    %c0_i32 = arith.constant 0 : i32
    %c0_i32_0 = arith.constant 0 : i32
    %c0_i32_1 = arith.constant 0 : i32
    return %c0_i32, %c0_i32_0 : i32, i32
  }
  func.func @transform_2(%arg0: i32) -> (i32, i32) {
    %c0_i32 = arith.constant 0 : i32
    %c0_i32_0 = arith.constant 0 : i32
    %c0_i32_1 = arith.constant 0 : i32
    return %c0_i32, %c0_i32_0 : i32, i32
  }
  func.func @transform_3(%arg0: i32) -> (i32, i32) {
    %c0_i32 = arith.constant 0 : i32
    %c0_i32_0 = arith.constant 0 : i32
    %c0_i32_1 = arith.constant 0 : i32
    return %c0_i32, %c0_i32_0 : i32, i32
  }
  func.func @transform_4(%arg0: i32) -> (i32, i32) {
    %c0_i32 = arith.constant 0 : i32
    %c0_i32_0 = arith.constant 0 : i32
    %c0_i32_1 = arith.constant 0 : i32
    return %c0_i32, %c0_i32_0 : i32, i32
  }
  func.func @transform_5(%arg0: i32) -> (i32, i32, i32) {
    %c0_i32 = arith.constant 0 : i32
    %c0_i32_0 = arith.constant 0 : i32
    %c0_i32_1 = arith.constant 0 : i32
    return %c0_i32, %arg0, %c0_i32_0 : i32, i32, i32
  }
  func.func @transform_6(%arg0: i32) -> (i32, i32) {
    %c0_i32 = arith.constant 0 : i32
    %c0_i32_0 = arith.constant 0 : i32
    return %arg0, %c0_i32 : i32, i32
  }
}

module attributes {stable_mosaic.version = 14 : i64} {
  func.func @_cls_body(%arg0: i32, %arg1: memref<400x64xf32, #tpu.memory_space<vmem>>, %arg2: memref<2x64xf32, #tpu.memory_space<vmem>>, %arg3: memref<1x64xf32, #tpu.memory_space<vmem>>, %arg4: memref<1x64xf32, #tpu.memory_space<vmem>>, %arg5: memref<64x10xf32, #tpu.memory_space<vmem>>, %arg6: memref<1x10xf32, #tpu.memory_space<vmem>>, %arg7: memref<400x10xf32, #tpu.memory_space<vmem>>) attributes {dimension_semantics = [#tpu.dimension_semantics<arbitrary>], iteration_bounds = array<i64: 25>, scalar_prefetch = 0 : i64, scratch_operands = 0 : i64, tpu.core_type = #tpu.core_type<tc>, window_params = [{transform_indices = @transform_0, window_bounds = array<i64: 400, 64>}, {pipeline_mode = #tpu.pipeline_mode<synchronous>, transform_indices = @transform_1, window_bounds = array<i64: 2, 64>}, {pipeline_mode = #tpu.pipeline_mode<synchronous>, transform_indices = @transform_2, window_bounds = array<i64: 1, 64>}, {pipeline_mode = #tpu.pipeline_mode<synchronous>, transform_indices = @transform_3, window_bounds = array<i64: 1, 64>}, {pipeline_mode = #tpu.pipeline_mode<synchronous>, transform_indices = @transform_4, window_bounds = array<i64: 64, 10>}, {pipeline_mode = #tpu.pipeline_mode<synchronous>, transform_indices = @transform_5, window_bounds = array<i64: 1, 10>}, {transform_indices = @transform_6, window_bounds = array<i64: 400, 10>}]} {
    %get3A = arith.constant 0 : index
    %get3A_0 = arith.constant 0 : index
    %get3A_1 = vector.load %arg2[%get3A, %get3A_0] : memref<2x64xf32, #tpu.memory_space<vmem>>, vector<2x64xf32>
    %slice3A = vector.extract_strided_slice %get3A_1 {offsets = [0, 0], sizes = [1, 64], strides = [1, 1]} : vector<2x64xf32> to vector<1x64xf32>
    %div3A = arith.constant 1.000000e+04 : f32
    %div3A_2 = vector.broadcast %div3A : f32 to vector<1x64xf32>
    %div3A_3 = arith.divf %slice3A, %div3A_2 : vector<1x64xf32>
    %slice3A_4 = vector.extract_strided_slice %get3A_1 {offsets = [1, 0], sizes = [1, 64], strides = [1, 1]} : vector<2x64xf32> to vector<1x64xf32>
    %div3A_5 = arith.constant 1.000000e+04 : f32
    %div3A_6 = vector.broadcast %div3A_5 : f32 to vector<1x64xf32>
    %div3A_7 = arith.divf %slice3A_4, %div3A_6 : vector<1x64xf32>
    %mul3A = arith.mulf %div3A_3, %div3A_3 : vector<1x64xf32>
    %sub3A = arith.subf %div3A_7, %mul3A : vector<1x64xf32>
    %get3A_8 = arith.constant 0 : index
    %get3A_9 = arith.constant 0 : index
    %get3A_10 = vector.load %arg3[%get3A_8, %get3A_9] : memref<1x64xf32, #tpu.memory_space<vmem>>, vector<1x64xf32>
    %add3A = arith.constant 9.99999974E-6 : f32
    %add3A_11 = vector.broadcast %add3A : f32 to vector<1x64xf32>
    %add3A_12 = arith.addf %sub3A, %add3A_11 : vector<1x64xf32>
    %rsqrt3A = math.rsqrt %add3A_12 : vector<1x64xf32>
    %mul3A_13 = arith.mulf %get3A_10, %rsqrt3A : vector<1x64xf32>
    %get3A_14 = arith.constant 0 : index
    %get3A_15 = arith.constant 0 : index
    %get3A_16 = vector.load %arg4[%get3A_14, %get3A_15] : memref<1x64xf32, #tpu.memory_space<vmem>>, vector<1x64xf32>
    %mul3A_17 = arith.mulf %div3A_3, %mul3A_13 : vector<1x64xf32>
    %sub3A_18 = arith.subf %get3A_16, %mul3A_17 : vector<1x64xf32>
    %get3A_19 = arith.constant 0 : index
    %get3A_20 = arith.constant 0 : index
    %get3A_21 = vector.load %arg1[%get3A_19, %get3A_20] : memref<400x64xf32, #tpu.memory_space<vmem>>, vector<400x64xf32>
    %mul3A_22 = vector.broadcast %mul3A_13 : vector<1x64xf32> to vector<400x64xf32>
    %mul3A_23 = arith.mulf %get3A_21, %mul3A_22 : vector<400x64xf32>
    %add3A_24 = vector.broadcast %sub3A_18 : vector<1x64xf32> to vector<400x64xf32>
    %add3A_25 = arith.addf %mul3A_23, %add3A_24 : vector<400x64xf32>
    %get3A_26 = arith.constant 0 : index
    %get3A_27 = arith.constant 0 : index
    %get3A_28 = vector.load %arg5[%get3A_26, %get3A_27] : memref<64x10xf32, #tpu.memory_space<vmem>>, vector<64x10xf32>
    %dot_general3A = arith.constant dense<0.000000e+00> : vector<400x10xf32>
    %dot_general3A_29 = tpu.matmul %add3A_25, %get3A_28, %dot_general3A {dimension_numbers = #tpu.dot_dimension_numbers<[1], [0], [0], [1], [0, 0, 1, 1], [], []>, transpose_lhs_hint = false} : vector<400x64xf32>, vector<64x10xf32>, vector<400x10xf32> -> vector<400x10xf32>
    %get3A_30 = arith.constant 0 : index
    %get3A_31 = arith.constant 0 : index
    %get3A_32 = vector.load %arg6[%get3A_30, %get3A_31] : memref<1x10xf32, #tpu.memory_space<vmem>>, vector<1x10xf32>
    %add3A_33 = vector.broadcast %get3A_32 : vector<1x10xf32> to vector<400x10xf32>
    %add3A_34 = arith.addf %dot_general3A_29, %add3A_33 : vector<400x10xf32>
    %swap3A = arith.constant 0 : index
    %swap3A_35 = arith.constant 0 : index
    %swap3A_36 = vector.load %arg7[%swap3A, %swap3A_35] : memref<400x10xf32, #tpu.memory_space<vmem>>, vector<400x10xf32>
    tpu.vector_store %arg7[%swap3A, %swap3A_35], %add3A_34 {strides = array<i32>} : memref<400x10xf32, #tpu.memory_space<vmem>>, vector<400x10xf32>,
    return
  }
  func.func @transform_0(%arg0: i32) -> (i32, i32) {
    %c0_i32 = arith.constant 0 : i32
    %c0_i32_0 = arith.constant 0 : i32
    return %arg0, %c0_i32 : i32, i32
  }
  func.func @transform_1(%arg0: i32) -> (i32, i32) {
    %c0_i32 = arith.constant 0 : i32
    %c0_i32_0 = arith.constant 0 : i32
    %c0_i32_1 = arith.constant 0 : i32
    return %c0_i32, %c0_i32_0 : i32, i32
  }
  func.func @transform_2(%arg0: i32) -> (i32, i32) {
    %c0_i32 = arith.constant 0 : i32
    %c0_i32_0 = arith.constant 0 : i32
    %c0_i32_1 = arith.constant 0 : i32
    return %c0_i32, %c0_i32_0 : i32, i32
  }
  func.func @transform_3(%arg0: i32) -> (i32, i32) {
    %c0_i32 = arith.constant 0 : i32
    %c0_i32_0 = arith.constant 0 : i32
    %c0_i32_1 = arith.constant 0 : i32
    return %c0_i32, %c0_i32_0 : i32, i32
  }
  func.func @transform_4(%arg0: i32) -> (i32, i32) {
    %c0_i32 = arith.constant 0 : i32
    %c0_i32_0 = arith.constant 0 : i32
    %c0_i32_1 = arith.constant 0 : i32
    return %c0_i32, %c0_i32_0 : i32, i32
  }
  func.func @transform_5(%arg0: i32) -> (i32, i32) {
    %c0_i32 = arith.constant 0 : i32
    %c0_i32_0 = arith.constant 0 : i32
    %c0_i32_1 = arith.constant 0 : i32
    return %c0_i32, %c0_i32_0 : i32, i32
  }
  func.func @transform_6(%arg0: i32) -> (i32, i32) {
    %c0_i32 = arith.constant 0 : i32
    %c0_i32_0 = arith.constant 0 : i32
    return %arg0, %c0_i32 : i32, i32
  }
}

module attributes {stable_mosaic.version = 14 : i64} {
  func.func @_epi_body(%arg0: i32, %arg1: memref<2x400x128xf32, #tpu.memory_space<vmem>>, %arg2: memref<400x128xf32, #tpu.memory_space<vmem>>, %arg3: memref<1x64xf32, #tpu.memory_space<vmem>>, %arg4: memref<2x400x16xf32, #tpu.memory_space<vmem>>, %arg5: memref<400x64xf32, #tpu.memory_space<vmem>>, %arg6: memref<2x64xf32, #tpu.memory_space<vmem>>) attributes {dimension_semantics = [#tpu.dimension_semantics<arbitrary>], iteration_bounds = array<i64: 25>, scalar_prefetch = 0 : i64, scratch_operands = 0 : i64, tpu.core_type = #tpu.core_type<tc>, window_params = [{transform_indices = @transform_0, window_bounds = array<i64: 2, 400, 128>}, {transform_indices = @transform_1, window_bounds = array<i64: 400, 128>}, {pipeline_mode = #tpu.pipeline_mode<synchronous>, transform_indices = @transform_2, window_bounds = array<i64: 1, 64>}, {transform_indices = @transform_3, window_bounds = array<i64: 2, 400, 16>}, {transform_indices = @transform_4, window_bounds = array<i64: 400, 64>}, {pipeline_mode = #tpu.pipeline_mode<synchronous>, transform_indices = @transform_5, window_bounds = array<i64: 2, 64>}]} {
    %get3A = arith.constant 0 : index
    %get3A_0 = arith.constant 0 : index
    %get3A_1 = arith.constant 0 : index
    %get3A_2 = vector.load %arg1[%get3A, %get3A_0, %get3A_1] : memref<2x400x128xf32, #tpu.memory_space<vmem>>, vector<1x400x128xf32>
    %get3A_3 = vector.shape_cast %get3A_2 : vector<1x400x128xf32> to vector<400x128xf32>
    %get3A_4 = arith.constant 1 : index
    %get3A_5 = arith.constant 0 : index
    %get3A_6 = arith.constant 0 : index
    %get3A_7 = vector.load %arg1[%get3A_4, %get3A_5, %get3A_6] : memref<2x400x128xf32, #tpu.memory_space<vmem>>, vector<1x400x128xf32>
    %get3A_8 = vector.shape_cast %get3A_7 : vector<1x400x128xf32> to vector<400x128xf32>
    %add3A = arith.addf %get3A_3, %get3A_8 : vector<400x128xf32>
    %get3A_9 = arith.constant 0 : index
    %get3A_10 = arith.constant 0 : index
    %get3A_11 = vector.load %arg2[%get3A_9, %get3A_10] : memref<400x128xf32, #tpu.memory_space<vmem>>, vector<400x128xf32>
    %add3A_12 = arith.addf %add3A, %get3A_11 : vector<400x128xf32>
    %slice3A = vector.extract_strided_slice %add3A_12 {offsets = [0, 0], sizes = [400, 64], strides = [1, 1]} : vector<400x128xf32> to vector<400x64xf32>
    %get3A_13 = arith.constant 0 : index
    %get3A_14 = arith.constant 0 : index
    %get3A_15 = arith.constant 0 : index
    %get3A_16 = vector.load %arg4[%get3A_13, %get3A_14, %get3A_15] : memref<2x400x16xf32, #tpu.memory_space<vmem>>, vector<1x400x1xf32>
    %get3A_17 = vector.shape_cast %get3A_16 : vector<1x400x1xf32> to vector<400x1xf32>
    %get3A_18 = arith.constant 1 : index
    %get3A_19 = arith.constant 0 : index
    %get3A_20 = arith.constant 0 : index
    %get3A_21 = vector.load %arg4[%get3A_18, %get3A_19, %get3A_20] : memref<2x400x16xf32, #tpu.memory_space<vmem>>, vector<1x400x1xf32>
    %get3A_22 = vector.shape_cast %get3A_21 : vector<1x400x1xf32> to vector<400x1xf32>
    %add3A_23 = arith.addf %get3A_17, %get3A_22 : vector<400x1xf32>
    %add3A_24 = arith.constant 1.000000e+00 : f32
    %add3A_25 = vector.broadcast %add3A_24 : f32 to vector<400x1xf32>
    %add3A_26 = arith.addf %add3A_23, %add3A_25 : vector<400x1xf32>
    %rsqrt3A = math.rsqrt %add3A_26 : vector<400x1xf32>
    %mul3A = vector.broadcast %rsqrt3A : vector<400x1xf32> to vector<400x64xf32>
    %mul3A_27 = arith.mulf %mul3A, %slice3A : vector<400x64xf32>
    %get3A_28 = arith.constant 0 : index
    %get3A_29 = arith.constant 0 : index
    %get3A_30 = vector.load %arg3[%get3A_28, %get3A_29] : memref<1x64xf32, #tpu.memory_space<vmem>>, vector<1x64xf32>
    %add3A_31 = vector.broadcast %get3A_30 : vector<1x64xf32> to vector<400x64xf32>
    %add3A_32 = arith.addf %mul3A_27, %add3A_31 : vector<400x64xf32>
    %max3A = arith.constant 0.000000e+00 : f32
    %max3A_33 = vector.broadcast %max3A : f32 to vector<400x64xf32>
    %max3A_34 = arith.maximumf %add3A_32, %max3A_33 : vector<400x64xf32>
    %swap3A = arith.constant 0 : index
    %swap3A_35 = arith.constant 0 : index
    %swap3A_36 = vector.load %arg5[%swap3A, %swap3A_35] : memref<400x64xf32, #tpu.memory_space<vmem>>, vector<400x64xf32>
    tpu.vector_store %arg5[%swap3A, %swap3A_35], %max3A_34 {strides = array<i32>} : memref<400x64xf32, #tpu.memory_space<vmem>>, vector<400x64xf32>,
    %reduce_sum3A = arith.constant dense<0.000000e+00> : vector<64xf32>
    %reduce_sum3A_37 = vector.multi_reduction <add>, %max3A_34, %reduce_sum3A [0] : vector<400x64xf32> to vector<64xf32>
    %broadcast_in_dim3A = vector.shape_cast %reduce_sum3A_37 : vector<64xf32> to vector<1x64xf32>
    %mul3A_38 = arith.mulf %max3A_34, %max3A_34 : vector<400x64xf32>
    %reduce_sum3A_39 = arith.constant dense<0.000000e+00> : vector<64xf32>
    %reduce_sum3A_40 = vector.multi_reduction <add>, %mul3A_38, %reduce_sum3A_39 [0] : vector<400x64xf32> to vector<64xf32>
    %broadcast_in_dim3A_41 = vector.shape_cast %reduce_sum3A_40 : vector<64xf32> to vector<1x64xf32>
    %concatenate3A = tpu.concatenate %broadcast_in_dim3A, %broadcast_in_dim3A_41 in 0 : vector<1x64xf32>, vector<1x64xf32> -> vector<2x64xf32>
    %eq3A = arith.constant 0 : i32
    %eq3A_42 = arith.cmpi eq, %arg0, %eq3A : i32
    %convert_element_type3A = arith.extui %eq3A_42 : i1 to i32
    %cond3A = arith.constant 0 : i32
    %cond3A_43 = arith.cmpi ne, %convert_element_type3A, %cond3A : i32
    scf.if %cond3A_43 {
      %swap3A_48 = arith.constant 0 : index
      %swap3A_49 = arith.constant 0 : index
      %swap3A_50 = vector.load %arg6[%swap3A_48, %swap3A_49] : memref<2x64xf32, #tpu.memory_space<vmem>>, vector<2x64xf32>
      tpu.vector_store %arg6[%swap3A_48, %swap3A_49], %concatenate3A {strides = array<i32>} : memref<2x64xf32, #tpu.memory_space<vmem>>, vector<2x64xf32>,
    } else {
    }
    %gt3A = arith.constant 0 : i32
    %gt3A_44 = arith.cmpi sgt, %arg0, %gt3A : i32
    %convert_element_type3A_45 = arith.extui %gt3A_44 : i1 to i32
    %cond3A_46 = arith.constant 0 : i32
    %cond3A_47 = arith.cmpi ne, %convert_element_type3A_45, %cond3A_46 : i32
    scf.if %cond3A_47 {
      %get3A_48 = arith.constant 0 : index
      %get3A_49 = arith.constant 0 : index
      %get3A_50 = vector.load %arg6[%get3A_48, %get3A_49] : memref<2x64xf32, #tpu.memory_space<vmem>>, vector<2x64xf32>
      %add3A_51 = arith.addf %get3A_50, %concatenate3A : vector<2x64xf32>
      %swap3A_52 = arith.constant 0 : index
      %swap3A_53 = arith.constant 0 : index
      %swap3A_54 = vector.load %arg6[%swap3A_52, %swap3A_53] : memref<2x64xf32, #tpu.memory_space<vmem>>, vector<2x64xf32>
      tpu.vector_store %arg6[%swap3A_52, %swap3A_53], %add3A_51 {strides = array<i32>} : memref<2x64xf32, #tpu.memory_space<vmem>>, vector<2x64xf32>,
    } else {
    }
    return
  }
  func.func @transform_0(%arg0: i32) -> (i32, i32, i32) {
    %c0_i32 = arith.constant 0 : i32
    %c0_i32_0 = arith.constant 0 : i32
    %c0_i32_1 = arith.constant 0 : i32
    return %c0_i32, %arg0, %c0_i32_0 : i32, i32, i32
  }
  func.func @transform_1(%arg0: i32) -> (i32, i32) {
    %c0_i32 = arith.constant 0 : i32
    %c0_i32_0 = arith.constant 0 : i32
    return %arg0, %c0_i32 : i32, i32
  }
  func.func @transform_2(%arg0: i32) -> (i32, i32) {
    %c0_i32 = arith.constant 0 : i32
    %c0_i32_0 = arith.constant 0 : i32
    %c0_i32_1 = arith.constant 0 : i32
    return %c0_i32, %c0_i32_0 : i32, i32
  }
  func.func @transform_3(%arg0: i32) -> (i32, i32, i32) {
    %c0_i32 = arith.constant 0 : i32
    %c0_i32_0 = arith.constant 0 : i32
    %c0_i32_1 = arith.constant 0 : i32
    return %c0_i32, %arg0, %c0_i32_0 : i32, i32, i32
  }
  func.func @transform_4(%arg0: i32) -> (i32, i32) {
    %c0_i32 = arith.constant 0 : i32
    %c0_i32_0 = arith.constant 0 : i32
    return %arg0, %c0_i32 : i32, i32
  }
  func.func @transform_5(%arg0: i32) -> (i32, i32) {
    %c0_i32 = arith.constant 0 : i32
    %c0_i32_0 = arith.constant 0 : i32
    %c0_i32_1 = arith.constant 0 : i32
    return %c0_i32, %c0_i32_0 : i32, i32
  }
}

</mosaic_0001>

<sc_bundles>
// kernel: kernel.17.cloned.1.call-start
scs
__scs_entry_jumppad:
0x0: {  	(pc) =	sbr.rel $0x88, $3  }
0x1: {  	(tag) =	ssettag $0x0;
	lr =	simm.s32 $0x1  }
0x2: {  	[smem:$0x3F8D] =	sst lr;
	_ =	strace $0xD0000000  }
0x3: {  	_ = 	snop  }
0x4: {  	_ = 	snop  }
0x5: {  	_ = 	snop  }
0x6: {  	_ = 	snop  }
0x7: {  	_ = 	snop  }
__scs_overlays_trampoline_lowered:
0x8: {  	[smem:$0x3F9C] =	sst s0  }
0x9: {  	[smem:$0x3F9D] =	sst s1  }
0xa: {  	[smem:$0x3F9E] =	sst s2  }
0xb: {  	[smem:$0x3F9F] =	sst s3  }
0xc: {  	[smem:$0x3FA0] =	sst s4  }
0xd: {  	[smem:$0x3FA1] =	sst s5  }
0xe: {  	[smem:$0x3FA2] =	sst s6  }
0xf: {  	[smem:$0x3FA3] =	sst s7  }
0x10: {  	[smem:$0x3FA4] =	sst s8  }
0x11: {  	[smem:$0x3FA5] =	sst s9;
	s0 =	simm.s32 @!p0 $0x0  }
0x12: {  	s1 =	sld [smem:$0x3F8B];
	s0 =	simm.s32 @p0 $0x1  }
0x13: {  	[smem:$0x3FA6] =	sst s0;
	s0 =	simm.s32 @!p1 $0x0  }
0x14: {  	s2 =	sld [smem:$0x3F8A];
	s0 =	simm.s32 @p1 $0x1  }
0x15: {  	[smem:$0x3FA7] =	sst s0;
	s0 =	simm.s32 @!p2 $0x0  }
0x16: {  	s3 =	sld [smem:$0x3FDB];
	s0 =	simm.s32 @p2 $0x1  }
0x17: {  	s4 =	simm.s32 $0x1BF5;
	[smem:$0x3FA9] =	sst s0  }
0x18: {  	s0 =	sld [smem:$0x3F8C];
	_ =	swait.ge [sflag:s4], $0x0  }
0x19: {  	s7 =	sld [smem:$0x3F8D]  }
0x1a: {  	s8 =	sadd.s32 $0xFFFFE003, lr  }
0x1b: {  	s9 =	sadd.s32 $0xFFFFFEF7, lr;
	s5 =	simm.s32 $0xFFFFFFFF;
	p2 =	slt.u32 s8, $0xFFFFF086  }
0x1c: {  	p1 =	slt.u32 s9, $0xF7A;
	s5 =	simm.s32 @!p2 $0x0  }
0x1d: {  	s5 =	simm.s32 @p1 $0x1;
	p0 =	seq.s32 s7, s2  }
0x1e: {  	s7 =	smul.u32 @!p0 $0xF7A, s2;
	p2 =	seq.s32 @!p0 s5, $0x0  }
0x1f: {  	s9 =	smul.u32 $0xF7A, s1;
	s8 =	simm.s32 @!p0 $0x1BF5;
	p2 =	por !p2, p0  }
0x20: {  	[sflag:s8] =	ssyncset.s32 @!p0 $0xFFFFF086;
	s6 =	sadd.s32 @!p0 s3, s7;
	s7 =	simm.s32 @!p0 $0x108  }
0x21: {  	s3 =	sadd.s32 s3, s9;
	s6 =	sadd.s32 @!p0 $0x88, s6;
	s7 =	simm.s32 @p2 $0x1082  }
0x22: {  	[simem:s7], [sflag:s8] =	dma.local @!p0 [hbm:s6], $0xF7A  }
0x23: {  	s9 =	sor.u32 $0xD0000000, s2;
	s6 =	simm.s32 $0x108;
	_ =	swait.ge @!p0 [sflag:s8], $0x0  }
0x24: {  	s3 =	sadd.s32 $0x88, s3;
	s6 =	simm.s32 @!p1 $0x1082;
	[sflag:s4] =	ssyncset.s32 $0xFFFFF086  }
0x25: {  	[simem:s6], [sflag:s4] =	dma.local [hbm:s3], $0xF7A  }
0x26: {  	[smem:$0x3F8D] =	sst s1;
	(tag) =	ssettag s2;
	_ =	strace s9  }
0x27: {  	s1 =	sld [smem:$0x3F9D]  }
0x28: {  	s2 =	sld [smem:$0x3F9E]  }
0x29: {  	s4 =	sld [smem:$0x3FA0]  }
0x2a: {  	p0 =	seq.s32 s5, $0x0;
	s5 =	sld [smem:$0x3FA1]  }
0x2b: {  	s6 =	sld [smem:$0x3FA2]  }
0x2c: {  	s7 =	sld [smem:$0x3FA3]  }
0x2d: {  	s3 =	simm.s32 $0x108;
	s8 =	sld [smem:$0x3FA4]  }
0x2e: {  	s3 =	simm.s32 @!p0 $0x1082;
	s9 =	sld [smem:$0x3FA5]  }
0x2f: {  	lr =	sadd.s32 s0, s3;
	s0 =	sld [smem:$0x3F9C]  }
0x30: {  	s3 =	sld [smem:$0x3F9F]  }
0x31: {  	[smem:$0x3FA8] =	sst s10  }
0x32: {  	s10 =	sld [smem:$0x3FA6];
	_ =	sdelay $0x3  }
0x33: {  	p0 =	seq.s32 s10, $0x1;
	s10 =	sld [smem:$0x3FA8];
	_ =	sdelay $0x3  }
0x34: {  	[smem:$0x3FA8] =	sst s10  }
0x35: {  	s10 =	sld [smem:$0x3FA7];
	_ =	sdelay $0x3  }
0x36: {  	p1 =	seq.s32 s10, $0x1;
	s10 =	sld [smem:$0x3FA8];
	_ =	sdelay $0x3  }
0x37: {  	[smem:$0x3FA8] =	sst s10  }
0x38: {  	s10 =	sld [smem:$0x3FA9]  }
0x39: {  	_ = 	snop;
	(pc) =	sbr.ind lr, $3  }
0x3a: {  	_ = 	snop  }
0x3b: {  	_ = 	snop  }
0x3c: {  	p2 =	seq.s32 s10, $0x1;
	s10 =	sld [smem:$0x3FA8]  }
0x3d: {  	_ =	shalt  }
0x3e: {  	_ =	shalt  }
0x3f: {  	_ =	shalt  }
0x40: {  	_ =	shalt  }
0x41: {  	_ =	shalt  }
0x42: {  	_ =	shalt  }
0x43: {  	_ =	shalt  }
0x44: {  	_ =	shalt  }
0x45: {  	_ =	shalt  }
0x46: {  	_ =	shalt  }
0x47: {  	_ =	shalt  }
0x48: {  	_ =	shalt  }
0x49: {  	_ =	shalt  }
0x4a: {  	_ =	shalt  }
0x4b: {  	_ =	shalt  }
0x4c: {  	_ =	shalt  }
0x4d: {  	_ =	shalt  }
0x4e: {  	_ =	shalt  }
0x4f: {  	_ =	shalt  }
0x50: {  	_ =	shalt  }
0x51: {  	_ =	shalt  }
0x52: {  	_ =	shalt  }
0x53: {  	_ =	shalt  }
0x54: {  	_ =	shalt  }
0x55: {  	_ =	shalt  }
0x56: {  	_ =	shalt  }
0x57: {  	_ =	shalt  }
0x58: {  	_ =	shalt  }
0x59: {  	_ =	shalt  }
0x5a: {  	_ =	shalt  }
0x5b: {  	_ =	shalt  }
0x5c: {  	_ =	shalt  }
0x5d: {  	_ =	shalt  }
0x5e: {  	_ =	shalt  }
0x5f: {  	_ =	shalt  }
0x60: {  	_ =	shalt  }
0x61: {  	_ =	shalt  }
0x62: {  	_ =	shalt  }
0x63: {  	_ =	shalt  }
0x64: {  	_ =	shalt  }
0x65: {  	_ =	shalt  }
0x66: {  	_ =	shalt  }
0x67: {  	_ =	shalt  }
0x68: {  	_ =	shalt  }
0x69: {  	_ =	shalt  }
0x6a: {  	_ =	shalt  }
0x6b: {  	_ =	shalt  }
0x6c: {  	_ =	shalt  }
0x6d: {  	_ =	shalt  }
0x6e: {  	_ =	shalt  }
0x6f: {  	_ =	shalt  }
0x70: {  	_ =	shalt  }
0x71: {  	_ =	shalt  }
0x72: {  	_ =	shalt  }
0x73: {  	_ =	shalt  }
0x74: {  	_ =	shalt  }
0x75: {  	_ =	shalt  }
0x76: {  	_ =	shalt  }
0x77: {  	_ =	shalt  }
0x78: {  	_ =	shalt  }
0x79: {  	_ =	shalt  }
0x7a: {  	_ =	shalt  }
0x7b: {  	_ =	shalt  }
0x7c: {  	_ =	shalt  }
0x7d: {  	_ =	shalt  }
0x7e: {  	_ =	shalt  }
0x7f: {  	_ =	shalt  }
0x80: {  	_ =	shalt  }
0x81: {  	_ =	shalt  }
0x82: {  	_ =	shalt  }
0x83: {  	_ =	shalt  }
0x84: {  	_ =	shalt  }
0x85: {  	_ =	shalt  }
0x86: {  	_ =	shalt  }
0x87: {  	_ =	shalt  }
.Lfunc_end0:
.L_simem_size_0:
called_computation_lowered:
.L_overlay_start_0:
0x88: {  	s2 =	sld [smem:$0x3FD9]  }
0x89: {  	s3 =	sld [smem:$0x3FFE];
	_ =	sdelay $0x1  }
0x8a: {  	s1 =	srdreg.scid  }
0x8b: {  	s0 =	sand.u32 $0x1, s1  }
0x8c: {  	s16 =	sshll.u32 s0, $0xA;
	s2 =	sadd.s32 s3, s2  }
0x8d: {  	s2 =	sadd.s32 s2, s16  }
0x8e: {  	[smem:$0x3FB4] =	sst s2  }
0x8f: {  	_ = 	snop  }
0x90: {  	(tm) =	ssettm $0x1  }
0x91: {  	s17 =	sld [smem:$0x3FFB];
	_ =	sdelay $0x3  }
0x92: {  	_ =	strace s17  }
0x93: {  	s2 =	sld [smem:$0x3FFC];
	_ =	sdelay $0x3  }
0x94: {  	_ =	strace s2  }
0x95: {  	s2 =	sld [smem:$0x3FFD];
	_ =	sdelay $0x3  }
0x96: {  	_ =	strace s2  }
0x97: {  	_ =	strace $0x8FFFFFFF  }
0x98: {  	s18 =	sld [smem:$0x3FDB];
	_ =	sdelay $0x1  }
0x99: {  	s19 =	simm.s32 $_scs_section_size  }
0x9a: {  	s4 =	simm.s32 $_size__tile_overlayer_lowered;
	s5 =	simm.s32 $_tile_overlayer_lowered  }
0x9b: {  	s22 =	simm.s32 $0x1BFF;
	s21 =	sshll.u32 s5, $0x1;
	s2 =	sadd.s32 s19, s18  }
0x9c: {  	s6 =	simm.s32 $0x0;
	s20 =	sshll.u32 s4, $0x1;
	s4 =	sadd.s32 s21, s2  }
0x9d: {  	[timem:s6], [sflag:s22] =	dma.local [hbm:s4], s20  }
0x9e: {  	_ =	swait.ge [sflag:s22], s20  }
0x9f: {  	s3 =	ssub.s32 $0x0, s20;
	[sflag:s22] =	ssyncset.done $0x0  }
0xa0: {  	[sflag:s22] =	ssyncadd.s32 s3;
	_ =	sdelay $0x1  }
0xa1: {  	s23 =	simm.s32 $0x1B8B  }
0xa2: {  	_ =	swait.ge [sflag:s23], $0x1  }
0xa3: {  	[sflag:s23] =	ssyncset.done $0x0  }
0xa4: {  	s25 =	simm.s32 $0x1B8E;
	s24 =	sld [smem:$0x3FFE];
	[sflag:s23] =	ssyncadd.s32 $0xFFFFFFFF  }
0xa5: {  	s26 =	simm.s32 $execute0_lowered;
	[smem:$0x3FD2] =	sst s25  }
0xa6: {  	s4 =	sshll.u32 s26, $0x1;
	_ =	strace $0x80000046;
	[dreg:$0x1] =	wrdreg $0xFFFFFFFF  }
0xa7: {  	s28 =	simm.s32 $_size_execute0_lowered;
	s2 =	sadd.s32 s2, s4;
	[dreg:$0x0] =	wrdreg $0x0  }
0xa8: {  	s4 =	sshll.u32 s28, $0x1;
	[dreg:$0x2] =	wrdreg s2  }
0xa9: {  	[dreg:$0x3] =	wrdreg s4  }
0xaa: {  	[dreg:$0x4] =	wrdreg $0xC0  }
0xab: {  	_ =	task [dreg:s6], $0x5FFFF  }
0xac: {  	[dreg:$0x1] =	wrdreg $0xFFFFFFFF  }
0xad: {  	[dreg:$0x0] =	wrdreg $0x60  }
0xae: {  	[dreg:$0x2] =	wrdreg s24  }
0xaf: {  	[dreg:$0x3] =	wrdreg $0x90000  }
0xb0: {  	[dreg:$0x4] =	wrdreg $0x9  }
0xb1: {  	_ =	task.clear_ibuf [dreg:s6], $0x5FFFF;
	_ =	strace $0x90000046  }
0xb2: {  	s29 =	simm.s32 $0x9;
	_ =	strace $0x80000048  }
0xb3: {  	_ =	swait.ge [sflag:s29], $0x1  }
0xb4: {  	[sflag:s29] =	ssyncadd.s32 $0xFFFFFFFF  }
0xb5: {  	_ =	strace $0x90000048  }
0xb6: {  	_ =	sfence  }
0xb7: {  	s30 =	sld [smem:$0x0];
	_ =	sdelay $0x2  }
0xb8: {  	s31 =	sshll.u32 s1, $0xD;
	s1 =	sshrl.u32 s1, $0x2  }
0xb9: {  	s3 =	sand.u32 $0x4000, s31;
	s1 =	sadd.s32 s1, s30  }
0xba: {  	s0 =	sor.u32 s3, s0;
	s1 =	sshll.u32 s1, $0x11  }
0xbb: {  	s0 =	sor.u32 s1, s0  }
0xbc: {  	s0 =	sadd.s32 $0x8F2B, s0  }
0xbd: {  	[sflag:s0] =	ssyncadd.remote.s32 $0x1  }
0xbe: {  	_ =	sfence.sel $0xFFFF  }
0xbf: {  	[dreg:$0x0] =	wrdreg $0xFFFFFFFF;
	(pc) =	sbr.abs _section_cstart, $3  }
0xc0: {  	[dreg:$0x1] =	wrdreg $0xFFFFFFFF  }
0xc1: {  	_ =	task.clear_ibuf [dreg:s6], $0x2FFFF;
	_ =	strace $0x9FFFFFFF  }
0xc2: {  	(tm) =	ssettm $0x7FFFFFFF  }
0xc3: {  	_ =	shalt  }
tec
execute0_lowered:
.L_overlay_start_1:
0x0: {  	(tag) =	ssettag $0x1  }
0x1: {  	s0 =	srdreg.scid;
	s5 =	rddreg [dreg:$0x0]  }
0x2: {  	s2 =	rddreg [dreg:$0x1];
	s1 =	stileid.u32  }
0x3: {  	s3 =	simm.s32 $0x0;
	s24 =	simm.s32 $0x2800;
	s25 =	simm.s32 $0x80  }
0x4: {  	s26 =	simm.s32 $0x1;
	s28 =	simm.s32 $0x0;
	s6 =	sand.u32 $0x1, s0  }
0x5: {  	[smem:$0x7FF] =	sst s3;
	s8 =	smul.u32 $0x50000, s1;
	s21 =	sadd.s32 $0x42400, s5  }
0x6: {  	s17 =	smul.u32 $0x14000, s1;
	s4 =	sshll.u32 s6, $0x4;
	_ =	strace $0x80000047  }
0x7: {  	s30 =	ssub.s32 $0x2, s6;
	s18 =	smul.u32 $0x140000, s6;
	s4 =	sor.u32 s1, s4  }
0x8: {  	s9 =	sshrl.u32 s30, $0x1;
	s8 =	sshrl.u32 s8, $0x2;
	s14 =	sadd.s32 $0x4000, s17  }
0x9: {  	s19 =	sadd.s32 $0x8000, s17;
	s20 =	sadd.s32 $0xC000, s17;
	s22 =	sadd.s32 $0x10000, s17  }
0xa: {  	s7 =	smul.u32 $0x500, s4;
	s4 =	sadd.s32 $0x1B200, s5;
	s9 =	ssub.s32 s30, s9  }
0xb: {  	s12 =	sadd.s32 s18, s17;
	s15 =	sadd.s32 s18, s14;
	s14 =	sadd.s32 s14, s2  }
0xc: {  	s16 =	sadd.s32 s19, s2;
	s19 =	sadd.s32 s18, s19;
	s31 =	sadd.s32 s18, s20  }
0xd: {  	s23 =	sadd.s32 s18, s22;
	s18 =	sadd.s32 s20, s2;
	s20 =	sadd.s32 s22, s2  }
0xe: {  	s22 =	simm.s32 $0x5000;
	s13 =	sshrl.u32 s12, $0x3;
	s15 =	sshrl.u32 s15, $0x3  }
0xf: {  	s19 =	sshrl.u32 s19, $0x3;
	s23 =	sshrl.u32 s23, $0x3;
	s7 =	sadd.s32 s7, s5  }
0x10: {  	s5 =	sadd.s32 s8, s2;
	s8 =	smax.u32 s9, $0x1;
	s13 =	sadd.s32 s21, s13  }
0x11: {  	s15 =	sadd.s32 s21, s15;
	s17 =	sadd.s32 s21, s19;
	s19 =	sshrl.u32 s31, $0x3  }
0x12: {  	s6 =	sadd.s32 $0x7200, s7;
	s7 =	sadd.s32 $0x11200, s7;
	s9 =	sadd.s32 $0x4000, s5  }
0x13: {  	s10 =	sadd.s32 $0x8000, s5;
	s11 =	sadd.s32 $0xC000, s5;
	s12 =	sadd.s32 $0x10000, s5  }
0x14: {  	v0 =	vimm.f32 $0.0e+00;
	s19 =	sadd.s32 s21, s19;
	s21 =	sadd.s32 s21, s23;
	s23 =	simm.s32 $0x2  }
.LBB2_1:
0x15: {  	s29 =	sand.u32 $0xFE00, s3  }
0x16: {  	s30 =	sand.u32 $0x70, s3;
	s31 =	sshrl.u32 s29, $0x2  }
0x17: {  	s29 =	simm.s32 $0x40;
	s31 =	sor.u32 s30, s31;
	s30 =	simm.s32 $0x0  }
.LBB2_2:
0x18: {  	p0 =	sne.s32 s29, $0xFFC0  }
0x19: {  	[tilespmem:s31+$0x5000] =	vst v0;
	s30 =	sadd.s32 $0x10, s30;
	s31 =	smov.u32 s29;
	s29 =	sadd.s32 $0x40, s29  }
.Ltmp0:
0x1a: {  	(pc) =	sbr.rel @p0 .LBB2_2-.Ltmp0, $4  }
0x1b: {  	_ = 	snop  }
0x1c: {  	s31 =	sand.u32 $0xFE00, s31  }
0x1d: {  	s0 =	sand.u32 $0x70, s30;
	s31 =	sshrl.u32 s31, $0x2  }
0x1e: {  	s31 =	sor.u32 s0, s31  }
0x1f: {  	[tilespmem:s31+$0x5000] =	vst v0  }
0x20: {  	[spmem:s5] =	stream.linear.scatter [tilespmem:s22], [sflag:$0x2], $0x4000, $0x38;
	[tilespmem:$0x1D000] =	vst v63  }
0x21: {  	_ =	swait.ge [sflag:s23], $0x4000  }
0x22: {  	[sflag:s23] =	ssyncset.done $0x0  }
0x23: {  	[sflag:s23] =	ssyncadd.s32 $0xFFFFC000  }
0x24: {  	[spmem:s9] =	stream.linear.scatter [tilespmem:s22], [sflag:$0x2], $0x4000, $0x38;
	[tilespmem:$0x1D000] =	vst v63  }
0x25: {  	_ =	swait.ge [sflag:s23], $0x4000  }
0x26: {  	[sflag:s23] =	ssyncset.done $0x0  }
0x27: {  	[sflag:s23] =	ssyncadd.s32 $0xFFFFC000  }
0x28: {  	[spmem:s10] =	stream.linear.scatter [tilespmem:s22], [sflag:$0x2], $0x4000, $0x38;
	[tilespmem:$0x1D000] =	vst v63  }
0x29: {  	_ =	swait.ge [sflag:s23], $0x4000  }
0x2a: {  	[sflag:s23] =	ssyncset.done $0x0  }
0x2b: {  	[sflag:s23] =	ssyncadd.s32 $0xFFFFC000  }
0x2c: {  	[spmem:s11] =	stream.linear.scatter [tilespmem:s22], [sflag:$0x2], $0x4000, $0x38;
	[tilespmem:$0x1D000] =	vst v63  }
0x2d: {  	_ =	swait.ge [sflag:s23], $0x4000  }
0x2e: {  	[sflag:s23] =	ssyncset.done $0x0  }
0x2f: {  	[sflag:s23] =	ssyncadd.s32 $0xFFFFC000  }
0x30: {  	[spmem:s12] =	stream.linear.scatter [tilespmem:s22], [sflag:$0x2], $0x4000, $0x38;
	[tilespmem:$0x1D000] =	vst v63  }
0x31: {  	_ =	swait.ge [sflag:s23], $0x4000  }
0x32: {  	[sflag:s23] =	ssyncset.done $0x0  }
0x33: {  	s0 =	simm.s32 $0x0;
	[sflag:s23] =	ssyncadd.s32 $0xFFFFC000  }
0x34: {  	[tilespmem:s0], [sflag:$0x2] =	stream.linear.gather [hbm4b:s6+s0], $0x2780, $0x38;
	[tilespmem:$0x1D000] =	vst v63  }
0x35: {  	_ =	swait.ge [sflag:s23], $0x2780  }
0x36: {  	[sflag:s23] =	ssyncset.done $0x0  }
0x37: {  	[sflag:s23] =	ssyncadd.s32 $0xFFFFD880  }
0x38: {  	[tilespmem:s24], [sflag:$0x2] =	stream.linear.gather [hbm4b:s7+s0], $0x2780, $0x38;
	[tilespmem:$0x1D000] =	vst v63  }
0x39: {  	_ =	swait.ge [sflag:s23], $0x2780  }
0x3a: {  	[sflag:s23] =	ssyncset.done $0x0  }
0x3b: {  	[sflag:s23] =	ssyncadd.s32 $0xFFFFD880  }
0x3c: {  	s31 =	simm.s32 $0x0;
	[bflag:$0x0] =	sbarrier.arrive $0xFFFF  }
0x3d: {  	[tilespmem:s22], [sflag:$0x1] =	stream.indirect.gather [hbm4b:s4+s25], $0x80, s31, s25, $0xb8;
	[tilespmem:$0x1D000] =	vst v63  }
0x3e: {  	_ =	swait.ge [sflag:s26], $0x4000  }
0x3f: {  	[sflag:s26] =	ssyncset.done $0x0  }
0x40: {  	s31 =	simm.s32 $0x2800;
	[sflag:s26] =	ssyncadd.s32 $0xFFFFC000  }
0x41: {  	[spmem:s2] =	stream.indirect.scatter.add.f32 [tilespmem:s22], [sflag:$0x2], $0x80, s31, s25, $0xb8;
	[tilespmem:$0x1D000] =	vst v63  }
0x42: {  	_ =	swait.ge [sflag:s23], $0x4000  }
0x43: {  	s29 =	simm.s32 $0x200;
	s30 =	simm.s32 $0x400;
	[sflag:s23] =	ssyncset.done $0x0  }
.LBB2_4:
0x44: {  	s0 =	sshra.s32 s29, $0x2  }
0x45: {  	[sflag:s23] =	ssyncadd.s32 $0xFFFFC000;
	s29 =	smov.u32 s30;
	s31 =	sadd.s32 $0x200, s30  }
0x46: {  	[tilespmem:s22], [sflag:$0x1] =	stream.indirect.gather [hbm4b:s4+s25], $0x80, s0, s25, $0xb8;
	[tilespmem:$0x1D000] =	vst v63  }
0x47: {  	p0 =	sne.s32 s30, $0x9C00;
	_ =	swait.ge [sflag:s26], $0x4000  }
.Ltmp1:
0x48: {  	[sflag:s26] =	ssyncset.done $0x0;
	(pc) =	sbr.rel @p0 .LBB2_4-.Ltmp1, $4  }
0x49: {  	s0 =	sadd.s32 $0x2800, s0;
	[sflag:s26] =	ssyncadd.s32 $0xFFFFC000  }
0x4a: {  	[spmem:s2] =	stream.indirect.scatter.add.f32 [tilespmem:s22], [sflag:$0x2], $0x80, s0, s25, $0xb8;
	[tilespmem:$0x1D000] =	vst v63  }
0x4b: {  	_ =	swait.ge [sflag:s23], $0x4000  }
0x4c: {  	s30 =	smov.u32 s31;
	[sflag:s23] =	ssyncset.done $0x0  }
0x4d: {  	s0 =	sshra.s32 s29, $0x2;
	[sflag:s23] =	ssyncadd.s32 $0xFFFFC000  }
0x4e: {  	[tilespmem:s22], [sflag:$0x1] =	stream.indirect.gather [hbm4b:s4+s25], $0x80, s0, s25, $0xb8;
	[tilespmem:$0x1D000] =	vst v63  }
0x4f: {  	_ =	swait.ge [sflag:s26], $0x4000  }
0x50: {  	[sflag:s26] =	ssyncset.done $0x0  }
0x51: {  	s0 =	sadd.s32 $0x2800, s0;
	[sflag:s26] =	ssyncadd.s32 $0xFFFFC000  }
0x52: {  	[spmem:s2] =	stream.indirect.scatter.add.f32 [tilespmem:s22], [sflag:$0x2], $0x80, s0, s25, $0xb8;
	[tilespmem:$0x1D000] =	vst v63  }
0x53: {  	_ =	swait.ge [sflag:s23], $0x4000  }
0x54: {  	[sflag:s23] =	ssyncset.done $0x0  }
0x55: {  	[sflag:s23] =	ssyncadd.s32 $0xFFFFC000  }
0x56: {  	[bflag:$0x0] =	sbarrier.arrive $0xFFFF  }
0x57: {  	[tilespmem:s22], [sflag:$0x2] =	stream.linear.gather [spmem:s5], $0x4000, $0x38;
	[tilespmem:$0x1D000] =	vst v63  }
0x58: {  	_ =	swait.ge [sflag:s23], $0x4000  }
0x59: {  	[sflag:s23] =	ssyncset.done $0x0  }
0x5a: {  	[sflag:s23] =	ssyncadd.s32 $0xFFFFC000  }
0x5b: {  	[hbm4b:s13+s3] =	stream.linear.scatter [tilespmem:s22], [sflag:$0x2], $0x4000, $0x38;
	[tilespmem:$0x1D000] =	vst v63  }
0x5c: {  	_ =	swait.ge [sflag:s23], $0x4000  }
0x5d: {  	[sflag:s23] =	ssyncset.done $0x0  }
0x5e: {  	[sflag:s23] =	ssyncadd.s32 $0xFFFFC000  }
0x5f: {  	[tilespmem:s22], [sflag:$0x2] =	stream.linear.gather [spmem:s14], $0x4000, $0x38;
	[tilespmem:$0x1D000] =	vst v63  }
0x60: {  	_ =	swait.ge [sflag:s23], $0x4000  }
0x61: {  	[sflag:s23] =	ssyncset.done $0x0  }
0x62: {  	[sflag:s23] =	ssyncadd.s32 $0xFFFFC000  }
0x63: {  	[hbm4b:s15+s3] =	stream.linear.scatter [tilespmem:s22], [sflag:$0x2], $0x4000, $0x38;
	[tilespmem:$0x1D000] =	vst v63  }
0x64: {  	_ =	swait.ge [sflag:s23], $0x4000  }
0x65: {  	[sflag:s23] =	ssyncset.done $0x0  }
0x66: {  	[sflag:s23] =	ssyncadd.s32 $0xFFFFC000  }
0x67: {  	[tilespmem:s22], [sflag:$0x2] =	stream.linear.gather [spmem:s16], $0x4000, $0x38;
	[tilespmem:$0x1D000] =	vst v63  }
0x68: {  	_ =	swait.ge [sflag:s23], $0x4000  }
0x69: {  	[sflag:s23] =	ssyncset.done $0x0  }
0x6a: {  	[sflag:s23] =	ssyncadd.s32 $0xFFFFC000  }
0x6b: {  	[hbm4b:s17+s3] =	stream.linear.scatter [tilespmem:s22], [sflag:$0x2], $0x4000, $0x38;
	[tilespmem:$0x1D000] =	vst v63  }
0x6c: {  	_ =	swait.ge [sflag:s23], $0x4000  }
0x6d: {  	[sflag:s23] =	ssyncset.done $0x0  }
0x6e: {  	[sflag:s23] =	ssyncadd.s32 $0xFFFFC000  }
0x6f: {  	[tilespmem:s22], [sflag:$0x2] =	stream.linear.gather [spmem:s18], $0x4000, $0x38;
	[tilespmem:$0x1D000] =	vst v63  }
0x70: {  	_ =	swait.ge [sflag:s23], $0x4000  }
0x71: {  	[sflag:s23] =	ssyncset.done $0x0  }
0x72: {  	[sflag:s23] =	ssyncadd.s32 $0xFFFFC000  }
0x73: {  	[hbm4b:s19+s3] =	stream.linear.scatter [tilespmem:s22], [sflag:$0x2], $0x4000, $0x38;
	[tilespmem:$0x1D000] =	vst v63  }
0x74: {  	_ =	swait.ge [sflag:s23], $0x4000  }
0x75: {  	[sflag:s23] =	ssyncset.done $0x0  }
0x76: {  	[sflag:s23] =	ssyncadd.s32 $0xFFFFC000  }
0x77: {  	[tilespmem:s22], [sflag:$0x2] =	stream.linear.gather [spmem:s20], $0x4000, $0x38;
	[tilespmem:$0x1D000] =	vst v63  }
0x78: {  	s28 =	sadd.s32 $0x1, s28;
	_ =	swait.ge [sflag:s23], $0x4000  }
0x79: {  	p0 =	sne.s32 s28, s8;
	[sflag:s23] =	ssyncset.done $0x0  }
.Ltmp2:
0x7a: {  	[sflag:s23] =	ssyncadd.s32 $0xFFFFC000;
	(pc) =	sbr.rel @p0 .LBB2_1-.Ltmp2, $4  }
0x7b: {  	[hbm4b:s21+s3] =	stream.linear.scatter [tilespmem:s22], [sflag:$0x2], $0x4000, $0x38;
	[tilespmem:$0x1D000] =	vst v63  }
0x7c: {  	_ =	swait.ge [sflag:s23], $0x4000  }
0x7d: {  	[sflag:s23] =	ssyncset.done $0x0  }
0x7e: {  	[sflag:s23] =	ssyncadd.s32 $0xFFFFC000  }
0x7f: {  	_ =	sfence.sel $0x180000  }
0x80: {  	[bflag:$0x0] =	sbarrier.arrive $0xFFFF  }
0x81: {  	_ =	strace $0x90000047  }
0x82: {  	[bflag:$0x2] =	sbarrier.arrive $0xFFFF  }
0x83: {  	p0 =	sne.s32 s1, $0x0;
	s0 =	rddreg [dreg:$0x2]  }
0x84: {  	s0 =	sadd.s32 @!p0 $0x100000, s0  }
0x85: {  	[sflag:s0] =	ssyncadd.tile.s32 @!p0 $0x1;
	_ =	shalt  }
.Lfunc_end2:
_tile_overlayer_lowered:
.L_overlay_start_2:
0x86: {  	(tag) =	ssettag $0x2  }
0x87: {  	s0 =	rddreg [dreg:$0x0];
	s2 =	stileid.u32  }
0x88: {  	s1 =	rddreg [dreg:$0x1];
	p0 =	sne.s32 s2, $0x0  }
0x89: {  	s3 =	rddreg [dreg:$0x2];
	[bflag:$0x3] =	sbarrier.arrive $0xFFFF;
	s2 =	simm.s32 @!p0 $0x1C02  }
0x8a: {  	[timem:s3], [sflag:s2] =	dma.local @!p0 [hbm:s0], s1  }
0x8b: {  	s0 =	simm.s32 @!p0 $0x2  }
0x8c: {  	_ =	swait.ge @!p0 [sflag:s0], s1  }
0x8d: {  	s1 =	ssub.s32 @!p0 $0x0, s1;
	[sflag:s0] =	ssyncset.done @!p0 $0x0  }
0x8e: {  	[sflag:s0] =	ssyncadd.s32 @!p0 s1  }
0x8f: {  	[bflag:$0x3] =	sbarrier.arrive $0xFFFF  }
0x90: {  	_ =	shalt  }

// kernel: kernel.20.cloned.1.call-start
scs
__scs_entry_jumppad:
0x0: {  	(pc) =	sbr.rel $0x88, $3  }
0x1: {  	(tag) =	ssettag $0x0;
	lr =	simm.s32 $0x1  }
0x2: {  	[smem:$0x3F8D] =	sst lr;
	_ =	strace $0xD0000000  }
0x3: {  	_ = 	snop  }
0x4: {  	_ = 	snop  }
0x5: {  	_ = 	snop  }
0x6: {  	_ = 	snop  }
0x7: {  	_ = 	snop  }
__scs_overlays_trampoline_lowered:
0x8: {  	[smem:$0x3F9C] =	sst s0  }
0x9: {  	[smem:$0x3F9D] =	sst s1  }
0xa: {  	[smem:$0x3F9E] =	sst s2  }
0xb: {  	[smem:$0x3F9F] =	sst s3  }
0xc: {  	[smem:$0x3FA0] =	sst s4  }
0xd: {  	[smem:$0x3FA1] =	sst s5  }
0xe: {  	[smem:$0x3FA2] =	sst s6  }
0xf: {  	[smem:$0x3FA3] =	sst s7  }
0x10: {  	[smem:$0x3FA4] =	sst s8  }
0x11: {  	[smem:$0x3FA5] =	sst s9;
	s0 =	simm.s32 @!p0 $0x0  }
0x12: {  	s1 =	sld [smem:$0x3F8B];
	s0 =	simm.s32 @p0 $0x1  }
0x13: {  	[smem:$0x3FA6] =	sst s0;
	s0 =	simm.s32 @!p1 $0x0  }
0x14: {  	s2 =	sld [smem:$0x3F8A];
	s0 =	simm.s32 @p1 $0x1  }
0x15: {  	[smem:$0x3FA7] =	sst s0;
	s0 =	simm.s32 @!p2 $0x0  }
0x16: {  	s3 =	sld [smem:$0x3FDB];
	s0 =	simm.s32 @p2 $0x1  }
0x17: {  	s4 =	simm.s32 $0x1BF5;
	[smem:$0x3FA9] =	sst s0  }
0x18: {  	s0 =	sld [smem:$0x3F8C];
	_ =	swait.ge [sflag:s4], $0x0  }
0x19: {  	s7 =	sld [smem:$0x3F8D]  }
0x1a: {  	s8 =	sadd.s32 $0xFFFFE003, lr  }
0x1b: {  	s9 =	sadd.s32 $0xFFFFFEF7, lr;
	s5 =	simm.s32 $0xFFFFFFFF;
	p2 =	slt.u32 s8, $0xFFFFF086  }
0x1c: {  	p1 =	slt.u32 s9, $0xF7A;
	s5 =	simm.s32 @!p2 $0x0  }
0x1d: {  	s5 =	simm.s32 @p1 $0x1;
	p0 =	seq.s32 s7, s2  }
0x1e: {  	s7 =	smul.u32 @!p0 $0xF7A, s2;
	p2 =	seq.s32 @!p0 s5, $0x0  }
0x1f: {  	s9 =	smul.u32 $0xF7A, s1;
	s8 =	simm.s32 @!p0 $0x1BF5;
	p2 =	por !p2, p0  }
0x20: {  	[sflag:s8] =	ssyncset.s32 @!p0 $0xFFFFF086;
	s6 =	sadd.s32 @!p0 s3, s7;
	s7 =	simm.s32 @!p0 $0x108  }
0x21: {  	s3 =	sadd.s32 s3, s9;
	s6 =	sadd.s32 @!p0 $0x88, s6;
	s7 =	simm.s32 @p2 $0x1082  }
0x22: {  	[simem:s7], [sflag:s8] =	dma.local @!p0 [hbm:s6], $0xF7A  }
0x23: {  	s9 =	sor.u32 $0xD0000000, s2;
	s6 =	simm.s32 $0x108;
	_ =	swait.ge @!p0 [sflag:s8], $0x0  }
0x24: {  	s3 =	sadd.s32 $0x88, s3;
	s6 =	simm.s32 @!p1 $0x1082;
	[sflag:s4] =	ssyncset.s32 $0xFFFFF086  }
0x25: {  	[simem:s6], [sflag:s4] =	dma.local [hbm:s3], $0xF7A  }
0x26: {  	[smem:$0x3F8D] =	sst s1;
	(tag) =	ssettag s2;
	_ =	strace s9  }
0x27: {  	s1 =	sld [smem:$0x3F9D]  }
0x28: {  	s2 =	sld [smem:$0x3F9E]  }
0x29: {  	s4 =	sld [smem:$0x3FA0]  }
0x2a: {  	p0 =	seq.s32 s5, $0x0;
	s5 =	sld [smem:$0x3FA1]  }
0x2b: {  	s6 =	sld [smem:$0x3FA2]  }
0x2c: {  	s7 =	sld [smem:$0x3FA3]  }
0x2d: {  	s3 =	simm.s32 $0x108;
	s8 =	sld [smem:$0x3FA4]  }
0x2e: {  	s3 =	simm.s32 @!p0 $0x1082;
	s9 =	sld [smem:$0x3FA5]  }
0x2f: {  	lr =	sadd.s32 s0, s3;
	s0 =	sld [smem:$0x3F9C]  }
0x30: {  	s3 =	sld [smem:$0x3F9F]  }
0x31: {  	[smem:$0x3FA8] =	sst s10  }
0x32: {  	s10 =	sld [smem:$0x3FA6];
	_ =	sdelay $0x3  }
0x33: {  	p0 =	seq.s32 s10, $0x1;
	s10 =	sld [smem:$0x3FA8];
	_ =	sdelay $0x3  }
0x34: {  	[smem:$0x3FA8] =	sst s10  }
0x35: {  	s10 =	sld [smem:$0x3FA7];
	_ =	sdelay $0x3  }
0x36: {  	p1 =	seq.s32 s10, $0x1;
	s10 =	sld [smem:$0x3FA8];
	_ =	sdelay $0x3  }
0x37: {  	[smem:$0x3FA8] =	sst s10  }
0x38: {  	s10 =	sld [smem:$0x3FA9]  }
0x39: {  	_ = 	snop;
	(pc) =	sbr.ind lr, $3  }
0x3a: {  	_ = 	snop  }
0x3b: {  	_ = 	snop  }
0x3c: {  	p2 =	seq.s32 s10, $0x1;
	s10 =	sld [smem:$0x3FA8]  }
0x3d: {  	_ =	shalt  }
0x3e: {  	_ =	shalt  }
0x3f: {  	_ =	shalt  }
0x40: {  	_ =	shalt  }
0x41: {  	_ =	shalt  }
0x42: {  	_ =	shalt  }
0x43: {  	_ =	shalt  }
0x44: {  	_ =	shalt  }
0x45: {  	_ =	shalt  }
0x46: {  	_ =	shalt  }
0x47: {  	_ =	shalt  }
0x48: {  	_ =	shalt  }
0x49: {  	_ =	shalt  }
0x4a: {  	_ =	shalt  }
0x4b: {  	_ =	shalt  }
0x4c: {  	_ =	shalt  }
0x4d: {  	_ =	shalt  }
0x4e: {  	_ =	shalt  }
0x4f: {  	_ =	shalt  }
0x50: {  	_ =	shalt  }
0x51: {  	_ =	shalt  }
0x52: {  	_ =	shalt  }
0x53: {  	_ =	shalt  }
0x54: {  	_ =	shalt  }
0x55: {  	_ =	shalt  }
0x56: {  	_ =	shalt  }
0x57: {  	_ =	shalt  }
0x58: {  	_ =	shalt  }
0x59: {  	_ =	shalt  }
0x5a: {  	_ =	shalt  }
0x5b: {  	_ =	shalt  }
0x5c: {  	_ =	shalt  }
0x5d: {  	_ =	shalt  }
0x5e: {  	_ =	shalt  }
0x5f: {  	_ =	shalt  }
0x60: {  	_ =	shalt  }
0x61: {  	_ =	shalt  }
0x62: {  	_ =	shalt  }
0x63: {  	_ =	shalt  }
0x64: {  	_ =	shalt  }
0x65: {  	_ =	shalt  }
0x66: {  	_ =	shalt  }
0x67: {  	_ =	shalt  }
0x68: {  	_ =	shalt  }
0x69: {  	_ =	shalt  }
0x6a: {  	_ =	shalt  }
0x6b: {  	_ =	shalt  }
0x6c: {  	_ =	shalt  }
0x6d: {  	_ =	shalt  }
0x6e: {  	_ =	shalt  }
0x6f: {  	_ =	shalt  }
0x70: {  	_ =	shalt  }
0x71: {  	_ =	shalt  }
0x72: {  	_ =	shalt  }
0x73: {  	_ =	shalt  }
0x74: {  	_ =	shalt  }
0x75: {  	_ =	shalt  }
0x76: {  	_ =	shalt  }
0x77: {  	_ =	shalt  }
0x78: {  	_ =	shalt  }
0x79: {  	_ =	shalt  }
0x7a: {  	_ =	shalt  }
0x7b: {  	_ =	shalt  }
0x7c: {  	_ =	shalt  }
0x7d: {  	_ =	shalt  }
0x7e: {  	_ =	shalt  }
0x7f: {  	_ =	shalt  }
0x80: {  	_ =	shalt  }
0x81: {  	_ =	shalt  }
0x82: {  	_ =	shalt  }
0x83: {  	_ =	shalt  }
0x84: {  	_ =	shalt  }
0x85: {  	_ =	shalt  }
0x86: {  	_ =	shalt  }
0x87: {  	_ =	shalt  }
.Lfunc_end0:
.L_simem_size_0:
called_computation.1_lowered:
.L_overlay_start_0:
0x88: {  	s2 =	sld [smem:$0x3FD9]  }
0x89: {  	s3 =	sld [smem:$0x3FFE];
	_ =	sdelay $0x1  }
0x8a: {  	s1 =	srdreg.scid  }
0x8b: {  	s0 =	sand.u32 $0x1, s1  }
0x8c: {  	s16 =	sshll.u32 s0, $0xA;
	s2 =	sadd.s32 s3, s2  }
0x8d: {  	s2 =	sadd.s32 s2, s16  }
0x8e: {  	[smem:$0x3FB4] =	sst s2  }
0x8f: {  	_ = 	snop  }
0x90: {  	(tm) =	ssettm $0x1  }
0x91: {  	s17 =	sld [smem:$0x3FFB];
	_ =	sdelay $0x3  }
0x92: {  	_ =	strace s17  }
0x93: {  	s2 =	sld [smem:$0x3FFC];
	_ =	sdelay $0x3  }
0x94: {  	_ =	strace s2  }
0x95: {  	s2 =	sld [smem:$0x3FFD];
	_ =	sdelay $0x3  }
0x96: {  	_ =	strace s2  }
0x97: {  	_ =	strace $0x8FFFFFFF  }
0x98: {  	s18 =	sld [smem:$0x3FDB];
	_ =	sdelay $0x1  }
0x99: {  	s19 =	simm.s32 $_scs_section_size  }
0x9a: {  	s4 =	simm.s32 $_size__tile_overlayer_lowered;
	s5 =	simm.s32 $_tile_overlayer_lowered  }
0x9b: {  	s22 =	simm.s32 $0x1BFF;
	s21 =	sshll.u32 s5, $0x1;
	s2 =	sadd.s32 s19, s18  }
0x9c: {  	s6 =	simm.s32 $0x0;
	s20 =	sshll.u32 s4, $0x1;
	s4 =	sadd.s32 s21, s2  }
0x9d: {  	[timem:s6], [sflag:s22] =	dma.local [hbm:s4], s20  }
0x9e: {  	_ =	swait.ge [sflag:s22], s20  }
0x9f: {  	s3 =	ssub.s32 $0x0, s20;
	[sflag:s22] =	ssyncset.done $0x0  }
0xa0: {  	[sflag:s22] =	ssyncadd.s32 s3;
	_ =	sdelay $0x1  }
0xa1: {  	s23 =	simm.s32 $0x1B8B  }
0xa2: {  	_ =	swait.ge [sflag:s23], $0x1  }
0xa3: {  	[sflag:s23] =	ssyncset.done $0x0  }
0xa4: {  	s25 =	simm.s32 $0x1B8E;
	s24 =	sld [smem:$0x3FFE];
	[sflag:s23] =	ssyncadd.s32 $0xFFFFFFFF  }
0xa5: {  	s26 =	simm.s32 $execute0_lowered;
	[smem:$0x3FD2] =	sst s25  }
0xa6: {  	s4 =	sshll.u32 s26, $0x1;
	_ =	strace $0x80000049;
	[dreg:$0x1] =	wrdreg $0xFFFFFFFF  }
0xa7: {  	s28 =	simm.s32 $_size_execute0_lowered;
	s2 =	sadd.s32 s2, s4;
	[dreg:$0x0] =	wrdreg $0x0  }
0xa8: {  	s4 =	sshll.u32 s28, $0x1;
	[dreg:$0x2] =	wrdreg s2  }
0xa9: {  	[dreg:$0x3] =	wrdreg s4  }
0xaa: {  	[dreg:$0x4] =	wrdreg $0xC0  }
0xab: {  	_ =	task [dreg:s6], $0x5FFFF  }
0xac: {  	[dreg:$0x1] =	wrdreg $0xFFFFFFFF  }
0xad: {  	[dreg:$0x0] =	wrdreg $0x60  }
0xae: {  	[dreg:$0x2] =	wrdreg s24  }
0xaf: {  	[dreg:$0x3] =	wrdreg $0x90000  }
0xb0: {  	[dreg:$0x4] =	wrdreg $0x9  }
0xb1: {  	_ =	task.clear_ibuf [dreg:s6], $0x5FFFF;
	_ =	strace $0x90000049  }
0xb2: {  	s29 =	simm.s32 $0x9;
	_ =	strace $0x8000004B  }
0xb3: {  	_ =	swait.ge [sflag:s29], $0x1  }
0xb4: {  	[sflag:s29] =	ssyncadd.s32 $0xFFFFFFFF  }
0xb5: {  	_ =	strace $0x9000004B  }
0xb6: {  	_ =	sfence  }
0xb7: {  	s30 =	sld [smem:$0x0];
	_ =	sdelay $0x2  }
0xb8: {  	s31 =	sshll.u32 s1, $0xD;
	s1 =	sshrl.u32 s1, $0x2  }
0xb9: {  	s3 =	sand.u32 $0x4000, s31;
	s1 =	sadd.s32 s1, s30  }
0xba: {  	s0 =	sor.u32 s3, s0;
	s1 =	sshll.u32 s1, $0x11  }
0xbb: {  	s0 =	sor.u32 s1, s0  }
0xbc: {  	s0 =	sadd.s32 $0x8F2B, s0  }
0xbd: {  	[sflag:s0] =	ssyncadd.remote.s32 $0x1  }
0xbe: {  	_ =	sfence.sel $0xFFFF  }
0xbf: {  	[dreg:$0x0] =	wrdreg $0xFFFFFFFF;
	(pc) =	sbr.abs _section_cstart, $3  }
0xc0: {  	[dreg:$0x1] =	wrdreg $0xFFFFFFFF  }
0xc1: {  	_ =	task.clear_ibuf [dreg:s6], $0x2FFFF;
	_ =	strace $0x9FFFFFFF  }
0xc2: {  	(tm) =	ssettm $0x7FFFFFFF  }
0xc3: {  	_ =	shalt  }
tec
execute0_lowered:
.L_overlay_start_1:
0x0: {  	(tag) =	ssettag $0x1  }
0x1: {  	s0 =	srdreg.scid;
	s5 =	rddreg [dreg:$0x0]  }
0x2: {  	s2 =	rddreg [dreg:$0x1];
	s1 =	stileid.u32  }
0x3: {  	s3 =	simm.s32 $0x0;
	s24 =	simm.s32 $0x2800;
	s25 =	simm.s32 $0x80  }
0x4: {  	s26 =	simm.s32 $0x1;
	s28 =	simm.s32 $0x0;
	s6 =	sand.u32 $0x1, s0  }
0x5: {  	[smem:$0x7FF] =	sst s3;
	s8 =	smul.u32 $0x50000, s1;
	s21 =	sadd.s32 $0x92400, s5  }
0x6: {  	s17 =	smul.u32 $0x14000, s1;
	s4 =	sshll.u32 s6, $0x4;
	_ =	strace $0x8000004A  }
0x7: {  	s30 =	ssub.s32 $0x2, s6;
	s18 =	smul.u32 $0x140000, s6;
	s4 =	sor.u32 s1, s4  }
0x8: {  	s9 =	sshrl.u32 s30, $0x1;
	s8 =	sshrl.u32 s8, $0x2;
	s14 =	sadd.s32 $0x4000, s17  }
0x9: {  	s19 =	sadd.s32 $0x8000, s17;
	s20 =	sadd.s32 $0xC000, s17;
	s22 =	sadd.s32 $0x10000, s17  }
0xa: {  	s7 =	smul.u32 $0x500, s4;
	s4 =	sadd.s32 $0x1B200, s5;
	s9 =	ssub.s32 s30, s9  }
0xb: {  	s12 =	sadd.s32 s18, s17;
	s15 =	sadd.s32 s18, s14;
	s14 =	sadd.s32 s14, s2  }
0xc: {  	s16 =	sadd.s32 s19, s2;
	s19 =	sadd.s32 s18, s19;
	s31 =	sadd.s32 s18, s20  }
0xd: {  	s23 =	sadd.s32 s18, s22;
	s18 =	sadd.s32 s20, s2;
	s20 =	sadd.s32 s22, s2  }
0xe: {  	s22 =	simm.s32 $0x5000;
	s13 =	sshrl.u32 s12, $0x3;
	s15 =	sshrl.u32 s15, $0x3  }
0xf: {  	s19 =	sshrl.u32 s19, $0x3;
	s23 =	sshrl.u32 s23, $0x3;
	s7 =	sadd.s32 s7, s5  }
0x10: {  	s5 =	sadd.s32 s8, s2;
	s8 =	smax.u32 s9, $0x1;
	s13 =	sadd.s32 s21, s13  }
0x11: {  	s15 =	sadd.s32 s21, s15;
	s17 =	sadd.s32 s21, s19;
	s19 =	sshrl.u32 s31, $0x3  }
0x12: {  	s6 =	sadd.s32 $0x7200, s7;
	s7 =	sadd.s32 $0x11200, s7;
	s9 =	sadd.s32 $0x4000, s5  }
0x13: {  	s10 =	sadd.s32 $0x8000, s5;
	s11 =	sadd.s32 $0xC000, s5;
	s12 =	sadd.s32 $0x10000, s5  }
0x14: {  	v0 =	vimm.f32 $0.0e+00;
	s19 =	sadd.s32 s21, s19;
	s21 =	sadd.s32 s21, s23;
	s23 =	simm.s32 $0x2  }
.LBB2_1:
0x15: {  	s29 =	sand.u32 $0xFE00, s3  }
0x16: {  	s30 =	sand.u32 $0x70, s3;
	s31 =	sshrl.u32 s29, $0x2  }
0x17: {  	s29 =	simm.s32 $0x40;
	s31 =	sor.u32 s30, s31;
	s30 =	simm.s32 $0x0  }
.LBB2_2:
0x18: {  	p0 =	sne.s32 s29, $0xFFC0  }
0x19: {  	[tilespmem:s31+$0x5000] =	vst v0;
	s30 =	sadd.s32 $0x10, s30;
	s31 =	smov.u32 s29;
	s29 =	sadd.s32 $0x40, s29  }
.Ltmp0:
0x1a: {  	(pc) =	sbr.rel @p0 .LBB2_2-.Ltmp0, $4  }
0x1b: {  	_ = 	snop  }
0x1c: {  	s31 =	sand.u32 $0xFE00, s31  }
0x1d: {  	s0 =	sand.u32 $0x70, s30;
	s31 =	sshrl.u32 s31, $0x2  }
0x1e: {  	s31 =	sor.u32 s0, s31  }
0x1f: {  	[tilespmem:s31+$0x5000] =	vst v0  }
0x20: {  	[spmem:s5] =	stream.linear.scatter [tilespmem:s22], [sflag:$0x2], $0x4000, $0x38;
	[tilespmem:$0x1D000] =	vst v63  }
0x21: {  	_ =	swait.ge [sflag:s23], $0x4000  }
0x22: {  	[sflag:s23] =	ssyncset.done $0x0  }
0x23: {  	[sflag:s23] =	ssyncadd.s32 $0xFFFFC000  }
0x24: {  	[spmem:s9] =	stream.linear.scatter [tilespmem:s22], [sflag:$0x2], $0x4000, $0x38;
	[tilespmem:$0x1D000] =	vst v63  }
0x25: {  	_ =	swait.ge [sflag:s23], $0x4000  }
0x26: {  	[sflag:s23] =	ssyncset.done $0x0  }
0x27: {  	[sflag:s23] =	ssyncadd.s32 $0xFFFFC000  }
0x28: {  	[spmem:s10] =	stream.linear.scatter [tilespmem:s22], [sflag:$0x2], $0x4000, $0x38;
	[tilespmem:$0x1D000] =	vst v63  }
0x29: {  	_ =	swait.ge [sflag:s23], $0x4000  }
0x2a: {  	[sflag:s23] =	ssyncset.done $0x0  }
0x2b: {  	[sflag:s23] =	ssyncadd.s32 $0xFFFFC000  }
0x2c: {  	[spmem:s11] =	stream.linear.scatter [tilespmem:s22], [sflag:$0x2], $0x4000, $0x38;
	[tilespmem:$0x1D000] =	vst v63  }
0x2d: {  	_ =	swait.ge [sflag:s23], $0x4000  }
0x2e: {  	[sflag:s23] =	ssyncset.done $0x0  }
0x2f: {  	[sflag:s23] =	ssyncadd.s32 $0xFFFFC000  }
0x30: {  	[spmem:s12] =	stream.linear.scatter [tilespmem:s22], [sflag:$0x2], $0x4000, $0x38;
	[tilespmem:$0x1D000] =	vst v63  }
0x31: {  	_ =	swait.ge [sflag:s23], $0x4000  }
0x32: {  	[sflag:s23] =	ssyncset.done $0x0  }
0x33: {  	s0 =	simm.s32 $0x0;
	[sflag:s23] =	ssyncadd.s32 $0xFFFFC000  }
0x34: {  	[tilespmem:s0], [sflag:$0x2] =	stream.linear.gather [hbm4b:s6+s0], $0x2780, $0x38;
	[tilespmem:$0x1D000] =	vst v63  }
0x35: {  	_ =	swait.ge [sflag:s23], $0x2780  }
0x36: {  	[sflag:s23] =	ssyncset.done $0x0  }
0x37: {  	[sflag:s23] =	ssyncadd.s32 $0xFFFFD880  }
0x38: {  	[tilespmem:s24], [sflag:$0x2] =	stream.linear.gather [hbm4b:s7+s0], $0x2780, $0x38;
	[tilespmem:$0x1D000] =	vst v63  }
0x39: {  	_ =	swait.ge [sflag:s23], $0x2780  }
0x3a: {  	[sflag:s23] =	ssyncset.done $0x0  }
0x3b: {  	[sflag:s23] =	ssyncadd.s32 $0xFFFFD880  }
0x3c: {  	s31 =	simm.s32 $0x0;
	[bflag:$0x0] =	sbarrier.arrive $0xFFFF  }
0x3d: {  	[tilespmem:s22], [sflag:$0x1] =	stream.indirect.gather [hbm4b:s4+s25], $0x80, s31, s25, $0xb8;
	[tilespmem:$0x1D000] =	vst v63  }
0x3e: {  	_ =	swait.ge [sflag:s26], $0x4000  }
0x3f: {  	[sflag:s26] =	ssyncset.done $0x0  }
0x40: {  	s31 =	simm.s32 $0x2800;
	[sflag:s26] =	ssyncadd.s32 $0xFFFFC000  }
0x41: {  	[spmem:s2] =	stream.indirect.scatter.add.f32 [tilespmem:s22], [sflag:$0x2], $0x80, s31, s25, $0xb8;
	[tilespmem:$0x1D000] =	vst v63  }
0x42: {  	_ =	swait.ge [sflag:s23], $0x4000  }
0x43: {  	s29 =	simm.s32 $0x200;
	s30 =	simm.s32 $0x400;
	[sflag:s23] =	ssyncset.done $0x0  }
.LBB2_4:
0x44: {  	s0 =	sshra.s32 s29, $0x2  }
0x45: {  	[sflag:s23] =	ssyncadd.s32 $0xFFFFC000;
	s29 =	smov.u32 s30;
	s31 =	sadd.s32 $0x200, s30  }
0x46: {  	[tilespmem:s22], [sflag:$0x1] =	stream.indirect.gather [hbm4b:s4+s25], $0x80, s0, s25, $0xb8;
	[tilespmem:$0x1D000] =	vst v63  }
0x47: {  	p0 =	sne.s32 s30, $0x9C00;
	_ =	swait.ge [sflag:s26], $0x4000  }
.Ltmp1:
0x48: {  	[sflag:s26] =	ssyncset.done $0x0;
	(pc) =	sbr.rel @p0 .LBB2_4-.Ltmp1, $4  }
0x49: {  	s0 =	sadd.s32 $0x2800, s0;
	[sflag:s26] =	ssyncadd.s32 $0xFFFFC000  }
0x4a: {  	[spmem:s2] =	stream.indirect.scatter.add.f32 [tilespmem:s22], [sflag:$0x2], $0x80, s0, s25, $0xb8;
	[tilespmem:$0x1D000] =	vst v63  }
0x4b: {  	_ =	swait.ge [sflag:s23], $0x4000  }
0x4c: {  	s30 =	smov.u32 s31;
	[sflag:s23] =	ssyncset.done $0x0  }
0x4d: {  	s0 =	sshra.s32 s29, $0x2;
	[sflag:s23] =	ssyncadd.s32 $0xFFFFC000  }
0x4e: {  	[tilespmem:s22], [sflag:$0x1] =	stream.indirect.gather [hbm4b:s4+s25], $0x80, s0, s25, $0xb8;
	[tilespmem:$0x1D000] =	vst v63  }
0x4f: {  	_ =	swait.ge [sflag:s26], $0x4000  }
0x50: {  	[sflag:s26] =	ssyncset.done $0x0  }
0x51: {  	s0 =	sadd.s32 $0x2800, s0;
	[sflag:s26] =	ssyncadd.s32 $0xFFFFC000  }
0x52: {  	[spmem:s2] =	stream.indirect.scatter.add.f32 [tilespmem:s22], [sflag:$0x2], $0x80, s0, s25, $0xb8;
	[tilespmem:$0x1D000] =	vst v63  }
0x53: {  	_ =	swait.ge [sflag:s23], $0x4000  }
0x54: {  	[sflag:s23] =	ssyncset.done $0x0  }
0x55: {  	[sflag:s23] =	ssyncadd.s32 $0xFFFFC000  }
0x56: {  	[bflag:$0x0] =	sbarrier.arrive $0xFFFF  }
0x57: {  	[tilespmem:s22], [sflag:$0x2] =	stream.linear.gather [spmem:s5], $0x4000, $0x38;
	[tilespmem:$0x1D000] =	vst v63  }
0x58: {  	_ =	swait.ge [sflag:s23], $0x4000  }
0x59: {  	[sflag:s23] =	ssyncset.done $0x0  }
0x5a: {  	[sflag:s23] =	ssyncadd.s32 $0xFFFFC000  }
0x5b: {  	[hbm4b:s13+s3] =	stream.linear.scatter [tilespmem:s22], [sflag:$0x2], $0x4000, $0x38;
	[tilespmem:$0x1D000] =	vst v63  }
0x5c: {  	_ =	swait.ge [sflag:s23], $0x4000  }
0x5d: {  	[sflag:s23] =	ssyncset.done $0x0  }
0x5e: {  	[sflag:s23] =	ssyncadd.s32 $0xFFFFC000  }
0x5f: {  	[tilespmem:s22], [sflag:$0x2] =	stream.linear.gather [spmem:s14], $0x4000, $0x38;
	[tilespmem:$0x1D000] =	vst v63  }
0x60: {  	_ =	swait.ge [sflag:s23], $0x4000  }
0x61: {  	[sflag:s23] =	ssyncset.done $0x0  }
0x62: {  	[sflag:s23] =	ssyncadd.s32 $0xFFFFC000  }
0x63: {  	[hbm4b:s15+s3] =	stream.linear.scatter [tilespmem:s22], [sflag:$0x2], $0x4000, $0x38;
	[tilespmem:$0x1D000] =	vst v63  }
0x64: {  	_ =	swait.ge [sflag:s23], $0x4000  }
0x65: {  	[sflag:s23] =	ssyncset.done $0x0  }
0x66: {  	[sflag:s23] =	ssyncadd.s32 $0xFFFFC000  }
0x67: {  	[tilespmem:s22], [sflag:$0x2] =	stream.linear.gather [spmem:s16], $0x4000, $0x38;
	[tilespmem:$0x1D000] =	vst v63  }
0x68: {  	_ =	swait.ge [sflag:s23], $0x4000  }
0x69: {  	[sflag:s23] =	ssyncset.done $0x0  }
0x6a: {  	[sflag:s23] =	ssyncadd.s32 $0xFFFFC000  }
0x6b: {  	[hbm4b:s17+s3] =	stream.linear.scatter [tilespmem:s22], [sflag:$0x2], $0x4000, $0x38;
	[tilespmem:$0x1D000] =	vst v63  }
0x6c: {  	_ =	swait.ge [sflag:s23], $0x4000  }
0x6d: {  	[sflag:s23] =	ssyncset.done $0x0  }
0x6e: {  	[sflag:s23] =	ssyncadd.s32 $0xFFFFC000  }
0x6f: {  	[tilespmem:s22], [sflag:$0x2] =	stream.linear.gather [spmem:s18], $0x4000, $0x38;
	[tilespmem:$0x1D000] =	vst v63  }
0x70: {  	_ =	swait.ge [sflag:s23], $0x4000  }
0x71: {  	[sflag:s23] =	ssyncset.done $0x0  }
0x72: {  	[sflag:s23] =	ssyncadd.s32 $0xFFFFC000  }
0x73: {  	[hbm4b:s19+s3] =	stream.linear.scatter [tilespmem:s22], [sflag:$0x2], $0x4000, $0x38;
	[tilespmem:$0x1D000] =	vst v63  }
0x74: {  	_ =	swait.ge [sflag:s23], $0x4000  }
0x75: {  	[sflag:s23] =	ssyncset.done $0x0  }
0x76: {  	[sflag:s23] =	ssyncadd.s32 $0xFFFFC000  }
0x77: {  	[tilespmem:s22], [sflag:$0x2] =	stream.linear.gather [spmem:s20], $0x4000, $0x38;
	[tilespmem:$0x1D000] =	vst v63  }
0x78: {  	s28 =	sadd.s32 $0x1, s28;
	_ =	swait.ge [sflag:s23], $0x4000  }
0x79: {  	p0 =	sne.s32 s28, s8;
	[sflag:s23] =	ssyncset.done $0x0  }
.Ltmp2:
0x7a: {  	[sflag:s23] =	ssyncadd.s32 $0xFFFFC000;
	(pc) =	sbr.rel @p0 .LBB2_1-.Ltmp2, $4  }
0x7b: {  	[hbm4b:s21+s3] =	stream.linear.scatter [tilespmem:s22], [sflag:$0x2], $0x4000, $0x38;
	[tilespmem:$0x1D000] =	vst v63  }
0x7c: {  	_ =	swait.ge [sflag:s23], $0x4000  }
0x7d: {  	[sflag:s23] =	ssyncset.done $0x0  }
0x7e: {  	[sflag:s23] =	ssyncadd.s32 $0xFFFFC000  }
0x7f: {  	_ =	sfence.sel $0x180000  }
0x80: {  	[bflag:$0x0] =	sbarrier.arrive $0xFFFF  }
0x81: {  	_ =	strace $0x9000004A  }
0x82: {  	[bflag:$0x2] =	sbarrier.arrive $0xFFFF  }
0x83: {  	p0 =	sne.s32 s1, $0x0;
	s0 =	rddreg [dreg:$0x2]  }
0x84: {  	s0 =	sadd.s32 @!p0 $0x100000, s0  }
0x85: {  	[sflag:s0] =	ssyncadd.tile.s32 @!p0 $0x1;
	_ =	shalt  }
.Lfunc_end2:
_tile_overlayer_lowered:
.L_overlay_start_2:
0x86: {  	(tag) =	ssettag $0x2  }
0x87: {  	s0 =	rddreg [dreg:$0x0];
	s2 =	stileid.u32  }
0x88: {  	s1 =	rddreg [dreg:$0x1];
	p0 =	sne.s32 s2, $0x0  }
0x89: {  	s3 =	rddreg [dreg:$0x2];
	[bflag:$0x3] =	sbarrier.arrive $0xFFFF;
	s2 =	simm.s32 @!p0 $0x1C02  }
0x8a: {  	[timem:s3], [sflag:s2] =	dma.local @!p0 [hbm:s0], s1  }
0x8b: {  	s0 =	simm.s32 @!p0 $0x2  }
0x8c: {  	_ =	swait.ge @!p0 [sflag:s0], s1  }
0x8d: {  	s1 =	ssub.s32 @!p0 $0x0, s1;
	[sflag:s0] =	ssyncset.done @!p0 $0x0  }
0x8e: {  	[sflag:s0] =	ssyncadd.s32 @!p0 s1  }
0x8f: {  	[bflag:$0x3] =	sbarrier.arrive $0xFFFF  }
0x90: {  	_ =	shalt  }

// kernel: kernel.23.cloned.1.call-start
scs
__scs_entry_jumppad:
0x0: {  	(pc) =	sbr.rel $0x88, $3  }
0x1: {  	(tag) =	ssettag $0x0;
	lr =	simm.s32 $0x1  }
0x2: {  	[smem:$0x3F8D] =	sst lr;
	_ =	strace $0xD0000000  }
0x3: {  	_ = 	snop  }
0x4: {  	_ = 	snop  }
0x5: {  	_ = 	snop  }
0x6: {  	_ = 	snop  }
0x7: {  	_ = 	snop  }
__scs_overlays_trampoline_lowered:
0x8: {  	[smem:$0x3F9C] =	sst s0  }
0x9: {  	[smem:$0x3F9D] =	sst s1  }
0xa: {  	[smem:$0x3F9E] =	sst s2  }
0xb: {  	[smem:$0x3F9F] =	sst s3  }
0xc: {  	[smem:$0x3FA0] =	sst s4  }
0xd: {  	[smem:$0x3FA1] =	sst s5  }
0xe: {  	[smem:$0x3FA2] =	sst s6  }
0xf: {  	[smem:$0x3FA3] =	sst s7  }
0x10: {  	[smem:$0x3FA4] =	sst s8  }
0x11: {  	[smem:$0x3FA5] =	sst s9;
	s0 =	simm.s32 @!p0 $0x0  }
0x12: {  	s1 =	sld [smem:$0x3F8B];
	s0 =	simm.s32 @p0 $0x1  }
0x13: {  	[smem:$0x3FA6] =	sst s0;
	s0 =	simm.s32 @!p1 $0x0  }
0x14: {  	s2 =	sld [smem:$0x3F8A];
	s0 =	simm.s32 @p1 $0x1  }
0x15: {  	[smem:$0x3FA7] =	sst s0;
	s0 =	simm.s32 @!p2 $0x0  }
0x16: {  	s3 =	sld [smem:$0x3FDB];
	s0 =	simm.s32 @p2 $0x1  }
0x17: {  	s4 =	simm.s32 $0x1BF5;
	[smem:$0x3FA9] =	sst s0  }
0x18: {  	s0 =	sld [smem:$0x3F8C];
	_ =	swait.ge [sflag:s4], $0x0  }
0x19: {  	s7 =	sld [smem:$0x3F8D]  }
0x1a: {  	s8 =	sadd.s32 $0xFFFFE003, lr  }
0x1b: {  	s9 =	sadd.s32 $0xFFFFFEF7, lr;
	s5 =	simm.s32 $0xFFFFFFFF;
	p2 =	slt.u32 s8, $0xFFFFF086  }
0x1c: {  	p1 =	slt.u32 s9, $0xF7A;
	s5 =	simm.s32 @!p2 $0x0  }
0x1d: {  	s5 =	simm.s32 @p1 $0x1;
	p0 =	seq.s32 s7, s2  }
0x1e: {  	s7 =	smul.u32 @!p0 $0xF7A, s2;
	p2 =	seq.s32 @!p0 s5, $0x0  }
0x1f: {  	s9 =	smul.u32 $0xF7A, s1;
	s8 =	simm.s32 @!p0 $0x1BF5;
	p2 =	por !p2, p0  }
0x20: {  	[sflag:s8] =	ssyncset.s32 @!p0 $0xFFFFF086;
	s6 =	sadd.s32 @!p0 s3, s7;
	s7 =	simm.s32 @!p0 $0x108  }
0x21: {  	s3 =	sadd.s32 s3, s9;
	s6 =	sadd.s32 @!p0 $0x88, s6;
	s7 =	simm.s32 @p2 $0x1082  }
0x22: {  	[simem:s7], [sflag:s8] =	dma.local @!p0 [hbm:s6], $0xF7A  }
0x23: {  	s9 =	sor.u32 $0xD0000000, s2;
	s6 =	simm.s32 $0x108;
	_ =	swait.ge @!p0 [sflag:s8], $0x0  }
0x24: {  	s3 =	sadd.s32 $0x88, s3;
	s6 =	simm.s32 @!p1 $0x1082;
	[sflag:s4] =	ssyncset.s32 $0xFFFFF086  }
0x25: {  	[simem:s6], [sflag:s4] =	dma.local [hbm:s3], $0xF7A  }
0x26: {  	[smem:$0x3F8D] =	sst s1;
	(tag) =	ssettag s2;
	_ =	strace s9  }
0x27: {  	s1 =	sld [smem:$0x3F9D]  }
0x28: {  	s2 =	sld [smem:$0x3F9E]  }
0x29: {  	s4 =	sld [smem:$0x3FA0]  }
0x2a: {  	p0 =	seq.s32 s5, $0x0;
	s5 =	sld [smem:$0x3FA1]  }
0x2b: {  	s6 =	sld [smem:$0x3FA2]  }
0x2c: {  	s7 =	sld [smem:$0x3FA3]  }
0x2d: {  	s3 =	simm.s32 $0x108;
	s8 =	sld [smem:$0x3FA4]  }
0x2e: {  	s3 =	simm.s32 @!p0 $0x1082;
	s9 =	sld [smem:$0x3FA5]  }
0x2f: {  	lr =	sadd.s32 s0, s3;
	s0 =	sld [smem:$0x3F9C]  }
0x30: {  	s3 =	sld [smem:$0x3F9F]  }
0x31: {  	[smem:$0x3FA8] =	sst s10  }
0x32: {  	s10 =	sld [smem:$0x3FA6];
	_ =	sdelay $0x3  }
0x33: {  	p0 =	seq.s32 s10, $0x1;
	s10 =	sld [smem:$0x3FA8];
	_ =	sdelay $0x3  }
0x34: {  	[smem:$0x3FA8] =	sst s10  }
0x35: {  	s10 =	sld [smem:$0x3FA7];
	_ =	sdelay $0x3  }
0x36: {  	p1 =	seq.s32 s10, $0x1;
	s10 =	sld [smem:$0x3FA8];
	_ =	sdelay $0x3  }
0x37: {  	[smem:$0x3FA8] =	sst s10  }
0x38: {  	s10 =	sld [smem:$0x3FA9]  }
0x39: {  	_ = 	snop;
	(pc) =	sbr.ind lr, $3  }
0x3a: {  	_ = 	snop  }
0x3b: {  	_ = 	snop  }
0x3c: {  	p2 =	seq.s32 s10, $0x1;
	s10 =	sld [smem:$0x3FA8]  }
0x3d: {  	_ =	shalt  }
0x3e: {  	_ =	shalt  }
0x3f: {  	_ =	shalt  }
0x40: {  	_ =	shalt  }
0x41: {  	_ =	shalt  }
0x42: {  	_ =	shalt  }
0x43: {  	_ =	shalt  }
0x44: {  	_ =	shalt  }
0x45: {  	_ =	shalt  }
0x46: {  	_ =	shalt  }
0x47: {  	_ =	shalt  }
0x48: {  	_ =	shalt  }
0x49: {  	_ =	shalt  }
0x4a: {  	_ =	shalt  }
0x4b: {  	_ =	shalt  }
0x4c: {  	_ =	shalt  }
0x4d: {  	_ =	shalt  }
0x4e: {  	_ =	shalt  }
0x4f: {  	_ =	shalt  }
0x50: {  	_ =	shalt  }
0x51: {  	_ =	shalt  }
0x52: {  	_ =	shalt  }
0x53: {  	_ =	shalt  }
0x54: {  	_ =	shalt  }
0x55: {  	_ =	shalt  }
0x56: {  	_ =	shalt  }
0x57: {  	_ =	shalt  }
0x58: {  	_ =	shalt  }
0x59: {  	_ =	shalt  }
0x5a: {  	_ =	shalt  }
0x5b: {  	_ =	shalt  }
0x5c: {  	_ =	shalt  }
0x5d: {  	_ =	shalt  }
0x5e: {  	_ =	shalt  }
0x5f: {  	_ =	shalt  }
0x60: {  	_ =	shalt  }
0x61: {  	_ =	shalt  }
0x62: {  	_ =	shalt  }
0x63: {  	_ =	shalt  }
0x64: {  	_ =	shalt  }
0x65: {  	_ =	shalt  }
0x66: {  	_ =	shalt  }
0x67: {  	_ =	shalt  }
0x68: {  	_ =	shalt  }
0x69: {  	_ =	shalt  }
0x6a: {  	_ =	shalt  }
0x6b: {  	_ =	shalt  }
0x6c: {  	_ =	shalt  }
0x6d: {  	_ =	shalt  }
0x6e: {  	_ =	shalt  }
0x6f: {  	_ =	shalt  }
0x70: {  	_ =	shalt  }
0x71: {  	_ =	shalt  }
0x72: {  	_ =	shalt  }
0x73: {  	_ =	shalt  }
0x74: {  	_ =	shalt  }
0x75: {  	_ =	shalt  }
0x76: {  	_ =	shalt  }
0x77: {  	_ =	shalt  }
0x78: {  	_ =	shalt  }
0x79: {  	_ =	shalt  }
0x7a: {  	_ =	shalt  }
0x7b: {  	_ =	shalt  }
0x7c: {  	_ =	shalt  }
0x7d: {  	_ =	shalt  }
0x7e: {  	_ =	shalt  }
0x7f: {  	_ =	shalt  }
0x80: {  	_ =	shalt  }
0x81: {  	_ =	shalt  }
0x82: {  	_ =	shalt  }
0x83: {  	_ =	shalt  }
0x84: {  	_ =	shalt  }
0x85: {  	_ =	shalt  }
0x86: {  	_ =	shalt  }
0x87: {  	_ =	shalt  }
.Lfunc_end0:
.L_simem_size_0:
called_computation.2_lowered:
.L_overlay_start_0:
0x88: {  	s2 =	sld [smem:$0x3FD9]  }
0x89: {  	s3 =	sld [smem:$0x3FFE];
	_ =	sdelay $0x1  }
0x8a: {  	s1 =	srdreg.scid  }
0x8b: {  	s0 =	sand.u32 $0x1, s1  }
0x8c: {  	s17 =	sshll.u32 s0, $0xA;
	s2 =	sadd.s32 s3, s2  }
0x8d: {  	s2 =	sadd.s32 s2, s17  }
0x8e: {  	[smem:$0x3FB4] =	sst s2  }
0x8f: {  	_ = 	snop  }
0x90: {  	(tm) =	ssettm $0x1  }
0x91: {  	s18 =	sld [smem:$0x3FFB];
	_ =	sdelay $0x3  }
0x92: {  	_ =	strace s18  }
0x93: {  	s2 =	sld [smem:$0x3FFC];
	_ =	sdelay $0x3  }
0x94: {  	_ =	strace s2  }
0x95: {  	s2 =	sld [smem:$0x3FFD];
	_ =	sdelay $0x3  }
0x96: {  	_ =	strace s2  }
0x97: {  	_ =	strace $0x8FFFFFFF  }
0x98: {  	s19 =	sld [smem:$0x3FDB];
	_ =	sdelay $0x1  }
0x99: {  	s20 =	simm.s32 $_scs_section_size  }
0x9a: {  	s4 =	simm.s32 $_size__tile_overlayer_lowered;
	s5 =	simm.s32 $_tile_overlayer_lowered  }
0x9b: {  	s6 =	simm.s32 $0x1BFF;
	s21 =	sshll.u32 s5, $0x1;
	s3 =	sadd.s32 s20, s19  }
0x9c: {  	s22 =	simm.s32 $0x0;
	s4 =	sshll.u32 s4, $0x1;
	s5 =	sadd.s32 s21, s3  }
0x9d: {  	[timem:s22], [sflag:s6] =	dma.local [hbm:s5], s4  }
0x9e: {  	_ =	swait.ge [sflag:s6], s4  }
0x9f: {  	s4 =	ssub.s32 $0x0, s4;
	[sflag:s6] =	ssyncset.done $0x0  }
0xa0: {  	[sflag:s6] =	ssyncadd.s32 s4;
	_ =	sdelay $0x1  }
0xa1: {  	s23 =	simm.s32 $0x1B8B  }
0xa2: {  	_ =	swait.ge [sflag:s23], $0x1  }
0xa3: {  	[sflag:s23] =	ssyncset.done $0x0  }
0xa4: {  	[sflag:s23] =	ssyncadd.s32 $0xFFFFFFFF  }
0xa5: {  	s4 =	sld [smem:$0x0]  }
0xa6: {  	s5 =	sand.u32 $0xFFFFFFFE, s1  }
0xa7: {  	p0 =	sne.s32 s1, s5  }
0xa8: {  	s5 =	sshll.u32 @p0 s5, $0xE  }
0xa9: {  	s5 =	sadd.s32 @p0 $0x11B8D, s5;
	s6 =	sshll.u32 @p0 s4, $0x11  }
0xaa: {  	s5 =	sor.u32 @p0 s6, s5  }
0xab: {  	[sflag:s5] =	ssyncadd.remote.s32 @p0 $0x1;
	_ =	sdelay $0x1  }
0xac: {  	s5 =	simm.s32 @p0 $0x1B8D  }
0xad: {  	_ =	swait.eq @p0 [sflag:s5], $0x1  }
0xae: {  	[sflag:s5] =	ssyncadd.s32 @p0 $0xFFFFFFFF  }
0xaf: {  	s6 =	sshll.u32 @!p0 s1, $0xE  }
0xb0: {  	s6 =	sor.u32 @!p0 $0x4000, s6;
	s5 =	simm.s32 @!p0 $0x1B8D  }
0xb1: {  	s4 =	sshll.u32 @!p0 s4, $0x11;
	s6 =	sadd.s32 @!p0 $0x11B8D, s6;
	_ =	swait.eq @!p0 [sflag:s5], $0x1  }
0xb2: {  	s4 =	sor.u32 @!p0 s4, s6;
	[sflag:s5] =	ssyncadd.s32 @!p0 $0xFFFFFFFF  }
0xb3: {  	s25 =	simm.s32 $0x1B8E;
	s24 =	sld [smem:$0x3FFE];
	[sflag:s4] =	ssyncadd.remote.s32 @!p0 $0x1  }
0xb4: {  	s26 =	simm.s32 $execute0_lowered;
	[smem:$0x3FD2] =	sst s25  }
0xb5: {  	s5 =	sshll.u32 s26, $0x1;
	_ =	strace $0x8000004F;
	[dreg:$0x1] =	wrdreg $0xFFFFFFFF  }
0xb6: {  	s28 =	simm.s32 $_size_execute0_lowered;
	s3 =	sadd.s32 s3, s5;
	[dreg:$0x0] =	wrdreg $0x0  }
0xb7: {  	s5 =	sshll.u32 s28, $0x1;
	[dreg:$0x2] =	wrdreg s3  }
0xb8: {  	[dreg:$0x3] =	wrdreg s5  }
0xb9: {  	[dreg:$0x4] =	wrdreg $0xC0  }
0xba: {  	_ =	task [dreg:s22], $0x5FFFF  }
0xbb: {  	[dreg:$0x1] =	wrdreg $0xFFFFFFFF  }
0xbc: {  	[dreg:$0x0] =	wrdreg $0x60  }
0xbd: {  	[dreg:$0x2] =	wrdreg s24  }
0xbe: {  	[dreg:$0x3] =	wrdreg $0x90000  }
0xbf: {  	[dreg:$0x4] =	wrdreg $0x9  }
0xc0: {  	_ =	task.clear_ibuf [dreg:s22], $0x5FFFF;
	_ =	strace $0x9000004F  }
0xc1: {  	s29 =	simm.s32 $0x9;
	_ =	strace $0x80000051  }
0xc2: {  	_ =	swait.ge [sflag:s29], $0x1  }
0xc3: {  	[sflag:s29] =	ssyncadd.s32 $0xFFFFFFFF  }
0xc4: {  	_ =	strace $0x90000051  }
0xc5: {  	_ =	sfence  }
0xc6: {  	s30 =	sld [smem:$0x0];
	_ =	sdelay $0x2  }
0xc7: {  	s31 =	sshll.u32 s1, $0xD;
	s1 =	sshrl.u32 s1, $0x2  }
0xc8: {  	s4 =	sand.u32 $0x4000, s31;
	s1 =	sadd.s32 s1, s30  }
0xc9: {  	s0 =	sor.u32 s4, s0;
	s1 =	sshll.u32 s1, $0x11  }
0xca: {  	s0 =	sor.u32 s1, s0  }
0xcb: {  	s0 =	sadd.s32 $0x8F2B, s0  }
0xcc: {  	[sflag:s0] =	ssyncadd.remote.s32 $0x1  }
0xcd: {  	_ =	sfence.sel $0xFFFF  }
0xce: {  	[dreg:$0x0] =	wrdreg $0xFFFFFFFF;
	(pc) =	sbr.abs _section_cstart, $3  }
0xcf: {  	[dreg:$0x1] =	wrdreg $0xFFFFFFFF  }
0xd0: {  	_ =	task.clear_ibuf [dreg:s22], $0x2FFFF;
	_ =	strace $0x9FFFFFFF  }
0xd1: {  	(tm) =	ssettm $0x7FFFFFFF  }
tec
execute0_lowered:
.L_overlay_start_1:
0x0: {  	(tag) =	ssettag $0x1  }
0x1: {  	s0 =	srdreg.scid;
	s5 =	rddreg [dreg:$0x0]  }
0x2: {  	s2 =	rddreg [dreg:$0x1];
	s1 =	stileid.u32  }
0x3: {  	s3 =	simm.s32 $0x0;
	s24 =	simm.s32 $0x2800;
	s25 =	simm.s32 $0x80  }
0x4: {  	s26 =	simm.s32 $0x1;
	s28 =	simm.s32 $0x0;
	s6 =	sand.u32 $0x1, s0  }
0x5: {  	[smem:$0x7FF] =	sst s3;
	s8 =	smul.u32 $0x50000, s1;
	s21 =	sadd.s32 $0x109600, s5  }
0x6: {  	s17 =	smul.u32 $0x14000, s1;
	s4 =	sshll.u32 s6, $0x4;
	_ =	strace $0x80000050  }
0x7: {  	s30 =	ssub.s32 $0x2, s6;
	s18 =	smul.u32 $0x140000, s6;
	s4 =	sor.u32 s1, s4  }
0x8: {  	s9 =	sshrl.u32 s30, $0x1;
	s8 =	sshrl.u32 s8, $0x2;
	s14 =	sadd.s32 $0x4000, s17  }
0x9: {  	s19 =	sadd.s32 $0x8000, s17;
	s20 =	sadd.s32 $0xC000, s17;
	s22 =	sadd.s32 $0x10000, s17  }
0xa: {  	s7 =	smul.u32 $0x500, s4;
	s4 =	sadd.s32 $0x92400, s5;
	s9 =	ssub.s32 s30, s9  }
0xb: {  	s12 =	sadd.s32 s18, s17;
	s15 =	sadd.s32 s18, s14;
	s14 =	sadd.s32 s14, s2  }
0xc: {  	s16 =	sadd.s32 s19, s2;
	s19 =	sadd.s32 s18, s19;
	s31 =	sadd.s32 s18, s20  }
0xd: {  	s23 =	sadd.s32 s18, s22;
	s18 =	sadd.s32 s20, s2;
	s20 =	sadd.s32 s22, s2  }
0xe: {  	s22 =	simm.s32 $0x5000;
	s13 =	sshrl.u32 s12, $0x3;
	s15 =	sshrl.u32 s15, $0x3  }
0xf: {  	s19 =	sshrl.u32 s19, $0x3;
	s23 =	sshrl.u32 s23, $0x3;
	s7 =	sadd.s32 s7, s5  }
0x10: {  	s5 =	sadd.s32 s8, s2;
	s8 =	smax.u32 s9, $0x1;
	s13 =	sadd.s32 s21, s13  }
0x11: {  	s15 =	sadd.s32 s21, s15;
	s17 =	sadd.s32 s21, s19;
	s19 =	sshrl.u32 s31, $0x3  }
0x12: {  	s6 =	sadd.s32 $0x7200, s7;
	s7 =	sadd.s32 $0x11200, s7;
	s9 =	sadd.s32 $0x4000, s5  }
0x13: {  	s10 =	sadd.s32 $0x8000, s5;
	s11 =	sadd.s32 $0xC000, s5;
	s12 =	sadd.s32 $0x10000, s5  }
0x14: {  	v0 =	vimm.f32 $0.0e+00;
	s19 =	sadd.s32 s21, s19;
	s21 =	sadd.s32 s21, s23;
	s23 =	simm.s32 $0x2  }
.LBB2_1:
0x15: {  	s29 =	sand.u32 $0xFE00, s3  }
0x16: {  	s30 =	sand.u32 $0x70, s3;
	s31 =	sshrl.u32 s29, $0x2  }
0x17: {  	s29 =	simm.s32 $0x40;
	s31 =	sor.u32 s30, s31;
	s30 =	simm.s32 $0x0  }
.LBB2_2:
0x18: {  	p0 =	sne.s32 s29, $0xFFC0  }
0x19: {  	[tilespmem:s31+$0x5000] =	vst v0;
	s30 =	sadd.s32 $0x10, s30;
	s31 =	smov.u32 s29;
	s29 =	sadd.s32 $0x40, s29  }
.Ltmp0:
0x1a: {  	(pc) =	sbr.rel @p0 .LBB2_2-.Ltmp0, $4  }
0x1b: {  	_ = 	snop  }
0x1c: {  	s31 =	sand.u32 $0xFE00, s31  }
0x1d: {  	s0 =	sand.u32 $0x70, s30;
	s31 =	sshrl.u32 s31, $0x2  }
0x1e: {  	s31 =	sor.u32 s0, s31  }
0x1f: {  	[tilespmem:s31+$0x5000] =	vst v0  }
0x20: {  	[spmem:s5] =	stream.linear.scatter [tilespmem:s22], [sflag:$0x2], $0x4000, $0x38;
	[tilespmem:$0x1D000] =	vst v63  }
0x21: {  	_ =	swait.ge [sflag:s23], $0x4000  }
0x22: {  	[sflag:s23] =	ssyncset.done $0x0  }
0x23: {  	[sflag:s23] =	ssyncadd.s32 $0xFFFFC000  }
0x24: {  	[spmem:s9] =	stream.linear.scatter [tilespmem:s22], [sflag:$0x2], $0x4000, $0x38;
	[tilespmem:$0x1D000] =	vst v63  }
0x25: {  	_ =	swait.ge [sflag:s23], $0x4000  }
0x26: {  	[sflag:s23] =	ssyncset.done $0x0  }
0x27: {  	[sflag:s23] =	ssyncadd.s32 $0xFFFFC000  }
0x28: {  	[spmem:s10] =	stream.linear.scatter [tilespmem:s22], [sflag:$0x2], $0x4000, $0x38;
	[tilespmem:$0x1D000] =	vst v63  }
0x29: {  	_ =	swait.ge [sflag:s23], $0x4000  }
0x2a: {  	[sflag:s23] =	ssyncset.done $0x0  }
0x2b: {  	[sflag:s23] =	ssyncadd.s32 $0xFFFFC000  }
0x2c: {  	[spmem:s11] =	stream.linear.scatter [tilespmem:s22], [sflag:$0x2], $0x4000, $0x38;
	[tilespmem:$0x1D000] =	vst v63  }
0x2d: {  	_ =	swait.ge [sflag:s23], $0x4000  }
0x2e: {  	[sflag:s23] =	ssyncset.done $0x0  }
0x2f: {  	[sflag:s23] =	ssyncadd.s32 $0xFFFFC000  }
0x30: {  	[spmem:s12] =	stream.linear.scatter [tilespmem:s22], [sflag:$0x2], $0x4000, $0x38;
	[tilespmem:$0x1D000] =	vst v63  }
0x31: {  	_ =	swait.ge [sflag:s23], $0x4000  }
0x32: {  	[sflag:s23] =	ssyncset.done $0x0  }
0x33: {  	s0 =	simm.s32 $0x0;
	[sflag:s23] =	ssyncadd.s32 $0xFFFFC000  }
0x34: {  	[tilespmem:s0], [sflag:$0x2] =	stream.linear.gather [hbm4b:s6+s0], $0x2780, $0x38;
	[tilespmem:$0x1D000] =	vst v63  }
0x35: {  	_ =	swait.ge [sflag:s23], $0x2780  }
0x36: {  	[sflag:s23] =	ssyncset.done $0x0  }
0x37: {  	[sflag:s23] =	ssyncadd.s32 $0xFFFFD880  }
0x38: {  	[tilespmem:s24], [sflag:$0x2] =	stream.linear.gather [hbm4b:s7+s0], $0x2780, $0x38;
	[tilespmem:$0x1D000] =	vst v63  }
0x39: {  	_ =	swait.ge [sflag:s23], $0x2780  }
0x3a: {  	[sflag:s23] =	ssyncset.done $0x0  }
0x3b: {  	[sflag:s23] =	ssyncadd.s32 $0xFFFFD880  }
0x3c: {  	s31 =	simm.s32 $0x0;
	[bflag:$0x0] =	sbarrier.arrive $0xFFFF  }
0x3d: {  	[tilespmem:s22], [sflag:$0x1] =	stream.indirect.gather [hbm4b:s4+s25], $0x80, s31, s25, $0xb8;
	[tilespmem:$0x1D000] =	vst v63  }
0x3e: {  	_ =	swait.ge [sflag:s26], $0x4000  }
0x3f: {  	[sflag:s26] =	ssyncset.done $0x0  }
0x40: {  	s31 =	simm.s32 $0x2800;
	[sflag:s26] =	ssyncadd.s32 $0xFFFFC000  }
0x41: {  	[spmem:s2] =	stream.indirect.scatter.add.f32 [tilespmem:s22], [sflag:$0x2], $0x80, s31, s25, $0xb8;
	[tilespmem:$0x1D000] =	vst v63  }
0x42: {  	_ =	swait.ge [sflag:s23], $0x4000  }
0x43: {  	s29 =	simm.s32 $0x200;
	s30 =	simm.s32 $0x400;
	[sflag:s23] =	ssyncset.done $0x0  }
.LBB2_4:
0x44: {  	s0 =	sshra.s32 s29, $0x2  }
0x45: {  	[sflag:s23] =	ssyncadd.s32 $0xFFFFC000;
	s29 =	smov.u32 s30;
	s31 =	sadd.s32 $0x200, s30  }
0x46: {  	[tilespmem:s22], [sflag:$0x1] =	stream.indirect.gather [hbm4b:s4+s25], $0x80, s0, s25, $0xb8;
	[tilespmem:$0x1D000] =	vst v63  }
0x47: {  	p0 =	sne.s32 s30, $0x9C00;
	_ =	swait.ge [sflag:s26], $0x4000  }
.Ltmp1:
0x48: {  	[sflag:s26] =	ssyncset.done $0x0;
	(pc) =	sbr.rel @p0 .LBB2_4-.Ltmp1, $4  }
0x49: {  	s0 =	sadd.s32 $0x2800, s0;
	[sflag:s26] =	ssyncadd.s32 $0xFFFFC000  }
0x4a: {  	[spmem:s2] =	stream.indirect.scatter.add.f32 [tilespmem:s22], [sflag:$0x2], $0x80, s0, s25, $0xb8;
	[tilespmem:$0x1D000] =	vst v63  }
0x4b: {  	_ =	swait.ge [sflag:s23], $0x4000  }
0x4c: {  	s30 =	smov.u32 s31;
	[sflag:s23] =	ssyncset.done $0x0  }
0x4d: {  	s0 =	sshra.s32 s29, $0x2;
	[sflag:s23] =	ssyncadd.s32 $0xFFFFC000  }
0x4e: {  	[tilespmem:s22], [sflag:$0x1] =	stream.indirect.gather [hbm4b:s4+s25], $0x80, s0, s25, $0xb8;
	[tilespmem:$0x1D000] =	vst v63  }
0x4f: {  	_ =	swait.ge [sflag:s26], $0x4000  }
0x50: {  	[sflag:s26] =	ssyncset.done $0x0  }
0x51: {  	s0 =	sadd.s32 $0x2800, s0;
	[sflag:s26] =	ssyncadd.s32 $0xFFFFC000  }
0x52: {  	[spmem:s2] =	stream.indirect.scatter.add.f32 [tilespmem:s22], [sflag:$0x2], $0x80, s0, s25, $0xb8;
	[tilespmem:$0x1D000] =	vst v63  }
0x53: {  	_ =	swait.ge [sflag:s23], $0x4000  }
0x54: {  	[sflag:s23] =	ssyncset.done $0x0  }
0x55: {  	[sflag:s23] =	ssyncadd.s32 $0xFFFFC000  }
0x56: {  	[bflag:$0x0] =	sbarrier.arrive $0xFFFF  }
0x57: {  	[tilespmem:s22], [sflag:$0x2] =	stream.linear.gather [spmem:s5], $0x4000, $0x38;
	[tilespmem:$0x1D000] =	vst v63  }
0x58: {  	_ =	swait.ge [sflag:s23], $0x4000  }
0x59: {  	[sflag:s23] =	ssyncset.done $0x0  }
0x5a: {  	[sflag:s23] =	ssyncadd.s32 $0xFFFFC000  }
0x5b: {  	[hbm4b:s13+s3] =	stream.linear.scatter [tilespmem:s22], [sflag:$0x2], $0x4000, $0x38;
	[tilespmem:$0x1D000] =	vst v63  }
0x5c: {  	_ =	swait.ge [sflag:s23], $0x4000  }
0x5d: {  	[sflag:s23] =	ssyncset.done $0x0  }
0x5e: {  	[sflag:s23] =	ssyncadd.s32 $0xFFFFC000  }
0x5f: {  	[tilespmem:s22], [sflag:$0x2] =	stream.linear.gather [spmem:s14], $0x4000, $0x38;
	[tilespmem:$0x1D000] =	vst v63  }
0x60: {  	_ =	swait.ge [sflag:s23], $0x4000  }
0x61: {  	[sflag:s23] =	ssyncset.done $0x0  }
0x62: {  	[sflag:s23] =	ssyncadd.s32 $0xFFFFC000  }
0x63: {  	[hbm4b:s15+s3] =	stream.linear.scatter [tilespmem:s22], [sflag:$0x2], $0x4000, $0x38;
	[tilespmem:$0x1D000] =	vst v63  }
0x64: {  	_ =	swait.ge [sflag:s23], $0x4000  }
0x65: {  	[sflag:s23] =	ssyncset.done $0x0  }
0x66: {  	[sflag:s23] =	ssyncadd.s32 $0xFFFFC000  }
0x67: {  	[tilespmem:s22], [sflag:$0x2] =	stream.linear.gather [spmem:s16], $0x4000, $0x38;
	[tilespmem:$0x1D000] =	vst v63  }
0x68: {  	_ =	swait.ge [sflag:s23], $0x4000  }
0x69: {  	[sflag:s23] =	ssyncset.done $0x0  }
0x6a: {  	[sflag:s23] =	ssyncadd.s32 $0xFFFFC000  }
0x6b: {  	[hbm4b:s17+s3] =	stream.linear.scatter [tilespmem:s22], [sflag:$0x2], $0x4000, $0x38;
	[tilespmem:$0x1D000] =	vst v63  }
0x6c: {  	_ =	swait.ge [sflag:s23], $0x4000  }
0x6d: {  	[sflag:s23] =	ssyncset.done $0x0  }
0x6e: {  	[sflag:s23] =	ssyncadd.s32 $0xFFFFC000  }
0x6f: {  	[tilespmem:s22], [sflag:$0x2] =	stream.linear.gather [spmem:s18], $0x4000, $0x38;
	[tilespmem:$0x1D000] =	vst v63  }
0x70: {  	_ =	swait.ge [sflag:s23], $0x4000  }
0x71: {  	[sflag:s23] =	ssyncset.done $0x0  }
0x72: {  	[sflag:s23] =	ssyncadd.s32 $0xFFFFC000  }
0x73: {  	[hbm4b:s19+s3] =	stream.linear.scatter [tilespmem:s22], [sflag:$0x2], $0x4000, $0x38;
	[tilespmem:$0x1D000] =	vst v63  }
0x74: {  	_ =	swait.ge [sflag:s23], $0x4000  }
0x75: {  	[sflag:s23] =	ssyncset.done $0x0  }
0x76: {  	[sflag:s23] =	ssyncadd.s32 $0xFFFFC000  }
0x77: {  	[tilespmem:s22], [sflag:$0x2] =	stream.linear.gather [spmem:s20], $0x4000, $0x38;
	[tilespmem:$0x1D000] =	vst v63  }
0x78: {  	s28 =	sadd.s32 $0x1, s28;
	_ =	swait.ge [sflag:s23], $0x4000  }
0x79: {  	p0 =	sne.s32 s28, s8;
	[sflag:s23] =	ssyncset.done $0x0  }
.Ltmp2:
0x7a: {  	[sflag:s23] =	ssyncadd.s32 $0xFFFFC000;
	(pc) =	sbr.rel @p0 .LBB2_1-.Ltmp2, $4  }
0x7b: {  	[hbm4b:s21+s3] =	stream.linear.scatter [tilespmem:s22], [sflag:$0x2], $0x4000, $0x38;
	[tilespmem:$0x1D000] =	vst v63  }
0x7c: {  	_ =	swait.ge [sflag:s23], $0x4000  }
0x7d: {  	[sflag:s23] =	ssyncset.done $0x0  }
0x7e: {  	[sflag:s23] =	ssyncadd.s32 $0xFFFFC000  }
0x7f: {  	_ =	sfence.sel $0x180000  }
0x80: {  	[bflag:$0x0] =	sbarrier.arrive $0xFFFF  }
0x81: {  	_ =	strace $0x90000050  }
0x82: {  	[bflag:$0x2] =	sbarrier.arrive $0xFFFF  }
0x83: {  	p0 =	sne.s32 s1, $0x0;
	s0 =	rddreg [dreg:$0x2]  }
0x84: {  	s0 =	sadd.s32 @!p0 $0x100000, s0  }
0x85: {  	[sflag:s0] =	ssyncadd.tile.s32 @!p0 $0x1;
	_ =	shalt  }
.Lfunc_end2:
_tile_overlayer_lowered:
.L_overlay_start_2:
0x86: {  	(tag) =	ssettag $0x2  }
0x87: {  	s0 =	rddreg [dreg:$0x0];
	s2 =	stileid.u32  }
0x88: {  	s1 =	rddreg [dreg:$0x1];
	p0 =	sne.s32 s2, $0x0  }
0x89: {  	s3 =	rddreg [dreg:$0x2];
	[bflag:$0x3] =	sbarrier.arrive $0xFFFF;
	s2 =	simm.s32 @!p0 $0x1C02  }
0x8a: {  	[timem:s3], [sflag:s2] =	dma.local @!p0 [hbm:s0], s1  }
0x8b: {  	s0 =	simm.s32 @!p0 $0x2  }
0x8c: {  	_ =	swait.ge @!p0 [sflag:s0], s1  }
0x8d: {  	s1 =	ssub.s32 @!p0 $0x0, s1;
	[sflag:s0] =	ssyncset.done @!p0 $0x0  }
0x8e: {  	[sflag:s0] =	ssyncadd.s32 @!p0 s1  }
0x8f: {  	[bflag:$0x3] =	sbarrier.arrive $0xFFFF  }
0x90: {  	_ =	shalt  }

// kernel: kernel.26.cloned.1.call-start
scs
__scs_entry_jumppad:
0x0: {  	(pc) =	sbr.rel $0x88, $3  }
0x1: {  	(tag) =	ssettag $0x0;
	lr =	simm.s32 $0x1  }
0x2: {  	[smem:$0x3F8D] =	sst lr;
	_ =	strace $0xD0000000  }
0x3: {  	_ = 	snop  }
0x4: {  	_ = 	snop  }
0x5: {  	_ = 	snop  }
0x6: {  	_ = 	snop  }
0x7: {  	_ = 	snop  }
__scs_overlays_trampoline_lowered:
0x8: {  	[smem:$0x3F9C] =	sst s0  }
0x9: {  	[smem:$0x3F9D] =	sst s1  }
0xa: {  	[smem:$0x3F9E] =	sst s2  }
0xb: {  	[smem:$0x3F9F] =	sst s3  }
0xc: {  	[smem:$0x3FA0] =	sst s4  }
0xd: {  	[smem:$0x3FA1] =	sst s5  }
0xe: {  	[smem:$0x3FA2] =	sst s6  }
0xf: {  	[smem:$0x3FA3] =	sst s7  }
0x10: {  	[smem:$0x3FA4] =	sst s8  }
0x11: {  	[smem:$0x3FA5] =	sst s9;
	s0 =	simm.s32 @!p0 $0x0  }
0x12: {  	s1 =	sld [smem:$0x3F8B];
	s0 =	simm.s32 @p0 $0x1  }
0x13: {  	[smem:$0x3FA6] =	sst s0;
	s0 =	simm.s32 @!p1 $0x0  }
0x14: {  	s2 =	sld [smem:$0x3F8A];
	s0 =	simm.s32 @p1 $0x1  }
0x15: {  	[smem:$0x3FA7] =	sst s0;
	s0 =	simm.s32 @!p2 $0x0  }
0x16: {  	s3 =	sld [smem:$0x3FDB];
	s0 =	simm.s32 @p2 $0x1  }
0x17: {  	s4 =	simm.s32 $0x1BF5;
	[smem:$0x3FA9] =	sst s0  }
0x18: {  	s0 =	sld [smem:$0x3F8C];
	_ =	swait.ge [sflag:s4], $0x0  }
0x19: {  	s7 =	sld [smem:$0x3F8D]  }
0x1a: {  	s8 =	sadd.s32 $0xFFFFE003, lr  }
0x1b: {  	s9 =	sadd.s32 $0xFFFFFEF7, lr;
	s5 =	simm.s32 $0xFFFFFFFF;
	p2 =	slt.u32 s8, $0xFFFFF086  }
0x1c: {  	p1 =	slt.u32 s9, $0xF7A;
	s5 =	simm.s32 @!p2 $0x0  }
0x1d: {  	s5 =	simm.s32 @p1 $0x1;
	p0 =	seq.s32 s7, s2  }
0x1e: {  	s7 =	smul.u32 @!p0 $0xF7A, s2;
	p2 =	seq.s32 @!p0 s5, $0x0  }
0x1f: {  	s9 =	smul.u32 $0xF7A, s1;
	s8 =	simm.s32 @!p0 $0x1BF5;
	p2 =	por !p2, p0  }
0x20: {  	[sflag:s8] =	ssyncset.s32 @!p0 $0xFFFFF086;
	s6 =	sadd.s32 @!p0 s3, s7;
	s7 =	simm.s32 @!p0 $0x108  }
0x21: {  	s3 =	sadd.s32 s3, s9;
	s6 =	sadd.s32 @!p0 $0x88, s6;
	s7 =	simm.s32 @p2 $0x1082  }
0x22: {  	[simem:s7], [sflag:s8] =	dma.local @!p0 [hbm:s6], $0xF7A  }
0x23: {  	s9 =	sor.u32 $0xD0000000, s2;
	s6 =	simm.s32 $0x108;
	_ =	swait.ge @!p0 [sflag:s8], $0x0  }
0x24: {  	s3 =	sadd.s32 $0x88, s3;
	s6 =	simm.s32 @!p1 $0x1082;
	[sflag:s4] =	ssyncset.s32 $0xFFFFF086  }
0x25: {  	[simem:s6], [sflag:s4] =	dma.local [hbm:s3], $0xF7A  }
0x26: {  	[smem:$0x3F8D] =	sst s1;
	(tag) =	ssettag s2;
	_ =	strace s9  }
0x27: {  	s1 =	sld [smem:$0x3F9D]  }
0x28: {  	s2 =	sld [smem:$0x3F9E]  }
0x29: {  	s4 =	sld [smem:$0x3FA0]  }
0x2a: {  	p0 =	seq.s32 s5, $0x0;
	s5 =	sld [smem:$0x3FA1]  }
0x2b: {  	s6 =	sld [smem:$0x3FA2]  }
0x2c: {  	s7 =	sld [smem:$0x3FA3]  }
0x2d: {  	s3 =	simm.s32 $0x108;
	s8 =	sld [smem:$0x3FA4]  }
0x2e: {  	s3 =	simm.s32 @!p0 $0x1082;
	s9 =	sld [smem:$0x3FA5]  }
0x2f: {  	lr =	sadd.s32 s0, s3;
	s0 =	sld [smem:$0x3F9C]  }
0x30: {  	s3 =	sld [smem:$0x3F9F]  }
0x31: {  	[smem:$0x3FA8] =	sst s10  }
0x32: {  	s10 =	sld [smem:$0x3FA6];
	_ =	sdelay $0x3  }
0x33: {  	p0 =	seq.s32 s10, $0x1;
	s10 =	sld [smem:$0x3FA8];
	_ =	sdelay $0x3  }
0x34: {  	[smem:$0x3FA8] =	sst s10  }
0x35: {  	s10 =	sld [smem:$0x3FA7];
	_ =	sdelay $0x3  }
0x36: {  	p1 =	seq.s32 s10, $0x1;
	s10 =	sld [smem:$0x3FA8];
	_ =	sdelay $0x3  }
0x37: {  	[smem:$0x3FA8] =	sst s10  }
0x38: {  	s10 =	sld [smem:$0x3FA9]  }
0x39: {  	_ = 	snop;
	(pc) =	sbr.ind lr, $3  }
0x3a: {  	_ = 	snop  }
0x3b: {  	_ = 	snop  }
0x3c: {  	p2 =	seq.s32 s10, $0x1;
	s10 =	sld [smem:$0x3FA8]  }
0x3d: {  	_ =	shalt  }
0x3e: {  	_ =	shalt  }
0x3f: {  	_ =	shalt  }
0x40: {  	_ =	shalt  }
0x41: {  	_ =	shalt  }
0x42: {  	_ =	shalt  }
0x43: {  	_ =	shalt  }
0x44: {  	_ =	shalt  }
0x45: {  	_ =	shalt  }
0x46: {  	_ =	shalt  }
0x47: {  	_ =	shalt  }
0x48: {  	_ =	shalt  }
0x49: {  	_ =	shalt  }
0x4a: {  	_ =	shalt  }
0x4b: {  	_ =	shalt  }
0x4c: {  	_ =	shalt  }
0x4d: {  	_ =	shalt  }
0x4e: {  	_ =	shalt  }
0x4f: {  	_ =	shalt  }
0x50: {  	_ =	shalt  }
0x51: {  	_ =	shalt  }
0x52: {  	_ =	shalt  }
0x53: {  	_ =	shalt  }
0x54: {  	_ =	shalt  }
0x55: {  	_ =	shalt  }
0x56: {  	_ =	shalt  }
0x57: {  	_ =	shalt  }
0x58: {  	_ =	shalt  }
0x59: {  	_ =	shalt  }
0x5a: {  	_ =	shalt  }
0x5b: {  	_ =	shalt  }
0x5c: {  	_ =	shalt  }
0x5d: {  	_ =	shalt  }
0x5e: {  	_ =	shalt  }
0x5f: {  	_ =	shalt  }
0x60: {  	_ =	shalt  }
0x61: {  	_ =	shalt  }
0x62: {  	_ =	shalt  }
0x63: {  	_ =	shalt  }
0x64: {  	_ =	shalt  }
0x65: {  	_ =	shalt  }
0x66: {  	_ =	shalt  }
0x67: {  	_ =	shalt  }
0x68: {  	_ =	shalt  }
0x69: {  	_ =	shalt  }
0x6a: {  	_ =	shalt  }
0x6b: {  	_ =	shalt  }
0x6c: {  	_ =	shalt  }
0x6d: {  	_ =	shalt  }
0x6e: {  	_ =	shalt  }
0x6f: {  	_ =	shalt  }
0x70: {  	_ =	shalt  }
0x71: {  	_ =	shalt  }
0x72: {  	_ =	shalt  }
0x73: {  	_ =	shalt  }
0x74: {  	_ =	shalt  }
0x75: {  	_ =	shalt  }
0x76: {  	_ =	shalt  }
0x77: {  	_ =	shalt  }
0x78: {  	_ =	shalt  }
0x79: {  	_ =	shalt  }
0x7a: {  	_ =	shalt  }
0x7b: {  	_ =	shalt  }
0x7c: {  	_ =	shalt  }
0x7d: {  	_ =	shalt  }
0x7e: {  	_ =	shalt  }
0x7f: {  	_ =	shalt  }
0x80: {  	_ =	shalt  }
0x81: {  	_ =	shalt  }
0x82: {  	_ =	shalt  }
0x83: {  	_ =	shalt  }
0x84: {  	_ =	shalt  }
0x85: {  	_ =	shalt  }
0x86: {  	_ =	shalt  }
0x87: {  	_ =	shalt  }
.Lfunc_end0:
.L_simem_size_0:
called_computation.3_lowered:
.L_overlay_start_0:
0x88: {  	s2 =	sld [smem:$0x3FD9]  }
0x89: {  	s3 =	sld [smem:$0x3FFE];
	_ =	sdelay $0x1  }
0x8a: {  	s1 =	srdreg.scid  }
0x8b: {  	s0 =	sand.u32 $0x1, s1  }
0x8c: {  	s16 =	sshll.u32 s0, $0xA;
	s2 =	sadd.s32 s3, s2  }
0x8d: {  	s2 =	sadd.s32 s2, s16  }
0x8e: {  	[smem:$0x3FB4] =	sst s2  }
0x8f: {  	_ = 	snop  }
0x90: {  	(tm) =	ssettm $0x1  }
0x91: {  	s17 =	sld [smem:$0x3FFB];
	_ =	sdelay $0x3  }
0x92: {  	_ =	strace s17  }
0x93: {  	s2 =	sld [smem:$0x3FFC];
	_ =	sdelay $0x3  }
0x94: {  	_ =	strace s2  }
0x95: {  	s2 =	sld [smem:$0x3FFD];
	_ =	sdelay $0x3  }
0x96: {  	_ =	strace s2  }
0x97: {  	_ =	strace $0x8FFFFFFF  }
0x98: {  	s18 =	sld [smem:$0x3FDB];
	_ =	sdelay $0x1  }
0x99: {  	s19 =	simm.s32 $_scs_section_size  }
0x9a: {  	s4 =	simm.s32 $_size__tile_overlayer_lowered;
	s5 =	simm.s32 $_tile_overlayer_lowered  }
0x9b: {  	s22 =	simm.s32 $0x1BFF;
	s21 =	sshll.u32 s5, $0x1;
	s2 =	sadd.s32 s19, s18  }
0x9c: {  	s6 =	simm.s32 $0x0;
	s20 =	sshll.u32 s4, $0x1;
	s4 =	sadd.s32 s21, s2  }
0x9d: {  	[timem:s6], [sflag:s22] =	dma.local [hbm:s4], s20  }
0x9e: {  	_ =	swait.ge [sflag:s22], s20  }
0x9f: {  	s3 =	ssub.s32 $0x0, s20;
	[sflag:s22] =	ssyncset.done $0x0  }
0xa0: {  	[sflag:s22] =	ssyncadd.s32 s3;
	_ =	sdelay $0x1  }
0xa1: {  	s23 =	simm.s32 $0x1B8B  }
0xa2: {  	_ =	swait.ge [sflag:s23], $0x1  }
0xa3: {  	[sflag:s23] =	ssyncset.done $0x0  }
0xa4: {  	s25 =	simm.s32 $0x1B8E;
	s24 =	sld [smem:$0x3FFE];
	[sflag:s23] =	ssyncadd.s32 $0xFFFFFFFF  }
0xa5: {  	s26 =	simm.s32 $execute0_lowered;
	[smem:$0x3FD2] =	sst s25  }
0xa6: {  	s4 =	sshll.u32 s26, $0x1;
	_ =	strace $0x8000004C;
	[dreg:$0x1] =	wrdreg $0xFFFFFFFF  }
0xa7: {  	s28 =	simm.s32 $_size_execute0_lowered;
	s2 =	sadd.s32 s2, s4;
	[dreg:$0x0] =	wrdreg $0x0  }
0xa8: {  	s4 =	sshll.u32 s28, $0x1;
	[dreg:$0x2] =	wrdreg s2  }
0xa9: {  	[dreg:$0x3] =	wrdreg s4  }
0xaa: {  	[dreg:$0x4] =	wrdreg $0xC0  }
0xab: {  	_ =	task [dreg:s6], $0x5FFFF  }
0xac: {  	[dreg:$0x1] =	wrdreg $0xFFFFFFFF  }
0xad: {  	[dreg:$0x0] =	wrdreg $0x60  }
0xae: {  	[dreg:$0x2] =	wrdreg s24  }
0xaf: {  	[dreg:$0x3] =	wrdreg $0x90000  }
0xb0: {  	[dreg:$0x4] =	wrdreg $0xA  }
0xb1: {  	_ =	task.clear_ibuf [dreg:s6], $0x5FFFF;
	_ =	strace $0x9000004C  }
0xb2: {  	s29 =	simm.s32 $0xA;
	_ =	strace $0x8000004E  }
0xb3: {  	_ =	swait.ge [sflag:s29], $0x1  }
0xb4: {  	[sflag:s29] =	ssyncadd.s32 $0xFFFFFFFF  }
0xb5: {  	_ =	strace $0x9000004E  }
0xb6: {  	_ =	sfence  }
0xb7: {  	s30 =	sld [smem:$0x0];
	_ =	sdelay $0x2  }
0xb8: {  	s31 =	sshll.u32 s1, $0xD;
	s1 =	sshrl.u32 s1, $0x2  }
0xb9: {  	s3 =	sand.u32 $0x4000, s31;
	s1 =	sadd.s32 s1, s30  }
0xba: {  	s0 =	sor.u32 s3, s0;
	s1 =	sshll.u32 s1, $0x11  }
0xbb: {  	s0 =	sor.u32 s1, s0  }
0xbc: {  	s0 =	sadd.s32 $0x8F2B, s0  }
0xbd: {  	[sflag:s0] =	ssyncadd.remote.s32 $0x1  }
0xbe: {  	_ =	sfence.sel $0xFFFF  }
0xbf: {  	[dreg:$0x0] =	wrdreg $0xFFFFFFFF;
	(pc) =	sbr.abs _section_cstart, $3  }
0xc0: {  	[dreg:$0x1] =	wrdreg $0xFFFFFFFF  }
0xc1: {  	_ =	task.clear_ibuf [dreg:s6], $0x2FFFF;
	_ =	strace $0x9FFFFFFF  }
0xc2: {  	(tm) =	ssettm $0x7FFFFFFF  }
0xc3: {  	_ =	shalt  }
tec
execute0_lowered:
.L_overlay_start_1:
0x0: {  	(tag) =	ssettag $0x1  }
0x1: {  	s0 =	srdreg.scid;
	s5 =	rddreg [dreg:$0x0]  }
0x2: {  	s2 =	rddreg [dreg:$0x1];
	s1 =	stileid.u32  }
0x3: {  	s3 =	simm.s32 $0x0;
	s24 =	simm.s32 $0x2800;
	s25 =	simm.s32 $0x80  }
0x4: {  	s26 =	simm.s32 $0x1;
	s28 =	simm.s32 $0x0;
	s6 =	sand.u32 $0x1, s0  }
0x5: {  	[smem:$0x7FF] =	sst s3;
	s8 =	smul.u32 $0x50000, s1;
	s21 =	sadd.s32 $0xB9600, s5  }
0x6: {  	s17 =	smul.u32 $0x14000, s1;
	s4 =	sshll.u32 s6, $0x4;
	_ =	strace $0x8000004D  }
0x7: {  	s30 =	ssub.s32 $0x2, s6;
	s18 =	smul.u32 $0x140000, s6;
	s4 =	sor.u32 s1, s4  }
0x8: {  	s9 =	sshrl.u32 s30, $0x1;
	s8 =	sshrl.u32 s8, $0x2;
	s14 =	sadd.s32 $0x4000, s17  }
0x9: {  	s19 =	sadd.s32 $0x8000, s17;
	s20 =	sadd.s32 $0xC000, s17;
	s22 =	sadd.s32 $0x10000, s17  }
0xa: {  	s7 =	smul.u32 $0x500, s4;
	s4 =	sadd.s32 $0x1B200, s5;
	s9 =	ssub.s32 s30, s9  }
0xb: {  	s12 =	sadd.s32 s18, s17;
	s15 =	sadd.s32 s18, s14;
	s14 =	sadd.s32 s14, s2  }
0xc: {  	s16 =	sadd.s32 s19, s2;
	s19 =	sadd.s32 s18, s19;
	s31 =	sadd.s32 s18, s20  }
0xd: {  	s23 =	sadd.s32 s18, s22;
	s18 =	sadd.s32 s20, s2;
	s20 =	sadd.s32 s22, s2  }
0xe: {  	s22 =	simm.s32 $0x5000;
	s13 =	sshrl.u32 s12, $0x3;
	s15 =	sshrl.u32 s15, $0x3  }
0xf: {  	s19 =	sshrl.u32 s19, $0x3;
	s23 =	sshrl.u32 s23, $0x3;
	s7 =	sadd.s32 s7, s5  }
0x10: {  	s5 =	sadd.s32 s8, s2;
	s8 =	smax.u32 s9, $0x1;
	s13 =	sadd.s32 s21, s13  }
0x11: {  	s15 =	sadd.s32 s21, s15;
	s17 =	sadd.s32 s21, s19;
	s19 =	sshrl.u32 s31, $0x3  }
0x12: {  	s6 =	sadd.s32 $0x7200, s7;
	s7 =	sadd.s32 $0x11200, s7;
	s9 =	sadd.s32 $0x4000, s5  }
0x13: {  	s10 =	sadd.s32 $0x8000, s5;
	s11 =	sadd.s32 $0xC000, s5;
	s12 =	sadd.s32 $0x10000, s5  }
0x14: {  	v0 =	vimm.f32 $0.0e+00;
	s19 =	sadd.s32 s21, s19;
	s21 =	sadd.s32 s21, s23;
	s23 =	simm.s32 $0x2  }
.LBB2_1:
0x15: {  	s29 =	sand.u32 $0xFE00, s3  }
0x16: {  	s30 =	sand.u32 $0x70, s3;
	s31 =	sshrl.u32 s29, $0x2  }
0x17: {  	s29 =	simm.s32 $0x40;
	s31 =	sor.u32 s30, s31;
	s30 =	simm.s32 $0x0  }
.LBB2_2:
0x18: {  	p0 =	sne.s32 s29, $0xFFC0  }
0x19: {  	[tilespmem:s31+$0x5000] =	vst v0;
	s30 =	sadd.s32 $0x10, s30;
	s31 =	smov.u32 s29;
	s29 =	sadd.s32 $0x40, s29  }
.Ltmp0:
0x1a: {  	(pc) =	sbr.rel @p0 .LBB2_2-.Ltmp0, $4  }
0x1b: {  	_ = 	snop  }
0x1c: {  	s31 =	sand.u32 $0xFE00, s31  }
0x1d: {  	s0 =	sand.u32 $0x70, s30;
	s31 =	sshrl.u32 s31, $0x2  }
0x1e: {  	s31 =	sor.u32 s0, s31  }
0x1f: {  	[tilespmem:s31+$0x5000] =	vst v0  }
0x20: {  	[spmem:s5] =	stream.linear.scatter [tilespmem:s22], [sflag:$0x2], $0x4000, $0x38;
	[tilespmem:$0x1D000] =	vst v63  }
0x21: {  	_ =	swait.ge [sflag:s23], $0x4000  }
0x22: {  	[sflag:s23] =	ssyncset.done $0x0  }
0x23: {  	[sflag:s23] =	ssyncadd.s32 $0xFFFFC000  }
0x24: {  	[spmem:s9] =	stream.linear.scatter [tilespmem:s22], [sflag:$0x2], $0x4000, $0x38;
	[tilespmem:$0x1D000] =	vst v63  }
0x25: {  	_ =	swait.ge [sflag:s23], $0x4000  }
0x26: {  	[sflag:s23] =	ssyncset.done $0x0  }
0x27: {  	[sflag:s23] =	ssyncadd.s32 $0xFFFFC000  }
0x28: {  	[spmem:s10] =	stream.linear.scatter [tilespmem:s22], [sflag:$0x2], $0x4000, $0x38;
	[tilespmem:$0x1D000] =	vst v63  }
0x29: {  	_ =	swait.ge [sflag:s23], $0x4000  }
0x2a: {  	[sflag:s23] =	ssyncset.done $0x0  }
0x2b: {  	[sflag:s23] =	ssyncadd.s32 $0xFFFFC000  }
0x2c: {  	[spmem:s11] =	stream.linear.scatter [tilespmem:s22], [sflag:$0x2], $0x4000, $0x38;
	[tilespmem:$0x1D000] =	vst v63  }
0x2d: {  	_ =	swait.ge [sflag:s23], $0x4000  }
0x2e: {  	[sflag:s23] =	ssyncset.done $0x0  }
0x2f: {  	[sflag:s23] =	ssyncadd.s32 $0xFFFFC000  }
0x30: {  	[spmem:s12] =	stream.linear.scatter [tilespmem:s22], [sflag:$0x2], $0x4000, $0x38;
	[tilespmem:$0x1D000] =	vst v63  }
0x31: {  	_ =	swait.ge [sflag:s23], $0x4000  }
0x32: {  	[sflag:s23] =	ssyncset.done $0x0  }
0x33: {  	s0 =	simm.s32 $0x0;
	[sflag:s23] =	ssyncadd.s32 $0xFFFFC000  }
0x34: {  	[tilespmem:s0], [sflag:$0x2] =	stream.linear.gather [hbm4b:s6+s0], $0x2780, $0x38;
	[tilespmem:$0x1D000] =	vst v63  }
0x35: {  	_ =	swait.ge [sflag:s23], $0x2780  }
0x36: {  	[sflag:s23] =	ssyncset.done $0x0  }
0x37: {  	[sflag:s23] =	ssyncadd.s32 $0xFFFFD880  }
0x38: {  	[tilespmem:s24], [sflag:$0x2] =	stream.linear.gather [hbm4b:s7+s0], $0x2780, $0x38;
	[tilespmem:$0x1D000] =	vst v63  }
0x39: {  	_ =	swait.ge [sflag:s23], $0x2780  }
0x3a: {  	[sflag:s23] =	ssyncset.done $0x0  }
0x3b: {  	[sflag:s23] =	ssyncadd.s32 $0xFFFFD880  }
0x3c: {  	s31 =	simm.s32 $0x0;
	[bflag:$0x0] =	sbarrier.arrive $0xFFFF  }
0x3d: {  	[tilespmem:s22], [sflag:$0x1] =	stream.indirect.gather [hbm4b:s4+s25], $0x80, s31, s25, $0xb8;
	[tilespmem:$0x1D000] =	vst v63  }
0x3e: {  	_ =	swait.ge [sflag:s26], $0x4000  }
0x3f: {  	[sflag:s26] =	ssyncset.done $0x0  }
0x40: {  	s31 =	simm.s32 $0x2800;
	[sflag:s26] =	ssyncadd.s32 $0xFFFFC000  }
0x41: {  	[spmem:s2] =	stream.indirect.scatter.add.f32 [tilespmem:s22], [sflag:$0x2], $0x80, s31, s25, $0xb8;
	[tilespmem:$0x1D000] =	vst v63  }
0x42: {  	_ =	swait.ge [sflag:s23], $0x4000  }
0x43: {  	s29 =	simm.s32 $0x200;
	s30 =	simm.s32 $0x400;
	[sflag:s23] =	ssyncset.done $0x0  }
.LBB2_4:
0x44: {  	s0 =	sshra.s32 s29, $0x2  }
0x45: {  	[sflag:s23] =	ssyncadd.s32 $0xFFFFC000;
	s29 =	smov.u32 s30;
	s31 =	sadd.s32 $0x200, s30  }
0x46: {  	[tilespmem:s22], [sflag:$0x1] =	stream.indirect.gather [hbm4b:s4+s25], $0x80, s0, s25, $0xb8;
	[tilespmem:$0x1D000] =	vst v63  }
0x47: {  	p0 =	sne.s32 s30, $0x9C00;
	_ =	swait.ge [sflag:s26], $0x4000  }
.Ltmp1:
0x48: {  	[sflag:s26] =	ssyncset.done $0x0;
	(pc) =	sbr.rel @p0 .LBB2_4-.Ltmp1, $4  }
0x49: {  	s0 =	sadd.s32 $0x2800, s0;
	[sflag:s26] =	ssyncadd.s32 $0xFFFFC000  }
0x4a: {  	[spmem:s2] =	stream.indirect.scatter.add.f32 [tilespmem:s22], [sflag:$0x2], $0x80, s0, s25, $0xb8;
	[tilespmem:$0x1D000] =	vst v63  }
0x4b: {  	_ =	swait.ge [sflag:s23], $0x4000  }
0x4c: {  	s30 =	smov.u32 s31;
	[sflag:s23] =	ssyncset.done $0x0  }
0x4d: {  	s0 =	sshra.s32 s29, $0x2;
	[sflag:s23] =	ssyncadd.s32 $0xFFFFC000  }
0x4e: {  	[tilespmem:s22], [sflag:$0x1] =	stream.indirect.gather [hbm4b:s4+s25], $0x80, s0, s25, $0xb8;
	[tilespmem:$0x1D000] =	vst v63  }
0x4f: {  	_ =	swait.ge [sflag:s26], $0x4000  }
0x50: {  	[sflag:s26] =	ssyncset.done $0x0  }
0x51: {  	s0 =	sadd.s32 $0x2800, s0;
	[sflag:s26] =	ssyncadd.s32 $0xFFFFC000  }
0x52: {  	[spmem:s2] =	stream.indirect.scatter.add.f32 [tilespmem:s22], [sflag:$0x2], $0x80, s0, s25, $0xb8;
	[tilespmem:$0x1D000] =	vst v63  }
0x53: {  	_ =	swait.ge [sflag:s23], $0x4000  }
0x54: {  	[sflag:s23] =	ssyncset.done $0x0  }
0x55: {  	[sflag:s23] =	ssyncadd.s32 $0xFFFFC000  }
0x56: {  	[bflag:$0x0] =	sbarrier.arrive $0xFFFF  }
0x57: {  	[tilespmem:s22], [sflag:$0x2] =	stream.linear.gather [spmem:s5], $0x4000, $0x38;
	[tilespmem:$0x1D000] =	vst v63  }
0x58: {  	_ =	swait.ge [sflag:s23], $0x4000  }
0x59: {  	[sflag:s23] =	ssyncset.done $0x0  }
0x5a: {  	[sflag:s23] =	ssyncadd.s32 $0xFFFFC000  }
0x5b: {  	[hbm4b:s13+s3] =	stream.linear.scatter [tilespmem:s22], [sflag:$0x2], $0x4000, $0x38;
	[tilespmem:$0x1D000] =	vst v63  }
0x5c: {  	_ =	swait.ge [sflag:s23], $0x4000  }
0x5d: {  	[sflag:s23] =	ssyncset.done $0x0  }
0x5e: {  	[sflag:s23] =	ssyncadd.s32 $0xFFFFC000  }
0x5f: {  	[tilespmem:s22], [sflag:$0x2] =	stream.linear.gather [spmem:s14], $0x4000, $0x38;
	[tilespmem:$0x1D000] =	vst v63  }
0x60: {  	_ =	swait.ge [sflag:s23], $0x4000  }
0x61: {  	[sflag:s23] =	ssyncset.done $0x0  }
0x62: {  	[sflag:s23] =	ssyncadd.s32 $0xFFFFC000  }
0x63: {  	[hbm4b:s15+s3] =	stream.linear.scatter [tilespmem:s22], [sflag:$0x2], $0x4000, $0x38;
	[tilespmem:$0x1D000] =	vst v63  }
0x64: {  	_ =	swait.ge [sflag:s23], $0x4000  }
0x65: {  	[sflag:s23] =	ssyncset.done $0x0  }
0x66: {  	[sflag:s23] =	ssyncadd.s32 $0xFFFFC000  }
0x67: {  	[tilespmem:s22], [sflag:$0x2] =	stream.linear.gather [spmem:s16], $0x4000, $0x38;
	[tilespmem:$0x1D000] =	vst v63  }
0x68: {  	_ =	swait.ge [sflag:s23], $0x4000  }
0x69: {  	[sflag:s23] =	ssyncset.done $0x0  }
0x6a: {  	[sflag:s23] =	ssyncadd.s32 $0xFFFFC000  }
0x6b: {  	[hbm4b:s17+s3] =	stream.linear.scatter [tilespmem:s22], [sflag:$0x2], $0x4000, $0x38;
	[tilespmem:$0x1D000] =	vst v63  }
0x6c: {  	_ =	swait.ge [sflag:s23], $0x4000  }
0x6d: {  	[sflag:s23] =	ssyncset.done $0x0  }
0x6e: {  	[sflag:s23] =	ssyncadd.s32 $0xFFFFC000  }
0x6f: {  	[tilespmem:s22], [sflag:$0x2] =	stream.linear.gather [spmem:s18], $0x4000, $0x38;
	[tilespmem:$0x1D000] =	vst v63  }
0x70: {  	_ =	swait.ge [sflag:s23], $0x4000  }
0x71: {  	[sflag:s23] =	ssyncset.done $0x0  }
0x72: {  	[sflag:s23] =	ssyncadd.s32 $0xFFFFC000  }
0x73: {  	[hbm4b:s19+s3] =	stream.linear.scatter [tilespmem:s22], [sflag:$0x2], $0x4000, $0x38;
	[tilespmem:$0x1D000] =	vst v63  }
0x74: {  	_ =	swait.ge [sflag:s23], $0x4000  }
0x75: {  	[sflag:s23] =	ssyncset.done $0x0  }
0x76: {  	[sflag:s23] =	ssyncadd.s32 $0xFFFFC000  }
0x77: {  	[tilespmem:s22], [sflag:$0x2] =	stream.linear.gather [spmem:s20], $0x4000, $0x38;
	[tilespmem:$0x1D000] =	vst v63  }
0x78: {  	s28 =	sadd.s32 $0x1, s28;
	_ =	swait.ge [sflag:s23], $0x4000  }
0x79: {  	p0 =	sne.s32 s28, s8;
	[sflag:s23] =	ssyncset.done $0x0  }
.Ltmp2:
0x7a: {  	[sflag:s23] =	ssyncadd.s32 $0xFFFFC000;
	(pc) =	sbr.rel @p0 .LBB2_1-.Ltmp2, $4  }
0x7b: {  	[hbm4b:s21+s3] =	stream.linear.scatter [tilespmem:s22], [sflag:$0x2], $0x4000, $0x38;
	[tilespmem:$0x1D000] =	vst v63  }
0x7c: {  	_ =	swait.ge [sflag:s23], $0x4000  }
0x7d: {  	[sflag:s23] =	ssyncset.done $0x0  }
0x7e: {  	[sflag:s23] =	ssyncadd.s32 $0xFFFFC000  }
0x7f: {  	_ =	sfence.sel $0x180000  }
0x80: {  	[bflag:$0x0] =	sbarrier.arrive $0xFFFF  }
0x81: {  	_ =	strace $0x9000004D  }
0x82: {  	[bflag:$0x2] =	sbarrier.arrive $0xFFFF  }
0x83: {  	p0 =	sne.s32 s1, $0x0;
	s0 =	rddreg [dreg:$0x2]  }
0x84: {  	s0 =	sadd.s32 @!p0 $0x100000, s0  }
0x85: {  	[sflag:s0] =	ssyncadd.tile.s32 @!p0 $0x1;
	_ =	shalt  }
.Lfunc_end2:
_tile_overlayer_lowered:
.L_overlay_start_2:
0x86: {  	(tag) =	ssettag $0x2  }
0x87: {  	s0 =	rddreg [dreg:$0x0];
	s2 =	stileid.u32  }
0x88: {  	s1 =	rddreg [dreg:$0x1];
	p0 =	sne.s32 s2, $0x0  }
0x89: {  	s3 =	rddreg [dreg:$0x2];
	[bflag:$0x3] =	sbarrier.arrive $0xFFFF;
	s2 =	simm.s32 @!p0 $0x1C02  }
0x8a: {  	[timem:s3], [sflag:s2] =	dma.local @!p0 [hbm:s0], s1  }
0x8b: {  	s0 =	simm.s32 @!p0 $0x2  }
0x8c: {  	_ =	swait.ge @!p0 [sflag:s0], s1  }
0x8d: {  	s1 =	ssub.s32 @!p0 $0x0, s1;
	[sflag:s0] =	ssyncset.done @!p0 $0x0  }
0x8e: {  	[sflag:s0] =	ssyncadd.s32 @!p0 s1  }
0x8f: {  	[bflag:$0x3] =	sbarrier.arrive $0xFFFF  }
0x90: {  	_ =	shalt  }

// kernel: kernel.29.cloned.1.call-start
scs
__scs_entry_jumppad:
0x0: {  	(pc) =	sbr.rel $0x88, $3  }
0x1: {  	(tag) =	ssettag $0x0;
	lr =	simm.s32 $0x1  }
0x2: {  	[smem:$0x3F8D] =	sst lr;
	_ =	strace $0xD0000000  }
0x3: {  	_ = 	snop  }
0x4: {  	_ = 	snop  }
0x5: {  	_ = 	snop  }
0x6: {  	_ = 	snop  }
0x7: {  	_ = 	snop  }
__scs_overlays_trampoline_lowered:
0x8: {  	[smem:$0x3F9C] =	sst s0  }
0x9: {  	[smem:$0x3F9D] =	sst s1  }
0xa: {  	[smem:$0x3F9E] =	sst s2  }
0xb: {  	[smem:$0x3F9F] =	sst s3  }
0xc: {  	[smem:$0x3FA0] =	sst s4  }
0xd: {  	[smem:$0x3FA1] =	sst s5  }
0xe: {  	[smem:$0x3FA2] =	sst s6  }
0xf: {  	[smem:$0x3FA3] =	sst s7  }
0x10: {  	[smem:$0x3FA4] =	sst s8  }
0x11: {  	[smem:$0x3FA5] =	sst s9;
	s0 =	simm.s32 @!p0 $0x0  }
0x12: {  	s1 =	sld [smem:$0x3F8B];
	s0 =	simm.s32 @p0 $0x1  }
0x13: {  	[smem:$0x3FA6] =	sst s0;
	s0 =	simm.s32 @!p1 $0x0  }
0x14: {  	s2 =	sld [smem:$0x3F8A];
	s0 =	simm.s32 @p1 $0x1  }
0x15: {  	[smem:$0x3FA7] =	sst s0;
	s0 =	simm.s32 @!p2 $0x0  }
0x16: {  	s3 =	sld [smem:$0x3FDB];
	s0 =	simm.s32 @p2 $0x1  }
0x17: {  	s4 =	simm.s32 $0x1BF5;
	[smem:$0x3FA9] =	sst s0  }
0x18: {  	s0 =	sld [smem:$0x3F8C];
	_ =	swait.ge [sflag:s4], $0x0  }
0x19: {  	s7 =	sld [smem:$0x3F8D]  }
0x1a: {  	s8 =	sadd.s32 $0xFFFFE003, lr  }
0x1b: {  	s9 =	sadd.s32 $0xFFFFFEF7, lr;
	s5 =	simm.s32 $0xFFFFFFFF;
	p2 =	slt.u32 s8, $0xFFFFF086  }
0x1c: {  	p1 =	slt.u32 s9, $0xF7A;
	s5 =	simm.s32 @!p2 $0x0  }
0x1d: {  	s5 =	simm.s32 @p1 $0x1;
	p0 =	seq.s32 s7, s2  }
0x1e: {  	s7 =	smul.u32 @!p0 $0xF7A, s2;
	p2 =	seq.s32 @!p0 s5, $0x0  }
0x1f: {  	s9 =	smul.u32 $0xF7A, s1;
	s8 =	simm.s32 @!p0 $0x1BF5;
	p2 =	por !p2, p0  }
0x20: {  	[sflag:s8] =	ssyncset.s32 @!p0 $0xFFFFF086;
	s6 =	sadd.s32 @!p0 s3, s7;
	s7 =	simm.s32 @!p0 $0x108  }
0x21: {  	s3 =	sadd.s32 s3, s9;
	s6 =	sadd.s32 @!p0 $0x88, s6;
	s7 =	simm.s32 @p2 $0x1082  }
0x22: {  	[simem:s7], [sflag:s8] =	dma.local @!p0 [hbm:s6], $0xF7A  }
0x23: {  	s9 =	sor.u32 $0xD0000000, s2;
	s6 =	simm.s32 $0x108;
	_ =	swait.ge @!p0 [sflag:s8], $0x0  }
0x24: {  	s3 =	sadd.s32 $0x88, s3;
	s6 =	simm.s32 @!p1 $0x1082;
	[sflag:s4] =	ssyncset.s32 $0xFFFFF086  }
0x25: {  	[simem:s6], [sflag:s4] =	dma.local [hbm:s3], $0xF7A  }
0x26: {  	[smem:$0x3F8D] =	sst s1;
	(tag) =	ssettag s2;
	_ =	strace s9  }
0x27: {  	s1 =	sld [smem:$0x3F9D]  }
0x28: {  	s2 =	sld [smem:$0x3F9E]  }
0x29: {  	s4 =	sld [smem:$0x3FA0]  }
0x2a: {  	p0 =	seq.s32 s5, $0x0;
	s5 =	sld [smem:$0x3FA1]  }
0x2b: {  	s6 =	sld [smem:$0x3FA2]  }
0x2c: {  	s7 =	sld [smem:$0x3FA3]  }
0x2d: {  	s3 =	simm.s32 $0x108;
	s8 =	sld [smem:$0x3FA4]  }
0x2e: {  	s3 =	simm.s32 @!p0 $0x1082;
	s9 =	sld [smem:$0x3FA5]  }
0x2f: {  	lr =	sadd.s32 s0, s3;
	s0 =	sld [smem:$0x3F9C]  }
0x30: {  	s3 =	sld [smem:$0x3F9F]  }
0x31: {  	[smem:$0x3FA8] =	sst s10  }
0x32: {  	s10 =	sld [smem:$0x3FA6];
	_ =	sdelay $0x3  }
0x33: {  	p0 =	seq.s32 s10, $0x1;
	s10 =	sld [smem:$0x3FA8];
	_ =	sdelay $0x3  }
0x34: {  	[smem:$0x3FA8] =	sst s10  }
0x35: {  	s10 =	sld [smem:$0x3FA7];
	_ =	sdelay $0x3  }
0x36: {  	p1 =	seq.s32 s10, $0x1;
	s10 =	sld [smem:$0x3FA8];
	_ =	sdelay $0x3  }
0x37: {  	[smem:$0x3FA8] =	sst s10  }
0x38: {  	s10 =	sld [smem:$0x3FA9]  }
0x39: {  	_ = 	snop;
	(pc) =	sbr.ind lr, $3  }
0x3a: {  	_ = 	snop  }
0x3b: {  	_ = 	snop  }
0x3c: {  	p2 =	seq.s32 s10, $0x1;
	s10 =	sld [smem:$0x3FA8]  }
0x3d: {  	_ =	shalt  }
0x3e: {  	_ =	shalt  }
0x3f: {  	_ =	shalt  }
0x40: {  	_ =	shalt  }
0x41: {  	_ =	shalt  }
0x42: {  	_ =	shalt  }
0x43: {  	_ =	shalt  }
0x44: {  	_ =	shalt  }
0x45: {  	_ =	shalt  }
0x46: {  	_ =	shalt  }
0x47: {  	_ =	shalt  }
0x48: {  	_ =	shalt  }
0x49: {  	_ =	shalt  }
0x4a: {  	_ =	shalt  }
0x4b: {  	_ =	shalt  }
0x4c: {  	_ =	shalt  }
0x4d: {  	_ =	shalt  }
0x4e: {  	_ =	shalt  }
0x4f: {  	_ =	shalt  }
0x50: {  	_ =	shalt  }
0x51: {  	_ =	shalt  }
0x52: {  	_ =	shalt  }
0x53: {  	_ =	shalt  }
0x54: {  	_ =	shalt  }
0x55: {  	_ =	shalt  }
0x56: {  	_ =	shalt  }
0x57: {  	_ =	shalt  }
0x58: {  	_ =	shalt  }
0x59: {  	_ =	shalt  }
0x5a: {  	_ =	shalt  }
0x5b: {  	_ =	shalt  }
0x5c: {  	_ =	shalt  }
0x5d: {  	_ =	shalt  }
0x5e: {  	_ =	shalt  }
0x5f: {  	_ =	shalt  }
0x60: {  	_ =	shalt  }
0x61: {  	_ =	shalt  }
0x62: {  	_ =	shalt  }
0x63: {  	_ =	shalt  }
0x64: {  	_ =	shalt  }
0x65: {  	_ =	shalt  }
0x66: {  	_ =	shalt  }
0x67: {  	_ =	shalt  }
0x68: {  	_ =	shalt  }
0x69: {  	_ =	shalt  }
0x6a: {  	_ =	shalt  }
0x6b: {  	_ =	shalt  }
0x6c: {  	_ =	shalt  }
0x6d: {  	_ =	shalt  }
0x6e: {  	_ =	shalt  }
0x6f: {  	_ =	shalt  }
0x70: {  	_ =	shalt  }
0x71: {  	_ =	shalt  }
0x72: {  	_ =	shalt  }
0x73: {  	_ =	shalt  }
0x74: {  	_ =	shalt  }
0x75: {  	_ =	shalt  }
0x76: {  	_ =	shalt  }
0x77: {  	_ =	shalt  }
0x78: {  	_ =	shalt  }
0x79: {  	_ =	shalt  }
0x7a: {  	_ =	shalt  }
0x7b: {  	_ =	shalt  }
0x7c: {  	_ =	shalt  }
0x7d: {  	_ =	shalt  }
0x7e: {  	_ =	shalt  }
0x7f: {  	_ =	shalt  }
0x80: {  	_ =	shalt  }
0x81: {  	_ =	shalt  }
0x82: {  	_ =	shalt  }
0x83: {  	_ =	shalt  }
0x84: {  	_ =	shalt  }
0x85: {  	_ =	shalt  }
0x86: {  	_ =	shalt  }
0x87: {  	_ =	shalt  }
.Lfunc_end0:
.L_simem_size_0:
called_computation.4_lowered:
.L_overlay_start_0:
0x88: {  	s2 =	sld [smem:$0x3FD9]  }
0x89: {  	s3 =	sld [smem:$0x3FFE];
	_ =	sdelay $0x1  }
0x8a: {  	s1 =	srdreg.scid  }
0x8b: {  	s0 =	sand.u32 $0x1, s1  }
0x8c: {  	s16 =	sshll.u32 s0, $0xA;
	s2 =	sadd.s32 s3, s2  }
0x8d: {  	s2 =	sadd.s32 s2, s16  }
0x8e: {  	[smem:$0x3FB4] =	sst s2  }
0x8f: {  	_ = 	snop  }
0x90: {  	(tm) =	ssettm $0x1  }
0x91: {  	s17 =	sld [smem:$0x3FFB];
	_ =	sdelay $0x3  }
0x92: {  	_ =	strace s17  }
0x93: {  	s2 =	sld [smem:$0x3FFC];
	_ =	sdelay $0x3  }
0x94: {  	_ =	strace s2  }
0x95: {  	s2 =	sld [smem:$0x3FFD];
	_ =	sdelay $0x3  }
0x96: {  	_ =	strace s2  }
0x97: {  	_ =	strace $0x8FFFFFFF  }
0x98: {  	s18 =	sld [smem:$0x3FDB];
	_ =	sdelay $0x1  }
0x99: {  	s19 =	simm.s32 $_scs_section_size  }
0x9a: {  	s4 =	simm.s32 $_size__tile_overlayer_lowered;
	s5 =	simm.s32 $_tile_overlayer_lowered  }
0x9b: {  	s22 =	simm.s32 $0x1BFF;
	s21 =	sshll.u32 s5, $0x1;
	s2 =	sadd.s32 s19, s18  }
0x9c: {  	s6 =	simm.s32 $0x0;
	s20 =	sshll.u32 s4, $0x1;
	s4 =	sadd.s32 s21, s2  }
0x9d: {  	[timem:s6], [sflag:s22] =	dma.local [hbm:s4], s20  }
0x9e: {  	_ =	swait.ge [sflag:s22], s20  }
0x9f: {  	s3 =	ssub.s32 $0x0, s20;
	[sflag:s22] =	ssyncset.done $0x0  }
0xa0: {  	[sflag:s22] =	ssyncadd.s32 s3;
	_ =	sdelay $0x1  }
0xa1: {  	s23 =	simm.s32 $0x1B8B  }
0xa2: {  	_ =	swait.ge [sflag:s23], $0x1  }
0xa3: {  	[sflag:s23] =	ssyncset.done $0x0  }
0xa4: {  	s25 =	simm.s32 $0x1B8E;
	s24 =	sld [smem:$0x3FFE];
	[sflag:s23] =	ssyncadd.s32 $0xFFFFFFFF  }
0xa5: {  	s26 =	simm.s32 $execute0_lowered;
	[smem:$0x3FD2] =	sst s25  }
0xa6: {  	s4 =	sshll.u32 s26, $0x1;
	_ =	strace $0x80000052;
	[dreg:$0x1] =	wrdreg $0xFFFFFFFF  }
0xa7: {  	s28 =	simm.s32 $_size_execute0_lowered;
	s2 =	sadd.s32 s2, s4;
	[dreg:$0x0] =	wrdreg $0x0  }
0xa8: {  	s4 =	sshll.u32 s28, $0x1;
	[dreg:$0x2] =	wrdreg s2  }
0xa9: {  	[dreg:$0x3] =	wrdreg s4  }
0xaa: {  	[dreg:$0x4] =	wrdreg $0xC0  }
0xab: {  	_ =	task [dreg:s6], $0x5FFFF  }
0xac: {  	[dreg:$0x1] =	wrdreg $0xFFFFFFFF  }
0xad: {  	[dreg:$0x0] =	wrdreg $0x60  }
0xae: {  	[dreg:$0x2] =	wrdreg s24  }
0xaf: {  	[dreg:$0x3] =	wrdreg $0x90000  }
0xb0: {  	[dreg:$0x4] =	wrdreg $0x9  }
0xb1: {  	_ =	task.clear_ibuf [dreg:s6], $0x5FFFF;
	_ =	strace $0x90000052  }
0xb2: {  	s29 =	simm.s32 $0x9;
	_ =	strace $0x80000054  }
0xb3: {  	_ =	swait.ge [sflag:s29], $0x1  }
0xb4: {  	[sflag:s29] =	ssyncadd.s32 $0xFFFFFFFF  }
0xb5: {  	_ =	strace $0x90000054  }
0xb6: {  	_ =	sfence  }
0xb7: {  	s30 =	sld [smem:$0x0];
	_ =	sdelay $0x2  }
0xb8: {  	s31 =	sshll.u32 s1, $0xD;
	s1 =	sshrl.u32 s1, $0x2  }
0xb9: {  	s3 =	sand.u32 $0x4000, s31;
	s1 =	sadd.s32 s1, s30  }
0xba: {  	s0 =	sor.u32 s3, s0;
	s1 =	sshll.u32 s1, $0x11  }
0xbb: {  	s0 =	sor.u32 s1, s0  }
0xbc: {  	s0 =	sadd.s32 $0x8F2B, s0  }
0xbd: {  	[sflag:s0] =	ssyncadd.remote.s32 $0x1  }
0xbe: {  	_ =	sfence.sel $0xFFFF  }
0xbf: {  	[dreg:$0x0] =	wrdreg $0xFFFFFFFF;
	(pc) =	sbr.abs _section_cstart, $3  }
0xc0: {  	[dreg:$0x1] =	wrdreg $0xFFFFFFFF  }
0xc1: {  	_ =	task.clear_ibuf [dreg:s6], $0x2FFFF;
	_ =	strace $0x9FFFFFFF  }
0xc2: {  	(tm) =	ssettm $0x7FFFFFFF  }
0xc3: {  	_ =	shalt  }
tec
execute0_lowered:
.L_overlay_start_1:
0x0: {  	(tag) =	ssettag $0x1  }
0x1: {  	s0 =	srdreg.scid;
	s5 =	rddreg [dreg:$0x0]  }
0x2: {  	s2 =	rddreg [dreg:$0x1];
	s1 =	stileid.u32  }
0x3: {  	s3 =	simm.s32 $0x0;
	s24 =	simm.s32 $0x2800;
	s25 =	simm.s32 $0x80  }
0x4: {  	s26 =	simm.s32 $0x1;
	s28 =	simm.s32 $0x0;
	s6 =	sand.u32 $0x1, s0  }
0x5: {  	[smem:$0x7FF] =	sst s3;
	s8 =	smul.u32 $0x50000, s1;
	s21 =	sadd.s32 $0x92400, s5  }
0x6: {  	s17 =	smul.u32 $0x14000, s1;
	s4 =	sshll.u32 s6, $0x4;
	_ =	strace $0x80000053  }
0x7: {  	s30 =	ssub.s32 $0x2, s6;
	s18 =	smul.u32 $0x140000, s6;
	s4 =	sor.u32 s1, s4  }
0x8: {  	s9 =	sshrl.u32 s30, $0x1;
	s8 =	sshrl.u32 s8, $0x2;
	s14 =	sadd.s32 $0x4000, s17  }
0x9: {  	s19 =	sadd.s32 $0x8000, s17;
	s20 =	sadd.s32 $0xC000, s17;
	s22 =	sadd.s32 $0x10000, s17  }
0xa: {  	s7 =	smul.u32 $0x500, s4;
	s4 =	sadd.s32 $0x1B200, s5;
	s9 =	ssub.s32 s30, s9  }
0xb: {  	s12 =	sadd.s32 s18, s17;
	s15 =	sadd.s32 s18, s14;
	s14 =	sadd.s32 s14, s2  }
0xc: {  	s16 =	sadd.s32 s19, s2;
	s19 =	sadd.s32 s18, s19;
	s31 =	sadd.s32 s18, s20  }
0xd: {  	s23 =	sadd.s32 s18, s22;
	s18 =	sadd.s32 s20, s2;
	s20 =	sadd.s32 s22, s2  }
0xe: {  	s22 =	simm.s32 $0x5000;
	s13 =	sshrl.u32 s12, $0x3;
	s15 =	sshrl.u32 s15, $0x3  }
0xf: {  	s19 =	sshrl.u32 s19, $0x3;
	s23 =	sshrl.u32 s23, $0x3;
	s7 =	sadd.s32 s7, s5  }
0x10: {  	s5 =	sadd.s32 s8, s2;
	s8 =	smax.u32 s9, $0x1;
	s13 =	sadd.s32 s21, s13  }
0x11: {  	s15 =	sadd.s32 s21, s15;
	s17 =	sadd.s32 s21, s19;
	s19 =	sshrl.u32 s31, $0x3  }
0x12: {  	s6 =	sadd.s32 $0x7200, s7;
	s7 =	sadd.s32 $0x11200, s7;
	s9 =	sadd.s32 $0x4000, s5  }
0x13: {  	s10 =	sadd.s32 $0x8000, s5;
	s11 =	sadd.s32 $0xC000, s5;
	s12 =	sadd.s32 $0x10000, s5  }
0x14: {  	v0 =	vimm.f32 $0.0e+00;
	s19 =	sadd.s32 s21, s19;
	s21 =	sadd.s32 s21, s23;
	s23 =	simm.s32 $0x2  }
.LBB2_1:
0x15: {  	s29 =	sand.u32 $0xFE00, s3  }
0x16: {  	s30 =	sand.u32 $0x70, s3;
	s31 =	sshrl.u32 s29, $0x2  }
0x17: {  	s29 =	simm.s32 $0x40;
	s31 =	sor.u32 s30, s31;
	s30 =	simm.s32 $0x0  }
.LBB2_2:
0x18: {  	p0 =	sne.s32 s29, $0xFFC0  }
0x19: {  	[tilespmem:s31+$0x5000] =	vst v0;
	s30 =	sadd.s32 $0x10, s30;
	s31 =	smov.u32 s29;
	s29 =	sadd.s32 $0x40, s29  }
.Ltmp0:
0x1a: {  	(pc) =	sbr.rel @p0 .LBB2_2-.Ltmp0, $4  }
0x1b: {  	_ = 	snop  }
0x1c: {  	s31 =	sand.u32 $0xFE00, s31  }
0x1d: {  	s0 =	sand.u32 $0x70, s30;
	s31 =	sshrl.u32 s31, $0x2  }
0x1e: {  	s31 =	sor.u32 s0, s31  }
0x1f: {  	[tilespmem:s31+$0x5000] =	vst v0  }
0x20: {  	[spmem:s5] =	stream.linear.scatter [tilespmem:s22], [sflag:$0x2], $0x4000, $0x38;
	[tilespmem:$0x1D000] =	vst v63  }
0x21: {  	_ =	swait.ge [sflag:s23], $0x4000  }
0x22: {  	[sflag:s23] =	ssyncset.done $0x0  }
0x23: {  	[sflag:s23] =	ssyncadd.s32 $0xFFFFC000  }
0x24: {  	[spmem:s9] =	stream.linear.scatter [tilespmem:s22], [sflag:$0x2], $0x4000, $0x38;
	[tilespmem:$0x1D000] =	vst v63  }
0x25: {  	_ =	swait.ge [sflag:s23], $0x4000  }
0x26: {  	[sflag:s23] =	ssyncset.done $0x0  }
0x27: {  	[sflag:s23] =	ssyncadd.s32 $0xFFFFC000  }
0x28: {  	[spmem:s10] =	stream.linear.scatter [tilespmem:s22], [sflag:$0x2], $0x4000, $0x38;
	[tilespmem:$0x1D000] =	vst v63  }
0x29: {  	_ =	swait.ge [sflag:s23], $0x4000  }
0x2a: {  	[sflag:s23] =	ssyncset.done $0x0  }
0x2b: {  	[sflag:s23] =	ssyncadd.s32 $0xFFFFC000  }
0x2c: {  	[spmem:s11] =	stream.linear.scatter [tilespmem:s22], [sflag:$0x2], $0x4000, $0x38;
	[tilespmem:$0x1D000] =	vst v63  }
0x2d: {  	_ =	swait.ge [sflag:s23], $0x4000  }
0x2e: {  	[sflag:s23] =	ssyncset.done $0x0  }
0x2f: {  	[sflag:s23] =	ssyncadd.s32 $0xFFFFC000  }
0x30: {  	[spmem:s12] =	stream.linear.scatter [tilespmem:s22], [sflag:$0x2], $0x4000, $0x38;
	[tilespmem:$0x1D000] =	vst v63  }
0x31: {  	_ =	swait.ge [sflag:s23], $0x4000  }
0x32: {  	[sflag:s23] =	ssyncset.done $0x0  }
0x33: {  	s0 =	simm.s32 $0x0;
	[sflag:s23] =	ssyncadd.s32 $0xFFFFC000  }
0x34: {  	[tilespmem:s0], [sflag:$0x2] =	stream.linear.gather [hbm4b:s6+s0], $0x2780, $0x38;
	[tilespmem:$0x1D000] =	vst v63  }
0x35: {  	_ =	swait.ge [sflag:s23], $0x2780  }
0x36: {  	[sflag:s23] =	ssyncset.done $0x0  }
0x37: {  	[sflag:s23] =	ssyncadd.s32 $0xFFFFD880  }
0x38: {  	[tilespmem:s24], [sflag:$0x2] =	stream.linear.gather [hbm4b:s7+s0], $0x2780, $0x38;
	[tilespmem:$0x1D000] =	vst v63  }
0x39: {  	_ =	swait.ge [sflag:s23], $0x2780  }
0x3a: {  	[sflag:s23] =	ssyncset.done $0x0  }
0x3b: {  	[sflag:s23] =	ssyncadd.s32 $0xFFFFD880  }
0x3c: {  	s31 =	simm.s32 $0x0;
	[bflag:$0x0] =	sbarrier.arrive $0xFFFF  }
0x3d: {  	[tilespmem:s22], [sflag:$0x1] =	stream.indirect.gather [hbm4b:s4+s25], $0x80, s31, s25, $0xb8;
	[tilespmem:$0x1D000] =	vst v63  }
0x3e: {  	_ =	swait.ge [sflag:s26], $0x4000  }
0x3f: {  	[sflag:s26] =	ssyncset.done $0x0  }
0x40: {  	s31 =	simm.s32 $0x2800;
	[sflag:s26] =	ssyncadd.s32 $0xFFFFC000  }
0x41: {  	[spmem:s2] =	stream.indirect.scatter.add.f32 [tilespmem:s22], [sflag:$0x2], $0x80, s31, s25, $0xb8;
	[tilespmem:$0x1D000] =	vst v63  }
0x42: {  	_ =	swait.ge [sflag:s23], $0x4000  }
0x43: {  	s29 =	simm.s32 $0x200;
	s30 =	simm.s32 $0x400;
	[sflag:s23] =	ssyncset.done $0x0  }
.LBB2_4:
0x44: {  	s0 =	sshra.s32 s29, $0x2  }
0x45: {  	[sflag:s23] =	ssyncadd.s32 $0xFFFFC000;
	s29 =	smov.u32 s30;
	s31 =	sadd.s32 $0x200, s30  }
0x46: {  	[tilespmem:s22], [sflag:$0x1] =	stream.indirect.gather [hbm4b:s4+s25], $0x80, s0, s25, $0xb8;
	[tilespmem:$0x1D000] =	vst v63  }
0x47: {  	p0 =	sne.s32 s30, $0x9C00;
	_ =	swait.ge [sflag:s26], $0x4000  }
.Ltmp1:
0x48: {  	[sflag:s26] =	ssyncset.done $0x0;
	(pc) =	sbr.rel @p0 .LBB2_4-.Ltmp1, $4  }
0x49: {  	s0 =	sadd.s32 $0x2800, s0;
	[sflag:s26] =	ssyncadd.s32 $0xFFFFC000  }
0x4a: {  	[spmem:s2] =	stream.indirect.scatter.add.f32 [tilespmem:s22], [sflag:$0x2], $0x80, s0, s25, $0xb8;
	[tilespmem:$0x1D000] =	vst v63  }
0x4b: {  	_ =	swait.ge [sflag:s23], $0x4000  }
0x4c: {  	s30 =	smov.u32 s31;
	[sflag:s23] =	ssyncset.done $0x0  }
0x4d: {  	s0 =	sshra.s32 s29, $0x2;
	[sflag:s23] =	ssyncadd.s32 $0xFFFFC000  }
0x4e: {  	[tilespmem:s22], [sflag:$0x1] =	stream.indirect.gather [hbm4b:s4+s25], $0x80, s0, s25, $0xb8;
	[tilespmem:$0x1D000] =	vst v63  }
0x4f: {  	_ =	swait.ge [sflag:s26], $0x4000  }
0x50: {  	[sflag:s26] =	ssyncset.done $0x0  }
0x51: {  	s0 =	sadd.s32 $0x2800, s0;
	[sflag:s26] =	ssyncadd.s32 $0xFFFFC000  }
0x52: {  	[spmem:s2] =	stream.indirect.scatter.add.f32 [tilespmem:s22], [sflag:$0x2], $0x80, s0, s25, $0xb8;
	[tilespmem:$0x1D000] =	vst v63  }
0x53: {  	_ =	swait.ge [sflag:s23], $0x4000  }
0x54: {  	[sflag:s23] =	ssyncset.done $0x0  }
0x55: {  	[sflag:s23] =	ssyncadd.s32 $0xFFFFC000  }
0x56: {  	[bflag:$0x0] =	sbarrier.arrive $0xFFFF  }
0x57: {  	[tilespmem:s22], [sflag:$0x2] =	stream.linear.gather [spmem:s5], $0x4000, $0x38;
	[tilespmem:$0x1D000] =	vst v63  }
0x58: {  	_ =	swait.ge [sflag:s23], $0x4000  }
0x59: {  	[sflag:s23] =	ssyncset.done $0x0  }
0x5a: {  	[sflag:s23] =	ssyncadd.s32 $0xFFFFC000  }
0x5b: {  	[hbm4b:s13+s3] =	stream.linear.scatter [tilespmem:s22], [sflag:$0x2], $0x4000, $0x38;
	[tilespmem:$0x1D000] =	vst v63  }
0x5c: {  	_ =	swait.ge [sflag:s23], $0x4000  }
0x5d: {  	[sflag:s23] =	ssyncset.done $0x0  }
0x5e: {  	[sflag:s23] =	ssyncadd.s32 $0xFFFFC000  }
0x5f: {  	[tilespmem:s22], [sflag:$0x2] =	stream.linear.gather [spmem:s14], $0x4000, $0x38;
	[tilespmem:$0x1D000] =	vst v63  }
0x60: {  	_ =	swait.ge [sflag:s23], $0x4000  }
0x61: {  	[sflag:s23] =	ssyncset.done $0x0  }
0x62: {  	[sflag:s23] =	ssyncadd.s32 $0xFFFFC000  }
0x63: {  	[hbm4b:s15+s3] =	stream.linear.scatter [tilespmem:s22], [sflag:$0x2], $0x4000, $0x38;
	[tilespmem:$0x1D000] =	vst v63  }
0x64: {  	_ =	swait.ge [sflag:s23], $0x4000  }
0x65: {  	[sflag:s23] =	ssyncset.done $0x0  }
0x66: {  	[sflag:s23] =	ssyncadd.s32 $0xFFFFC000  }
0x67: {  	[tilespmem:s22], [sflag:$0x2] =	stream.linear.gather [spmem:s16], $0x4000, $0x38;
	[tilespmem:$0x1D000] =	vst v63  }
0x68: {  	_ =	swait.ge [sflag:s23], $0x4000  }
0x69: {  	[sflag:s23] =	ssyncset.done $0x0  }
0x6a: {  	[sflag:s23] =	ssyncadd.s32 $0xFFFFC000  }
0x6b: {  	[hbm4b:s17+s3] =	stream.linear.scatter [tilespmem:s22], [sflag:$0x2], $0x4000, $0x38;
	[tilespmem:$0x1D000] =	vst v63  }
0x6c: {  	_ =	swait.ge [sflag:s23], $0x4000  }
0x6d: {  	[sflag:s23] =	ssyncset.done $0x0  }
0x6e: {  	[sflag:s23] =	ssyncadd.s32 $0xFFFFC000  }
0x6f: {  	[tilespmem:s22], [sflag:$0x2] =	stream.linear.gather [spmem:s18], $0x4000, $0x38;
	[tilespmem:$0x1D000] =	vst v63  }
0x70: {  	_ =	swait.ge [sflag:s23], $0x4000  }
0x71: {  	[sflag:s23] =	ssyncset.done $0x0  }
0x72: {  	[sflag:s23] =	ssyncadd.s32 $0xFFFFC000  }
0x73: {  	[hbm4b:s19+s3] =	stream.linear.scatter [tilespmem:s22], [sflag:$0x2], $0x4000, $0x38;
	[tilespmem:$0x1D000] =	vst v63  }
0x74: {  	_ =	swait.ge [sflag:s23], $0x4000  }
0x75: {  	[sflag:s23] =	ssyncset.done $0x0  }
0x76: {  	[sflag:s23] =	ssyncadd.s32 $0xFFFFC000  }
0x77: {  	[tilespmem:s22], [sflag:$0x2] =	stream.linear.gather [spmem:s20], $0x4000, $0x38;
	[tilespmem:$0x1D000] =	vst v63  }
0x78: {  	s28 =	sadd.s32 $0x1, s28;
	_ =	swait.ge [sflag:s23], $0x4000  }
0x79: {  	p0 =	sne.s32 s28, s8;
	[sflag:s23] =	ssyncset.done $0x0  }
.Ltmp2:
0x7a: {  	[sflag:s23] =	ssyncadd.s32 $0xFFFFC000;
	(pc) =	sbr.rel @p0 .LBB2_1-.Ltmp2, $4  }
0x7b: {  	[hbm4b:s21+s3] =	stream.linear.scatter [tilespmem:s22], [sflag:$0x2], $0x4000, $0x38;
	[tilespmem:$0x1D000] =	vst v63  }
0x7c: {  	_ =	swait.ge [sflag:s23], $0x4000  }
0x7d: {  	[sflag:s23] =	ssyncset.done $0x0  }
0x7e: {  	[sflag:s23] =	ssyncadd.s32 $0xFFFFC000  }
0x7f: {  	_ =	sfence.sel $0x180000  }
0x80: {  	[bflag:$0x0] =	sbarrier.arrive $0xFFFF  }
0x81: {  	_ =	strace $0x90000053  }
0x82: {  	[bflag:$0x2] =	sbarrier.arrive $0xFFFF  }
0x83: {  	p0 =	sne.s32 s1, $0x0;
	s0 =	rddreg [dreg:$0x2]  }
0x84: {  	s0 =	sadd.s32 @!p0 $0x100000, s0  }
0x85: {  	[sflag:s0] =	ssyncadd.tile.s32 @!p0 $0x1;
	_ =	shalt  }
.Lfunc_end2:
_tile_overlayer_lowered:
.L_overlay_start_2:
0x86: {  	(tag) =	ssettag $0x2  }
0x87: {  	s0 =	rddreg [dreg:$0x0];
	s2 =	stileid.u32  }
0x88: {  	s1 =	rddreg [dreg:$0x1];
	p0 =	sne.s32 s2, $0x0  }
0x89: {  	s3 =	rddreg [dreg:$0x2];
	[bflag:$0x3] =	sbarrier.arrive $0xFFFF;
	s2 =	simm.s32 @!p0 $0x1C02  }
0x8a: {  	[timem:s3], [sflag:s2] =	dma.local @!p0 [hbm:s0], s1  }
0x8b: {  	s0 =	simm.s32 @!p0 $0x2  }
0x8c: {  	_ =	swait.ge @!p0 [sflag:s0], s1  }
0x8d: {  	s1 =	ssub.s32 @!p0 $0x0, s1;
	[sflag:s0] =	ssyncset.done @!p0 $0x0  }
0x8e: {  	[sflag:s0] =	ssyncadd.s32 @!p0 s1  }
0x8f: {  	[bflag:$0x3] =	sbarrier.arrive $0xFFFF  }
0x90: {  	_ =	shalt  }

// kernel: kernel.32.cloned.1.call-start
scs
__scs_entry_jumppad:
0x0: {  	(pc) =	sbr.rel $0x88, $3  }
0x1: {  	(tag) =	ssettag $0x0;
	lr =	simm.s32 $0x1  }
0x2: {  	[smem:$0x3F8D] =	sst lr;
	_ =	strace $0xD0000000  }
0x3: {  	_ = 	snop  }
0x4: {  	_ = 	snop  }
0x5: {  	_ = 	snop  }
0x6: {  	_ = 	snop  }
0x7: {  	_ = 	snop  }
__scs_overlays_trampoline_lowered:
0x8: {  	[smem:$0x3F9C] =	sst s0  }
0x9: {  	[smem:$0x3F9D] =	sst s1  }
0xa: {  	[smem:$0x3F9E] =	sst s2  }
0xb: {  	[smem:$0x3F9F] =	sst s3  }
0xc: {  	[smem:$0x3FA0] =	sst s4  }
0xd: {  	[smem:$0x3FA1] =	sst s5  }
0xe: {  	[smem:$0x3FA2] =	sst s6  }
0xf: {  	[smem:$0x3FA3] =	sst s7  }
0x10: {  	[smem:$0x3FA4] =	sst s8  }
0x11: {  	[smem:$0x3FA5] =	sst s9;
	s0 =	simm.s32 @!p0 $0x0  }
0x12: {  	s1 =	sld [smem:$0x3F8B];
	s0 =	simm.s32 @p0 $0x1  }
0x13: {  	[smem:$0x3FA6] =	sst s0;
	s0 =	simm.s32 @!p1 $0x0  }
0x14: {  	s2 =	sld [smem:$0x3F8A];
	s0 =	simm.s32 @p1 $0x1  }
0x15: {  	[smem:$0x3FA7] =	sst s0;
	s0 =	simm.s32 @!p2 $0x0  }
0x16: {  	s3 =	sld [smem:$0x3FDB];
	s0 =	simm.s32 @p2 $0x1  }
0x17: {  	s4 =	simm.s32 $0x1BF5;
	[smem:$0x3FA9] =	sst s0  }
0x18: {  	s0 =	sld [smem:$0x3F8C];
	_ =	swait.ge [sflag:s4], $0x0  }
0x19: {  	s7 =	sld [smem:$0x3F8D]  }
0x1a: {  	s8 =	sadd.s32 $0xFFFFE003, lr  }
0x1b: {  	s9 =	sadd.s32 $0xFFFFFEF7, lr;
	s5 =	simm.s32 $0xFFFFFFFF;
	p2 =	slt.u32 s8, $0xFFFFF086  }
0x1c: {  	p1 =	slt.u32 s9, $0xF7A;
	s5 =	simm.s32 @!p2 $0x0  }
0x1d: {  	s5 =	simm.s32 @p1 $0x1;
	p0 =	seq.s32 s7, s2  }
0x1e: {  	s7 =	smul.u32 @!p0 $0xF7A, s2;
	p2 =	seq.s32 @!p0 s5, $0x0  }
0x1f: {  	s9 =	smul.u32 $0xF7A, s1;
	s8 =	simm.s32 @!p0 $0x1BF5;
	p2 =	por !p2, p0  }
0x20: {  	[sflag:s8] =	ssyncset.s32 @!p0 $0xFFFFF086;
	s6 =	sadd.s32 @!p0 s3, s7;
	s7 =	simm.s32 @!p0 $0x108  }
0x21: {  	s3 =	sadd.s32 s3, s9;
	s6 =	sadd.s32 @!p0 $0x88, s6;
	s7 =	simm.s32 @p2 $0x1082  }
0x22: {  	[simem:s7], [sflag:s8] =	dma.local @!p0 [hbm:s6], $0xF7A  }
0x23: {  	s9 =	sor.u32 $0xD0000000, s2;
	s6 =	simm.s32 $0x108;
	_ =	swait.ge @!p0 [sflag:s8], $0x0  }
0x24: {  	s3 =	sadd.s32 $0x88, s3;
	s6 =	simm.s32 @!p1 $0x1082;
	[sflag:s4] =	ssyncset.s32 $0xFFFFF086  }
0x25: {  	[simem:s6], [sflag:s4] =	dma.local [hbm:s3], $0xF7A  }
0x26: {  	[smem:$0x3F8D] =	sst s1;
	(tag) =	ssettag s2;
	_ =	strace s9  }
0x27: {  	s1 =	sld [smem:$0x3F9D]  }
0x28: {  	s2 =	sld [smem:$0x3F9E]  }
0x29: {  	s4 =	sld [smem:$0x3FA0]  }
0x2a: {  	p0 =	seq.s32 s5, $0x0;
	s5 =	sld [smem:$0x3FA1]  }
0x2b: {  	s6 =	sld [smem:$0x3FA2]  }
0x2c: {  	s7 =	sld [smem:$0x3FA3]  }
0x2d: {  	s3 =	simm.s32 $0x108;
	s8 =	sld [smem:$0x3FA4]  }
0x2e: {  	s3 =	simm.s32 @!p0 $0x1082;
	s9 =	sld [smem:$0x3FA5]  }
0x2f: {  	lr =	sadd.s32 s0, s3;
	s0 =	sld [smem:$0x3F9C]  }
0x30: {  	s3 =	sld [smem:$0x3F9F]  }
0x31: {  	[smem:$0x3FA8] =	sst s10  }
0x32: {  	s10 =	sld [smem:$0x3FA6];
	_ =	sdelay $0x3  }
0x33: {  	p0 =	seq.s32 s10, $0x1;
	s10 =	sld [smem:$0x3FA8];
	_ =	sdelay $0x3  }
0x34: {  	[smem:$0x3FA8] =	sst s10  }
0x35: {  	s10 =	sld [smem:$0x3FA7];
	_ =	sdelay $0x3  }
0x36: {  	p1 =	seq.s32 s10, $0x1;
	s10 =	sld [smem:$0x3FA8];
	_ =	sdelay $0x3  }
0x37: {  	[smem:$0x3FA8] =	sst s10  }
0x38: {  	s10 =	sld [smem:$0x3FA9]  }
0x39: {  	_ = 	snop;
	(pc) =	sbr.ind lr, $3  }
0x3a: {  	_ = 	snop  }
0x3b: {  	_ = 	snop  }
0x3c: {  	p2 =	seq.s32 s10, $0x1;
	s10 =	sld [smem:$0x3FA8]  }
0x3d: {  	_ =	shalt  }
0x3e: {  	_ =	shalt  }
0x3f: {  	_ =	shalt  }
0x40: {  	_ =	shalt  }
0x41: {  	_ =	shalt  }
0x42: {  	_ =	shalt  }
0x43: {  	_ =	shalt  }
0x44: {  	_ =	shalt  }
0x45: {  	_ =	shalt  }
0x46: {  	_ =	shalt  }
0x47: {  	_ =	shalt  }
0x48: {  	_ =	shalt  }
0x49: {  	_ =	shalt  }
0x4a: {  	_ =	shalt  }
0x4b: {  	_ =	shalt  }
0x4c: {  	_ =	shalt  }
0x4d: {  	_ =	shalt  }
0x4e: {  	_ =	shalt  }
0x4f: {  	_ =	shalt  }
0x50: {  	_ =	shalt  }
0x51: {  	_ =	shalt  }
0x52: {  	_ =	shalt  }
0x53: {  	_ =	shalt  }
0x54: {  	_ =	shalt  }
0x55: {  	_ =	shalt  }
0x56: {  	_ =	shalt  }
0x57: {  	_ =	shalt  }
0x58: {  	_ =	shalt  }
0x59: {  	_ =	shalt  }
0x5a: {  	_ =	shalt  }
0x5b: {  	_ =	shalt  }
0x5c: {  	_ =	shalt  }
0x5d: {  	_ =	shalt  }
0x5e: {  	_ =	shalt  }
0x5f: {  	_ =	shalt  }
0x60: {  	_ =	shalt  }
0x61: {  	_ =	shalt  }
0x62: {  	_ =	shalt  }
0x63: {  	_ =	shalt  }
0x64: {  	_ =	shalt  }
0x65: {  	_ =	shalt  }
0x66: {  	_ =	shalt  }
0x67: {  	_ =	shalt  }
0x68: {  	_ =	shalt  }
0x69: {  	_ =	shalt  }
0x6a: {  	_ =	shalt  }
0x6b: {  	_ =	shalt  }
0x6c: {  	_ =	shalt  }
0x6d: {  	_ =	shalt  }
0x6e: {  	_ =	shalt  }
0x6f: {  	_ =	shalt  }
0x70: {  	_ =	shalt  }
0x71: {  	_ =	shalt  }
0x72: {  	_ =	shalt  }
0x73: {  	_ =	shalt  }
0x74: {  	_ =	shalt  }
0x75: {  	_ =	shalt  }
0x76: {  	_ =	shalt  }
0x77: {  	_ =	shalt  }
0x78: {  	_ =	shalt  }
0x79: {  	_ =	shalt  }
0x7a: {  	_ =	shalt  }
0x7b: {  	_ =	shalt  }
0x7c: {  	_ =	shalt  }
0x7d: {  	_ =	shalt  }
0x7e: {  	_ =	shalt  }
0x7f: {  	_ =	shalt  }
0x80: {  	_ =	shalt  }
0x81: {  	_ =	shalt  }
0x82: {  	_ =	shalt  }
0x83: {  	_ =	shalt  }
0x84: {  	_ =	shalt  }
0x85: {  	_ =	shalt  }
0x86: {  	_ =	shalt  }
0x87: {  	_ =	shalt  }
.Lfunc_end0:
.L_simem_size_0:
called_computation.5_lowered:
.L_overlay_start_0:
0x88: {  	s2 =	sld [smem:$0x3FD9]  }
0x89: {  	s3 =	sld [smem:$0x3FFE];
	_ =	sdelay $0x1  }
0x8a: {  	s1 =	srdreg.scid  }
0x8b: {  	s0 =	sand.u32 $0x1, s1  }
0x8c: {  	s16 =	sshll.u32 s0, $0xA;
	s2 =	sadd.s32 s3, s2  }
0x8d: {  	s2 =	sadd.s32 s2, s16  }
0x8e: {  	[smem:$0x3FB4] =	sst s2  }
0x8f: {  	_ = 	snop  }
0x90: {  	(tm) =	ssettm $0x1  }
0x91: {  	s17 =	sld [smem:$0x3FFB];
	_ =	sdelay $0x3  }
0x92: {  	_ =	strace s17  }
0x93: {  	s2 =	sld [smem:$0x3FFC];
	_ =	sdelay $0x3  }
0x94: {  	_ =	strace s2  }
0x95: {  	s2 =	sld [smem:$0x3FFD];
	_ =	sdelay $0x3  }
0x96: {  	_ =	strace s2  }
0x97: {  	_ =	strace $0x8FFFFFFF  }
0x98: {  	s18 =	sld [smem:$0x3FDB];
	_ =	sdelay $0x1  }
0x99: {  	s19 =	simm.s32 $_scs_section_size  }
0x9a: {  	s4 =	simm.s32 $_size__tile_overlayer_lowered;
	s5 =	simm.s32 $_tile_overlayer_lowered  }
0x9b: {  	s22 =	simm.s32 $0x1BFF;
	s21 =	sshll.u32 s5, $0x1;
	s2 =	sadd.s32 s19, s18  }
0x9c: {  	s6 =	simm.s32 $0x0;
	s20 =	sshll.u32 s4, $0x1;
	s4 =	sadd.s32 s21, s2  }
0x9d: {  	[timem:s6], [sflag:s22] =	dma.local [hbm:s4], s20  }
0x9e: {  	_ =	swait.ge [sflag:s22], s20  }
0x9f: {  	s3 =	ssub.s32 $0x0, s20;
	[sflag:s22] =	ssyncset.done $0x0  }
0xa0: {  	[sflag:s22] =	ssyncadd.s32 s3;
	_ =	sdelay $0x1  }
0xa1: {  	s23 =	simm.s32 $0x1B8B  }
0xa2: {  	_ =	swait.ge [sflag:s23], $0x1  }
0xa3: {  	[sflag:s23] =	ssyncset.done $0x0  }
0xa4: {  	s25 =	simm.s32 $0x1B8E;
	s24 =	sld [smem:$0x3FFE];
	[sflag:s23] =	ssyncadd.s32 $0xFFFFFFFF  }
0xa5: {  	s26 =	simm.s32 $execute0_lowered;
	[smem:$0x3FD2] =	sst s25  }
0xa6: {  	s4 =	sshll.u32 s26, $0x1;
	_ =	strace $0x80000055;
	[dreg:$0x1] =	wrdreg $0xFFFFFFFF  }
0xa7: {  	s28 =	simm.s32 $_size_execute0_lowered;
	s2 =	sadd.s32 s2, s4;
	[dreg:$0x0] =	wrdreg $0x0  }
0xa8: {  	s4 =	sshll.u32 s28, $0x1;
	[dreg:$0x2] =	wrdreg s2  }
0xa9: {  	[dreg:$0x3] =	wrdreg s4  }
0xaa: {  	[dreg:$0x4] =	wrdreg $0xC0  }
0xab: {  	_ =	task [dreg:s6], $0x5FFFF  }
0xac: {  	[dreg:$0x1] =	wrdreg $0xFFFFFFFF  }
0xad: {  	[dreg:$0x0] =	wrdreg $0x60  }
0xae: {  	[dreg:$0x2] =	wrdreg s24  }
0xaf: {  	[dreg:$0x3] =	wrdreg $0x90000  }
0xb0: {  	[dreg:$0x4] =	wrdreg $0x9  }
0xb1: {  	_ =	task.clear_ibuf [dreg:s6], $0x5FFFF;
	_ =	strace $0x90000055  }
0xb2: {  	s29 =	simm.s32 $0x9;
	_ =	strace $0x80000057  }
0xb3: {  	_ =	swait.ge [sflag:s29], $0x1  }
0xb4: {  	[sflag:s29] =	ssyncadd.s32 $0xFFFFFFFF  }
0xb5: {  	_ =	strace $0x90000057  }
0xb6: {  	_ =	sfence  }
0xb7: {  	s30 =	sld [smem:$0x0];
	_ =	sdelay $0x2  }
0xb8: {  	s31 =	sshll.u32 s1, $0xD;
	s1 =	sshrl.u32 s1, $0x2  }
0xb9: {  	s3 =	sand.u32 $0x4000, s31;
	s1 =	sadd.s32 s1, s30  }
0xba: {  	s0 =	sor.u32 s3, s0;
	s1 =	sshll.u32 s1, $0x11  }
0xbb: {  	s0 =	sor.u32 s1, s0  }
0xbc: {  	s0 =	sadd.s32 $0x8F2B, s0  }
0xbd: {  	[sflag:s0] =	ssyncadd.remote.s32 $0x1  }
0xbe: {  	_ =	sfence.sel $0xFFFF  }
0xbf: {  	[dreg:$0x0] =	wrdreg $0xFFFFFFFF;
	(pc) =	sbr.abs _section_cstart, $3  }
0xc0: {  	[dreg:$0x1] =	wrdreg $0xFFFFFFFF  }
0xc1: {  	_ =	task.clear_ibuf [dreg:s6], $0x2FFFF;
	_ =	strace $0x9FFFFFFF  }
0xc2: {  	(tm) =	ssettm $0x7FFFFFFF  }
0xc3: {  	_ =	shalt  }
tec
execute0_lowered:
.L_overlay_start_1:
0x0: {  	(tag) =	ssettag $0x1  }
0x1: {  	s0 =	srdreg.scid;
	s5 =	rddreg [dreg:$0x0]  }
0x2: {  	s2 =	rddreg [dreg:$0x1];
	s1 =	stileid.u32  }
0x3: {  	s3 =	simm.s32 $0x0;
	s24 =	simm.s32 $0x2800;
	s25 =	simm.s32 $0x80  }
0x4: {  	s26 =	simm.s32 $0x1;
	s28 =	simm.s32 $0x0;
	s6 =	sand.u32 $0x1, s0  }
0x5: {  	[smem:$0x7FF] =	sst s3;
	s8 =	smul.u32 $0x50000, s1;
	s21 =	sadd.s32 $0x92400, s5  }
0x6: {  	s17 =	smul.u32 $0x14000, s1;
	s4 =	sshll.u32 s6, $0x4;
	_ =	strace $0x80000056  }
0x7: {  	s30 =	ssub.s32 $0x2, s6;
	s18 =	smul.u32 $0x140000, s6;
	s4 =	sor.u32 s1, s4  }
0x8: {  	s9 =	sshrl.u32 s30, $0x1;
	s8 =	sshrl.u32 s8, $0x2;
	s14 =	sadd.s32 $0x4000, s17  }
0x9: {  	s19 =	sadd.s32 $0x8000, s17;
	s20 =	sadd.s32 $0xC000, s17;
	s22 =	sadd.s32 $0x10000, s17  }
0xa: {  	s7 =	smul.u32 $0x500, s4;
	s4 =	sadd.s32 $0x1B200, s5;
	s9 =	ssub.s32 s30, s9  }
0xb: {  	s12 =	sadd.s32 s18, s17;
	s15 =	sadd.s32 s18, s14;
	s14 =	sadd.s32 s14, s2  }
0xc: {  	s16 =	sadd.s32 s19, s2;
	s19 =	sadd.s32 s18, s19;
	s31 =	sadd.s32 s18, s20  }
0xd: {  	s23 =	sadd.s32 s18, s22;
	s18 =	sadd.s32 s20, s2;
	s20 =	sadd.s32 s22, s2  }
0xe: {  	s22 =	simm.s32 $0x5000;
	s13 =	sshrl.u32 s12, $0x3;
	s15 =	sshrl.u32 s15, $0x3  }
0xf: {  	s19 =	sshrl.u32 s19, $0x3;
	s23 =	sshrl.u32 s23, $0x3;
	s7 =	sadd.s32 s7, s5  }
0x10: {  	s5 =	sadd.s32 s8, s2;
	s8 =	smax.u32 s9, $0x1;
	s13 =	sadd.s32 s21, s13  }
0x11: {  	s15 =	sadd.s32 s21, s15;
	s17 =	sadd.s32 s21, s19;
	s19 =	sshrl.u32 s31, $0x3  }
0x12: {  	s6 =	sadd.s32 $0x7200, s7;
	s7 =	sadd.s32 $0x11200, s7;
	s9 =	sadd.s32 $0x4000, s5  }
0x13: {  	s10 =	sadd.s32 $0x8000, s5;
	s11 =	sadd.s32 $0xC000, s5;
	s12 =	sadd.s32 $0x10000, s5  }
0x14: {  	v0 =	vimm.f32 $0.0e+00;
	s19 =	sadd.s32 s21, s19;
	s21 =	sadd.s32 s21, s23;
	s23 =	simm.s32 $0x2  }
.LBB2_1:
0x15: {  	s29 =	sand.u32 $0xFE00, s3  }
0x16: {  	s30 =	sand.u32 $0x70, s3;
	s31 =	sshrl.u32 s29, $0x2  }
0x17: {  	s29 =	simm.s32 $0x40;
	s31 =	sor.u32 s30, s31;
	s30 =	simm.s32 $0x0  }
.LBB2_2:
0x18: {  	p0 =	sne.s32 s29, $0xFFC0  }
0x19: {  	[tilespmem:s31+$0x5000] =	vst v0;
	s30 =	sadd.s32 $0x10, s30;
	s31 =	smov.u32 s29;
	s29 =	sadd.s32 $0x40, s29  }
.Ltmp0:
0x1a: {  	(pc) =	sbr.rel @p0 .LBB2_2-.Ltmp0, $4  }
0x1b: {  	_ = 	snop  }
0x1c: {  	s31 =	sand.u32 $0xFE00, s31  }
0x1d: {  	s0 =	sand.u32 $0x70, s30;
	s31 =	sshrl.u32 s31, $0x2  }
0x1e: {  	s31 =	sor.u32 s0, s31  }
0x1f: {  	[tilespmem:s31+$0x5000] =	vst v0  }
0x20: {  	[spmem:s5] =	stream.linear.scatter [tilespmem:s22], [sflag:$0x2], $0x4000, $0x38;
	[tilespmem:$0x1D000] =	vst v63  }
0x21: {  	_ =	swait.ge [sflag:s23], $0x4000  }
0x22: {  	[sflag:s23] =	ssyncset.done $0x0  }
0x23: {  	[sflag:s23] =	ssyncadd.s32 $0xFFFFC000  }
0x24: {  	[spmem:s9] =	stream.linear.scatter [tilespmem:s22], [sflag:$0x2], $0x4000, $0x38;
	[tilespmem:$0x1D000] =	vst v63  }
0x25: {  	_ =	swait.ge [sflag:s23], $0x4000  }
0x26: {  	[sflag:s23] =	ssyncset.done $0x0  }
0x27: {  	[sflag:s23] =	ssyncadd.s32 $0xFFFFC000  }
0x28: {  	[spmem:s10] =	stream.linear.scatter [tilespmem:s22], [sflag:$0x2], $0x4000, $0x38;
	[tilespmem:$0x1D000] =	vst v63  }
0x29: {  	_ =	swait.ge [sflag:s23], $0x4000  }
0x2a: {  	[sflag:s23] =	ssyncset.done $0x0  }
0x2b: {  	[sflag:s23] =	ssyncadd.s32 $0xFFFFC000  }
0x2c: {  	[spmem:s11] =	stream.linear.scatter [tilespmem:s22], [sflag:$0x2], $0x4000, $0x38;
	[tilespmem:$0x1D000] =	vst v63  }
0x2d: {  	_ =	swait.ge [sflag:s23], $0x4000  }
0x2e: {  	[sflag:s23] =	ssyncset.done $0x0  }
0x2f: {  	[sflag:s23] =	ssyncadd.s32 $0xFFFFC000  }
0x30: {  	[spmem:s12] =	stream.linear.scatter [tilespmem:s22], [sflag:$0x2], $0x4000, $0x38;
	[tilespmem:$0x1D000] =	vst v63  }
0x31: {  	_ =	swait.ge [sflag:s23], $0x4000  }
0x32: {  	[sflag:s23] =	ssyncset.done $0x0  }
0x33: {  	s0 =	simm.s32 $0x0;
	[sflag:s23] =	ssyncadd.s32 $0xFFFFC000  }
0x34: {  	[tilespmem:s0], [sflag:$0x2] =	stream.linear.gather [hbm4b:s6+s0], $0x2780, $0x38;
	[tilespmem:$0x1D000] =	vst v63  }
0x35: {  	_ =	swait.ge [sflag:s23], $0x2780  }
0x36: {  	[sflag:s23] =	ssyncset.done $0x0  }
0x37: {  	[sflag:s23] =	ssyncadd.s32 $0xFFFFD880  }
0x38: {  	[tilespmem:s24], [sflag:$0x2] =	stream.linear.gather [hbm4b:s7+s0], $0x2780, $0x38;
	[tilespmem:$0x1D000] =	vst v63  }
0x39: {  	_ =	swait.ge [sflag:s23], $0x2780  }
0x3a: {  	[sflag:s23] =	ssyncset.done $0x0  }
0x3b: {  	[sflag:s23] =	ssyncadd.s32 $0xFFFFD880  }
0x3c: {  	s31 =	simm.s32 $0x0;
	[bflag:$0x0] =	sbarrier.arrive $0xFFFF  }
0x3d: {  	[tilespmem:s22], [sflag:$0x1] =	stream.indirect.gather [hbm4b:s4+s25], $0x80, s31, s25, $0xb8;
	[tilespmem:$0x1D000] =	vst v63  }
0x3e: {  	_ =	swait.ge [sflag:s26], $0x4000  }
0x3f: {  	[sflag:s26] =	ssyncset.done $0x0  }
0x40: {  	s31 =	simm.s32 $0x2800;
	[sflag:s26] =	ssyncadd.s32 $0xFFFFC000  }
0x41: {  	[spmem:s2] =	stream.indirect.scatter.add.f32 [tilespmem:s22], [sflag:$0x2], $0x80, s31, s25, $0xb8;
	[tilespmem:$0x1D000] =	vst v63  }
0x42: {  	_ =	swait.ge [sflag:s23], $0x4000  }
0x43: {  	s29 =	simm.s32 $0x200;
	s30 =	simm.s32 $0x400;
	[sflag:s23] =	ssyncset.done $0x0  }
.LBB2_4:
0x44: {  	s0 =	sshra.s32 s29, $0x2  }
0x45: {  	[sflag:s23] =	ssyncadd.s32 $0xFFFFC000;
	s29 =	smov.u32 s30;
	s31 =	sadd.s32 $0x200, s30  }
0x46: {  	[tilespmem:s22], [sflag:$0x1] =	stream.indirect.gather [hbm4b:s4+s25], $0x80, s0, s25, $0xb8;
	[tilespmem:$0x1D000] =	vst v63  }
0x47: {  	p0 =	sne.s32 s30, $0x9C00;
	_ =	swait.ge [sflag:s26], $0x4000  }
.Ltmp1:
0x48: {  	[sflag:s26] =	ssyncset.done $0x0;
	(pc) =	sbr.rel @p0 .LBB2_4-.Ltmp1, $4  }
0x49: {  	s0 =	sadd.s32 $0x2800, s0;
	[sflag:s26] =	ssyncadd.s32 $0xFFFFC000  }
0x4a: {  	[spmem:s2] =	stream.indirect.scatter.add.f32 [tilespmem:s22], [sflag:$0x2], $0x80, s0, s25, $0xb8;
	[tilespmem:$0x1D000] =	vst v63  }
0x4b: {  	_ =	swait.ge [sflag:s23], $0x4000  }
0x4c: {  	s30 =	smov.u32 s31;
	[sflag:s23] =	ssyncset.done $0x0  }
0x4d: {  	s0 =	sshra.s32 s29, $0x2;
	[sflag:s23] =	ssyncadd.s32 $0xFFFFC000  }
0x4e: {  	[tilespmem:s22], [sflag:$0x1] =	stream.indirect.gather [hbm4b:s4+s25], $0x80, s0, s25, $0xb8;
	[tilespmem:$0x1D000] =	vst v63  }
0x4f: {  	_ =	swait.ge [sflag:s26], $0x4000  }
0x50: {  	[sflag:s26] =	ssyncset.done $0x0  }
0x51: {  	s0 =	sadd.s32 $0x2800, s0;
	[sflag:s26] =	ssyncadd.s32 $0xFFFFC000  }
0x52: {  	[spmem:s2] =	stream.indirect.scatter.add.f32 [tilespmem:s22], [sflag:$0x2], $0x80, s0, s25, $0xb8;
	[tilespmem:$0x1D000] =	vst v63  }
0x53: {  	_ =	swait.ge [sflag:s23], $0x4000  }
0x54: {  	[sflag:s23] =	ssyncset.done $0x0  }
0x55: {  	[sflag:s23] =	ssyncadd.s32 $0xFFFFC000  }
0x56: {  	[bflag:$0x0] =	sbarrier.arrive $0xFFFF  }
0x57: {  	[tilespmem:s22], [sflag:$0x2] =	stream.linear.gather [spmem:s5], $0x4000, $0x38;
	[tilespmem:$0x1D000] =	vst v63  }
0x58: {  	_ =	swait.ge [sflag:s23], $0x4000  }
0x59: {  	[sflag:s23] =	ssyncset.done $0x0  }
0x5a: {  	[sflag:s23] =	ssyncadd.s32 $0xFFFFC000  }
0x5b: {  	[hbm4b:s13+s3] =	stream.linear.scatter [tilespmem:s22], [sflag:$0x2], $0x4000, $0x38;
	[tilespmem:$0x1D000] =	vst v63  }
0x5c: {  	_ =	swait.ge [sflag:s23], $0x4000  }
0x5d: {  	[sflag:s23] =	ssyncset.done $0x0  }
0x5e: {  	[sflag:s23] =	ssyncadd.s32 $0xFFFFC000  }
0x5f: {  	[tilespmem:s22], [sflag:$0x2] =	stream.linear.gather [spmem:s14], $0x4000, $0x38;
	[tilespmem:$0x1D000] =	vst v63  }
0x60: {  	_ =	swait.ge [sflag:s23], $0x4000  }
0x61: {  	[sflag:s23] =	ssyncset.done $0x0  }
0x62: {  	[sflag:s23] =	ssyncadd.s32 $0xFFFFC000  }
0x63: {  	[hbm4b:s15+s3] =	stream.linear.scatter [tilespmem:s22], [sflag:$0x2], $0x4000, $0x38;
	[tilespmem:$0x1D000] =	vst v63  }
0x64: {  	_ =	swait.ge [sflag:s23], $0x4000  }
0x65: {  	[sflag:s23] =	ssyncset.done $0x0  }
0x66: {  	[sflag:s23] =	ssyncadd.s32 $0xFFFFC000  }
0x67: {  	[tilespmem:s22], [sflag:$0x2] =	stream.linear.gather [spmem:s16], $0x4000, $0x38;
	[tilespmem:$0x1D000] =	vst v63  }
0x68: {  	_ =	swait.ge [sflag:s23], $0x4000  }
0x69: {  	[sflag:s23] =	ssyncset.done $0x0  }
0x6a: {  	[sflag:s23] =	ssyncadd.s32 $0xFFFFC000  }
0x6b: {  	[hbm4b:s17+s3] =	stream.linear.scatter [tilespmem:s22], [sflag:$0x2], $0x4000, $0x38;
	[tilespmem:$0x1D000] =	vst v63  }
0x6c: {  	_ =	swait.ge [sflag:s23], $0x4000  }
0x6d: {  	[sflag:s23] =	ssyncset.done $0x0  }
0x6e: {  	[sflag:s23] =	ssyncadd.s32 $0xFFFFC000  }
0x6f: {  	[tilespmem:s22], [sflag:$0x2] =	stream.linear.gather [spmem:s18], $0x4000, $0x38;
	[tilespmem:$0x1D000] =	vst v63  }
0x70: {  	_ =	swait.ge [sflag:s23], $0x4000  }
0x71: {  	[sflag:s23] =	ssyncset.done $0x0  }
0x72: {  	[sflag:s23] =	ssyncadd.s32 $0xFFFFC000  }
0x73: {  	[hbm4b:s19+s3] =	stream.linear.scatter [tilespmem:s22], [sflag:$0x2], $0x4000, $0x38;
	[tilespmem:$0x1D000] =	vst v63  }
0x74: {  	_ =	swait.ge [sflag:s23], $0x4000  }
0x75: {  	[sflag:s23] =	ssyncset.done $0x0  }
0x76: {  	[sflag:s23] =	ssyncadd.s32 $0xFFFFC000  }
0x77: {  	[tilespmem:s22], [sflag:$0x2] =	stream.linear.gather [spmem:s20], $0x4000, $0x38;
	[tilespmem:$0x1D000] =	vst v63  }
0x78: {  	s28 =	sadd.s32 $0x1, s28;
	_ =	swait.ge [sflag:s23], $0x4000  }
0x79: {  	p0 =	sne.s32 s28, s8;
	[sflag:s23] =	ssyncset.done $0x0  }
.Ltmp2:
0x7a: {  	[sflag:s23] =	ssyncadd.s32 $0xFFFFC000;
	(pc) =	sbr.rel @p0 .LBB2_1-.Ltmp2, $4  }
0x7b: {  	[hbm4b:s21+s3] =	stream.linear.scatter [tilespmem:s22], [sflag:$0x2], $0x4000, $0x38;
	[tilespmem:$0x1D000] =	vst v63  }
0x7c: {  	_ =	swait.ge [sflag:s23], $0x4000  }
0x7d: {  	[sflag:s23] =	ssyncset.done $0x0  }
0x7e: {  	[sflag:s23] =	ssyncadd.s32 $0xFFFFC000  }
0x7f: {  	_ =	sfence.sel $0x180000  }
0x80: {  	[bflag:$0x0] =	sbarrier.arrive $0xFFFF  }
0x81: {  	_ =	strace $0x90000056  }
0x82: {  	[bflag:$0x2] =	sbarrier.arrive $0xFFFF  }
0x83: {  	p0 =	sne.s32 s1, $0x0;
	s0 =	rddreg [dreg:$0x2]  }
0x84: {  	s0 =	sadd.s32 @!p0 $0x100000, s0  }
0x85: {  	[sflag:s0] =	ssyncadd.tile.s32 @!p0 $0x1;
	_ =	shalt  }
.Lfunc_end2:
_tile_overlayer_lowered:
.L_overlay_start_2:
0x86: {  	(tag) =	ssettag $0x2  }
0x87: {  	s0 =	rddreg [dreg:$0x0];
	s2 =	stileid.u32  }
0x88: {  	s1 =	rddreg [dreg:$0x1];
	p0 =	sne.s32 s2, $0x0  }
0x89: {  	s3 =	rddreg [dreg:$0x2];
	[bflag:$0x3] =	sbarrier.arrive $0xFFFF;
	s2 =	simm.s32 @!p0 $0x1C02  }
0x8a: {  	[timem:s3], [sflag:s2] =	dma.local @!p0 [hbm:s0], s1  }
0x8b: {  	s0 =	simm.s32 @!p0 $0x2  }
0x8c: {  	_ =	swait.ge @!p0 [sflag:s0], s1  }
0x8d: {  	s1 =	ssub.s32 @!p0 $0x0, s1;
	[sflag:s0] =	ssyncset.done @!p0 $0x0  }
0x8e: {  	[sflag:s0] =	ssyncadd.s32 @!p0 s1  }
0x8f: {  	[bflag:$0x3] =	sbarrier.arrive $0xFFFF  }
0x90: {  	_ =	shalt  }

</sc_bundles>
